<compile_context>
chip_gen: v7x
topology: tpu7x:2x2x1
jax: 0.10.2.dev20260603
libtpu: 0.0.44.dev20260713+nightly
codegen_flags: <defaults>
</compile_context>

<pallas_src>
import functools

import jax
import jax.numpy as jnp
from jax import lax
from jax.experimental import pallas as pl
from jax.experimental.pallas import tpu as pltpu
from jax.experimental.pallas import tpu_sc as plsc

EMBED_DIM = 64
BATCH = 16384
ROW_W = 128
IDX_CHUNK = 128
PASS_ROWS = 256


@functools.cache
def _build(num_users: int, num_items: int):
    info = plsc.get_sparse_core_info()
    nc, ns, lanes = info.num_cores, info.num_subcores, info.num_lanes
    nw = nc * ns
    b_per_w = BATCH // nw
    n_pass = b_per_w // PASS_ROWS
    n_chunks = PASS_ROWS // IDX_CHUNK
    n_groups = PASS_ROWS // lanes

    mesh = plsc.VectorSubcoreMesh(core_axis_name="c", subcore_axis_name="s")

    @functools.partial(
        pl.kernel,
        out_type=jax.ShapeDtypeStruct((BATCH,), jnp.float32),
        mesh=mesh,
        compiler_params=pltpu.CompilerParams(needs_layout_passes=False),
        scratch_types=[
            pltpu.VMEM((n_chunks, IDX_CHUNK), jnp.int32),
            pltpu.VMEM((n_chunks, IDX_CHUNK), jnp.int32),
            pltpu.VMEM((b_per_w,), jnp.int32),
            pltpu.VMEM((b_per_w,), jnp.int32),
            pltpu.VMEM((PASS_ROWS, ROW_W), jnp.float32),
            pltpu.VMEM((PASS_ROWS, ROW_W), jnp.float32),
            pltpu.VMEM((b_per_w,), jnp.float32),
            pltpu.SemaphoreType.DMA,
        ],
    )
    def sc_kernel(urow_hbm, irow_hbm, uoff_hbm, ioff_hbm,
                  utab_hbm, itab_hbm, out_hbm,
                  uidx, iidx, uoffv, ioffv, urows, irows, outv, sem):
        wid = lax.axis_index("s") * nc + lax.axis_index("c")
        base = wid * b_per_w

        pltpu.sync_copy(uoff_hbm.at[pl.ds(base, b_per_w)], uoffv)
        pltpu.sync_copy(ioff_hbm.at[pl.ds(base, b_per_w)], ioffv)

        lane = jax.lax.iota(jnp.int32, lanes)

        for p in range(n_pass):
            pbase = base + p * PASS_ROWS
            for j in range(n_chunks):
                pltpu.sync_copy(
                    urow_hbm.at[pl.ds(pbase + j * IDX_CHUNK, IDX_CHUNK)],
                    uidx.at[j])
                pltpu.sync_copy(
                    irow_hbm.at[pl.ds(pbase + j * IDX_CHUNK, IDX_CHUNK)],
                    iidx.at[j])

            copies = []
            for j in range(n_chunks):
                dst = pl.ds(j * IDX_CHUNK, IDX_CHUNK)
                copies.append(pltpu.async_copy(utab_hbm.at[uidx.at[j]],
                                               urows.at[dst], sem))
                copies.append(pltpu.async_copy(itab_hbm.at[iidx.at[j]],
                                               irows.at[dst], sem))
            for c in copies:
                c.wait()

            def group_body(g, _, p=p):
                row = g * lanes + lane
                ucol0 = uoffv[pl.ds(p * PASS_ROWS + g * lanes, lanes)]
                icol0 = ioffv[pl.ds(p * PASS_ROWS + g * lanes, lanes)]
                acc = jnp.zeros((lanes,), jnp.float32)
                for d in range(EMBED_DIM):
                    u = plsc.load_gather(urows, [row, ucol0 + d])
                    v = plsc.load_gather(irows, [row, icol0 + d])
                    acc = acc + u * v
                outv[pl.ds(p * PASS_ROWS + g * lanes, lanes)] = acc
                return 0

            lax.fori_loop(0, n_groups, group_body, 0)

        pltpu.sync_copy(outv, out_hbm.at[pl.ds(base, b_per_w)])

    return sc_kernel


def kernel(user, item, user_table, item_table):
    nu, nd = user_table.shape
    ni, _ = item_table.shape
    fn = _build(nu, ni)
    user = user.astype(jnp.int32)
    item = item.astype(jnp.int32)
    zero = jnp.zeros_like(user)
    return fn(
        user, item, zero, zero,
        jnp.pad(user_table, ((0, 0), (0, ROW_W - nd))),
        jnp.pad(item_table, ((0, 0), (0, ROW_W - nd))),
    )

# --- scband reference (transcript-rebuilt; emitter-appended) ---
"""Pipeline reference for scband-recommender-net-58025008169135 (READ-ONLY COPY).

The authoritative reference and input builder live on the scoring server;
editing this copy changes nothing except your own understanding.
"""

import jax, jax.numpy as jnp
import numpy as np

NUM_USERS = 1000000
NUM_ITEMS = 100000
EMBED_DIM = 64
BATCH = 16384

def setup_inputs(seed: int = 0) -> dict:
    key = jax.random.key(seed)
    k1, k2, k3, k4 = jax.random.split(key, 4)
    user = jax.random.randint(k1, (BATCH,), 0, NUM_USERS, dtype=jnp.int64 if jax.config.jax_enable_x64 else jnp.int32)
    item = jax.random.randint(k2, (BATCH,), 0, NUM_ITEMS, dtype=jnp.int64 if jax.config.jax_enable_x64 else jnp.int32)
    user_table = jax.random.normal(k3, (NUM_USERS, EMBED_DIM), dtype=jnp.float32)
    item_table = jax.random.normal(k4, (NUM_ITEMS, EMBED_DIM), dtype=jnp.float32)
    return {"user": user, "item": item, "user_table": user_table, "item_table": item_table}

def reference(user, item, user_table, item_table):
    # Embedding lookups (gather)
    user_vec = jnp.take(user_table, user, axis=0)
    item_vec = jnp.take(item_table, item, axis=0)
    # Dropout is identity in eval/inference mode
    out = jnp.sum(user_vec * item_vec, axis=1)
    return out

if __name__ == "__main__":
    import jax
    _d = setup_inputs()
    print(jax.jit(kernel)(*tuple(_d.values())))

</pallas_src>

<mosaic_0001>
#map = affine_map<(d0, d1) -> (0)>
#map1 = affine_map<(d0, d1) -> (0, 0)>
module attributes {stable_mosaic.version = 14 : i64} {
  func.func @sc_kernel(%arg0: i32, %arg1: i32, %arg2: memref<16384xi32, #tpu.memory_space<hbm>>, %arg3: memref<16384xi32, #tpu.memory_space<hbm>>, %arg4: memref<16384xi32, #tpu.memory_space<hbm>>, %arg5: memref<16384xi32, #tpu.memory_space<hbm>>, %arg6: memref<1000000x128xf32, #tpu.memory_space<hbm>>, %arg7: memref<100000x128xf32, #tpu.memory_space<hbm>>, %arg8: memref<16384xf32, #tpu.memory_space<hbm>>, %arg9: memref<2x128xi32, #tpu.memory_space<vmem>>, %arg10: memref<2x128xi32, #tpu.memory_space<vmem>>, %arg11: memref<512xi32, #tpu.memory_space<vmem>>, %arg12: memref<512xi32, #tpu.memory_space<vmem>>, %arg13: memref<256x128xf32, #tpu.memory_space<vmem>>, %arg14: memref<256x128xf32, #tpu.memory_space<vmem>>, %arg15: memref<512xf32, #tpu.memory_space<vmem>>, %arg16: memref<!tpu.dma_semaphore, #tpu.memory_space<semaphore_mem>>) attributes {dimension_semantics = [#tpu.dimension_semantics<core_parallel>, #tpu.dimension_semantics<subcore_parallel>], iteration_bounds = array<i64: 2, 16>, scalar_prefetch = 0 : i64, scratch_operands = 8 : i64, tpu.core_type = #tpu.core_type<sc_vector_subcore>, window_params = [{transform_indices = #map}, {transform_indices = #map}, {transform_indices = #map}, {transform_indices = #map}, {transform_indices = #map1}, {transform_indices = #map1}, {transform_indices = #map}]} {
    %mul3A = arith.constant 2 : i32
    %mul3A_0 = arith.muli %arg1, %mul3A : i32
    %add3A = arith.addi %mul3A_0, %arg0 : i32
    %mul3A_1 = arith.constant 512 : i32
    %mul3A_2 = arith.muli %add3A, %mul3A_1 : i32
    "tpu.region"() ({
      %run_scoped3A_201 = tpu.sem_alloc : memref<!tpu.dma_semaphore, #tpu.memory_space<semaphore_mem>>
      %dma_start3A_202 = tpu.memref_slice %arg4[%mul3A_2] : memref<16384xi32, #tpu.memory_space<hbm>> -> memref<512xi32, #tpu.memory_space<hbm>>
      %dma_start3A_203 = tpu.memref_slice %arg4[%mul3A_2] : memref<16384xi32, #tpu.memory_space<hbm>> -> memref<512xi32, #tpu.memory_space<hbm>>
      tpu.enqueue_dma source(%dma_start3A_203 : memref<512xi32, #tpu.memory_space<hbm>>) target(%arg11 : memref<512xi32, #tpu.memory_space<vmem>>) target_semaphore(%run_scoped3A_201 : memref<!tpu.dma_semaphore, #tpu.memory_space<semaphore_mem>>)
      %dma_wait3A_204 = tpu.memref_slice %arg4[%mul3A_2] : memref<16384xi32, #tpu.memory_space<hbm>> -> memref<512xi32, #tpu.memory_space<hbm>>
      %dma_wait3A_205 = tpu.memref_slice %arg4[%mul3A_2] : memref<16384xi32, #tpu.memory_space<hbm>> -> memref<512xi32, #tpu.memory_space<hbm>>
      tpu.wait_dma2 semaphore(%run_scoped3A_201 : memref<!tpu.dma_semaphore, #tpu.memory_space<semaphore_mem>>) src(%dma_wait3A_205 : memref<512xi32, #tpu.memory_space<hbm>>) dst(%arg11 : memref<512xi32, #tpu.memory_space<vmem>>)
      tpu.yield
    }) : () -> ()
    "tpu.region"() ({
      %run_scoped3A_201 = tpu.sem_alloc : memref<!tpu.dma_semaphore, #tpu.memory_space<semaphore_mem>>
      %dma_start3A_202 = tpu.memref_slice %arg5[%mul3A_2] : memref<16384xi32, #tpu.memory_space<hbm>> -> memref<512xi32, #tpu.memory_space<hbm>>
      %dma_start3A_203 = tpu.memref_slice %arg5[%mul3A_2] : memref<16384xi32, #tpu.memory_space<hbm>> -> memref<512xi32, #tpu.memory_space<hbm>>
      tpu.enqueue_dma source(%dma_start3A_203 : memref<512xi32, #tpu.memory_space<hbm>>) target(%arg12 : memref<512xi32, #tpu.memory_space<vmem>>) target_semaphore(%run_scoped3A_201 : memref<!tpu.dma_semaphore, #tpu.memory_space<semaphore_mem>>)
      %dma_wait3A_204 = tpu.memref_slice %arg5[%mul3A_2] : memref<16384xi32, #tpu.memory_space<hbm>> -> memref<512xi32, #tpu.memory_space<hbm>>
      %dma_wait3A_205 = tpu.memref_slice %arg5[%mul3A_2] : memref<16384xi32, #tpu.memory_space<hbm>> -> memref<512xi32, #tpu.memory_space<hbm>>
      tpu.wait_dma2 semaphore(%run_scoped3A_201 : memref<!tpu.dma_semaphore, #tpu.memory_space<semaphore_mem>>) src(%dma_wait3A_205 : memref<512xi32, #tpu.memory_space<hbm>>) dst(%arg12 : memref<512xi32, #tpu.memory_space<vmem>>)
      tpu.yield
    }) : () -> ()
    %iota3A = tpu.iota {dimensions = array<i32: 0>} : vector<16xi32>
    %add3A_3 = arith.constant 0 : i32
    %add3A_4 = arith.addi %mul3A_2, %add3A_3 : i32
    %add3A_5 = arith.constant 0 : i32
    %add3A_6 = arith.addi %add3A_4, %add3A_5 : i32
    %run_scoped3A = arith.constant 0 : i32
    "tpu.region"() ({
      %run_scoped3A_201 = tpu.sem_alloc : memref<!tpu.dma_semaphore, #tpu.memory_space<semaphore_mem>>
      %dma_start3A_202 = arith.constant 0 : i32
      %dma_start3A_203 = tpu.memref_slice %arg9[%run_scoped3A, %dma_start3A_202] : memref<2x128xi32, #tpu.memory_space<vmem>> -> memref<1x128xi32, #tpu.memory_space<vmem>>
      %dma_start3A_204 = tpu.memref_squeeze %dma_start3A_203 : memref<1x128xi32, #tpu.memory_space<vmem>> -> memref<128xi32, #tpu.memory_space<vmem>>
      %dma_start3A_205 = tpu.memref_slice %arg2[%add3A_6] : memref<16384xi32, #tpu.memory_space<hbm>> -> memref<128xi32, #tpu.memory_space<hbm>>
      %dma_start3A_206 = arith.constant 0 : i32
      %dma_start3A_207 = tpu.memref_slice %arg9[%run_scoped3A, %dma_start3A_206] : memref<2x128xi32, #tpu.memory_space<vmem>> -> memref<1x128xi32, #tpu.memory_space<vmem>>
      %dma_start3A_208 = tpu.memref_squeeze %dma_start3A_207 : memref<1x128xi32, #tpu.memory_space<vmem>> -> memref<128xi32, #tpu.memory_space<vmem>>
      %dma_start3A_209 = tpu.memref_slice %arg2[%add3A_6] : memref<16384xi32, #tpu.memory_space<hbm>> -> memref<128xi32, #tpu.memory_space<hbm>>
      tpu.enqueue_dma source(%dma_start3A_209 : memref<128xi32, #tpu.memory_space<hbm>>) target(%dma_start3A_208 : memref<128xi32, #tpu.memory_space<vmem>>) target_semaphore(%run_scoped3A_201 : memref<!tpu.dma_semaphore, #tpu.memory_space<semaphore_mem>>)
      %dma_wait3A_210 = arith.constant 0 : i32
      %dma_wait3A_211 = tpu.memref_slice %arg9[%run_scoped3A, %dma_wait3A_210] : memref<2x128xi32, #tpu.memory_space<vmem>> -> memref<1x128xi32, #tpu.memory_space<vmem>>
      %dma_wait3A_212 = tpu.memref_squeeze %dma_wait3A_211 : memref<1x128xi32, #tpu.memory_space<vmem>> -> memref<128xi32, #tpu.memory_space<vmem>>
      %dma_wait3A_213 = tpu.memref_slice %arg2[%add3A_6] : memref<16384xi32, #tpu.memory_space<hbm>> -> memref<128xi32, #tpu.memory_space<hbm>>
      %dma_wait3A_214 = arith.constant 0 : i32
      %dma_wait3A_215 = tpu.memref_slice %arg9[%run_scoped3A, %dma_wait3A_214] : memref<2x128xi32, #tpu.memory_space<vmem>> -> memref<1x128xi32, #tpu.memory_space<vmem>>
      %dma_wait3A_216 = tpu.memref_squeeze %dma_wait3A_215 : memref<1x128xi32, #tpu.memory_space<vmem>> -> memref<128xi32, #tpu.memory_space<vmem>>
      %dma_wait3A_217 = tpu.memref_slice %arg2[%add3A_6] : memref<16384xi32, #tpu.memory_space<hbm>> -> memref<128xi32, #tpu.memory_space<hbm>>
      tpu.wait_dma2 semaphore(%run_scoped3A_201 : memref<!tpu.dma_semaphore, #tpu.memory_space<semaphore_mem>>) src(%dma_wait3A_217 : memref<128xi32, #tpu.memory_space<hbm>>) dst(%dma_wait3A_216 : memref<128xi32, #tpu.memory_space<vmem>>)
      tpu.yield
    }) : () -> ()
    %add3A_7 = arith.constant 0 : i32
    %add3A_8 = arith.addi %add3A_4, %add3A_7 : i32
    %run_scoped3A_9 = arith.constant 0 : i32
    "tpu.region"() ({
      %run_scoped3A_201 = tpu.sem_alloc : memref<!tpu.dma_semaphore, #tpu.memory_space<semaphore_mem>>
      %dma_start3A_202 = arith.constant 0 : i32
      %dma_start3A_203 = tpu.memref_slice %arg10[%run_scoped3A_9, %dma_start3A_202] : memref<2x128xi32, #tpu.memory_space<vmem>> -> memref<1x128xi32, #tpu.memory_space<vmem>>
      %dma_start3A_204 = tpu.memref_squeeze %dma_start3A_203 : memref<1x128xi32, #tpu.memory_space<vmem>> -> memref<128xi32, #tpu.memory_space<vmem>>
      %dma_start3A_205 = tpu.memref_slice %arg3[%add3A_8] : memref<16384xi32, #tpu.memory_space<hbm>> -> memref<128xi32, #tpu.memory_space<hbm>>
      %dma_start3A_206 = arith.constant 0 : i32
      %dma_start3A_207 = tpu.memref_slice %arg10[%run_scoped3A_9, %dma_start3A_206] : memref<2x128xi32, #tpu.memory_space<vmem>> -> memref<1x128xi32, #tpu.memory_space<vmem>>
      %dma_start3A_208 = tpu.memref_squeeze %dma_start3A_207 : memref<1x128xi32, #tpu.memory_space<vmem>> -> memref<128xi32, #tpu.memory_space<vmem>>
      %dma_start3A_209 = tpu.memref_slice %arg3[%add3A_8] : memref<16384xi32, #tpu.memory_space<hbm>> -> memref<128xi32, #tpu.memory_space<hbm>>
      tpu.enqueue_dma source(%dma_start3A_209 : memref<128xi32, #tpu.memory_space<hbm>>) target(%dma_start3A_208 : memref<128xi32, #tpu.memory_space<vmem>>) target_semaphore(%run_scoped3A_201 : memref<!tpu.dma_semaphore, #tpu.memory_space<semaphore_mem>>)
      %dma_wait3A_210 = arith.constant 0 : i32
      %dma_wait3A_211 = tpu.memref_slice %arg10[%run_scoped3A_9, %dma_wait3A_210] : memref<2x128xi32, #tpu.memory_space<vmem>> -> memref<1x128xi32, #tpu.memory_space<vmem>>
      %dma_wait3A_212 = tpu.memref_squeeze %dma_wait3A_211 : memref<1x128xi32, #tpu.memory_space<vmem>> -> memref<128xi32, #tpu.memory_space<vmem>>
      %dma_wait3A_213 = tpu.memref_slice %arg3[%add3A_8] : memref<16384xi32, #tpu.memory_space<hbm>> -> memref<128xi32, #tpu.memory_space<hbm>>
      %dma_wait3A_214 = arith.constant 0 : i32
      %dma_wait3A_215 = tpu.memref_slice %arg10[%run_scoped3A_9, %dma_wait3A_214] : memref<2x128xi32, #tpu.memory_space<vmem>> -> memref<1x128xi32, #tpu.memory_space<vmem>>
      %dma_wait3A_216 = tpu.memref_squeeze %dma_wait3A_215 : memref<1x128xi32, #tpu.memory_space<vmem>> -> memref<128xi32, #tpu.memory_space<vmem>>
      %dma_wait3A_217 = tpu.memref_slice %arg3[%add3A_8] : memref<16384xi32, #tpu.memory_space<hbm>> -> memref<128xi32, #tpu.memory_space<hbm>>
      tpu.wait_dma2 semaphore(%run_scoped3A_201 : memref<!tpu.dma_semaphore, #tpu.memory_space<semaphore_mem>>) src(%dma_wait3A_217 : memref<128xi32, #tpu.memory_space<hbm>>) dst(%dma_wait3A_216 : memref<128xi32, #tpu.memory_space<vmem>>)
      tpu.yield
    }) : () -> ()
    %add3A_10 = arith.constant 128 : i32
    %add3A_11 = arith.addi %add3A_4, %add3A_10 : i32
    %run_scoped3A_12 = arith.constant 1 : i32
    "tpu.region"() ({
      %run_scoped3A_201 = tpu.sem_alloc : memref<!tpu.dma_semaphore, #tpu.memory_space<semaphore_mem>>
      %dma_start3A_202 = arith.constant 0 : i32
      %dma_start3A_203 = tpu.memref_slice %arg9[%run_scoped3A_12, %dma_start3A_202] : memref<2x128xi32, #tpu.memory_space<vmem>> -> memref<1x128xi32, #tpu.memory_space<vmem>>
      %dma_start3A_204 = tpu.memref_squeeze %dma_start3A_203 : memref<1x128xi32, #tpu.memory_space<vmem>> -> memref<128xi32, #tpu.memory_space<vmem>>
      %dma_start3A_205 = tpu.memref_slice %arg2[%add3A_11] : memref<16384xi32, #tpu.memory_space<hbm>> -> memref<128xi32, #tpu.memory_space<hbm>>
      %dma_start3A_206 = arith.constant 0 : i32
      %dma_start3A_207 = tpu.memref_slice %arg9[%run_scoped3A_12, %dma_start3A_206] : memref<2x128xi32, #tpu.memory_space<vmem>> -> memref<1x128xi32, #tpu.memory_space<vmem>>
      %dma_start3A_208 = tpu.memref_squeeze %dma_start3A_207 : memref<1x128xi32, #tpu.memory_space<vmem>> -> memref<128xi32, #tpu.memory_space<vmem>>
      %dma_start3A_209 = tpu.memref_slice %arg2[%add3A_11] : memref<16384xi32, #tpu.memory_space<hbm>> -> memref<128xi32, #tpu.memory_space<hbm>>
      tpu.enqueue_dma source(%dma_start3A_209 : memref<128xi32, #tpu.memory_space<hbm>>) target(%dma_start3A_208 : memref<128xi32, #tpu.memory_space<vmem>>) target_semaphore(%run_scoped3A_201 : memref<!tpu.dma_semaphore, #tpu.memory_space<semaphore_mem>>)
      %dma_wait3A_210 = arith.constant 0 : i32
      %dma_wait3A_211 = tpu.memref_slice %arg9[%run_scoped3A_12, %dma_wait3A_210] : memref<2x128xi32, #tpu.memory_space<vmem>> -> memref<1x128xi32, #tpu.memory_space<vmem>>
      %dma_wait3A_212 = tpu.memref_squeeze %dma_wait3A_211 : memref<1x128xi32, #tpu.memory_space<vmem>> -> memref<128xi32, #tpu.memory_space<vmem>>
      %dma_wait3A_213 = tpu.memref_slice %arg2[%add3A_11] : memref<16384xi32, #tpu.memory_space<hbm>> -> memref<128xi32, #tpu.memory_space<hbm>>
      %dma_wait3A_214 = arith.constant 0 : i32
      %dma_wait3A_215 = tpu.memref_slice %arg9[%run_scoped3A_12, %dma_wait3A_214] : memref<2x128xi32, #tpu.memory_space<vmem>> -> memref<1x128xi32, #tpu.memory_space<vmem>>
      %dma_wait3A_216 = tpu.memref_squeeze %dma_wait3A_215 : memref<1x128xi32, #tpu.memory_space<vmem>> -> memref<128xi32, #tpu.memory_space<vmem>>
      %dma_wait3A_217 = tpu.memref_slice %arg2[%add3A_11] : memref<16384xi32, #tpu.memory_space<hbm>> -> memref<128xi32, #tpu.memory_space<hbm>>
      tpu.wait_dma2 semaphore(%run_scoped3A_201 : memref<!tpu.dma_semaphore, #tpu.memory_space<semaphore_mem>>) src(%dma_wait3A_217 : memref<128xi32, #tpu.memory_space<hbm>>) dst(%dma_wait3A_216 : memref<128xi32, #tpu.memory_space<vmem>>)
      tpu.yield
    }) : () -> ()
    %add3A_13 = arith.constant 128 : i32
    %add3A_14 = arith.addi %add3A_4, %add3A_13 : i32
    %run_scoped3A_15 = arith.constant 1 : i32
    "tpu.region"() ({
      %run_scoped3A_201 = tpu.sem_alloc : memref<!tpu.dma_semaphore, #tpu.memory_space<semaphore_mem>>
      %dma_start3A_202 = arith.constant 0 : i32
      %dma_start3A_203 = tpu.memref_slice %arg10[%run_scoped3A_15, %dma_start3A_202] : memref<2x128xi32, #tpu.memory_space<vmem>> -> memref<1x128xi32, #tpu.memory_space<vmem>>
      %dma_start3A_204 = tpu.memref_squeeze %dma_start3A_203 : memref<1x128xi32, #tpu.memory_space<vmem>> -> memref<128xi32, #tpu.memory_space<vmem>>
      %dma_start3A_205 = tpu.memref_slice %arg3[%add3A_14] : memref<16384xi32, #tpu.memory_space<hbm>> -> memref<128xi32, #tpu.memory_space<hbm>>
      %dma_start3A_206 = arith.constant 0 : i32
      %dma_start3A_207 = tpu.memref_slice %arg10[%run_scoped3A_15, %dma_start3A_206] : memref<2x128xi32, #tpu.memory_space<vmem>> -> memref<1x128xi32, #tpu.memory_space<vmem>>
      %dma_start3A_208 = tpu.memref_squeeze %dma_start3A_207 : memref<1x128xi32, #tpu.memory_space<vmem>> -> memref<128xi32, #tpu.memory_space<vmem>>
      %dma_start3A_209 = tpu.memref_slice %arg3[%add3A_14] : memref<16384xi32, #tpu.memory_space<hbm>> -> memref<128xi32, #tpu.memory_space<hbm>>
      tpu.enqueue_dma source(%dma_start3A_209 : memref<128xi32, #tpu.memory_space<hbm>>) target(%dma_start3A_208 : memref<128xi32, #tpu.memory_space<vmem>>) target_semaphore(%run_scoped3A_201 : memref<!tpu.dma_semaphore, #tpu.memory_space<semaphore_mem>>)
      %dma_wait3A_210 = arith.constant 0 : i32
      %dma_wait3A_211 = tpu.memref_slice %arg10[%run_scoped3A_15, %dma_wait3A_210] : memref<2x128xi32, #tpu.memory_space<vmem>> -> memref<1x128xi32, #tpu.memory_space<vmem>>
      %dma_wait3A_212 = tpu.memref_squeeze %dma_wait3A_211 : memref<1x128xi32, #tpu.memory_space<vmem>> -> memref<128xi32, #tpu.memory_space<vmem>>
      %dma_wait3A_213 = tpu.memref_slice %arg3[%add3A_14] : memref<16384xi32, #tpu.memory_space<hbm>> -> memref<128xi32, #tpu.memory_space<hbm>>
      %dma_wait3A_214 = arith.constant 0 : i32
      %dma_wait3A_215 = tpu.memref_slice %arg10[%run_scoped3A_15, %dma_wait3A_214] : memref<2x128xi32, #tpu.memory_space<vmem>> -> memref<1x128xi32, #tpu.memory_space<vmem>>
      %dma_wait3A_216 = tpu.memref_squeeze %dma_wait3A_215 : memref<1x128xi32, #tpu.memory_space<vmem>> -> memref<128xi32, #tpu.memory_space<vmem>>
      %dma_wait3A_217 = tpu.memref_slice %arg3[%add3A_14] : memref<16384xi32, #tpu.memory_space<hbm>> -> memref<128xi32, #tpu.memory_space<hbm>>
      tpu.wait_dma2 semaphore(%run_scoped3A_201 : memref<!tpu.dma_semaphore, #tpu.memory_space<semaphore_mem>>) src(%dma_wait3A_217 : memref<128xi32, #tpu.memory_space<hbm>>) dst(%dma_wait3A_216 : memref<128xi32, #tpu.memory_space<vmem>>)
      tpu.yield
    }) : () -> ()
    %dma_start3A = arith.constant 0 : i32
    %dma_start3A_16 = arith.constant 0 : i32
    %dma_start3A_17 = arith.constant 0 : i32
    %dma_start3A_18 = tpu.memref_slice %arg13[%dma_start3A_16, %dma_start3A_17] : memref<256x128xf32, #tpu.memory_space<vmem>> -> memref<128x128xf32, #tpu.memory_space<vmem>>
    %dma_start3A_19 = arith.constant 0 : i32
    %dma_start3A_20 = tpu.memref_slice %arg9[%dma_start3A, %dma_start3A_19] : memref<2x128xi32, #tpu.memory_space<vmem>> -> memref<1x128xi32, #tpu.memory_space<vmem>>
    %dma_start3A_21 = tpu.memref_squeeze %dma_start3A_20 : memref<1x128xi32, #tpu.memory_space<vmem>> -> memref<128xi32, #tpu.memory_space<vmem>>
    %dma_start3A_22 = arith.constant 0 : i32
    %dma_start3A_23 = arith.constant 0 : i32
    %dma_start3A_24 = tpu.memref_slice %arg6[%dma_start3A_22, %dma_start3A_23] : memref<1000000x128xf32, #tpu.memory_space<hbm>> -> memref<1000000x128xf32, #tpu.memory_space<hbm>>
    tpu.enqueue_indirect_dma source(%dma_start3A_24 : memref<1000000x128xf32, #tpu.memory_space<hbm>>) target(%dma_start3A_18 : memref<128x128xf32, #tpu.memory_space<vmem>>) offsets(%dma_start3A_21 : memref<128xi32, #tpu.memory_space<vmem>>) semaphore(%arg16 : memref<!tpu.dma_semaphore, #tpu.memory_space<semaphore_mem>>)
    %dma_start3A_25 = arith.constant 0 : i32
    %dma_start3A_26 = arith.constant 0 : i32
    %dma_start3A_27 = arith.constant 0 : i32
    %dma_start3A_28 = tpu.memref_slice %arg14[%dma_start3A_26, %dma_start3A_27] : memref<256x128xf32, #tpu.memory_space<vmem>> -> memref<128x128xf32, #tpu.memory_space<vmem>>
    %dma_start3A_29 = arith.constant 0 : i32
    %dma_start3A_30 = tpu.memref_slice %arg10[%dma_start3A_25, %dma_start3A_29] : memref<2x128xi32, #tpu.memory_space<vmem>> -> memref<1x128xi32, #tpu.memory_space<vmem>>
    %dma_start3A_31 = tpu.memref_squeeze %dma_start3A_30 : memref<1x128xi32, #tpu.memory_space<vmem>> -> memref<128xi32, #tpu.memory_space<vmem>>
    %dma_start3A_32 = arith.constant 0 : i32
    %dma_start3A_33 = arith.constant 0 : i32
    %dma_start3A_34 = tpu.memref_slice %arg7[%dma_start3A_32, %dma_start3A_33] : memref<100000x128xf32, #tpu.memory_space<hbm>> -> memref<100000x128xf32, #tpu.memory_space<hbm>>
    tpu.enqueue_indirect_dma source(%dma_start3A_34 : memref<100000x128xf32, #tpu.memory_space<hbm>>) target(%dma_start3A_28 : memref<128x128xf32, #tpu.memory_space<vmem>>) offsets(%dma_start3A_31 : memref<128xi32, #tpu.memory_space<vmem>>) semaphore(%arg16 : memref<!tpu.dma_semaphore, #tpu.memory_space<semaphore_mem>>)
    %dma_start3A_35 = arith.constant 1 : i32
    %dma_start3A_36 = arith.constant 128 : i32
    %dma_start3A_37 = arith.constant 0 : i32
    %dma_start3A_38 = tpu.memref_slice %arg13[%dma_start3A_36, %dma_start3A_37] : memref<256x128xf32, #tpu.memory_space<vmem>> -> memref<128x128xf32, #tpu.memory_space<vmem>>
    %dma_start3A_39 = arith.constant 0 : i32
    %dma_start3A_40 = tpu.memref_slice %arg9[%dma_start3A_35, %dma_start3A_39] : memref<2x128xi32, #tpu.memory_space<vmem>> -> memref<1x128xi32, #tpu.memory_space<vmem>>
    %dma_start3A_41 = tpu.memref_squeeze %dma_start3A_40 : memref<1x128xi32, #tpu.memory_space<vmem>> -> memref<128xi32, #tpu.memory_space<vmem>>
    %dma_start3A_42 = arith.constant 0 : i32
    %dma_start3A_43 = arith.constant 0 : i32
    %dma_start3A_44 = tpu.memref_slice %arg6[%dma_start3A_42, %dma_start3A_43] : memref<1000000x128xf32, #tpu.memory_space<hbm>> -> memref<1000000x128xf32, #tpu.memory_space<hbm>>
    tpu.enqueue_indirect_dma source(%dma_start3A_44 : memref<1000000x128xf32, #tpu.memory_space<hbm>>) target(%dma_start3A_38 : memref<128x128xf32, #tpu.memory_space<vmem>>) offsets(%dma_start3A_41 : memref<128xi32, #tpu.memory_space<vmem>>) semaphore(%arg16 : memref<!tpu.dma_semaphore, #tpu.memory_space<semaphore_mem>>)
    %dma_start3A_45 = arith.constant 1 : i32
    %dma_start3A_46 = arith.constant 128 : i32
    %dma_start3A_47 = arith.constant 0 : i32
    %dma_start3A_48 = tpu.memref_slice %arg14[%dma_start3A_46, %dma_start3A_47] : memref<256x128xf32, #tpu.memory_space<vmem>> -> memref<128x128xf32, #tpu.memory_space<vmem>>
    %dma_start3A_49 = arith.constant 0 : i32
    %dma_start3A_50 = tpu.memref_slice %arg10[%dma_start3A_45, %dma_start3A_49] : memref<2x128xi32, #tpu.memory_space<vmem>> -> memref<1x128xi32, #tpu.memory_space<vmem>>
    %dma_start3A_51 = tpu.memref_squeeze %dma_start3A_50 : memref<1x128xi32, #tpu.memory_space<vmem>> -> memref<128xi32, #tpu.memory_space<vmem>>
    %dma_start3A_52 = arith.constant 0 : i32
    %dma_start3A_53 = arith.constant 0 : i32
    %dma_start3A_54 = tpu.memref_slice %arg7[%dma_start3A_52, %dma_start3A_53] : memref<100000x128xf32, #tpu.memory_space<hbm>> -> memref<100000x128xf32, #tpu.memory_space<hbm>>
    tpu.enqueue_indirect_dma source(%dma_start3A_54 : memref<100000x128xf32, #tpu.memory_space<hbm>>) target(%dma_start3A_48 : memref<128x128xf32, #tpu.memory_space<vmem>>) offsets(%dma_start3A_51 : memref<128xi32, #tpu.memory_space<vmem>>) semaphore(%arg16 : memref<!tpu.dma_semaphore, #tpu.memory_space<semaphore_mem>>)
    %dma_wait3A = arith.constant 0 : i32
    %dma_wait3A_55 = arith.constant 0 : i32
    %dma_wait3A_56 = arith.constant 0 : i32
    %dma_wait3A_57 = tpu.memref_slice %arg13[%dma_wait3A_55, %dma_wait3A_56] : memref<256x128xf32, #tpu.memory_space<vmem>> -> memref<128x128xf32, #tpu.memory_space<vmem>>
    %dma_wait3A_58 = arith.constant 0 : i32
    %dma_wait3A_59 = tpu.memref_slice %arg9[%dma_wait3A, %dma_wait3A_58] : memref<2x128xi32, #tpu.memory_space<vmem>> -> memref<1x128xi32, #tpu.memory_space<vmem>>
    %dma_wait3A_60 = tpu.memref_squeeze %dma_wait3A_59 : memref<1x128xi32, #tpu.memory_space<vmem>> -> memref<128xi32, #tpu.memory_space<vmem>>
    %dma_wait3A_61 = arith.constant 0 : i32
    %dma_wait3A_62 = arith.constant 0 : i32
    %dma_wait3A_63 = tpu.memref_slice %arg6[%dma_wait3A_61, %dma_wait3A_62] : memref<1000000x128xf32, #tpu.memory_space<hbm>> -> memref<1000000x128xf32, #tpu.memory_space<hbm>>
    tpu.wait_indirect_dma semaphore(%arg16 : memref<!tpu.dma_semaphore, #tpu.memory_space<semaphore_mem>>) src(%dma_wait3A_63 : memref<1000000x128xf32, #tpu.memory_space<hbm>>) dst(%dma_wait3A_57 : memref<128x128xf32, #tpu.memory_space<vmem>>)
    %dma_wait3A_64 = arith.constant 0 : i32
    %dma_wait3A_65 = arith.constant 0 : i32
    %dma_wait3A_66 = arith.constant 0 : i32
    %dma_wait3A_67 = tpu.memref_slice %arg14[%dma_wait3A_65, %dma_wait3A_66] : memref<256x128xf32, #tpu.memory_space<vmem>> -> memref<128x128xf32, #tpu.memory_space<vmem>>
    %dma_wait3A_68 = arith.constant 0 : i32
    %dma_wait3A_69 = tpu.memref_slice %arg10[%dma_wait3A_64, %dma_wait3A_68] : memref<2x128xi32, #tpu.memory_space<vmem>> -> memref<1x128xi32, #tpu.memory_space<vmem>>
    %dma_wait3A_70 = tpu.memref_squeeze %dma_wait3A_69 : memref<1x128xi32, #tpu.memory_space<vmem>> -> memref<128xi32, #tpu.memory_space<vmem>>
    %dma_wait3A_71 = arith.constant 0 : i32
    %dma_wait3A_72 = arith.constant 0 : i32
    %dma_wait3A_73 = tpu.memref_slice %arg7[%dma_wait3A_71, %dma_wait3A_72] : memref<100000x128xf32, #tpu.memory_space<hbm>> -> memref<100000x128xf32, #tpu.memory_space<hbm>>
    tpu.wait_indirect_dma semaphore(%arg16 : memref<!tpu.dma_semaphore, #tpu.memory_space<semaphore_mem>>) src(%dma_wait3A_73 : memref<100000x128xf32, #tpu.memory_space<hbm>>) dst(%dma_wait3A_67 : memref<128x128xf32, #tpu.memory_space<vmem>>)
    %dma_wait3A_74 = arith.constant 1 : i32
    %dma_wait3A_75 = arith.constant 128 : i32
    %dma_wait3A_76 = arith.constant 0 : i32
    %dma_wait3A_77 = tpu.memref_slice %arg13[%dma_wait3A_75, %dma_wait3A_76] : memref<256x128xf32, #tpu.memory_space<vmem>> -> memref<128x128xf32, #tpu.memory_space<vmem>>
    %dma_wait3A_78 = arith.constant 0 : i32
    %dma_wait3A_79 = tpu.memref_slice %arg9[%dma_wait3A_74, %dma_wait3A_78] : memref<2x128xi32, #tpu.memory_space<vmem>> -> memref<1x128xi32, #tpu.memory_space<vmem>>
    %dma_wait3A_80 = tpu.memref_squeeze %dma_wait3A_79 : memref<1x128xi32, #tpu.memory_space<vmem>> -> memref<128xi32, #tpu.memory_space<vmem>>
    %dma_wait3A_81 = arith.constant 0 : i32
    %dma_wait3A_82 = arith.constant 0 : i32
    %dma_wait3A_83 = tpu.memref_slice %arg6[%dma_wait3A_81, %dma_wait3A_82] : memref<1000000x128xf32, #tpu.memory_space<hbm>> -> memref<1000000x128xf32, #tpu.memory_space<hbm>>
    tpu.wait_indirect_dma semaphore(%arg16 : memref<!tpu.dma_semaphore, #tpu.memory_space<semaphore_mem>>) src(%dma_wait3A_83 : memref<1000000x128xf32, #tpu.memory_space<hbm>>) dst(%dma_wait3A_77 : memref<128x128xf32, #tpu.memory_space<vmem>>)
    %dma_wait3A_84 = arith.constant 1 : i32
    %dma_wait3A_85 = arith.constant 128 : i32
    %dma_wait3A_86 = arith.constant 0 : i32
    %dma_wait3A_87 = tpu.memref_slice %arg14[%dma_wait3A_85, %dma_wait3A_86] : memref<256x128xf32, #tpu.memory_space<vmem>> -> memref<128x128xf32, #tpu.memory_space<vmem>>
    %dma_wait3A_88 = arith.constant 0 : i32
    %dma_wait3A_89 = tpu.memref_slice %arg10[%dma_wait3A_84, %dma_wait3A_88] : memref<2x128xi32, #tpu.memory_space<vmem>> -> memref<1x128xi32, #tpu.memory_space<vmem>>
    %dma_wait3A_90 = tpu.memref_squeeze %dma_wait3A_89 : memref<1x128xi32, #tpu.memory_space<vmem>> -> memref<128xi32, #tpu.memory_space<vmem>>
    %dma_wait3A_91 = arith.constant 0 : i32
    %dma_wait3A_92 = arith.constant 0 : i32
    %dma_wait3A_93 = tpu.memref_slice %arg7[%dma_wait3A_91, %dma_wait3A_92] : memref<100000x128xf32, #tpu.memory_space<hbm>> -> memref<100000x128xf32, #tpu.memory_space<hbm>>
    tpu.wait_indirect_dma semaphore(%arg16 : memref<!tpu.dma_semaphore, #tpu.memory_space<semaphore_mem>>) src(%dma_wait3A_93 : memref<100000x128xf32, #tpu.memory_space<hbm>>) dst(%dma_wait3A_87 : memref<128x128xf32, #tpu.memory_space<vmem>>)
    %scan3A = arith.constant 0 : i32
    %scan3A_94 = arith.constant 0 : i32
    %scan3A_95 = arith.constant 16 : i32
    %scan3A_96 = arith.addi %scan3A_94, %scan3A_95 : i32
    %scan3A_97 = arith.constant 1 : i32
    %scan3A_98 = scf.for %scan3A_201 = %scan3A_94 to %scan3A_96 step %scan3A_97 iter_args(%scan3A_202 = %scan3A) -> (i32)  : i32 {
      %mul3A_203 = arith.constant 16 : i32
      %mul3A_204 = arith.muli %scan3A_201, %mul3A_203 : i32
      %add3A_205 = vector.broadcast %mul3A_204 : i32 to vector<16xi32>
      %add3A_206 = arith.addi %add3A_205, %iota3A : vector<16xi32>
      %mul3A_207 = arith.constant 16 : i32
      %mul3A_208 = arith.muli %scan3A_201, %mul3A_207 : i32
      %add3A_209 = arith.constant 0 : i32
      %add3A_210 = arith.addi %add3A_209, %mul3A_208 : i32
      %get3A = arith.index_cast %add3A_210 : i32 to index
      %get3A_211 = tpu.vector_load %arg11[%get3A] {strides = array<i32>} : memref<512xi32, #tpu.memory_space<vmem>>, vector<16xi32>,
      %mul3A_212 = arith.constant 16 : i32
      %mul3A_213 = arith.muli %scan3A_201, %mul3A_212 : i32
      %add3A_214 = arith.constant 0 : i32
      %add3A_215 = arith.addi %add3A_214, %mul3A_213 : i32
      %get3A_216 = arith.index_cast %add3A_215 : i32 to index
      %get3A_217 = tpu.vector_load %arg12[%get3A_216] {strides = array<i32>} : memref<512xi32, #tpu.memory_space<vmem>>, vector<16xi32>,
      %broadcast_in_dim3A = arith.constant 0.000000e+00 : f32
      %broadcast_in_dim3A_218 = vector.broadcast %broadcast_in_dim3A : f32 to vector<16xf32>
      %add3A_219 = arith.constant 0 : i32
      %add3A_220 = vector.broadcast %add3A_219 : i32 to vector<16xi32>
      %add3A_221 = arith.addi %get3A_211, %add3A_220 : vector<16xi32>
      %gather3A = tpu.vector_load_idx %arg13[%add3A_206, %add3A_221] : memref<256x128xf32, #tpu.memory_space<vmem>>[vector<16xi32>, vector<16xi32>], vector<16xf32>,
      %add3A_222 = arith.constant 0 : i32
      %add3A_223 = vector.broadcast %add3A_222 : i32 to vector<16xi32>
      %add3A_224 = arith.addi %get3A_217, %add3A_223 : vector<16xi32>
      %gather3A_225 = tpu.vector_load_idx %arg14[%add3A_206, %add3A_224] : memref<256x128xf32, #tpu.memory_space<vmem>>[vector<16xi32>, vector<16xi32>], vector<16xf32>,
      %mul3A_226 = arith.mulf %gather3A, %gather3A_225 : vector<16xf32>
      %add3A_227 = arith.addf %broadcast_in_dim3A_218, %mul3A_226 : vector<16xf32>
      %add3A_228 = arith.constant 1 : i32
      %add3A_229 = vector.broadcast %add3A_228 : i32 to vector<16xi32>
      %add3A_230 = arith.addi %get3A_211, %add3A_229 : vector<16xi32>
      %gather3A_231 = tpu.vector_load_idx %arg13[%add3A_206, %add3A_230] : memref<256x128xf32, #tpu.memory_space<vmem>>[vector<16xi32>, vector<16xi32>], vector<16xf32>,
      %add3A_232 = arith.constant 1 : i32
      %add3A_233 = vector.broadcast %add3A_232 : i32 to vector<16xi32>
      %add3A_234 = arith.addi %get3A_217, %add3A_233 : vector<16xi32>
      %gather3A_235 = tpu.vector_load_idx %arg14[%add3A_206, %add3A_234] : memref<256x128xf32, #tpu.memory_space<vmem>>[vector<16xi32>, vector<16xi32>], vector<16xf32>,
      %mul3A_236 = arith.mulf %gather3A_231, %gather3A_235 : vector<16xf32>
      %add3A_237 = arith.addf %add3A_227, %mul3A_236 : vector<16xf32>
      %add3A_238 = arith.constant 2 : i32
      %add3A_239 = vector.broadcast %add3A_238 : i32 to vector<16xi32>
      %add3A_240 = arith.addi %get3A_211, %add3A_239 : vector<16xi32>
      %gather3A_241 = tpu.vector_load_idx %arg13[%add3A_206, %add3A_240] : memref<256x128xf32, #tpu.memory_space<vmem>>[vector<16xi32>, vector<16xi32>], vector<16xf32>,
      %add3A_242 = arith.constant 2 : i32
      %add3A_243 = vector.broadcast %add3A_242 : i32 to vector<16xi32>
      %add3A_244 = arith.addi %get3A_217, %add3A_243 : vector<16xi32>
      %gather3A_245 = tpu.vector_load_idx %arg14[%add3A_206, %add3A_244] : memref<256x128xf32, #tpu.memory_space<vmem>>[vector<16xi32>, vector<16xi32>], vector<16xf32>,
      %mul3A_246 = arith.mulf %gather3A_241, %gather3A_245 : vector<16xf32>
      %add3A_247 = arith.addf %add3A_237, %mul3A_246 : vector<16xf32>
      %add3A_248 = arith.constant 3 : i32
      %add3A_249 = vector.broadcast %add3A_248 : i32 to vector<16xi32>
      %add3A_250 = arith.addi %get3A_211, %add3A_249 : vector<16xi32>
      %gather3A_251 = tpu.vector_load_idx %arg13[%add3A_206, %add3A_250] : memref<256x128xf32, #tpu.memory_space<vmem>>[vector<16xi32>, vector<16xi32>], vector<16xf32>,
      %add3A_252 = arith.constant 3 : i32
      %add3A_253 = vector.broadcast %add3A_252 : i32 to vector<16xi32>
      %add3A_254 = arith.addi %get3A_217, %add3A_253 : vector<16xi32>
      %gather3A_255 = tpu.vector_load_idx %arg14[%add3A_206, %add3A_254] : memref<256x128xf32, #tpu.memory_space<vmem>>[vector<16xi32>, vector<16xi32>], vector<16xf32>,
      %mul3A_256 = arith.mulf %gather3A_251, %gather3A_255 : vector<16xf32>
      %add3A_257 = arith.addf %add3A_247, %mul3A_256 : vector<16xf32>
      %add3A_258 = arith.constant 4 : i32
      %add3A_259 = vector.broadcast %add3A_258 : i32 to vector<16xi32>
      %add3A_260 = arith.addi %get3A_211, %add3A_259 : vector<16xi32>
      %gather3A_261 = tpu.vector_load_idx %arg13[%add3A_206, %add3A_260] : memref<256x128xf32, #tpu.memory_space<vmem>>[vector<16xi32>, vector<16xi32>], vector<16xf32>,
      %add3A_262 = arith.constant 4 : i32
      %add3A_263 = vector.broadcast %add3A_262 : i32 to vector<16xi32>
      %add3A_264 = arith.addi %get3A_217, %add3A_263 : vector<16xi32>
      %gather3A_265 = tpu.vector_load_idx %arg14[%add3A_206, %add3A_264] : memref<256x128xf32, #tpu.memory_space<vmem>>[vector<16xi32>, vector<16xi32>], vector<16xf32>,
      %mul3A_266 = arith.mulf %gather3A_261, %gather3A_265 : vector<16xf32>
      %add3A_267 = arith.addf %add3A_257, %mul3A_266 : vector<16xf32>
      %add3A_268 = arith.constant 5 : i32
      %add3A_269 = vector.broadcast %add3A_268 : i32 to vector<16xi32>
      %add3A_270 = arith.addi %get3A_211, %add3A_269 : vector<16xi32>
      %gather3A_271 = tpu.vector_load_idx %arg13[%add3A_206, %add3A_270] : memref<256x128xf32, #tpu.memory_space<vmem>>[vector<16xi32>, vector<16xi32>], vector<16xf32>,
      %add3A_272 = arith.constant 5 : i32
      %add3A_273 = vector.broadcast %add3A_272 : i32 to vector<16xi32>
      %add3A_274 = arith.addi %get3A_217, %add3A_273 : vector<16xi32>
      %gather3A_275 = tpu.vector_load_idx %arg14[%add3A_206, %add3A_274] : memref<256x128xf32, #tpu.memory_space<vmem>>[vector<16xi32>, vector<16xi32>], vector<16xf32>,
      %mul3A_276 = arith.mulf %gather3A_271, %gather3A_275 : vector<16xf32>
      %add3A_277 = arith.addf %add3A_267, %mul3A_276 : vector<16xf32>
      %add3A_278 = arith.constant 6 : i32
      %add3A_279 = vector.broadcast %add3A_278 : i32 to vector<16xi32>
      %add3A_280 = arith.addi %get3A_211, %add3A_279 : vector<16xi32>
      %gather3A_281 = tpu.vector_load_idx %arg13[%add3A_206, %add3A_280] : memref<256x128xf32, #tpu.memory_space<vmem>>[vector<16xi32>, vector<16xi32>], vector<16xf32>,
      %add3A_282 = arith.constant 6 : i32
      %add3A_283 = vector.broadcast %add3A_282 : i32 to vector<16xi32>
      %add3A_284 = arith.addi %get3A_217, %add3A_283 : vector<16xi32>
      %gather3A_285 = tpu.vector_load_idx %arg14[%add3A_206, %add3A_284] : memref<256x128xf32, #tpu.memory_space<vmem>>[vector<16xi32>, vector<16xi32>], vector<16xf32>,
      %mul3A_286 = arith.mulf %gather3A_281, %gather3A_285 : vector<16xf32>
      %add3A_287 = arith.addf %add3A_277, %mul3A_286 : vector<16xf32>
      %add3A_288 = arith.constant 7 : i32
      %add3A_289 = vector.broadcast %add3A_288 : i32 to vector<16xi32>
      %add3A_290 = arith.addi %get3A_211, %add3A_289 : vector<16xi32>
      %gather3A_291 = tpu.vector_load_idx %arg13[%add3A_206, %add3A_290] : memref<256x128xf32, #tpu.memory_space<vmem>>[vector<16xi32>, vector<16xi32>], vector<16xf32>,
      %add3A_292 = arith.constant 7 : i32
      %add3A_293 = vector.broadcast %add3A_292 : i32 to vector<16xi32>
      %add3A_294 = arith.addi %get3A_217, %add3A_293 : vector<16xi32>
      %gather3A_295 = tpu.vector_load_idx %arg14[%add3A_206, %add3A_294] : memref<256x128xf32, #tpu.memory_space<vmem>>[vector<16xi32>, vector<16xi32>], vector<16xf32>,
      %mul3A_296 = arith.mulf %gather3A_291, %gather3A_295 : vector<16xf32>
      %add3A_297 = arith.addf %add3A_287, %mul3A_296 : vector<16xf32>
      %add3A_298 = arith.constant 8 : i32
      %add3A_299 = vector.broadcast %add3A_298 : i32 to vector<16xi32>
      %add3A_300 = arith.addi %get3A_211, %add3A_299 : vector<16xi32>
      %gather3A_301 = tpu.vector_load_idx %arg13[%add3A_206, %add3A_300] : memref<256x128xf32, #tpu.memory_space<vmem>>[vector<16xi32>, vector<16xi32>], vector<16xf32>,
      %add3A_302 = arith.constant 8 : i32
      %add3A_303 = vector.broadcast %add3A_302 : i32 to vector<16xi32>
      %add3A_304 = arith.addi %get3A_217, %add3A_303 : vector<16xi32>
      %gather3A_305 = tpu.vector_load_idx %arg14[%add3A_206, %add3A_304] : memref<256x128xf32, #tpu.memory_space<vmem>>[vector<16xi32>, vector<16xi32>], vector<16xf32>,
      %mul3A_306 = arith.mulf %gather3A_301, %gather3A_305 : vector<16xf32>
      %add3A_307 = arith.addf %add3A_297, %mul3A_306 : vector<16xf32>
      %add3A_308 = arith.constant 9 : i32
      %add3A_309 = vector.broadcast %add3A_308 : i32 to vector<16xi32>
      %add3A_310 = arith.addi %get3A_211, %add3A_309 : vector<16xi32>
      %gather3A_311 = tpu.vector_load_idx %arg13[%add3A_206, %add3A_310] : memref<256x128xf32, #tpu.memory_space<vmem>>[vector<16xi32>, vector<16xi32>], vector<16xf32>,
      %add3A_312 = arith.constant 9 : i32
      %add3A_313 = vector.broadcast %add3A_312 : i32 to vector<16xi32>
      %add3A_314 = arith.addi %get3A_217, %add3A_313 : vector<16xi32>
      %gather3A_315 = tpu.vector_load_idx %arg14[%add3A_206, %add3A_314] : memref<256x128xf32, #tpu.memory_space<vmem>>[vector<16xi32>, vector<16xi32>], vector<16xf32>,
      %mul3A_316 = arith.mulf %gather3A_311, %gather3A_315 : vector<16xf32>
      %add3A_317 = arith.addf %add3A_307, %mul3A_316 : vector<16xf32>
      %add3A_318 = arith.constant 10 : i32
      %add3A_319 = vector.broadcast %add3A_318 : i32 to vector<16xi32>
      %add3A_320 = arith.addi %get3A_211, %add3A_319 : vector<16xi32>
      %gather3A_321 = tpu.vector_load_idx %arg13[%add3A_206, %add3A_320] : memref<256x128xf32, #tpu.memory_space<vmem>>[vector<16xi32>, vector<16xi32>], vector<16xf32>,
      %add3A_322 = arith.constant 10 : i32
      %add3A_323 = vector.broadcast %add3A_322 : i32 to vector<16xi32>
      %add3A_324 = arith.addi %get3A_217, %add3A_323 : vector<16xi32>
      %gather3A_325 = tpu.vector_load_idx %arg14[%add3A_206, %add3A_324] : memref<256x128xf32, #tpu.memory_space<vmem>>[vector<16xi32>, vector<16xi32>], vector<16xf32>,
      %mul3A_326 = arith.mulf %gather3A_321, %gather3A_325 : vector<16xf32>
      %add3A_327 = arith.addf %add3A_317, %mul3A_326 : vector<16xf32>
      %add3A_328 = arith.constant 11 : i32
      %add3A_329 = vector.broadcast %add3A_328 : i32 to vector<16xi32>
      %add3A_330 = arith.addi %get3A_211, %add3A_329 : vector<16xi32>
      %gather3A_331 = tpu.vector_load_idx %arg13[%add3A_206, %add3A_330] : memref<256x128xf32, #tpu.memory_space<vmem>>[vector<16xi32>, vector<16xi32>], vector<16xf32>,
      %add3A_332 = arith.constant 11 : i32
      %add3A_333 = vector.broadcast %add3A_332 : i32 to vector<16xi32>
      %add3A_334 = arith.addi %get3A_217, %add3A_333 : vector<16xi32>
      %gather3A_335 = tpu.vector_load_idx %arg14[%add3A_206, %add3A_334] : memref<256x128xf32, #tpu.memory_space<vmem>>[vector<16xi32>, vector<16xi32>], vector<16xf32>,
      %mul3A_336 = arith.mulf %gather3A_331, %gather3A_335 : vector<16xf32>
      %add3A_337 = arith.addf %add3A_327, %mul3A_336 : vector<16xf32>
      %add3A_338 = arith.constant 12 : i32
      %add3A_339 = vector.broadcast %add3A_338 : i32 to vector<16xi32>
      %add3A_340 = arith.addi %get3A_211, %add3A_339 : vector<16xi32>
      %gather3A_341 = tpu.vector_load_idx %arg13[%add3A_206, %add3A_340] : memref<256x128xf32, #tpu.memory_space<vmem>>[vector<16xi32>, vector<16xi32>], vector<16xf32>,
      %add3A_342 = arith.constant 12 : i32
      %add3A_343 = vector.broadcast %add3A_342 : i32 to vector<16xi32>
      %add3A_344 = arith.addi %get3A_217, %add3A_343 : vector<16xi32>
      %gather3A_345 = tpu.vector_load_idx %arg14[%add3A_206, %add3A_344] : memref<256x128xf32, #tpu.memory_space<vmem>>[vector<16xi32>, vector<16xi32>], vector<16xf32>,
      %mul3A_346 = arith.mulf %gather3A_341, %gather3A_345 : vector<16xf32>
      %add3A_347 = arith.addf %add3A_337, %mul3A_346 : vector<16xf32>
      %add3A_348 = arith.constant 13 : i32
      %add3A_349 = vector.broadcast %add3A_348 : i32 to vector<16xi32>
      %add3A_350 = arith.addi %get3A_211, %add3A_349 : vector<16xi32>
      %gather3A_351 = tpu.vector_load_idx %arg13[%add3A_206, %add3A_350] : memref<256x128xf32, #tpu.memory_space<vmem>>[vector<16xi32>, vector<16xi32>], vector<16xf32>,
      %add3A_352 = arith.constant 13 : i32
      %add3A_353 = vector.broadcast %add3A_352 : i32 to vector<16xi32>
      %add3A_354 = arith.addi %get3A_217, %add3A_353 : vector<16xi32>
      %gather3A_355 = tpu.vector_load_idx %arg14[%add3A_206, %add3A_354] : memref<256x128xf32, #tpu.memory_space<vmem>>[vector<16xi32>, vector<16xi32>], vector<16xf32>,
      %mul3A_356 = arith.mulf %gather3A_351, %gather3A_355 : vector<16xf32>
      %add3A_357 = arith.addf %add3A_347, %mul3A_356 : vector<16xf32>
      %add3A_358 = arith.constant 14 : i32
      %add3A_359 = vector.broadcast %add3A_358 : i32 to vector<16xi32>
      %add3A_360 = arith.addi %get3A_211, %add3A_359 : vector<16xi32>
      %gather3A_361 = tpu.vector_load_idx %arg13[%add3A_206, %add3A_360] : memref<256x128xf32, #tpu.memory_space<vmem>>[vector<16xi32>, vector<16xi32>], vector<16xf32>,
      %add3A_362 = arith.constant 14 : i32
      %add3A_363 = vector.broadcast %add3A_362 : i32 to vector<16xi32>
      %add3A_364 = arith.addi %get3A_217, %add3A_363 : vector<16xi32>
      %gather3A_365 = tpu.vector_load_idx %arg14[%add3A_206, %add3A_364] : memref<256x128xf32, #tpu.memory_space<vmem>>[vector<16xi32>, vector<16xi32>], vector<16xf32>,
      %mul3A_366 = arith.mulf %gather3A_361, %gather3A_365 : vector<16xf32>
      %add3A_367 = arith.addf %add3A_357, %mul3A_366 : vector<16xf32>
      %add3A_368 = arith.constant 15 : i32
      %add3A_369 = vector.broadcast %add3A_368 : i32 to vector<16xi32>
      %add3A_370 = arith.addi %get3A_211, %add3A_369 : vector<16xi32>
      %gather3A_371 = tpu.vector_load_idx %arg13[%add3A_206, %add3A_370] : memref<256x128xf32, #tpu.memory_space<vmem>>[vector<16xi32>, vector<16xi32>], vector<16xf32>,
      %add3A_372 = arith.constant 15 : i32
      %add3A_373 = vector.broadcast %add3A_372 : i32 to vector<16xi32>
      %add3A_374 = arith.addi %get3A_217, %add3A_373 : vector<16xi32>
      %gather3A_375 = tpu.vector_load_idx %arg14[%add3A_206, %add3A_374] : memref<256x128xf32, #tpu.memory_space<vmem>>[vector<16xi32>, vector<16xi32>], vector<16xf32>,
      %mul3A_376 = arith.mulf %gather3A_371, %gather3A_375 : vector<16xf32>
      %add3A_377 = arith.addf %add3A_367, %mul3A_376 : vector<16xf32>
      %add3A_378 = arith.constant 16 : i32
      %add3A_379 = vector.broadcast %add3A_378 : i32 to vector<16xi32>
      %add3A_380 = arith.addi %get3A_211, %add3A_379 : vector<16xi32>
      %gather3A_381 = tpu.vector_load_idx %arg13[%add3A_206, %add3A_380] : memref<256x128xf32, #tpu.memory_space<vmem>>[vector<16xi32>, vector<16xi32>], vector<16xf32>,
      %add3A_382 = arith.constant 16 : i32
      %add3A_383 = vector.broadcast %add3A_382 : i32 to vector<16xi32>
      %add3A_384 = arith.addi %get3A_217, %add3A_383 : vector<16xi32>
      %gather3A_385 = tpu.vector_load_idx %arg14[%add3A_206, %add3A_384] : memref<256x128xf32, #tpu.memory_space<vmem>>[vector<16xi32>, vector<16xi32>], vector<16xf32>,
      %mul3A_386 = arith.mulf %gather3A_381, %gather3A_385 : vector<16xf32>
      %add3A_387 = arith.addf %add3A_377, %mul3A_386 : vector<16xf32>
      %add3A_388 = arith.constant 17 : i32
      %add3A_389 = vector.broadcast %add3A_388 : i32 to vector<16xi32>
      %add3A_390 = arith.addi %get3A_211, %add3A_389 : vector<16xi32>
      %gather3A_391 = tpu.vector_load_idx %arg13[%add3A_206, %add3A_390] : memref<256x128xf32, #tpu.memory_space<vmem>>[vector<16xi32>, vector<16xi32>], vector<16xf32>,
      %add3A_392 = arith.constant 17 : i32
      %add3A_393 = vector.broadcast %add3A_392 : i32 to vector<16xi32>
      %add3A_394 = arith.addi %get3A_217, %add3A_393 : vector<16xi32>
      %gather3A_395 = tpu.vector_load_idx %arg14[%add3A_206, %add3A_394] : memref<256x128xf32, #tpu.memory_space<vmem>>[vector<16xi32>, vector<16xi32>], vector<16xf32>,
      %mul3A_396 = arith.mulf %gather3A_391, %gather3A_395 : vector<16xf32>
      %add3A_397 = arith.addf %add3A_387, %mul3A_396 : vector<16xf32>
      %add3A_398 = arith.constant 18 : i32
      %add3A_399 = vector.broadcast %add3A_398 : i32 to vector<16xi32>
      %add3A_400 = arith.addi %get3A_211, %add3A_399 : vector<16xi32>
      %gather3A_401 = tpu.vector_load_idx %arg13[%add3A_206, %add3A_400] : memref<256x128xf32, #tpu.memory_space<vmem>>[vector<16xi32>, vector<16xi32>], vector<16xf32>,
      %add3A_402 = arith.constant 18 : i32
      %add3A_403 = vector.broadcast %add3A_402 : i32 to vector<16xi32>
      %add3A_404 = arith.addi %get3A_217, %add3A_403 : vector<16xi32>
      %gather3A_405 = tpu.vector_load_idx %arg14[%add3A_206, %add3A_404] : memref<256x128xf32, #tpu.memory_space<vmem>>[vector<16xi32>, vector<16xi32>], vector<16xf32>,
      %mul3A_406 = arith.mulf %gather3A_401, %gather3A_405 : vector<16xf32>
      %add3A_407 = arith.addf %add3A_397, %mul3A_406 : vector<16xf32>
      %add3A_408 = arith.constant 19 : i32
      %add3A_409 = vector.broadcast %add3A_408 : i32 to vector<16xi32>
      %add3A_410 = arith.addi %get3A_211, %add3A_409 : vector<16xi32>
      %gather3A_411 = tpu.vector_load_idx %arg13[%add3A_206, %add3A_410] : memref<256x128xf32, #tpu.memory_space<vmem>>[vector<16xi32>, vector<16xi32>], vector<16xf32>,
      %add3A_412 = arith.constant 19 : i32
      %add3A_413 = vector.broadcast %add3A_412 : i32 to vector<16xi32>
      %add3A_414 = arith.addi %get3A_217, %add3A_413 : vector<16xi32>
      %gather3A_415 = tpu.vector_load_idx %arg14[%add3A_206, %add3A_414] : memref<256x128xf32, #tpu.memory_space<vmem>>[vector<16xi32>, vector<16xi32>], vector<16xf32>,
      %mul3A_416 = arith.mulf %gather3A_411, %gather3A_415 : vector<16xf32>
      %add3A_417 = arith.addf %add3A_407, %mul3A_416 : vector<16xf32>
      %add3A_418 = arith.constant 20 : i32
      %add3A_419 = vector.broadcast %add3A_418 : i32 to vector<16xi32>
      %add3A_420 = arith.addi %get3A_211, %add3A_419 : vector<16xi32>
      %gather3A_421 = tpu.vector_load_idx %arg13[%add3A_206, %add3A_420] : memref<256x128xf32, #tpu.memory_space<vmem>>[vector<16xi32>, vector<16xi32>], vector<16xf32>,
      %add3A_422 = arith.constant 20 : i32
      %add3A_423 = vector.broadcast %add3A_422 : i32 to vector<16xi32>
      %add3A_424 = arith.addi %get3A_217, %add3A_423 : vector<16xi32>
      %gather3A_425 = tpu.vector_load_idx %arg14[%add3A_206, %add3A_424] : memref<256x128xf32, #tpu.memory_space<vmem>>[vector<16xi32>, vector<16xi32>], vector<16xf32>,
      %mul3A_426 = arith.mulf %gather3A_421, %gather3A_425 : vector<16xf32>
      %add3A_427 = arith.addf %add3A_417, %mul3A_426 : vector<16xf32>
      %add3A_428 = arith.constant 21 : i32
      %add3A_429 = vector.broadcast %add3A_428 : i32 to vector<16xi32>
      %add3A_430 = arith.addi %get3A_211, %add3A_429 : vector<16xi32>
      %gather3A_431 = tpu.vector_load_idx %arg13[%add3A_206, %add3A_430] : memref<256x128xf32, #tpu.memory_space<vmem>>[vector<16xi32>, vector<16xi32>], vector<16xf32>,
      %add3A_432 = arith.constant 21 : i32
      %add3A_433 = vector.broadcast %add3A_432 : i32 to vector<16xi32>
      %add3A_434 = arith.addi %get3A_217, %add3A_433 : vector<16xi32>
      %gather3A_435 = tpu.vector_load_idx %arg14[%add3A_206, %add3A_434] : memref<256x128xf32, #tpu.memory_space<vmem>>[vector<16xi32>, vector<16xi32>], vector<16xf32>,
      %mul3A_436 = arith.mulf %gather3A_431, %gather3A_435 : vector<16xf32>
      %add3A_437 = arith.addf %add3A_427, %mul3A_436 : vector<16xf32>
      %add3A_438 = arith.constant 22 : i32
      %add3A_439 = vector.broadcast %add3A_438 : i32 to vector<16xi32>
      %add3A_440 = arith.addi %get3A_211, %add3A_439 : vector<16xi32>
      %gather3A_441 = tpu.vector_load_idx %arg13[%add3A_206, %add3A_440] : memref<256x128xf32, #tpu.memory_space<vmem>>[vector<16xi32>, vector<16xi32>], vector<16xf32>,
      %add3A_442 = arith.constant 22 : i32
      %add3A_443 = vector.broadcast %add3A_442 : i32 to vector<16xi32>
      %add3A_444 = arith.addi %get3A_217, %add3A_443 : vector<16xi32>
      %gather3A_445 = tpu.vector_load_idx %arg14[%add3A_206, %add3A_444] : memref<256x128xf32, #tpu.memory_space<vmem>>[vector<16xi32>, vector<16xi32>], vector<16xf32>,
      %mul3A_446 = arith.mulf %gather3A_441, %gather3A_445 : vector<16xf32>
      %add3A_447 = arith.addf %add3A_437, %mul3A_446 : vector<16xf32>
      %add3A_448 = arith.constant 23 : i32
      %add3A_449 = vector.broadcast %add3A_448 : i32 to vector<16xi32>
      %add3A_450 = arith.addi %get3A_211, %add3A_449 : vector<16xi32>
      %gather3A_451 = tpu.vector_load_idx %arg13[%add3A_206, %add3A_450] : memref<256x128xf32, #tpu.memory_space<vmem>>[vector<16xi32>, vector<16xi32>], vector<16xf32>,
      %add3A_452 = arith.constant 23 : i32
      %add3A_453 = vector.broadcast %add3A_452 : i32 to vector<16xi32>
      %add3A_454 = arith.addi %get3A_217, %add3A_453 : vector<16xi32>
      %gather3A_455 = tpu.vector_load_idx %arg14[%add3A_206, %add3A_454] : memref<256x128xf32, #tpu.memory_space<vmem>>[vector<16xi32>, vector<16xi32>], vector<16xf32>,
      %mul3A_456 = arith.mulf %gather3A_451, %gather3A_455 : vector<16xf32>
      %add3A_457 = arith.addf %add3A_447, %mul3A_456 : vector<16xf32>
      %add3A_458 = arith.constant 24 : i32
      %add3A_459 = vector.broadcast %add3A_458 : i32 to vector<16xi32>
      %add3A_460 = arith.addi %get3A_211, %add3A_459 : vector<16xi32>
      %gather3A_461 = tpu.vector_load_idx %arg13[%add3A_206, %add3A_460] : memref<256x128xf32, #tpu.memory_space<vmem>>[vector<16xi32>, vector<16xi32>], vector<16xf32>,
      %add3A_462 = arith.constant 24 : i32
      %add3A_463 = vector.broadcast %add3A_462 : i32 to vector<16xi32>
      %add3A_464 = arith.addi %get3A_217, %add3A_463 : vector<16xi32>
      %gather3A_465 = tpu.vector_load_idx %arg14[%add3A_206, %add3A_464] : memref<256x128xf32, #tpu.memory_space<vmem>>[vector<16xi32>, vector<16xi32>], vector<16xf32>,
      %mul3A_466 = arith.mulf %gather3A_461, %gather3A_465 : vector<16xf32>
      %add3A_467 = arith.addf %add3A_457, %mul3A_466 : vector<16xf32>
      %add3A_468 = arith.constant 25 : i32
      %add3A_469 = vector.broadcast %add3A_468 : i32 to vector<16xi32>
      %add3A_470 = arith.addi %get3A_211, %add3A_469 : vector<16xi32>
      %gather3A_471 = tpu.vector_load_idx %arg13[%add3A_206, %add3A_470] : memref<256x128xf32, #tpu.memory_space<vmem>>[vector<16xi32>, vector<16xi32>], vector<16xf32>,
      %add3A_472 = arith.constant 25 : i32
      %add3A_473 = vector.broadcast %add3A_472 : i32 to vector<16xi32>
      %add3A_474 = arith.addi %get3A_217, %add3A_473 : vector<16xi32>
      %gather3A_475 = tpu.vector_load_idx %arg14[%add3A_206, %add3A_474] : memref<256x128xf32, #tpu.memory_space<vmem>>[vector<16xi32>, vector<16xi32>], vector<16xf32>,
      %mul3A_476 = arith.mulf %gather3A_471, %gather3A_475 : vector<16xf32>
      %add3A_477 = arith.addf %add3A_467, %mul3A_476 : vector<16xf32>
      %add3A_478 = arith.constant 26 : i32
      %add3A_479 = vector.broadcast %add3A_478 : i32 to vector<16xi32>
      %add3A_480 = arith.addi %get3A_211, %add3A_479 : vector<16xi32>
      %gather3A_481 = tpu.vector_load_idx %arg13[%add3A_206, %add3A_480] : memref<256x128xf32, #tpu.memory_space<vmem>>[vector<16xi32>, vector<16xi32>], vector<16xf32>,
      %add3A_482 = arith.constant 26 : i32
      %add3A_483 = vector.broadcast %add3A_482 : i32 to vector<16xi32>
      %add3A_484 = arith.addi %get3A_217, %add3A_483 : vector<16xi32>
      %gather3A_485 = tpu.vector_load_idx %arg14[%add3A_206, %add3A_484] : memref<256x128xf32, #tpu.memory_space<vmem>>[vector<16xi32>, vector<16xi32>], vector<16xf32>,
      %mul3A_486 = arith.mulf %gather3A_481, %gather3A_485 : vector<16xf32>
      %add3A_487 = arith.addf %add3A_477, %mul3A_486 : vector<16xf32>
      %add3A_488 = arith.constant 27 : i32
      %add3A_489 = vector.broadcast %add3A_488 : i32 to vector<16xi32>
      %add3A_490 = arith.addi %get3A_211, %add3A_489 : vector<16xi32>
      %gather3A_491 = tpu.vector_load_idx %arg13[%add3A_206, %add3A_490] : memref<256x128xf32, #tpu.memory_space<vmem>>[vector<16xi32>, vector<16xi32>], vector<16xf32>,
      %add3A_492 = arith.constant 27 : i32
      %add3A_493 = vector.broadcast %add3A_492 : i32 to vector<16xi32>
      %add3A_494 = arith.addi %get3A_217, %add3A_493 : vector<16xi32>
      %gather3A_495 = tpu.vector_load_idx %arg14[%add3A_206, %add3A_494] : memref<256x128xf32, #tpu.memory_space<vmem>>[vector<16xi32>, vector<16xi32>], vector<16xf32>,
      %mul3A_496 = arith.mulf %gather3A_491, %gather3A_495 : vector<16xf32>
      %add3A_497 = arith.addf %add3A_487, %mul3A_496 : vector<16xf32>
      %add3A_498 = arith.constant 28 : i32
      %add3A_499 = vector.broadcast %add3A_498 : i32 to vector<16xi32>
      %add3A_500 = arith.addi %get3A_211, %add3A_499 : vector<16xi32>
      %gather3A_501 = tpu.vector_load_idx %arg13[%add3A_206, %add3A_500] : memref<256x128xf32, #tpu.memory_space<vmem>>[vector<16xi32>, vector<16xi32>], vector<16xf32>,
      %add3A_502 = arith.constant 28 : i32
      %add3A_503 = vector.broadcast %add3A_502 : i32 to vector<16xi32>
      %add3A_504 = arith.addi %get3A_217, %add3A_503 : vector<16xi32>
      %gather3A_505 = tpu.vector_load_idx %arg14[%add3A_206, %add3A_504] : memref<256x128xf32, #tpu.memory_space<vmem>>[vector<16xi32>, vector<16xi32>], vector<16xf32>,
      %mul3A_506 = arith.mulf %gather3A_501, %gather3A_505 : vector<16xf32>
      %add3A_507 = arith.addf %add3A_497, %mul3A_506 : vector<16xf32>
      %add3A_508 = arith.constant 29 : i32
      %add3A_509 = vector.broadcast %add3A_508 : i32 to vector<16xi32>
      %add3A_510 = arith.addi %get3A_211, %add3A_509 : vector<16xi32>
      %gather3A_511 = tpu.vector_load_idx %arg13[%add3A_206, %add3A_510] : memref<256x128xf32, #tpu.memory_space<vmem>>[vector<16xi32>, vector<16xi32>], vector<16xf32>,
      %add3A_512 = arith.constant 29 : i32
      %add3A_513 = vector.broadcast %add3A_512 : i32 to vector<16xi32>
      %add3A_514 = arith.addi %get3A_217, %add3A_513 : vector<16xi32>
      %gather3A_515 = tpu.vector_load_idx %arg14[%add3A_206, %add3A_514] : memref<256x128xf32, #tpu.memory_space<vmem>>[vector<16xi32>, vector<16xi32>], vector<16xf32>,
      %mul3A_516 = arith.mulf %gather3A_511, %gather3A_515 : vector<16xf32>
      %add3A_517 = arith.addf %add3A_507, %mul3A_516 : vector<16xf32>
      %add3A_518 = arith.constant 30 : i32
      %add3A_519 = vector.broadcast %add3A_518 : i32 to vector<16xi32>
      %add3A_520 = arith.addi %get3A_211, %add3A_519 : vector<16xi32>
      %gather3A_521 = tpu.vector_load_idx %arg13[%add3A_206, %add3A_520] : memref<256x128xf32, #tpu.memory_space<vmem>>[vector<16xi32>, vector<16xi32>], vector<16xf32>,
      %add3A_522 = arith.constant 30 : i32
      %add3A_523 = vector.broadcast %add3A_522 : i32 to vector<16xi32>
      %add3A_524 = arith.addi %get3A_217, %add3A_523 : vector<16xi32>
      %gather3A_525 = tpu.vector_load_idx %arg14[%add3A_206, %add3A_524] : memref<256x128xf32, #tpu.memory_space<vmem>>[vector<16xi32>, vector<16xi32>], vector<16xf32>,
      %mul3A_526 = arith.mulf %gather3A_521, %gather3A_525 : vector<16xf32>
      %add3A_527 = arith.addf %add3A_517, %mul3A_526 : vector<16xf32>
      %add3A_528 = arith.constant 31 : i32
      %add3A_529 = vector.broadcast %add3A_528 : i32 to vector<16xi32>
      %add3A_530 = arith.addi %get3A_211, %add3A_529 : vector<16xi32>
      %gather3A_531 = tpu.vector_load_idx %arg13[%add3A_206, %add3A_530] : memref<256x128xf32, #tpu.memory_space<vmem>>[vector<16xi32>, vector<16xi32>], vector<16xf32>,
      %add3A_532 = arith.constant 31 : i32
      %add3A_533 = vector.broadcast %add3A_532 : i32 to vector<16xi32>
      %add3A_534 = arith.addi %get3A_217, %add3A_533 : vector<16xi32>
      %gather3A_535 = tpu.vector_load_idx %arg14[%add3A_206, %add3A_534] : memref<256x128xf32, #tpu.memory_space<vmem>>[vector<16xi32>, vector<16xi32>], vector<16xf32>,
      %mul3A_536 = arith.mulf %gather3A_531, %gather3A_535 : vector<16xf32>
      %add3A_537 = arith.addf %add3A_527, %mul3A_536 : vector<16xf32>
      %add3A_538 = arith.constant 32 : i32
      %add3A_539 = vector.broadcast %add3A_538 : i32 to vector<16xi32>
      %add3A_540 = arith.addi %get3A_211, %add3A_539 : vector<16xi32>
      %gather3A_541 = tpu.vector_load_idx %arg13[%add3A_206, %add3A_540] : memref<256x128xf32, #tpu.memory_space<vmem>>[vector<16xi32>, vector<16xi32>], vector<16xf32>,
      %add3A_542 = arith.constant 32 : i32
      %add3A_543 = vector.broadcast %add3A_542 : i32 to vector<16xi32>
      %add3A_544 = arith.addi %get3A_217, %add3A_543 : vector<16xi32>
      %gather3A_545 = tpu.vector_load_idx %arg14[%add3A_206, %add3A_544] : memref<256x128xf32, #tpu.memory_space<vmem>>[vector<16xi32>, vector<16xi32>], vector<16xf32>,
      %mul3A_546 = arith.mulf %gather3A_541, %gather3A_545 : vector<16xf32>
      %add3A_547 = arith.addf %add3A_537, %mul3A_546 : vector<16xf32>
      %add3A_548 = arith.constant 33 : i32
      %add3A_549 = vector.broadcast %add3A_548 : i32 to vector<16xi32>
      %add3A_550 = arith.addi %get3A_211, %add3A_549 : vector<16xi32>
      %gather3A_551 = tpu.vector_load_idx %arg13[%add3A_206, %add3A_550] : memref<256x128xf32, #tpu.memory_space<vmem>>[vector<16xi32>, vector<16xi32>], vector<16xf32>,
      %add3A_552 = arith.constant 33 : i32
      %add3A_553 = vector.broadcast %add3A_552 : i32 to vector<16xi32>
      %add3A_554 = arith.addi %get3A_217, %add3A_553 : vector<16xi32>
      %gather3A_555 = tpu.vector_load_idx %arg14[%add3A_206, %add3A_554] : memref<256x128xf32, #tpu.memory_space<vmem>>[vector<16xi32>, vector<16xi32>], vector<16xf32>,
      %mul3A_556 = arith.mulf %gather3A_551, %gather3A_555 : vector<16xf32>
      %add3A_557 = arith.addf %add3A_547, %mul3A_556 : vector<16xf32>
      %add3A_558 = arith.constant 34 : i32
      %add3A_559 = vector.broadcast %add3A_558 : i32 to vector<16xi32>
      %add3A_560 = arith.addi %get3A_211, %add3A_559 : vector<16xi32>
      %gather3A_561 = tpu.vector_load_idx %arg13[%add3A_206, %add3A_560] : memref<256x128xf32, #tpu.memory_space<vmem>>[vector<16xi32>, vector<16xi32>], vector<16xf32>,
      %add3A_562 = arith.constant 34 : i32
      %add3A_563 = vector.broadcast %add3A_562 : i32 to vector<16xi32>
      %add3A_564 = arith.addi %get3A_217, %add3A_563 : vector<16xi32>
      %gather3A_565 = tpu.vector_load_idx %arg14[%add3A_206, %add3A_564] : memref<256x128xf32, #tpu.memory_space<vmem>>[vector<16xi32>, vector<16xi32>], vector<16xf32>,
      %mul3A_566 = arith.mulf %gather3A_561, %gather3A_565 : vector<16xf32>
      %add3A_567 = arith.addf %add3A_557, %mul3A_566 : vector<16xf32>
      %add3A_568 = arith.constant 35 : i32
      %add3A_569 = vector.broadcast %add3A_568 : i32 to vector<16xi32>
      %add3A_570 = arith.addi %get3A_211, %add3A_569 : vector<16xi32>
      %gather3A_571 = tpu.vector_load_idx %arg13[%add3A_206, %add3A_570] : memref<256x128xf32, #tpu.memory_space<vmem>>[vector<16xi32>, vector<16xi32>], vector<16xf32>,
      %add3A_572 = arith.constant 35 : i32
      %add3A_573 = vector.broadcast %add3A_572 : i32 to vector<16xi32>
      %add3A_574 = arith.addi %get3A_217, %add3A_573 : vector<16xi32>
      %gather3A_575 = tpu.vector_load_idx %arg14[%add3A_206, %add3A_574] : memref<256x128xf32, #tpu.memory_space<vmem>>[vector<16xi32>, vector<16xi32>], vector<16xf32>,
      %mul3A_576 = arith.mulf %gather3A_571, %gather3A_575 : vector<16xf32>
      %add3A_577 = arith.addf %add3A_567, %mul3A_576 : vector<16xf32>
      %add3A_578 = arith.constant 36 : i32
      %add3A_579 = vector.broadcast %add3A_578 : i32 to vector<16xi32>
      %add3A_580 = arith.addi %get3A_211, %add3A_579 : vector<16xi32>
      %gather3A_581 = tpu.vector_load_idx %arg13[%add3A_206, %add3A_580] : memref<256x128xf32, #tpu.memory_space<vmem>>[vector<16xi32>, vector<16xi32>], vector<16xf32>,
      %add3A_582 = arith.constant 36 : i32
      %add3A_583 = vector.broadcast %add3A_582 : i32 to vector<16xi32>
      %add3A_584 = arith.addi %get3A_217, %add3A_583 : vector<16xi32>
      %gather3A_585 = tpu.vector_load_idx %arg14[%add3A_206, %add3A_584] : memref<256x128xf32, #tpu.memory_space<vmem>>[vector<16xi32>, vector<16xi32>], vector<16xf32>,
      %mul3A_586 = arith.mulf %gather3A_581, %gather3A_585 : vector<16xf32>
      %add3A_587 = arith.addf %add3A_577, %mul3A_586 : vector<16xf32>
      %add3A_588 = arith.constant 37 : i32
      %add3A_589 = vector.broadcast %add3A_588 : i32 to vector<16xi32>
      %add3A_590 = arith.addi %get3A_211, %add3A_589 : vector<16xi32>
      %gather3A_591 = tpu.vector_load_idx %arg13[%add3A_206, %add3A_590] : memref<256x128xf32, #tpu.memory_space<vmem>>[vector<16xi32>, vector<16xi32>], vector<16xf32>,
      %add3A_592 = arith.constant 37 : i32
      %add3A_593 = vector.broadcast %add3A_592 : i32 to vector<16xi32>
      %add3A_594 = arith.addi %get3A_217, %add3A_593 : vector<16xi32>
      %gather3A_595 = tpu.vector_load_idx %arg14[%add3A_206, %add3A_594] : memref<256x128xf32, #tpu.memory_space<vmem>>[vector<16xi32>, vector<16xi32>], vector<16xf32>,
      %mul3A_596 = arith.mulf %gather3A_591, %gather3A_595 : vector<16xf32>
      %add3A_597 = arith.addf %add3A_587, %mul3A_596 : vector<16xf32>
      %add3A_598 = arith.constant 38 : i32
      %add3A_599 = vector.broadcast %add3A_598 : i32 to vector<16xi32>
      %add3A_600 = arith.addi %get3A_211, %add3A_599 : vector<16xi32>
      %gather3A_601 = tpu.vector_load_idx %arg13[%add3A_206, %add3A_600] : memref<256x128xf32, #tpu.memory_space<vmem>>[vector<16xi32>, vector<16xi32>], vector<16xf32>,
      %add3A_602 = arith.constant 38 : i32
      %add3A_603 = vector.broadcast %add3A_602 : i32 to vector<16xi32>
      %add3A_604 = arith.addi %get3A_217, %add3A_603 : vector<16xi32>
      %gather3A_605 = tpu.vector_load_idx %arg14[%add3A_206, %add3A_604] : memref<256x128xf32, #tpu.memory_space<vmem>>[vector<16xi32>, vector<16xi32>], vector<16xf32>,
      %mul3A_606 = arith.mulf %gather3A_601, %gather3A_605 : vector<16xf32>
      %add3A_607 = arith.addf %add3A_597, %mul3A_606 : vector<16xf32>
      %add3A_608 = arith.constant 39 : i32
      %add3A_609 = vector.broadcast %add3A_608 : i32 to vector<16xi32>
      %add3A_610 = arith.addi %get3A_211, %add3A_609 : vector<16xi32>
      %gather3A_611 = tpu.vector_load_idx %arg13[%add3A_206, %add3A_610] : memref<256x128xf32, #tpu.memory_space<vmem>>[vector<16xi32>, vector<16xi32>], vector<16xf32>,
      %add3A_612 = arith.constant 39 : i32
      %add3A_613 = vector.broadcast %add3A_612 : i32 to vector<16xi32>
      %add3A_614 = arith.addi %get3A_217, %add3A_613 : vector<16xi32>
      %gather3A_615 = tpu.vector_load_idx %arg14[%add3A_206, %add3A_614] : memref<256x128xf32, #tpu.memory_space<vmem>>[vector<16xi32>, vector<16xi32>], vector<16xf32>,
      %mul3A_616 = arith.mulf %gather3A_611, %gather3A_615 : vector<16xf32>
      %add3A_617 = arith.addf %add3A_607, %mul3A_616 : vector<16xf32>
      %add3A_618 = arith.constant 40 : i32
      %add3A_619 = vector.broadcast %add3A_618 : i32 to vector<16xi32>
      %add3A_620 = arith.addi %get3A_211, %add3A_619 : vector<16xi32>
      %gather3A_621 = tpu.vector_load_idx %arg13[%add3A_206, %add3A_620] : memref<256x128xf32, #tpu.memory_space<vmem>>[vector<16xi32>, vector<16xi32>], vector<16xf32>,
      %add3A_622 = arith.constant 40 : i32
      %add3A_623 = vector.broadcast %add3A_622 : i32 to vector<16xi32>
      %add3A_624 = arith.addi %get3A_217, %add3A_623 : vector<16xi32>
      %gather3A_625 = tpu.vector_load_idx %arg14[%add3A_206, %add3A_624] : memref<256x128xf32, #tpu.memory_space<vmem>>[vector<16xi32>, vector<16xi32>], vector<16xf32>,
      %mul3A_626 = arith.mulf %gather3A_621, %gather3A_625 : vector<16xf32>
      %add3A_627 = arith.addf %add3A_617, %mul3A_626 : vector<16xf32>
      %add3A_628 = arith.constant 41 : i32
      %add3A_629 = vector.broadcast %add3A_628 : i32 to vector<16xi32>
      %add3A_630 = arith.addi %get3A_211, %add3A_629 : vector<16xi32>
      %gather3A_631 = tpu.vector_load_idx %arg13[%add3A_206, %add3A_630] : memref<256x128xf32, #tpu.memory_space<vmem>>[vector<16xi32>, vector<16xi32>], vector<16xf32>,
      %add3A_632 = arith.constant 41 : i32
      %add3A_633 = vector.broadcast %add3A_632 : i32 to vector<16xi32>
      %add3A_634 = arith.addi %get3A_217, %add3A_633 : vector<16xi32>
      %gather3A_635 = tpu.vector_load_idx %arg14[%add3A_206, %add3A_634] : memref<256x128xf32, #tpu.memory_space<vmem>>[vector<16xi32>, vector<16xi32>], vector<16xf32>,
      %mul3A_636 = arith.mulf %gather3A_631, %gather3A_635 : vector<16xf32>
      %add3A_637 = arith.addf %add3A_627, %mul3A_636 : vector<16xf32>
      %add3A_638 = arith.constant 42 : i32
      %add3A_639 = vector.broadcast %add3A_638 : i32 to vector<16xi32>
      %add3A_640 = arith.addi %get3A_211, %add3A_639 : vector<16xi32>
      %gather3A_641 = tpu.vector_load_idx %arg13[%add3A_206, %add3A_640] : memref<256x128xf32, #tpu.memory_space<vmem>>[vector<16xi32>, vector<16xi32>], vector<16xf32>,
      %add3A_642 = arith.constant 42 : i32
      %add3A_643 = vector.broadcast %add3A_642 : i32 to vector<16xi32>
      %add3A_644 = arith.addi %get3A_217, %add3A_643 : vector<16xi32>
      %gather3A_645 = tpu.vector_load_idx %arg14[%add3A_206, %add3A_644] : memref<256x128xf32, #tpu.memory_space<vmem>>[vector<16xi32>, vector<16xi32>], vector<16xf32>,
      %mul3A_646 = arith.mulf %gather3A_641, %gather3A_645 : vector<16xf32>
      %add3A_647 = arith.addf %add3A_637, %mul3A_646 : vector<16xf32>
      %add3A_648 = arith.constant 43 : i32
      %add3A_649 = vector.broadcast %add3A_648 : i32 to vector<16xi32>
      %add3A_650 = arith.addi %get3A_211, %add3A_649 : vector<16xi32>
      %gather3A_651 = tpu.vector_load_idx %arg13[%add3A_206, %add3A_650] : memref<256x128xf32, #tpu.memory_space<vmem>>[vector<16xi32>, vector<16xi32>], vector<16xf32>,
      %add3A_652 = arith.constant 43 : i32
      %add3A_653 = vector.broadcast %add3A_652 : i32 to vector<16xi32>
      %add3A_654 = arith.addi %get3A_217, %add3A_653 : vector<16xi32>
      %gather3A_655 = tpu.vector_load_idx %arg14[%add3A_206, %add3A_654] : memref<256x128xf32, #tpu.memory_space<vmem>>[vector<16xi32>, vector<16xi32>], vector<16xf32>,
      %mul3A_656 = arith.mulf %gather3A_651, %gather3A_655 : vector<16xf32>
      %add3A_657 = arith.addf %add3A_647, %mul3A_656 : vector<16xf32>
      %add3A_658 = arith.constant 44 : i32
      %add3A_659 = vector.broadcast %add3A_658 : i32 to vector<16xi32>
      %add3A_660 = arith.addi %get3A_211, %add3A_659 : vector<16xi32>
      %gather3A_661 = tpu.vector_load_idx %arg13[%add3A_206, %add3A_660] : memref<256x128xf32, #tpu.memory_space<vmem>>[vector<16xi32>, vector<16xi32>], vector<16xf32>,
      %add3A_662 = arith.constant 44 : i32
      %add3A_663 = vector.broadcast %add3A_662 : i32 to vector<16xi32>
      %add3A_664 = arith.addi %get3A_217, %add3A_663 : vector<16xi32>
      %gather3A_665 = tpu.vector_load_idx %arg14[%add3A_206, %add3A_664] : memref<256x128xf32, #tpu.memory_space<vmem>>[vector<16xi32>, vector<16xi32>], vector<16xf32>,
      %mul3A_666 = arith.mulf %gather3A_661, %gather3A_665 : vector<16xf32>
      %add3A_667 = arith.addf %add3A_657, %mul3A_666 : vector<16xf32>
      %add3A_668 = arith.constant 45 : i32
      %add3A_669 = vector.broadcast %add3A_668 : i32 to vector<16xi32>
      %add3A_670 = arith.addi %get3A_211, %add3A_669 : vector<16xi32>
      %gather3A_671 = tpu.vector_load_idx %arg13[%add3A_206, %add3A_670] : memref<256x128xf32, #tpu.memory_space<vmem>>[vector<16xi32>, vector<16xi32>], vector<16xf32>,
      %add3A_672 = arith.constant 45 : i32
      %add3A_673 = vector.broadcast %add3A_672 : i32 to vector<16xi32>
      %add3A_674 = arith.addi %get3A_217, %add3A_673 : vector<16xi32>
      %gather3A_675 = tpu.vector_load_idx %arg14[%add3A_206, %add3A_674] : memref<256x128xf32, #tpu.memory_space<vmem>>[vector<16xi32>, vector<16xi32>], vector<16xf32>,
      %mul3A_676 = arith.mulf %gather3A_671, %gather3A_675 : vector<16xf32>
      %add3A_677 = arith.addf %add3A_667, %mul3A_676 : vector<16xf32>
      %add3A_678 = arith.constant 46 : i32
      %add3A_679 = vector.broadcast %add3A_678 : i32 to vector<16xi32>
      %add3A_680 = arith.addi %get3A_211, %add3A_679 : vector<16xi32>
      %gather3A_681 = tpu.vector_load_idx %arg13[%add3A_206, %add3A_680] : memref<256x128xf32, #tpu.memory_space<vmem>>[vector<16xi32>, vector<16xi32>], vector<16xf32>,
      %add3A_682 = arith.constant 46 : i32
      %add3A_683 = vector.broadcast %add3A_682 : i32 to vector<16xi32>
      %add3A_684 = arith.addi %get3A_217, %add3A_683 : vector<16xi32>
      %gather3A_685 = tpu.vector_load_idx %arg14[%add3A_206, %add3A_684] : memref<256x128xf32, #tpu.memory_space<vmem>>[vector<16xi32>, vector<16xi32>], vector<16xf32>,
      %mul3A_686 = arith.mulf %gather3A_681, %gather3A_685 : vector<16xf32>
      %add3A_687 = arith.addf %add3A_677, %mul3A_686 : vector<16xf32>
      %add3A_688 = arith.constant 47 : i32
      %add3A_689 = vector.broadcast %add3A_688 : i32 to vector<16xi32>
      %add3A_690 = arith.addi %get3A_211, %add3A_689 : vector<16xi32>
      %gather3A_691 = tpu.vector_load_idx %arg13[%add3A_206, %add3A_690] : memref<256x128xf32, #tpu.memory_space<vmem>>[vector<16xi32>, vector<16xi32>], vector<16xf32>,
      %add3A_692 = arith.constant 47 : i32
      %add3A_693 = vector.broadcast %add3A_692 : i32 to vector<16xi32>
      %add3A_694 = arith.addi %get3A_217, %add3A_693 : vector<16xi32>
      %gather3A_695 = tpu.vector_load_idx %arg14[%add3A_206, %add3A_694] : memref<256x128xf32, #tpu.memory_space<vmem>>[vector<16xi32>, vector<16xi32>], vector<16xf32>,
      %mul3A_696 = arith.mulf %gather3A_691, %gather3A_695 : vector<16xf32>
      %add3A_697 = arith.addf %add3A_687, %mul3A_696 : vector<16xf32>
      %add3A_698 = arith.constant 48 : i32
      %add3A_699 = vector.broadcast %add3A_698 : i32 to vector<16xi32>
      %add3A_700 = arith.addi %get3A_211, %add3A_699 : vector<16xi32>
      %gather3A_701 = tpu.vector_load_idx %arg13[%add3A_206, %add3A_700] : memref<256x128xf32, #tpu.memory_space<vmem>>[vector<16xi32>, vector<16xi32>], vector<16xf32>,
      %add3A_702 = arith.constant 48 : i32
      %add3A_703 = vector.broadcast %add3A_702 : i32 to vector<16xi32>
      %add3A_704 = arith.addi %get3A_217, %add3A_703 : vector<16xi32>
      %gather3A_705 = tpu.vector_load_idx %arg14[%add3A_206, %add3A_704] : memref<256x128xf32, #tpu.memory_space<vmem>>[vector<16xi32>, vector<16xi32>], vector<16xf32>,
      %mul3A_706 = arith.mulf %gather3A_701, %gather3A_705 : vector<16xf32>
      %add3A_707 = arith.addf %add3A_697, %mul3A_706 : vector<16xf32>
      %add3A_708 = arith.constant 49 : i32
      %add3A_709 = vector.broadcast %add3A_708 : i32 to vector<16xi32>
      %add3A_710 = arith.addi %get3A_211, %add3A_709 : vector<16xi32>
      %gather3A_711 = tpu.vector_load_idx %arg13[%add3A_206, %add3A_710] : memref<256x128xf32, #tpu.memory_space<vmem>>[vector<16xi32>, vector<16xi32>], vector<16xf32>,
      %add3A_712 = arith.constant 49 : i32
      %add3A_713 = vector.broadcast %add3A_712 : i32 to vector<16xi32>
      %add3A_714 = arith.addi %get3A_217, %add3A_713 : vector<16xi32>
      %gather3A_715 = tpu.vector_load_idx %arg14[%add3A_206, %add3A_714] : memref<256x128xf32, #tpu.memory_space<vmem>>[vector<16xi32>, vector<16xi32>], vector<16xf32>,
      %mul3A_716 = arith.mulf %gather3A_711, %gather3A_715 : vector<16xf32>
      %add3A_717 = arith.addf %add3A_707, %mul3A_716 : vector<16xf32>
      %add3A_718 = arith.constant 50 : i32
      %add3A_719 = vector.broadcast %add3A_718 : i32 to vector<16xi32>
      %add3A_720 = arith.addi %get3A_211, %add3A_719 : vector<16xi32>
      %gather3A_721 = tpu.vector_load_idx %arg13[%add3A_206, %add3A_720] : memref<256x128xf32, #tpu.memory_space<vmem>>[vector<16xi32>, vector<16xi32>], vector<16xf32>,
      %add3A_722 = arith.constant 50 : i32
      %add3A_723 = vector.broadcast %add3A_722 : i32 to vector<16xi32>
      %add3A_724 = arith.addi %get3A_217, %add3A_723 : vector<16xi32>
      %gather3A_725 = tpu.vector_load_idx %arg14[%add3A_206, %add3A_724] : memref<256x128xf32, #tpu.memory_space<vmem>>[vector<16xi32>, vector<16xi32>], vector<16xf32>,
      %mul3A_726 = arith.mulf %gather3A_721, %gather3A_725 : vector<16xf32>
      %add3A_727 = arith.addf %add3A_717, %mul3A_726 : vector<16xf32>
      %add3A_728 = arith.constant 51 : i32
      %add3A_729 = vector.broadcast %add3A_728 : i32 to vector<16xi32>
      %add3A_730 = arith.addi %get3A_211, %add3A_729 : vector<16xi32>
      %gather3A_731 = tpu.vector_load_idx %arg13[%add3A_206, %add3A_730] : memref<256x128xf32, #tpu.memory_space<vmem>>[vector<16xi32>, vector<16xi32>], vector<16xf32>,
      %add3A_732 = arith.constant 51 : i32
      %add3A_733 = vector.broadcast %add3A_732 : i32 to vector<16xi32>
      %add3A_734 = arith.addi %get3A_217, %add3A_733 : vector<16xi32>
      %gather3A_735 = tpu.vector_load_idx %arg14[%add3A_206, %add3A_734] : memref<256x128xf32, #tpu.memory_space<vmem>>[vector<16xi32>, vector<16xi32>], vector<16xf32>,
      %mul3A_736 = arith.mulf %gather3A_731, %gather3A_735 : vector<16xf32>
      %add3A_737 = arith.addf %add3A_727, %mul3A_736 : vector<16xf32>
      %add3A_738 = arith.constant 52 : i32
      %add3A_739 = vector.broadcast %add3A_738 : i32 to vector<16xi32>
      %add3A_740 = arith.addi %get3A_211, %add3A_739 : vector<16xi32>
      %gather3A_741 = tpu.vector_load_idx %arg13[%add3A_206, %add3A_740] : memref<256x128xf32, #tpu.memory_space<vmem>>[vector<16xi32>, vector<16xi32>], vector<16xf32>,
      %add3A_742 = arith.constant 52 : i32
      %add3A_743 = vector.broadcast %add3A_742 : i32 to vector<16xi32>
      %add3A_744 = arith.addi %get3A_217, %add3A_743 : vector<16xi32>
      %gather3A_745 = tpu.vector_load_idx %arg14[%add3A_206, %add3A_744] : memref<256x128xf32, #tpu.memory_space<vmem>>[vector<16xi32>, vector<16xi32>], vector<16xf32>,
      %mul3A_746 = arith.mulf %gather3A_741, %gather3A_745 : vector<16xf32>
      %add3A_747 = arith.addf %add3A_737, %mul3A_746 : vector<16xf32>
      %add3A_748 = arith.constant 53 : i32
      %add3A_749 = vector.broadcast %add3A_748 : i32 to vector<16xi32>
      %add3A_750 = arith.addi %get3A_211, %add3A_749 : vector<16xi32>
      %gather3A_751 = tpu.vector_load_idx %arg13[%add3A_206, %add3A_750] : memref<256x128xf32, #tpu.memory_space<vmem>>[vector<16xi32>, vector<16xi32>], vector<16xf32>,
      %add3A_752 = arith.constant 53 : i32
      %add3A_753 = vector.broadcast %add3A_752 : i32 to vector<16xi32>
      %add3A_754 = arith.addi %get3A_217, %add3A_753 : vector<16xi32>
      %gather3A_755 = tpu.vector_load_idx %arg14[%add3A_206, %add3A_754] : memref<256x128xf32, #tpu.memory_space<vmem>>[vector<16xi32>, vector<16xi32>], vector<16xf32>,
      %mul3A_756 = arith.mulf %gather3A_751, %gather3A_755 : vector<16xf32>
      %add3A_757 = arith.addf %add3A_747, %mul3A_756 : vector<16xf32>
      %add3A_758 = arith.constant 54 : i32
      %add3A_759 = vector.broadcast %add3A_758 : i32 to vector<16xi32>
      %add3A_760 = arith.addi %get3A_211, %add3A_759 : vector<16xi32>
      %gather3A_761 = tpu.vector_load_idx %arg13[%add3A_206, %add3A_760] : memref<256x128xf32, #tpu.memory_space<vmem>>[vector<16xi32>, vector<16xi32>], vector<16xf32>,
      %add3A_762 = arith.constant 54 : i32
      %add3A_763 = vector.broadcast %add3A_762 : i32 to vector<16xi32>
      %add3A_764 = arith.addi %get3A_217, %add3A_763 : vector<16xi32>
      %gather3A_765 = tpu.vector_load_idx %arg14[%add3A_206, %add3A_764] : memref<256x128xf32, #tpu.memory_space<vmem>>[vector<16xi32>, vector<16xi32>], vector<16xf32>,
      %mul3A_766 = arith.mulf %gather3A_761, %gather3A_765 : vector<16xf32>
      %add3A_767 = arith.addf %add3A_757, %mul3A_766 : vector<16xf32>
      %add3A_768 = arith.constant 55 : i32
      %add3A_769 = vector.broadcast %add3A_768 : i32 to vector<16xi32>
      %add3A_770 = arith.addi %get3A_211, %add3A_769 : vector<16xi32>
      %gather3A_771 = tpu.vector_load_idx %arg13[%add3A_206, %add3A_770] : memref<256x128xf32, #tpu.memory_space<vmem>>[vector<16xi32>, vector<16xi32>], vector<16xf32>,
      %add3A_772 = arith.constant 55 : i32
      %add3A_773 = vector.broadcast %add3A_772 : i32 to vector<16xi32>
      %add3A_774 = arith.addi %get3A_217, %add3A_773 : vector<16xi32>
      %gather3A_775 = tpu.vector_load_idx %arg14[%add3A_206, %add3A_774] : memref<256x128xf32, #tpu.memory_space<vmem>>[vector<16xi32>, vector<16xi32>], vector<16xf32>,
      %mul3A_776 = arith.mulf %gather3A_771, %gather3A_775 : vector<16xf32>
      %add3A_777 = arith.addf %add3A_767, %mul3A_776 : vector<16xf32>
      %add3A_778 = arith.constant 56 : i32
      %add3A_779 = vector.broadcast %add3A_778 : i32 to vector<16xi32>
      %add3A_780 = arith.addi %get3A_211, %add3A_779 : vector<16xi32>
      %gather3A_781 = tpu.vector_load_idx %arg13[%add3A_206, %add3A_780] : memref<256x128xf32, #tpu.memory_space<vmem>>[vector<16xi32>, vector<16xi32>], vector<16xf32>,
      %add3A_782 = arith.constant 56 : i32
      %add3A_783 = vector.broadcast %add3A_782 : i32 to vector<16xi32>
      %add3A_784 = arith.addi %get3A_217, %add3A_783 : vector<16xi32>
      %gather3A_785 = tpu.vector_load_idx %arg14[%add3A_206, %add3A_784] : memref<256x128xf32, #tpu.memory_space<vmem>>[vector<16xi32>, vector<16xi32>], vector<16xf32>,
      %mul3A_786 = arith.mulf %gather3A_781, %gather3A_785 : vector<16xf32>
      %add3A_787 = arith.addf %add3A_777, %mul3A_786 : vector<16xf32>
      %add3A_788 = arith.constant 57 : i32
      %add3A_789 = vector.broadcast %add3A_788 : i32 to vector<16xi32>
      %add3A_790 = arith.addi %get3A_211, %add3A_789 : vector<16xi32>
      %gather3A_791 = tpu.vector_load_idx %arg13[%add3A_206, %add3A_790] : memref<256x128xf32, #tpu.memory_space<vmem>>[vector<16xi32>, vector<16xi32>], vector<16xf32>,
      %add3A_792 = arith.constant 57 : i32
      %add3A_793 = vector.broadcast %add3A_792 : i32 to vector<16xi32>
      %add3A_794 = arith.addi %get3A_217, %add3A_793 : vector<16xi32>
      %gather3A_795 = tpu.vector_load_idx %arg14[%add3A_206, %add3A_794] : memref<256x128xf32, #tpu.memory_space<vmem>>[vector<16xi32>, vector<16xi32>], vector<16xf32>,
      %mul3A_796 = arith.mulf %gather3A_791, %gather3A_795 : vector<16xf32>
      %add3A_797 = arith.addf %add3A_787, %mul3A_796 : vector<16xf32>
      %add3A_798 = arith.constant 58 : i32
      %add3A_799 = vector.broadcast %add3A_798 : i32 to vector<16xi32>
      %add3A_800 = arith.addi %get3A_211, %add3A_799 : vector<16xi32>
      %gather3A_801 = tpu.vector_load_idx %arg13[%add3A_206, %add3A_800] : memref<256x128xf32, #tpu.memory_space<vmem>>[vector<16xi32>, vector<16xi32>], vector<16xf32>,
      %add3A_802 = arith.constant 58 : i32
      %add3A_803 = vector.broadcast %add3A_802 : i32 to vector<16xi32>
      %add3A_804 = arith.addi %get3A_217, %add3A_803 : vector<16xi32>
      %gather3A_805 = tpu.vector_load_idx %arg14[%add3A_206, %add3A_804] : memref<256x128xf32, #tpu.memory_space<vmem>>[vector<16xi32>, vector<16xi32>], vector<16xf32>,
      %mul3A_806 = arith.mulf %gather3A_801, %gather3A_805 : vector<16xf32>
      %add3A_807 = arith.addf %add3A_797, %mul3A_806 : vector<16xf32>
      %add3A_808 = arith.constant 59 : i32
      %add3A_809 = vector.broadcast %add3A_808 : i32 to vector<16xi32>
      %add3A_810 = arith.addi %get3A_211, %add3A_809 : vector<16xi32>
      %gather3A_811 = tpu.vector_load_idx %arg13[%add3A_206, %add3A_810] : memref<256x128xf32, #tpu.memory_space<vmem>>[vector<16xi32>, vector<16xi32>], vector<16xf32>,
      %add3A_812 = arith.constant 59 : i32
      %add3A_813 = vector.broadcast %add3A_812 : i32 to vector<16xi32>
      %add3A_814 = arith.addi %get3A_217, %add3A_813 : vector<16xi32>
      %gather3A_815 = tpu.vector_load_idx %arg14[%add3A_206, %add3A_814] : memref<256x128xf32, #tpu.memory_space<vmem>>[vector<16xi32>, vector<16xi32>], vector<16xf32>,
      %mul3A_816 = arith.mulf %gather3A_811, %gather3A_815 : vector<16xf32>
      %add3A_817 = arith.addf %add3A_807, %mul3A_816 : vector<16xf32>
      %add3A_818 = arith.constant 60 : i32
      %add3A_819 = vector.broadcast %add3A_818 : i32 to vector<16xi32>
      %add3A_820 = arith.addi %get3A_211, %add3A_819 : vector<16xi32>
      %gather3A_821 = tpu.vector_load_idx %arg13[%add3A_206, %add3A_820] : memref<256x128xf32, #tpu.memory_space<vmem>>[vector<16xi32>, vector<16xi32>], vector<16xf32>,
      %add3A_822 = arith.constant 60 : i32
      %add3A_823 = vector.broadcast %add3A_822 : i32 to vector<16xi32>
      %add3A_824 = arith.addi %get3A_217, %add3A_823 : vector<16xi32>
      %gather3A_825 = tpu.vector_load_idx %arg14[%add3A_206, %add3A_824] : memref<256x128xf32, #tpu.memory_space<vmem>>[vector<16xi32>, vector<16xi32>], vector<16xf32>,
      %mul3A_826 = arith.mulf %gather3A_821, %gather3A_825 : vector<16xf32>
      %add3A_827 = arith.addf %add3A_817, %mul3A_826 : vector<16xf32>
      %add3A_828 = arith.constant 61 : i32
      %add3A_829 = vector.broadcast %add3A_828 : i32 to vector<16xi32>
      %add3A_830 = arith.addi %get3A_211, %add3A_829 : vector<16xi32>
      %gather3A_831 = tpu.vector_load_idx %arg13[%add3A_206, %add3A_830] : memref<256x128xf32, #tpu.memory_space<vmem>>[vector<16xi32>, vector<16xi32>], vector<16xf32>,
      %add3A_832 = arith.constant 61 : i32
      %add3A_833 = vector.broadcast %add3A_832 : i32 to vector<16xi32>
      %add3A_834 = arith.addi %get3A_217, %add3A_833 : vector<16xi32>
      %gather3A_835 = tpu.vector_load_idx %arg14[%add3A_206, %add3A_834] : memref<256x128xf32, #tpu.memory_space<vmem>>[vector<16xi32>, vector<16xi32>], vector<16xf32>,
      %mul3A_836 = arith.mulf %gather3A_831, %gather3A_835 : vector<16xf32>
      %add3A_837 = arith.addf %add3A_827, %mul3A_836 : vector<16xf32>
      %add3A_838 = arith.constant 62 : i32
      %add3A_839 = vector.broadcast %add3A_838 : i32 to vector<16xi32>
      %add3A_840 = arith.addi %get3A_211, %add3A_839 : vector<16xi32>
      %gather3A_841 = tpu.vector_load_idx %arg13[%add3A_206, %add3A_840] : memref<256x128xf32, #tpu.memory_space<vmem>>[vector<16xi32>, vector<16xi32>], vector<16xf32>,
      %add3A_842 = arith.constant 62 : i32
      %add3A_843 = vector.broadcast %add3A_842 : i32 to vector<16xi32>
      %add3A_844 = arith.addi %get3A_217, %add3A_843 : vector<16xi32>
      %gather3A_845 = tpu.vector_load_idx %arg14[%add3A_206, %add3A_844] : memref<256x128xf32, #tpu.memory_space<vmem>>[vector<16xi32>, vector<16xi32>], vector<16xf32>,
      %mul3A_846 = arith.mulf %gather3A_841, %gather3A_845 : vector<16xf32>
      %add3A_847 = arith.addf %add3A_837, %mul3A_846 : vector<16xf32>
      %add3A_848 = arith.constant 63 : i32
      %add3A_849 = vector.broadcast %add3A_848 : i32 to vector<16xi32>
      %add3A_850 = arith.addi %get3A_211, %add3A_849 : vector<16xi32>
      %gather3A_851 = tpu.vector_load_idx %arg13[%add3A_206, %add3A_850] : memref<256x128xf32, #tpu.memory_space<vmem>>[vector<16xi32>, vector<16xi32>], vector<16xf32>,
      %add3A_852 = arith.constant 63 : i32
      %add3A_853 = vector.broadcast %add3A_852 : i32 to vector<16xi32>
      %add3A_854 = arith.addi %get3A_217, %add3A_853 : vector<16xi32>
      %gather3A_855 = tpu.vector_load_idx %arg14[%add3A_206, %add3A_854] : memref<256x128xf32, #tpu.memory_space<vmem>>[vector<16xi32>, vector<16xi32>], vector<16xf32>,
      %mul3A_856 = arith.mulf %gather3A_851, %gather3A_855 : vector<16xf32>
      %add3A_857 = arith.addf %add3A_847, %mul3A_856 : vector<16xf32>
      %mul3A_858 = arith.constant 16 : i32
      %mul3A_859 = arith.muli %scan3A_201, %mul3A_858 : i32
      %add3A_860 = arith.constant 0 : i32
      %add3A_861 = arith.addi %add3A_860, %mul3A_859 : i32
      %swap3A = arith.index_cast %add3A_861 : i32 to index
      %swap3A_862 = tpu.vector_load %arg15[%swap3A] {strides = array<i32>} : memref<512xf32, #tpu.memory_space<vmem>>, vector<16xf32>,
      tpu.vector_store %arg15[%swap3A], %add3A_857 {strides = array<i32>} : memref<512xf32, #tpu.memory_space<vmem>>, vector<16xf32>,
      %scan3A_863 = arith.constant 0 : i32
      scf.yield %scan3A_863 : i32
    }
    %scan3A_99 = arith.constant 16 : i32
    %add3A_100 = arith.constant 256 : i32
    %add3A_101 = arith.addi %mul3A_2, %add3A_100 : i32
    %add3A_102 = arith.constant 0 : i32
    %add3A_103 = arith.addi %add3A_101, %add3A_102 : i32
    %run_scoped3A_104 = arith.constant 0 : i32
    "tpu.region"() ({
      %run_scoped3A_201 = tpu.sem_alloc : memref<!tpu.dma_semaphore, #tpu.memory_space<semaphore_mem>>
      %dma_start3A_202 = arith.constant 0 : i32
      %dma_start3A_203 = tpu.memref_slice %arg9[%run_scoped3A_104, %dma_start3A_202] : memref<2x128xi32, #tpu.memory_space<vmem>> -> memref<1x128xi32, #tpu.memory_space<vmem>>
      %dma_start3A_204 = tpu.memref_squeeze %dma_start3A_203 : memref<1x128xi32, #tpu.memory_space<vmem>> -> memref<128xi32, #tpu.memory_space<vmem>>
      %dma_start3A_205 = tpu.memref_slice %arg2[%add3A_103] : memref<16384xi32, #tpu.memory_space<hbm>> -> memref<128xi32, #tpu.memory_space<hbm>>
      %dma_start3A_206 = arith.constant 0 : i32
      %dma_start3A_207 = tpu.memref_slice %arg9[%run_scoped3A_104, %dma_start3A_206] : memref<2x128xi32, #tpu.memory_space<vmem>> -> memref<1x128xi32, #tpu.memory_space<vmem>>
      %dma_start3A_208 = tpu.memref_squeeze %dma_start3A_207 : memref<1x128xi32, #tpu.memory_space<vmem>> -> memref<128xi32, #tpu.memory_space<vmem>>
      %dma_start3A_209 = tpu.memref_slice %arg2[%add3A_103] : memref<16384xi32, #tpu.memory_space<hbm>> -> memref<128xi32, #tpu.memory_space<hbm>>
      tpu.enqueue_dma source(%dma_start3A_209 : memref<128xi32, #tpu.memory_space<hbm>>) target(%dma_start3A_208 : memref<128xi32, #tpu.memory_space<vmem>>) target_semaphore(%run_scoped3A_201 : memref<!tpu.dma_semaphore, #tpu.memory_space<semaphore_mem>>)
      %dma_wait3A_210 = arith.constant 0 : i32
      %dma_wait3A_211 = tpu.memref_slice %arg9[%run_scoped3A_104, %dma_wait3A_210] : memref<2x128xi32, #tpu.memory_space<vmem>> -> memref<1x128xi32, #tpu.memory_space<vmem>>
      %dma_wait3A_212 = tpu.memref_squeeze %dma_wait3A_211 : memref<1x128xi32, #tpu.memory_space<vmem>> -> memref<128xi32, #tpu.memory_space<vmem>>
      %dma_wait3A_213 = tpu.memref_slice %arg2[%add3A_103] : memref<16384xi32, #tpu.memory_space<hbm>> -> memref<128xi32, #tpu.memory_space<hbm>>
      %dma_wait3A_214 = arith.constant 0 : i32
      %dma_wait3A_215 = tpu.memref_slice %arg9[%run_scoped3A_104, %dma_wait3A_214] : memref<2x128xi32, #tpu.memory_space<vmem>> -> memref<1x128xi32, #tpu.memory_space<vmem>>
      %dma_wait3A_216 = tpu.memref_squeeze %dma_wait3A_215 : memref<1x128xi32, #tpu.memory_space<vmem>> -> memref<128xi32, #tpu.memory_space<vmem>>
      %dma_wait3A_217 = tpu.memref_slice %arg2[%add3A_103] : memref<16384xi32, #tpu.memory_space<hbm>> -> memref<128xi32, #tpu.memory_space<hbm>>
      tpu.wait_dma2 semaphore(%run_scoped3A_201 : memref<!tpu.dma_semaphore, #tpu.memory_space<semaphore_mem>>) src(%dma_wait3A_217 : memref<128xi32, #tpu.memory_space<hbm>>) dst(%dma_wait3A_216 : memref<128xi32, #tpu.memory_space<vmem>>)
      tpu.yield
    }) : () -> ()
    %add3A_105 = arith.constant 0 : i32
    %add3A_106 = arith.addi %add3A_101, %add3A_105 : i32
    %run_scoped3A_107 = arith.constant 0 : i32
    "tpu.region"() ({
      %run_scoped3A_201 = tpu.sem_alloc : memref<!tpu.dma_semaphore, #tpu.memory_space<semaphore_mem>>
      %dma_start3A_202 = arith.constant 0 : i32
      %dma_start3A_203 = tpu.memref_slice %arg10[%run_scoped3A_107, %dma_start3A_202] : memref<2x128xi32, #tpu.memory_space<vmem>> -> memref<1x128xi32, #tpu.memory_space<vmem>>
      %dma_start3A_204 = tpu.memref_squeeze %dma_start3A_203 : memref<1x128xi32, #tpu.memory_space<vmem>> -> memref<128xi32, #tpu.memory_space<vmem>>
      %dma_start3A_205 = tpu.memref_slice %arg3[%add3A_106] : memref<16384xi32, #tpu.memory_space<hbm>> -> memref<128xi32, #tpu.memory_space<hbm>>
      %dma_start3A_206 = arith.constant 0 : i32
      %dma_start3A_207 = tpu.memref_slice %arg10[%run_scoped3A_107, %dma_start3A_206] : memref<2x128xi32, #tpu.memory_space<vmem>> -> memref<1x128xi32, #tpu.memory_space<vmem>>
      %dma_start3A_208 = tpu.memref_squeeze %dma_start3A_207 : memref<1x128xi32, #tpu.memory_space<vmem>> -> memref<128xi32, #tpu.memory_space<vmem>>
      %dma_start3A_209 = tpu.memref_slice %arg3[%add3A_106] : memref<16384xi32, #tpu.memory_space<hbm>> -> memref<128xi32, #tpu.memory_space<hbm>>
      tpu.enqueue_dma source(%dma_start3A_209 : memref<128xi32, #tpu.memory_space<hbm>>) target(%dma_start3A_208 : memref<128xi32, #tpu.memory_space<vmem>>) target_semaphore(%run_scoped3A_201 : memref<!tpu.dma_semaphore, #tpu.memory_space<semaphore_mem>>)
      %dma_wait3A_210 = arith.constant 0 : i32
      %dma_wait3A_211 = tpu.memref_slice %arg10[%run_scoped3A_107, %dma_wait3A_210] : memref<2x128xi32, #tpu.memory_space<vmem>> -> memref<1x128xi32, #tpu.memory_space<vmem>>
      %dma_wait3A_212 = tpu.memref_squeeze %dma_wait3A_211 : memref<1x128xi32, #tpu.memory_space<vmem>> -> memref<128xi32, #tpu.memory_space<vmem>>
      %dma_wait3A_213 = tpu.memref_slice %arg3[%add3A_106] : memref<16384xi32, #tpu.memory_space<hbm>> -> memref<128xi32, #tpu.memory_space<hbm>>
      %dma_wait3A_214 = arith.constant 0 : i32
      %dma_wait3A_215 = tpu.memref_slice %arg10[%run_scoped3A_107, %dma_wait3A_214] : memref<2x128xi32, #tpu.memory_space<vmem>> -> memref<1x128xi32, #tpu.memory_space<vmem>>
      %dma_wait3A_216 = tpu.memref_squeeze %dma_wait3A_215 : memref<1x128xi32, #tpu.memory_space<vmem>> -> memref<128xi32, #tpu.memory_space<vmem>>
      %dma_wait3A_217 = tpu.memref_slice %arg3[%add3A_106] : memref<16384xi32, #tpu.memory_space<hbm>> -> memref<128xi32, #tpu.memory_space<hbm>>
      tpu.wait_dma2 semaphore(%run_scoped3A_201 : memref<!tpu.dma_semaphore, #tpu.memory_space<semaphore_mem>>) src(%dma_wait3A_217 : memref<128xi32, #tpu.memory_space<hbm>>) dst(%dma_wait3A_216 : memref<128xi32, #tpu.memory_space<vmem>>)
      tpu.yield
    }) : () -> ()
    %add3A_108 = arith.constant 128 : i32
    %add3A_109 = arith.addi %add3A_101, %add3A_108 : i32
    %run_scoped3A_110 = arith.constant 1 : i32
    "tpu.region"() ({
      %run_scoped3A_201 = tpu.sem_alloc : memref<!tpu.dma_semaphore, #tpu.memory_space<semaphore_mem>>
      %dma_start3A_202 = arith.constant 0 : i32
      %dma_start3A_203 = tpu.memref_slice %arg9[%run_scoped3A_110, %dma_start3A_202] : memref<2x128xi32, #tpu.memory_space<vmem>> -> memref<1x128xi32, #tpu.memory_space<vmem>>
      %dma_start3A_204 = tpu.memref_squeeze %dma_start3A_203 : memref<1x128xi32, #tpu.memory_space<vmem>> -> memref<128xi32, #tpu.memory_space<vmem>>
      %dma_start3A_205 = tpu.memref_slice %arg2[%add3A_109] : memref<16384xi32, #tpu.memory_space<hbm>> -> memref<128xi32, #tpu.memory_space<hbm>>
      %dma_start3A_206 = arith.constant 0 : i32
      %dma_start3A_207 = tpu.memref_slice %arg9[%run_scoped3A_110, %dma_start3A_206] : memref<2x128xi32, #tpu.memory_space<vmem>> -> memref<1x128xi32, #tpu.memory_space<vmem>>
      %dma_start3A_208 = tpu.memref_squeeze %dma_start3A_207 : memref<1x128xi32, #tpu.memory_space<vmem>> -> memref<128xi32, #tpu.memory_space<vmem>>
      %dma_start3A_209 = tpu.memref_slice %arg2[%add3A_109] : memref<16384xi32, #tpu.memory_space<hbm>> -> memref<128xi32, #tpu.memory_space<hbm>>
      tpu.enqueue_dma source(%dma_start3A_209 : memref<128xi32, #tpu.memory_space<hbm>>) target(%dma_start3A_208 : memref<128xi32, #tpu.memory_space<vmem>>) target_semaphore(%run_scoped3A_201 : memref<!tpu.dma_semaphore, #tpu.memory_space<semaphore_mem>>)
      %dma_wait3A_210 = arith.constant 0 : i32
      %dma_wait3A_211 = tpu.memref_slice %arg9[%run_scoped3A_110, %dma_wait3A_210] : memref<2x128xi32, #tpu.memory_space<vmem>> -> memref<1x128xi32, #tpu.memory_space<vmem>>
      %dma_wait3A_212 = tpu.memref_squeeze %dma_wait3A_211 : memref<1x128xi32, #tpu.memory_space<vmem>> -> memref<128xi32, #tpu.memory_space<vmem>>
      %dma_wait3A_213 = tpu.memref_slice %arg2[%add3A_109] : memref<16384xi32, #tpu.memory_space<hbm>> -> memref<128xi32, #tpu.memory_space<hbm>>
      %dma_wait3A_214 = arith.constant 0 : i32
      %dma_wait3A_215 = tpu.memref_slice %arg9[%run_scoped3A_110, %dma_wait3A_214] : memref<2x128xi32, #tpu.memory_space<vmem>> -> memref<1x128xi32, #tpu.memory_space<vmem>>
      %dma_wait3A_216 = tpu.memref_squeeze %dma_wait3A_215 : memref<1x128xi32, #tpu.memory_space<vmem>> -> memref<128xi32, #tpu.memory_space<vmem>>
      %dma_wait3A_217 = tpu.memref_slice %arg2[%add3A_109] : memref<16384xi32, #tpu.memory_space<hbm>> -> memref<128xi32, #tpu.memory_space<hbm>>
      tpu.wait_dma2 semaphore(%run_scoped3A_201 : memref<!tpu.dma_semaphore, #tpu.memory_space<semaphore_mem>>) src(%dma_wait3A_217 : memref<128xi32, #tpu.memory_space<hbm>>) dst(%dma_wait3A_216 : memref<128xi32, #tpu.memory_space<vmem>>)
      tpu.yield
    }) : () -> ()
    %add3A_111 = arith.constant 128 : i32
    %add3A_112 = arith.addi %add3A_101, %add3A_111 : i32
    %run_scoped3A_113 = arith.constant 1 : i32
    "tpu.region"() ({
      %run_scoped3A_201 = tpu.sem_alloc : memref<!tpu.dma_semaphore, #tpu.memory_space<semaphore_mem>>
      %dma_start3A_202 = arith.constant 0 : i32
      %dma_start3A_203 = tpu.memref_slice %arg10[%run_scoped3A_113, %dma_start3A_202] : memref<2x128xi32, #tpu.memory_space<vmem>> -> memref<1x128xi32, #tpu.memory_space<vmem>>
      %dma_start3A_204 = tpu.memref_squeeze %dma_start3A_203 : memref<1x128xi32, #tpu.memory_space<vmem>> -> memref<128xi32, #tpu.memory_space<vmem>>
      %dma_start3A_205 = tpu.memref_slice %arg3[%add3A_112] : memref<16384xi32, #tpu.memory_space<hbm>> -> memref<128xi32, #tpu.memory_space<hbm>>
      %dma_start3A_206 = arith.constant 0 : i32
      %dma_start3A_207 = tpu.memref_slice %arg10[%run_scoped3A_113, %dma_start3A_206] : memref<2x128xi32, #tpu.memory_space<vmem>> -> memref<1x128xi32, #tpu.memory_space<vmem>>
      %dma_start3A_208 = tpu.memref_squeeze %dma_start3A_207 : memref<1x128xi32, #tpu.memory_space<vmem>> -> memref<128xi32, #tpu.memory_space<vmem>>
      %dma_start3A_209 = tpu.memref_slice %arg3[%add3A_112] : memref<16384xi32, #tpu.memory_space<hbm>> -> memref<128xi32, #tpu.memory_space<hbm>>
      tpu.enqueue_dma source(%dma_start3A_209 : memref<128xi32, #tpu.memory_space<hbm>>) target(%dma_start3A_208 : memref<128xi32, #tpu.memory_space<vmem>>) target_semaphore(%run_scoped3A_201 : memref<!tpu.dma_semaphore, #tpu.memory_space<semaphore_mem>>)
      %dma_wait3A_210 = arith.constant 0 : i32
      %dma_wait3A_211 = tpu.memref_slice %arg10[%run_scoped3A_113, %dma_wait3A_210] : memref<2x128xi32, #tpu.memory_space<vmem>> -> memref<1x128xi32, #tpu.memory_space<vmem>>
      %dma_wait3A_212 = tpu.memref_squeeze %dma_wait3A_211 : memref<1x128xi32, #tpu.memory_space<vmem>> -> memref<128xi32, #tpu.memory_space<vmem>>
      %dma_wait3A_213 = tpu.memref_slice %arg3[%add3A_112] : memref<16384xi32, #tpu.memory_space<hbm>> -> memref<128xi32, #tpu.memory_space<hbm>>
      %dma_wait3A_214 = arith.constant 0 : i32
      %dma_wait3A_215 = tpu.memref_slice %arg10[%run_scoped3A_113, %dma_wait3A_214] : memref<2x128xi32, #tpu.memory_space<vmem>> -> memref<1x128xi32, #tpu.memory_space<vmem>>
      %dma_wait3A_216 = tpu.memref_squeeze %dma_wait3A_215 : memref<1x128xi32, #tpu.memory_space<vmem>> -> memref<128xi32, #tpu.memory_space<vmem>>
      %dma_wait3A_217 = tpu.memref_slice %arg3[%add3A_112] : memref<16384xi32, #tpu.memory_space<hbm>> -> memref<128xi32, #tpu.memory_space<hbm>>
      tpu.wait_dma2 semaphore(%run_scoped3A_201 : memref<!tpu.dma_semaphore, #tpu.memory_space<semaphore_mem>>) src(%dma_wait3A_217 : memref<128xi32, #tpu.memory_space<hbm>>) dst(%dma_wait3A_216 : memref<128xi32, #tpu.memory_space<vmem>>)
      tpu.yield
    }) : () -> ()
    %dma_start3A_114 = arith.constant 0 : i32
    %dma_start3A_115 = arith.constant 0 : i32
    %dma_start3A_116 = arith.constant 0 : i32
    %dma_start3A_117 = tpu.memref_slice %arg13[%dma_start3A_115, %dma_start3A_116] : memref<256x128xf32, #tpu.memory_space<vmem>> -> memref<128x128xf32, #tpu.memory_space<vmem>>
    %dma_start3A_118 = arith.constant 0 : i32
    %dma_start3A_119 = tpu.memref_slice %arg9[%dma_start3A_114, %dma_start3A_118] : memref<2x128xi32, #tpu.memory_space<vmem>> -> memref<1x128xi32, #tpu.memory_space<vmem>>
    %dma_start3A_120 = tpu.memref_squeeze %dma_start3A_119 : memref<1x128xi32, #tpu.memory_space<vmem>> -> memref<128xi32, #tpu.memory_space<vmem>>
    %dma_start3A_121 = arith.constant 0 : i32
    %dma_start3A_122 = arith.constant 0 : i32
    %dma_start3A_123 = tpu.memref_slice %arg6[%dma_start3A_121, %dma_start3A_122] : memref<1000000x128xf32, #tpu.memory_space<hbm>> -> memref<1000000x128xf32, #tpu.memory_space<hbm>>
    tpu.enqueue_indirect_dma source(%dma_start3A_123 : memref<1000000x128xf32, #tpu.memory_space<hbm>>) target(%dma_start3A_117 : memref<128x128xf32, #tpu.memory_space<vmem>>) offsets(%dma_start3A_120 : memref<128xi32, #tpu.memory_space<vmem>>) semaphore(%arg16 : memref<!tpu.dma_semaphore, #tpu.memory_space<semaphore_mem>>)
    %dma_start3A_124 = arith.constant 0 : i32
    %dma_start3A_125 = arith.constant 0 : i32
    %dma_start3A_126 = arith.constant 0 : i32
    %dma_start3A_127 = tpu.memref_slice %arg14[%dma_start3A_125, %dma_start3A_126] : memref<256x128xf32, #tpu.memory_space<vmem>> -> memref<128x128xf32, #tpu.memory_space<vmem>>
    %dma_start3A_128 = arith.constant 0 : i32
    %dma_start3A_129 = tpu.memref_slice %arg10[%dma_start3A_124, %dma_start3A_128] : memref<2x128xi32, #tpu.memory_space<vmem>> -> memref<1x128xi32, #tpu.memory_space<vmem>>
    %dma_start3A_130 = tpu.memref_squeeze %dma_start3A_129 : memref<1x128xi32, #tpu.memory_space<vmem>> -> memref<128xi32, #tpu.memory_space<vmem>>
    %dma_start3A_131 = arith.constant 0 : i32
    %dma_start3A_132 = arith.constant 0 : i32
    %dma_start3A_133 = tpu.memref_slice %arg7[%dma_start3A_131, %dma_start3A_132] : memref<100000x128xf32, #tpu.memory_space<hbm>> -> memref<100000x128xf32, #tpu.memory_space<hbm>>
    tpu.enqueue_indirect_dma source(%dma_start3A_133 : memref<100000x128xf32, #tpu.memory_space<hbm>>) target(%dma_start3A_127 : memref<128x128xf32, #tpu.memory_space<vmem>>) offsets(%dma_start3A_130 : memref<128xi32, #tpu.memory_space<vmem>>) semaphore(%arg16 : memref<!tpu.dma_semaphore, #tpu.memory_space<semaphore_mem>>)
    %dma_start3A_134 = arith.constant 1 : i32
    %dma_start3A_135 = arith.constant 128 : i32
    %dma_start3A_136 = arith.constant 0 : i32
    %dma_start3A_137 = tpu.memref_slice %arg13[%dma_start3A_135, %dma_start3A_136] : memref<256x128xf32, #tpu.memory_space<vmem>> -> memref<128x128xf32, #tpu.memory_space<vmem>>
    %dma_start3A_138 = arith.constant 0 : i32
    %dma_start3A_139 = tpu.memref_slice %arg9[%dma_start3A_134, %dma_start3A_138] : memref<2x128xi32, #tpu.memory_space<vmem>> -> memref<1x128xi32, #tpu.memory_space<vmem>>
    %dma_start3A_140 = tpu.memref_squeeze %dma_start3A_139 : memref<1x128xi32, #tpu.memory_space<vmem>> -> memref<128xi32, #tpu.memory_space<vmem>>
    %dma_start3A_141 = arith.constant 0 : i32
    %dma_start3A_142 = arith.constant 0 : i32
    %dma_start3A_143 = tpu.memref_slice %arg6[%dma_start3A_141, %dma_start3A_142] : memref<1000000x128xf32, #tpu.memory_space<hbm>> -> memref<1000000x128xf32, #tpu.memory_space<hbm>>
    tpu.enqueue_indirect_dma source(%dma_start3A_143 : memref<1000000x128xf32, #tpu.memory_space<hbm>>) target(%dma_start3A_137 : memref<128x128xf32, #tpu.memory_space<vmem>>) offsets(%dma_start3A_140 : memref<128xi32, #tpu.memory_space<vmem>>) semaphore(%arg16 : memref<!tpu.dma_semaphore, #tpu.memory_space<semaphore_mem>>)
    %dma_start3A_144 = arith.constant 1 : i32
    %dma_start3A_145 = arith.constant 128 : i32
    %dma_start3A_146 = arith.constant 0 : i32
    %dma_start3A_147 = tpu.memref_slice %arg14[%dma_start3A_145, %dma_start3A_146] : memref<256x128xf32, #tpu.memory_space<vmem>> -> memref<128x128xf32, #tpu.memory_space<vmem>>
    %dma_start3A_148 = arith.constant 0 : i32
    %dma_start3A_149 = tpu.memref_slice %arg10[%dma_start3A_144, %dma_start3A_148] : memref<2x128xi32, #tpu.memory_space<vmem>> -> memref<1x128xi32, #tpu.memory_space<vmem>>
    %dma_start3A_150 = tpu.memref_squeeze %dma_start3A_149 : memref<1x128xi32, #tpu.memory_space<vmem>> -> memref<128xi32, #tpu.memory_space<vmem>>
    %dma_start3A_151 = arith.constant 0 : i32
    %dma_start3A_152 = arith.constant 0 : i32
    %dma_start3A_153 = tpu.memref_slice %arg7[%dma_start3A_151, %dma_start3A_152] : memref<100000x128xf32, #tpu.memory_space<hbm>> -> memref<100000x128xf32, #tpu.memory_space<hbm>>
    tpu.enqueue_indirect_dma source(%dma_start3A_153 : memref<100000x128xf32, #tpu.memory_space<hbm>>) target(%dma_start3A_147 : memref<128x128xf32, #tpu.memory_space<vmem>>) offsets(%dma_start3A_150 : memref<128xi32, #tpu.memory_space<vmem>>) semaphore(%arg16 : memref<!tpu.dma_semaphore, #tpu.memory_space<semaphore_mem>>)
    %dma_wait3A_154 = arith.constant 0 : i32
    %dma_wait3A_155 = arith.constant 0 : i32
    %dma_wait3A_156 = arith.constant 0 : i32
    %dma_wait3A_157 = tpu.memref_slice %arg13[%dma_wait3A_155, %dma_wait3A_156] : memref<256x128xf32, #tpu.memory_space<vmem>> -> memref<128x128xf32, #tpu.memory_space<vmem>>
    %dma_wait3A_158 = arith.constant 0 : i32
    %dma_wait3A_159 = tpu.memref_slice %arg9[%dma_wait3A_154, %dma_wait3A_158] : memref<2x128xi32, #tpu.memory_space<vmem>> -> memref<1x128xi32, #tpu.memory_space<vmem>>
    %dma_wait3A_160 = tpu.memref_squeeze %dma_wait3A_159 : memref<1x128xi32, #tpu.memory_space<vmem>> -> memref<128xi32, #tpu.memory_space<vmem>>
    %dma_wait3A_161 = arith.constant 0 : i32
    %dma_wait3A_162 = arith.constant 0 : i32
    %dma_wait3A_163 = tpu.memref_slice %arg6[%dma_wait3A_161, %dma_wait3A_162] : memref<1000000x128xf32, #tpu.memory_space<hbm>> -> memref<1000000x128xf32, #tpu.memory_space<hbm>>
    tpu.wait_indirect_dma semaphore(%arg16 : memref<!tpu.dma_semaphore, #tpu.memory_space<semaphore_mem>>) src(%dma_wait3A_163 : memref<1000000x128xf32, #tpu.memory_space<hbm>>) dst(%dma_wait3A_157 : memref<128x128xf32, #tpu.memory_space<vmem>>)
    %dma_wait3A_164 = arith.constant 0 : i32
    %dma_wait3A_165 = arith.constant 0 : i32
    %dma_wait3A_166 = arith.constant 0 : i32
    %dma_wait3A_167 = tpu.memref_slice %arg14[%dma_wait3A_165, %dma_wait3A_166] : memref<256x128xf32, #tpu.memory_space<vmem>> -> memref<128x128xf32, #tpu.memory_space<vmem>>
    %dma_wait3A_168 = arith.constant 0 : i32
    %dma_wait3A_169 = tpu.memref_slice %arg10[%dma_wait3A_164, %dma_wait3A_168] : memref<2x128xi32, #tpu.memory_space<vmem>> -> memref<1x128xi32, #tpu.memory_space<vmem>>
    %dma_wait3A_170 = tpu.memref_squeeze %dma_wait3A_169 : memref<1x128xi32, #tpu.memory_space<vmem>> -> memref<128xi32, #tpu.memory_space<vmem>>
    %dma_wait3A_171 = arith.constant 0 : i32
    %dma_wait3A_172 = arith.constant 0 : i32
    %dma_wait3A_173 = tpu.memref_slice %arg7[%dma_wait3A_171, %dma_wait3A_172] : memref<100000x128xf32, #tpu.memory_space<hbm>> -> memref<100000x128xf32, #tpu.memory_space<hbm>>
    tpu.wait_indirect_dma semaphore(%arg16 : memref<!tpu.dma_semaphore, #tpu.memory_space<semaphore_mem>>) src(%dma_wait3A_173 : memref<100000x128xf32, #tpu.memory_space<hbm>>) dst(%dma_wait3A_167 : memref<128x128xf32, #tpu.memory_space<vmem>>)
    %dma_wait3A_174 = arith.constant 1 : i32
    %dma_wait3A_175 = arith.constant 128 : i32
    %dma_wait3A_176 = arith.constant 0 : i32
    %dma_wait3A_177 = tpu.memref_slice %arg13[%dma_wait3A_175, %dma_wait3A_176] : memref<256x128xf32, #tpu.memory_space<vmem>> -> memref<128x128xf32, #tpu.memory_space<vmem>>
    %dma_wait3A_178 = arith.constant 0 : i32
    %dma_wait3A_179 = tpu.memref_slice %arg9[%dma_wait3A_174, %dma_wait3A_178] : memref<2x128xi32, #tpu.memory_space<vmem>> -> memref<1x128xi32, #tpu.memory_space<vmem>>
    %dma_wait3A_180 = tpu.memref_squeeze %dma_wait3A_179 : memref<1x128xi32, #tpu.memory_space<vmem>> -> memref<128xi32, #tpu.memory_space<vmem>>
    %dma_wait3A_181 = arith.constant 0 : i32
    %dma_wait3A_182 = arith.constant 0 : i32
    %dma_wait3A_183 = tpu.memref_slice %arg6[%dma_wait3A_181, %dma_wait3A_182] : memref<1000000x128xf32, #tpu.memory_space<hbm>> -> memref<1000000x128xf32, #tpu.memory_space<hbm>>
    tpu.wait_indirect_dma semaphore(%arg16 : memref<!tpu.dma_semaphore, #tpu.memory_space<semaphore_mem>>) src(%dma_wait3A_183 : memref<1000000x128xf32, #tpu.memory_space<hbm>>) dst(%dma_wait3A_177 : memref<128x128xf32, #tpu.memory_space<vmem>>)
    %dma_wait3A_184 = arith.constant 1 : i32
    %dma_wait3A_185 = arith.constant 128 : i32
    %dma_wait3A_186 = arith.constant 0 : i32
    %dma_wait3A_187 = tpu.memref_slice %arg14[%dma_wait3A_185, %dma_wait3A_186] : memref<256x128xf32, #tpu.memory_space<vmem>> -> memref<128x128xf32, #tpu.memory_space<vmem>>
    %dma_wait3A_188 = arith.constant 0 : i32
    %dma_wait3A_189 = tpu.memref_slice %arg10[%dma_wait3A_184, %dma_wait3A_188] : memref<2x128xi32, #tpu.memory_space<vmem>> -> memref<1x128xi32, #tpu.memory_space<vmem>>
    %dma_wait3A_190 = tpu.memref_squeeze %dma_wait3A_189 : memref<1x128xi32, #tpu.memory_space<vmem>> -> memref<128xi32, #tpu.memory_space<vmem>>
    %dma_wait3A_191 = arith.constant 0 : i32
    %dma_wait3A_192 = arith.constant 0 : i32
    %dma_wait3A_193 = tpu.memref_slice %arg7[%dma_wait3A_191, %dma_wait3A_192] : memref<100000x128xf32, #tpu.memory_space<hbm>> -> memref<100000x128xf32, #tpu.memory_space<hbm>>
    tpu.wait_indirect_dma semaphore(%arg16 : memref<!tpu.dma_semaphore, #tpu.memory_space<semaphore_mem>>) src(%dma_wait3A_193 : memref<100000x128xf32, #tpu.memory_space<hbm>>) dst(%dma_wait3A_187 : memref<128x128xf32, #tpu.memory_space<vmem>>)
    %scan3A_194 = arith.constant 0 : i32
    %scan3A_195 = arith.constant 0 : i32
    %scan3A_196 = arith.constant 16 : i32
    %scan3A_197 = arith.addi %scan3A_195, %scan3A_196 : i32
    %scan3A_198 = arith.constant 1 : i32
    %scan3A_199 = scf.for %scan3A_201 = %scan3A_195 to %scan3A_197 step %scan3A_198 iter_args(%scan3A_202 = %scan3A_194) -> (i32)  : i32 {
      %mul3A_203 = arith.constant 16 : i32
      %mul3A_204 = arith.muli %scan3A_201, %mul3A_203 : i32
      %add3A_205 = vector.broadcast %mul3A_204 : i32 to vector<16xi32>
      %add3A_206 = arith.addi %add3A_205, %iota3A : vector<16xi32>
      %mul3A_207 = arith.constant 16 : i32
      %mul3A_208 = arith.muli %scan3A_201, %mul3A_207 : i32
      %add3A_209 = arith.constant 256 : i32
      %add3A_210 = arith.addi %add3A_209, %mul3A_208 : i32
      %get3A = arith.index_cast %add3A_210 : i32 to index
      %get3A_211 = tpu.vector_load %arg11[%get3A] {strides = array<i32>} : memref<512xi32, #tpu.memory_space<vmem>>, vector<16xi32>,
      %mul3A_212 = arith.constant 16 : i32
      %mul3A_213 = arith.muli %scan3A_201, %mul3A_212 : i32
      %add3A_214 = arith.constant 256 : i32
      %add3A_215 = arith.addi %add3A_214, %mul3A_213 : i32
      %get3A_216 = arith.index_cast %add3A_215 : i32 to index
      %get3A_217 = tpu.vector_load %arg12[%get3A_216] {strides = array<i32>} : memref<512xi32, #tpu.memory_space<vmem>>, vector<16xi32>,
      %broadcast_in_dim3A = arith.constant 0.000000e+00 : f32
      %broadcast_in_dim3A_218 = vector.broadcast %broadcast_in_dim3A : f32 to vector<16xf32>
      %add3A_219 = arith.constant 0 : i32
      %add3A_220 = vector.broadcast %add3A_219 : i32 to vector<16xi32>
      %add3A_221 = arith.addi %get3A_211, %add3A_220 : vector<16xi32>
      %gather3A = tpu.vector_load_idx %arg13[%add3A_206, %add3A_221] : memref<256x128xf32, #tpu.memory_space<vmem>>[vector<16xi32>, vector<16xi32>], vector<16xf32>,
      %add3A_222 = arith.constant 0 : i32
      %add3A_223 = vector.broadcast %add3A_222 : i32 to vector<16xi32>
      %add3A_224 = arith.addi %get3A_217, %add3A_223 : vector<16xi32>
      %gather3A_225 = tpu.vector_load_idx %arg14[%add3A_206, %add3A_224] : memref<256x128xf32, #tpu.memory_space<vmem>>[vector<16xi32>, vector<16xi32>], vector<16xf32>,
      %mul3A_226 = arith.mulf %gather3A, %gather3A_225 : vector<16xf32>
      %add3A_227 = arith.addf %broadcast_in_dim3A_218, %mul3A_226 : vector<16xf32>
      %add3A_228 = arith.constant 1 : i32
      %add3A_229 = vector.broadcast %add3A_228 : i32 to vector<16xi32>
      %add3A_230 = arith.addi %get3A_211, %add3A_229 : vector<16xi32>
      %gather3A_231 = tpu.vector_load_idx %arg13[%add3A_206, %add3A_230] : memref<256x128xf32, #tpu.memory_space<vmem>>[vector<16xi32>, vector<16xi32>], vector<16xf32>,
      %add3A_232 = arith.constant 1 : i32
      %add3A_233 = vector.broadcast %add3A_232 : i32 to vector<16xi32>
      %add3A_234 = arith.addi %get3A_217, %add3A_233 : vector<16xi32>
      %gather3A_235 = tpu.vector_load_idx %arg14[%add3A_206, %add3A_234] : memref<256x128xf32, #tpu.memory_space<vmem>>[vector<16xi32>, vector<16xi32>], vector<16xf32>,
      %mul3A_236 = arith.mulf %gather3A_231, %gather3A_235 : vector<16xf32>
      %add3A_237 = arith.addf %add3A_227, %mul3A_236 : vector<16xf32>
      %add3A_238 = arith.constant 2 : i32
      %add3A_239 = vector.broadcast %add3A_238 : i32 to vector<16xi32>
      %add3A_240 = arith.addi %get3A_211, %add3A_239 : vector<16xi32>
      %gather3A_241 = tpu.vector_load_idx %arg13[%add3A_206, %add3A_240] : memref<256x128xf32, #tpu.memory_space<vmem>>[vector<16xi32>, vector<16xi32>], vector<16xf32>,
      %add3A_242 = arith.constant 2 : i32
      %add3A_243 = vector.broadcast %add3A_242 : i32 to vector<16xi32>
      %add3A_244 = arith.addi %get3A_217, %add3A_243 : vector<16xi32>
      %gather3A_245 = tpu.vector_load_idx %arg14[%add3A_206, %add3A_244] : memref<256x128xf32, #tpu.memory_space<vmem>>[vector<16xi32>, vector<16xi32>], vector<16xf32>,
      %mul3A_246 = arith.mulf %gather3A_241, %gather3A_245 : vector<16xf32>
      %add3A_247 = arith.addf %add3A_237, %mul3A_246 : vector<16xf32>
      %add3A_248 = arith.constant 3 : i32
      %add3A_249 = vector.broadcast %add3A_248 : i32 to vector<16xi32>
      %add3A_250 = arith.addi %get3A_211, %add3A_249 : vector<16xi32>
      %gather3A_251 = tpu.vector_load_idx %arg13[%add3A_206, %add3A_250] : memref<256x128xf32, #tpu.memory_space<vmem>>[vector<16xi32>, vector<16xi32>], vector<16xf32>,
      %add3A_252 = arith.constant 3 : i32
      %add3A_253 = vector.broadcast %add3A_252 : i32 to vector<16xi32>
      %add3A_254 = arith.addi %get3A_217, %add3A_253 : vector<16xi32>
      %gather3A_255 = tpu.vector_load_idx %arg14[%add3A_206, %add3A_254] : memref<256x128xf32, #tpu.memory_space<vmem>>[vector<16xi32>, vector<16xi32>], vector<16xf32>,
      %mul3A_256 = arith.mulf %gather3A_251, %gather3A_255 : vector<16xf32>
      %add3A_257 = arith.addf %add3A_247, %mul3A_256 : vector<16xf32>
      %add3A_258 = arith.constant 4 : i32
      %add3A_259 = vector.broadcast %add3A_258 : i32 to vector<16xi32>
      %add3A_260 = arith.addi %get3A_211, %add3A_259 : vector<16xi32>
      %gather3A_261 = tpu.vector_load_idx %arg13[%add3A_206, %add3A_260] : memref<256x128xf32, #tpu.memory_space<vmem>>[vector<16xi32>, vector<16xi32>], vector<16xf32>,
      %add3A_262 = arith.constant 4 : i32
      %add3A_263 = vector.broadcast %add3A_262 : i32 to vector<16xi32>
      %add3A_264 = arith.addi %get3A_217, %add3A_263 : vector<16xi32>
      %gather3A_265 = tpu.vector_load_idx %arg14[%add3A_206, %add3A_264] : memref<256x128xf32, #tpu.memory_space<vmem>>[vector<16xi32>, vector<16xi32>], vector<16xf32>,
      %mul3A_266 = arith.mulf %gather3A_261, %gather3A_265 : vector<16xf32>
      %add3A_267 = arith.addf %add3A_257, %mul3A_266 : vector<16xf32>
      %add3A_268 = arith.constant 5 : i32
      %add3A_269 = vector.broadcast %add3A_268 : i32 to vector<16xi32>
      %add3A_270 = arith.addi %get3A_211, %add3A_269 : vector<16xi32>
      %gather3A_271 = tpu.vector_load_idx %arg13[%add3A_206, %add3A_270] : memref<256x128xf32, #tpu.memory_space<vmem>>[vector<16xi32>, vector<16xi32>], vector<16xf32>,
      %add3A_272 = arith.constant 5 : i32
      %add3A_273 = vector.broadcast %add3A_272 : i32 to vector<16xi32>
      %add3A_274 = arith.addi %get3A_217, %add3A_273 : vector<16xi32>
      %gather3A_275 = tpu.vector_load_idx %arg14[%add3A_206, %add3A_274] : memref<256x128xf32, #tpu.memory_space<vmem>>[vector<16xi32>, vector<16xi32>], vector<16xf32>,
      %mul3A_276 = arith.mulf %gather3A_271, %gather3A_275 : vector<16xf32>
      %add3A_277 = arith.addf %add3A_267, %mul3A_276 : vector<16xf32>
      %add3A_278 = arith.constant 6 : i32
      %add3A_279 = vector.broadcast %add3A_278 : i32 to vector<16xi32>
      %add3A_280 = arith.addi %get3A_211, %add3A_279 : vector<16xi32>
      %gather3A_281 = tpu.vector_load_idx %arg13[%add3A_206, %add3A_280] : memref<256x128xf32, #tpu.memory_space<vmem>>[vector<16xi32>, vector<16xi32>], vector<16xf32>,
      %add3A_282 = arith.constant 6 : i32
      %add3A_283 = vector.broadcast %add3A_282 : i32 to vector<16xi32>
      %add3A_284 = arith.addi %get3A_217, %add3A_283 : vector<16xi32>
      %gather3A_285 = tpu.vector_load_idx %arg14[%add3A_206, %add3A_284] : memref<256x128xf32, #tpu.memory_space<vmem>>[vector<16xi32>, vector<16xi32>], vector<16xf32>,
      %mul3A_286 = arith.mulf %gather3A_281, %gather3A_285 : vector<16xf32>
      %add3A_287 = arith.addf %add3A_277, %mul3A_286 : vector<16xf32>
      %add3A_288 = arith.constant 7 : i32
      %add3A_289 = vector.broadcast %add3A_288 : i32 to vector<16xi32>
      %add3A_290 = arith.addi %get3A_211, %add3A_289 : vector<16xi32>
      %gather3A_291 = tpu.vector_load_idx %arg13[%add3A_206, %add3A_290] : memref<256x128xf32, #tpu.memory_space<vmem>>[vector<16xi32>, vector<16xi32>], vector<16xf32>,
      %add3A_292 = arith.constant 7 : i32
      %add3A_293 = vector.broadcast %add3A_292 : i32 to vector<16xi32>
      %add3A_294 = arith.addi %get3A_217, %add3A_293 : vector<16xi32>
      %gather3A_295 = tpu.vector_load_idx %arg14[%add3A_206, %add3A_294] : memref<256x128xf32, #tpu.memory_space<vmem>>[vector<16xi32>, vector<16xi32>], vector<16xf32>,
      %mul3A_296 = arith.mulf %gather3A_291, %gather3A_295 : vector<16xf32>
      %add3A_297 = arith.addf %add3A_287, %mul3A_296 : vector<16xf32>
      %add3A_298 = arith.constant 8 : i32
      %add3A_299 = vector.broadcast %add3A_298 : i32 to vector<16xi32>
      %add3A_300 = arith.addi %get3A_211, %add3A_299 : vector<16xi32>
      %gather3A_301 = tpu.vector_load_idx %arg13[%add3A_206, %add3A_300] : memref<256x128xf32, #tpu.memory_space<vmem>>[vector<16xi32>, vector<16xi32>], vector<16xf32>,
      %add3A_302 = arith.constant 8 : i32
      %add3A_303 = vector.broadcast %add3A_302 : i32 to vector<16xi32>
      %add3A_304 = arith.addi %get3A_217, %add3A_303 : vector<16xi32>
      %gather3A_305 = tpu.vector_load_idx %arg14[%add3A_206, %add3A_304] : memref<256x128xf32, #tpu.memory_space<vmem>>[vector<16xi32>, vector<16xi32>], vector<16xf32>,
      %mul3A_306 = arith.mulf %gather3A_301, %gather3A_305 : vector<16xf32>
      %add3A_307 = arith.addf %add3A_297, %mul3A_306 : vector<16xf32>
      %add3A_308 = arith.constant 9 : i32
      %add3A_309 = vector.broadcast %add3A_308 : i32 to vector<16xi32>
      %add3A_310 = arith.addi %get3A_211, %add3A_309 : vector<16xi32>
      %gather3A_311 = tpu.vector_load_idx %arg13[%add3A_206, %add3A_310] : memref<256x128xf32, #tpu.memory_space<vmem>>[vector<16xi32>, vector<16xi32>], vector<16xf32>,
      %add3A_312 = arith.constant 9 : i32
      %add3A_313 = vector.broadcast %add3A_312 : i32 to vector<16xi32>
      %add3A_314 = arith.addi %get3A_217, %add3A_313 : vector<16xi32>
      %gather3A_315 = tpu.vector_load_idx %arg14[%add3A_206, %add3A_314] : memref<256x128xf32, #tpu.memory_space<vmem>>[vector<16xi32>, vector<16xi32>], vector<16xf32>,
      %mul3A_316 = arith.mulf %gather3A_311, %gather3A_315 : vector<16xf32>
      %add3A_317 = arith.addf %add3A_307, %mul3A_316 : vector<16xf32>
      %add3A_318 = arith.constant 10 : i32
      %add3A_319 = vector.broadcast %add3A_318 : i32 to vector<16xi32>
      %add3A_320 = arith.addi %get3A_211, %add3A_319 : vector<16xi32>
      %gather3A_321 = tpu.vector_load_idx %arg13[%add3A_206, %add3A_320] : memref<256x128xf32, #tpu.memory_space<vmem>>[vector<16xi32>, vector<16xi32>], vector<16xf32>,
      %add3A_322 = arith.constant 10 : i32
      %add3A_323 = vector.broadcast %add3A_322 : i32 to vector<16xi32>
      %add3A_324 = arith.addi %get3A_217, %add3A_323 : vector<16xi32>
      %gather3A_325 = tpu.vector_load_idx %arg14[%add3A_206, %add3A_324] : memref<256x128xf32, #tpu.memory_space<vmem>>[vector<16xi32>, vector<16xi32>], vector<16xf32>,
      %mul3A_326 = arith.mulf %gather3A_321, %gather3A_325 : vector<16xf32>
      %add3A_327 = arith.addf %add3A_317, %mul3A_326 : vector<16xf32>
      %add3A_328 = arith.constant 11 : i32
      %add3A_329 = vector.broadcast %add3A_328 : i32 to vector<16xi32>
      %add3A_330 = arith.addi %get3A_211, %add3A_329 : vector<16xi32>
      %gather3A_331 = tpu.vector_load_idx %arg13[%add3A_206, %add3A_330] : memref<256x128xf32, #tpu.memory_space<vmem>>[vector<16xi32>, vector<16xi32>], vector<16xf32>,
      %add3A_332 = arith.constant 11 : i32
      %add3A_333 = vector.broadcast %add3A_332 : i32 to vector<16xi32>
      %add3A_334 = arith.addi %get3A_217, %add3A_333 : vector<16xi32>
      %gather3A_335 = tpu.vector_load_idx %arg14[%add3A_206, %add3A_334] : memref<256x128xf32, #tpu.memory_space<vmem>>[vector<16xi32>, vector<16xi32>], vector<16xf32>,
      %mul3A_336 = arith.mulf %gather3A_331, %gather3A_335 : vector<16xf32>
      %add3A_337 = arith.addf %add3A_327, %mul3A_336 : vector<16xf32>
      %add3A_338 = arith.constant 12 : i32
      %add3A_339 = vector.broadcast %add3A_338 : i32 to vector<16xi32>
      %add3A_340 = arith.addi %get3A_211, %add3A_339 : vector<16xi32>
      %gather3A_341 = tpu.vector_load_idx %arg13[%add3A_206, %add3A_340] : memref<256x128xf32, #tpu.memory_space<vmem>>[vector<16xi32>, vector<16xi32>], vector<16xf32>,
      %add3A_342 = arith.constant 12 : i32
      %add3A_343 = vector.broadcast %add3A_342 : i32 to vector<16xi32>
      %add3A_344 = arith.addi %get3A_217, %add3A_343 : vector<16xi32>
      %gather3A_345 = tpu.vector_load_idx %arg14[%add3A_206, %add3A_344] : memref<256x128xf32, #tpu.memory_space<vmem>>[vector<16xi32>, vector<16xi32>], vector<16xf32>,
      %mul3A_346 = arith.mulf %gather3A_341, %gather3A_345 : vector<16xf32>
      %add3A_347 = arith.addf %add3A_337, %mul3A_346 : vector<16xf32>
      %add3A_348 = arith.constant 13 : i32
      %add3A_349 = vector.broadcast %add3A_348 : i32 to vector<16xi32>
      %add3A_350 = arith.addi %get3A_211, %add3A_349 : vector<16xi32>
      %gather3A_351 = tpu.vector_load_idx %arg13[%add3A_206, %add3A_350] : memref<256x128xf32, #tpu.memory_space<vmem>>[vector<16xi32>, vector<16xi32>], vector<16xf32>,
      %add3A_352 = arith.constant 13 : i32
      %add3A_353 = vector.broadcast %add3A_352 : i32 to vector<16xi32>
      %add3A_354 = arith.addi %get3A_217, %add3A_353 : vector<16xi32>
      %gather3A_355 = tpu.vector_load_idx %arg14[%add3A_206, %add3A_354] : memref<256x128xf32, #tpu.memory_space<vmem>>[vector<16xi32>, vector<16xi32>], vector<16xf32>,
      %mul3A_356 = arith.mulf %gather3A_351, %gather3A_355 : vector<16xf32>
      %add3A_357 = arith.addf %add3A_347, %mul3A_356 : vector<16xf32>
      %add3A_358 = arith.constant 14 : i32
      %add3A_359 = vector.broadcast %add3A_358 : i32 to vector<16xi32>
      %add3A_360 = arith.addi %get3A_211, %add3A_359 : vector<16xi32>
      %gather3A_361 = tpu.vector_load_idx %arg13[%add3A_206, %add3A_360] : memref<256x128xf32, #tpu.memory_space<vmem>>[vector<16xi32>, vector<16xi32>], vector<16xf32>,
      %add3A_362 = arith.constant 14 : i32
      %add3A_363 = vector.broadcast %add3A_362 : i32 to vector<16xi32>
      %add3A_364 = arith.addi %get3A_217, %add3A_363 : vector<16xi32>
      %gather3A_365 = tpu.vector_load_idx %arg14[%add3A_206, %add3A_364] : memref<256x128xf32, #tpu.memory_space<vmem>>[vector<16xi32>, vector<16xi32>], vector<16xf32>,
      %mul3A_366 = arith.mulf %gather3A_361, %gather3A_365 : vector<16xf32>
      %add3A_367 = arith.addf %add3A_357, %mul3A_366 : vector<16xf32>
      %add3A_368 = arith.constant 15 : i32
      %add3A_369 = vector.broadcast %add3A_368 : i32 to vector<16xi32>
      %add3A_370 = arith.addi %get3A_211, %add3A_369 : vector<16xi32>
      %gather3A_371 = tpu.vector_load_idx %arg13[%add3A_206, %add3A_370] : memref<256x128xf32, #tpu.memory_space<vmem>>[vector<16xi32>, vector<16xi32>], vector<16xf32>,
      %add3A_372 = arith.constant 15 : i32
      %add3A_373 = vector.broadcast %add3A_372 : i32 to vector<16xi32>
      %add3A_374 = arith.addi %get3A_217, %add3A_373 : vector<16xi32>
      %gather3A_375 = tpu.vector_load_idx %arg14[%add3A_206, %add3A_374] : memref<256x128xf32, #tpu.memory_space<vmem>>[vector<16xi32>, vector<16xi32>], vector<16xf32>,
      %mul3A_376 = arith.mulf %gather3A_371, %gather3A_375 : vector<16xf32>
      %add3A_377 = arith.addf %add3A_367, %mul3A_376 : vector<16xf32>
      %add3A_378 = arith.constant 16 : i32
      %add3A_379 = vector.broadcast %add3A_378 : i32 to vector<16xi32>
      %add3A_380 = arith.addi %get3A_211, %add3A_379 : vector<16xi32>
      %gather3A_381 = tpu.vector_load_idx %arg13[%add3A_206, %add3A_380] : memref<256x128xf32, #tpu.memory_space<vmem>>[vector<16xi32>, vector<16xi32>], vector<16xf32>,
      %add3A_382 = arith.constant 16 : i32
      %add3A_383 = vector.broadcast %add3A_382 : i32 to vector<16xi32>
      %add3A_384 = arith.addi %get3A_217, %add3A_383 : vector<16xi32>
      %gather3A_385 = tpu.vector_load_idx %arg14[%add3A_206, %add3A_384] : memref<256x128xf32, #tpu.memory_space<vmem>>[vector<16xi32>, vector<16xi32>], vector<16xf32>,
      %mul3A_386 = arith.mulf %gather3A_381, %gather3A_385 : vector<16xf32>
      %add3A_387 = arith.addf %add3A_377, %mul3A_386 : vector<16xf32>
      %add3A_388 = arith.constant 17 : i32
      %add3A_389 = vector.broadcast %add3A_388 : i32 to vector<16xi32>
      %add3A_390 = arith.addi %get3A_211, %add3A_389 : vector<16xi32>
      %gather3A_391 = tpu.vector_load_idx %arg13[%add3A_206, %add3A_390] : memref<256x128xf32, #tpu.memory_space<vmem>>[vector<16xi32>, vector<16xi32>], vector<16xf32>,
      %add3A_392 = arith.constant 17 : i32
      %add3A_393 = vector.broadcast %add3A_392 : i32 to vector<16xi32>
      %add3A_394 = arith.addi %get3A_217, %add3A_393 : vector<16xi32>
      %gather3A_395 = tpu.vector_load_idx %arg14[%add3A_206, %add3A_394] : memref<256x128xf32, #tpu.memory_space<vmem>>[vector<16xi32>, vector<16xi32>], vector<16xf32>,
      %mul3A_396 = arith.mulf %gather3A_391, %gather3A_395 : vector<16xf32>
      %add3A_397 = arith.addf %add3A_387, %mul3A_396 : vector<16xf32>
      %add3A_398 = arith.constant 18 : i32
      %add3A_399 = vector.broadcast %add3A_398 : i32 to vector<16xi32>
      %add3A_400 = arith.addi %get3A_211, %add3A_399 : vector<16xi32>
      %gather3A_401 = tpu.vector_load_idx %arg13[%add3A_206, %add3A_400] : memref<256x128xf32, #tpu.memory_space<vmem>>[vector<16xi32>, vector<16xi32>], vector<16xf32>,
      %add3A_402 = arith.constant 18 : i32
      %add3A_403 = vector.broadcast %add3A_402 : i32 to vector<16xi32>
      %add3A_404 = arith.addi %get3A_217, %add3A_403 : vector<16xi32>
      %gather3A_405 = tpu.vector_load_idx %arg14[%add3A_206, %add3A_404] : memref<256x128xf32, #tpu.memory_space<vmem>>[vector<16xi32>, vector<16xi32>], vector<16xf32>,
      %mul3A_406 = arith.mulf %gather3A_401, %gather3A_405 : vector<16xf32>
      %add3A_407 = arith.addf %add3A_397, %mul3A_406 : vector<16xf32>
      %add3A_408 = arith.constant 19 : i32
      %add3A_409 = vector.broadcast %add3A_408 : i32 to vector<16xi32>
      %add3A_410 = arith.addi %get3A_211, %add3A_409 : vector<16xi32>
      %gather3A_411 = tpu.vector_load_idx %arg13[%add3A_206, %add3A_410] : memref<256x128xf32, #tpu.memory_space<vmem>>[vector<16xi32>, vector<16xi32>], vector<16xf32>,
      %add3A_412 = arith.constant 19 : i32
      %add3A_413 = vector.broadcast %add3A_412 : i32 to vector<16xi32>
      %add3A_414 = arith.addi %get3A_217, %add3A_413 : vector<16xi32>
      %gather3A_415 = tpu.vector_load_idx %arg14[%add3A_206, %add3A_414] : memref<256x128xf32, #tpu.memory_space<vmem>>[vector<16xi32>, vector<16xi32>], vector<16xf32>,
      %mul3A_416 = arith.mulf %gather3A_411, %gather3A_415 : vector<16xf32>
      %add3A_417 = arith.addf %add3A_407, %mul3A_416 : vector<16xf32>
      %add3A_418 = arith.constant 20 : i32
      %add3A_419 = vector.broadcast %add3A_418 : i32 to vector<16xi32>
      %add3A_420 = arith.addi %get3A_211, %add3A_419 : vector<16xi32>
      %gather3A_421 = tpu.vector_load_idx %arg13[%add3A_206, %add3A_420] : memref<256x128xf32, #tpu.memory_space<vmem>>[vector<16xi32>, vector<16xi32>], vector<16xf32>,
      %add3A_422 = arith.constant 20 : i32
      %add3A_423 = vector.broadcast %add3A_422 : i32 to vector<16xi32>
      %add3A_424 = arith.addi %get3A_217, %add3A_423 : vector<16xi32>
      %gather3A_425 = tpu.vector_load_idx %arg14[%add3A_206, %add3A_424] : memref<256x128xf32, #tpu.memory_space<vmem>>[vector<16xi32>, vector<16xi32>], vector<16xf32>,
      %mul3A_426 = arith.mulf %gather3A_421, %gather3A_425 : vector<16xf32>
      %add3A_427 = arith.addf %add3A_417, %mul3A_426 : vector<16xf32>
      %add3A_428 = arith.constant 21 : i32
      %add3A_429 = vector.broadcast %add3A_428 : i32 to vector<16xi32>
      %add3A_430 = arith.addi %get3A_211, %add3A_429 : vector<16xi32>
      %gather3A_431 = tpu.vector_load_idx %arg13[%add3A_206, %add3A_430] : memref<256x128xf32, #tpu.memory_space<vmem>>[vector<16xi32>, vector<16xi32>], vector<16xf32>,
      %add3A_432 = arith.constant 21 : i32
      %add3A_433 = vector.broadcast %add3A_432 : i32 to vector<16xi32>
      %add3A_434 = arith.addi %get3A_217, %add3A_433 : vector<16xi32>
      %gather3A_435 = tpu.vector_load_idx %arg14[%add3A_206, %add3A_434] : memref<256x128xf32, #tpu.memory_space<vmem>>[vector<16xi32>, vector<16xi32>], vector<16xf32>,
      %mul3A_436 = arith.mulf %gather3A_431, %gather3A_435 : vector<16xf32>
      %add3A_437 = arith.addf %add3A_427, %mul3A_436 : vector<16xf32>
      %add3A_438 = arith.constant 22 : i32
      %add3A_439 = vector.broadcast %add3A_438 : i32 to vector<16xi32>
      %add3A_440 = arith.addi %get3A_211, %add3A_439 : vector<16xi32>
      %gather3A_441 = tpu.vector_load_idx %arg13[%add3A_206, %add3A_440] : memref<256x128xf32, #tpu.memory_space<vmem>>[vector<16xi32>, vector<16xi32>], vector<16xf32>,
      %add3A_442 = arith.constant 22 : i32
      %add3A_443 = vector.broadcast %add3A_442 : i32 to vector<16xi32>
      %add3A_444 = arith.addi %get3A_217, %add3A_443 : vector<16xi32>
      %gather3A_445 = tpu.vector_load_idx %arg14[%add3A_206, %add3A_444] : memref<256x128xf32, #tpu.memory_space<vmem>>[vector<16xi32>, vector<16xi32>], vector<16xf32>,
      %mul3A_446 = arith.mulf %gather3A_441, %gather3A_445 : vector<16xf32>
      %add3A_447 = arith.addf %add3A_437, %mul3A_446 : vector<16xf32>
      %add3A_448 = arith.constant 23 : i32
      %add3A_449 = vector.broadcast %add3A_448 : i32 to vector<16xi32>
      %add3A_450 = arith.addi %get3A_211, %add3A_449 : vector<16xi32>
      %gather3A_451 = tpu.vector_load_idx %arg13[%add3A_206, %add3A_450] : memref<256x128xf32, #tpu.memory_space<vmem>>[vector<16xi32>, vector<16xi32>], vector<16xf32>,
      %add3A_452 = arith.constant 23 : i32
      %add3A_453 = vector.broadcast %add3A_452 : i32 to vector<16xi32>
      %add3A_454 = arith.addi %get3A_217, %add3A_453 : vector<16xi32>
      %gather3A_455 = tpu.vector_load_idx %arg14[%add3A_206, %add3A_454] : memref<256x128xf32, #tpu.memory_space<vmem>>[vector<16xi32>, vector<16xi32>], vector<16xf32>,
      %mul3A_456 = arith.mulf %gather3A_451, %gather3A_455 : vector<16xf32>
      %add3A_457 = arith.addf %add3A_447, %mul3A_456 : vector<16xf32>
      %add3A_458 = arith.constant 24 : i32
      %add3A_459 = vector.broadcast %add3A_458 : i32 to vector<16xi32>
      %add3A_460 = arith.addi %get3A_211, %add3A_459 : vector<16xi32>
      %gather3A_461 = tpu.vector_load_idx %arg13[%add3A_206, %add3A_460] : memref<256x128xf32, #tpu.memory_space<vmem>>[vector<16xi32>, vector<16xi32>], vector<16xf32>,
      %add3A_462 = arith.constant 24 : i32
      %add3A_463 = vector.broadcast %add3A_462 : i32 to vector<16xi32>
      %add3A_464 = arith.addi %get3A_217, %add3A_463 : vector<16xi32>
      %gather3A_465 = tpu.vector_load_idx %arg14[%add3A_206, %add3A_464] : memref<256x128xf32, #tpu.memory_space<vmem>>[vector<16xi32>, vector<16xi32>], vector<16xf32>,
      %mul3A_466 = arith.mulf %gather3A_461, %gather3A_465 : vector<16xf32>
      %add3A_467 = arith.addf %add3A_457, %mul3A_466 : vector<16xf32>
      %add3A_468 = arith.constant 25 : i32
      %add3A_469 = vector.broadcast %add3A_468 : i32 to vector<16xi32>
      %add3A_470 = arith.addi %get3A_211, %add3A_469 : vector<16xi32>
      %gather3A_471 = tpu.vector_load_idx %arg13[%add3A_206, %add3A_470] : memref<256x128xf32, #tpu.memory_space<vmem>>[vector<16xi32>, vector<16xi32>], vector<16xf32>,
      %add3A_472 = arith.constant 25 : i32
      %add3A_473 = vector.broadcast %add3A_472 : i32 to vector<16xi32>
      %add3A_474 = arith.addi %get3A_217, %add3A_473 : vector<16xi32>
      %gather3A_475 = tpu.vector_load_idx %arg14[%add3A_206, %add3A_474] : memref<256x128xf32, #tpu.memory_space<vmem>>[vector<16xi32>, vector<16xi32>], vector<16xf32>,
      %mul3A_476 = arith.mulf %gather3A_471, %gather3A_475 : vector<16xf32>
      %add3A_477 = arith.addf %add3A_467, %mul3A_476 : vector<16xf32>
      %add3A_478 = arith.constant 26 : i32
      %add3A_479 = vector.broadcast %add3A_478 : i32 to vector<16xi32>
      %add3A_480 = arith.addi %get3A_211, %add3A_479 : vector<16xi32>
      %gather3A_481 = tpu.vector_load_idx %arg13[%add3A_206, %add3A_480] : memref<256x128xf32, #tpu.memory_space<vmem>>[vector<16xi32>, vector<16xi32>], vector<16xf32>,
      %add3A_482 = arith.constant 26 : i32
      %add3A_483 = vector.broadcast %add3A_482 : i32 to vector<16xi32>
      %add3A_484 = arith.addi %get3A_217, %add3A_483 : vector<16xi32>
      %gather3A_485 = tpu.vector_load_idx %arg14[%add3A_206, %add3A_484] : memref<256x128xf32, #tpu.memory_space<vmem>>[vector<16xi32>, vector<16xi32>], vector<16xf32>,
      %mul3A_486 = arith.mulf %gather3A_481, %gather3A_485 : vector<16xf32>
      %add3A_487 = arith.addf %add3A_477, %mul3A_486 : vector<16xf32>
      %add3A_488 = arith.constant 27 : i32
      %add3A_489 = vector.broadcast %add3A_488 : i32 to vector<16xi32>
      %add3A_490 = arith.addi %get3A_211, %add3A_489 : vector<16xi32>
      %gather3A_491 = tpu.vector_load_idx %arg13[%add3A_206, %add3A_490] : memref<256x128xf32, #tpu.memory_space<vmem>>[vector<16xi32>, vector<16xi32>], vector<16xf32>,
      %add3A_492 = arith.constant 27 : i32
      %add3A_493 = vector.broadcast %add3A_492 : i32 to vector<16xi32>
      %add3A_494 = arith.addi %get3A_217, %add3A_493 : vector<16xi32>
      %gather3A_495 = tpu.vector_load_idx %arg14[%add3A_206, %add3A_494] : memref<256x128xf32, #tpu.memory_space<vmem>>[vector<16xi32>, vector<16xi32>], vector<16xf32>,
      %mul3A_496 = arith.mulf %gather3A_491, %gather3A_495 : vector<16xf32>
      %add3A_497 = arith.addf %add3A_487, %mul3A_496 : vector<16xf32>
      %add3A_498 = arith.constant 28 : i32
      %add3A_499 = vector.broadcast %add3A_498 : i32 to vector<16xi32>
      %add3A_500 = arith.addi %get3A_211, %add3A_499 : vector<16xi32>
      %gather3A_501 = tpu.vector_load_idx %arg13[%add3A_206, %add3A_500] : memref<256x128xf32, #tpu.memory_space<vmem>>[vector<16xi32>, vector<16xi32>], vector<16xf32>,
      %add3A_502 = arith.constant 28 : i32
      %add3A_503 = vector.broadcast %add3A_502 : i32 to vector<16xi32>
      %add3A_504 = arith.addi %get3A_217, %add3A_503 : vector<16xi32>
      %gather3A_505 = tpu.vector_load_idx %arg14[%add3A_206, %add3A_504] : memref<256x128xf32, #tpu.memory_space<vmem>>[vector<16xi32>, vector<16xi32>], vector<16xf32>,
      %mul3A_506 = arith.mulf %gather3A_501, %gather3A_505 : vector<16xf32>
      %add3A_507 = arith.addf %add3A_497, %mul3A_506 : vector<16xf32>
      %add3A_508 = arith.constant 29 : i32
      %add3A_509 = vector.broadcast %add3A_508 : i32 to vector<16xi32>
      %add3A_510 = arith.addi %get3A_211, %add3A_509 : vector<16xi32>
      %gather3A_511 = tpu.vector_load_idx %arg13[%add3A_206, %add3A_510] : memref<256x128xf32, #tpu.memory_space<vmem>>[vector<16xi32>, vector<16xi32>], vector<16xf32>,
      %add3A_512 = arith.constant 29 : i32
      %add3A_513 = vector.broadcast %add3A_512 : i32 to vector<16xi32>
      %add3A_514 = arith.addi %get3A_217, %add3A_513 : vector<16xi32>
      %gather3A_515 = tpu.vector_load_idx %arg14[%add3A_206, %add3A_514] : memref<256x128xf32, #tpu.memory_space<vmem>>[vector<16xi32>, vector<16xi32>], vector<16xf32>,
      %mul3A_516 = arith.mulf %gather3A_511, %gather3A_515 : vector<16xf32>
      %add3A_517 = arith.addf %add3A_507, %mul3A_516 : vector<16xf32>
      %add3A_518 = arith.constant 30 : i32
      %add3A_519 = vector.broadcast %add3A_518 : i32 to vector<16xi32>
      %add3A_520 = arith.addi %get3A_211, %add3A_519 : vector<16xi32>
      %gather3A_521 = tpu.vector_load_idx %arg13[%add3A_206, %add3A_520] : memref<256x128xf32, #tpu.memory_space<vmem>>[vector<16xi32>, vector<16xi32>], vector<16xf32>,
      %add3A_522 = arith.constant 30 : i32
      %add3A_523 = vector.broadcast %add3A_522 : i32 to vector<16xi32>
      %add3A_524 = arith.addi %get3A_217, %add3A_523 : vector<16xi32>
      %gather3A_525 = tpu.vector_load_idx %arg14[%add3A_206, %add3A_524] : memref<256x128xf32, #tpu.memory_space<vmem>>[vector<16xi32>, vector<16xi32>], vector<16xf32>,
      %mul3A_526 = arith.mulf %gather3A_521, %gather3A_525 : vector<16xf32>
      %add3A_527 = arith.addf %add3A_517, %mul3A_526 : vector<16xf32>
      %add3A_528 = arith.constant 31 : i32
      %add3A_529 = vector.broadcast %add3A_528 : i32 to vector<16xi32>
      %add3A_530 = arith.addi %get3A_211, %add3A_529 : vector<16xi32>
      %gather3A_531 = tpu.vector_load_idx %arg13[%add3A_206, %add3A_530] : memref<256x128xf32, #tpu.memory_space<vmem>>[vector<16xi32>, vector<16xi32>], vector<16xf32>,
      %add3A_532 = arith.constant 31 : i32
      %add3A_533 = vector.broadcast %add3A_532 : i32 to vector<16xi32>
      %add3A_534 = arith.addi %get3A_217, %add3A_533 : vector<16xi32>
      %gather3A_535 = tpu.vector_load_idx %arg14[%add3A_206, %add3A_534] : memref<256x128xf32, #tpu.memory_space<vmem>>[vector<16xi32>, vector<16xi32>], vector<16xf32>,
      %mul3A_536 = arith.mulf %gather3A_531, %gather3A_535 : vector<16xf32>
      %add3A_537 = arith.addf %add3A_527, %mul3A_536 : vector<16xf32>
      %add3A_538 = arith.constant 32 : i32
      %add3A_539 = vector.broadcast %add3A_538 : i32 to vector<16xi32>
      %add3A_540 = arith.addi %get3A_211, %add3A_539 : vector<16xi32>
      %gather3A_541 = tpu.vector_load_idx %arg13[%add3A_206, %add3A_540] : memref<256x128xf32, #tpu.memory_space<vmem>>[vector<16xi32>, vector<16xi32>], vector<16xf32>,
      %add3A_542 = arith.constant 32 : i32
      %add3A_543 = vector.broadcast %add3A_542 : i32 to vector<16xi32>
      %add3A_544 = arith.addi %get3A_217, %add3A_543 : vector<16xi32>
      %gather3A_545 = tpu.vector_load_idx %arg14[%add3A_206, %add3A_544] : memref<256x128xf32, #tpu.memory_space<vmem>>[vector<16xi32>, vector<16xi32>], vector<16xf32>,
      %mul3A_546 = arith.mulf %gather3A_541, %gather3A_545 : vector<16xf32>
      %add3A_547 = arith.addf %add3A_537, %mul3A_546 : vector<16xf32>
      %add3A_548 = arith.constant 33 : i32
      %add3A_549 = vector.broadcast %add3A_548 : i32 to vector<16xi32>
      %add3A_550 = arith.addi %get3A_211, %add3A_549 : vector<16xi32>
      %gather3A_551 = tpu.vector_load_idx %arg13[%add3A_206, %add3A_550] : memref<256x128xf32, #tpu.memory_space<vmem>>[vector<16xi32>, vector<16xi32>], vector<16xf32>,
      %add3A_552 = arith.constant 33 : i32
      %add3A_553 = vector.broadcast %add3A_552 : i32 to vector<16xi32>
      %add3A_554 = arith.addi %get3A_217, %add3A_553 : vector<16xi32>
      %gather3A_555 = tpu.vector_load_idx %arg14[%add3A_206, %add3A_554] : memref<256x128xf32, #tpu.memory_space<vmem>>[vector<16xi32>, vector<16xi32>], vector<16xf32>,
      %mul3A_556 = arith.mulf %gather3A_551, %gather3A_555 : vector<16xf32>
      %add3A_557 = arith.addf %add3A_547, %mul3A_556 : vector<16xf32>
      %add3A_558 = arith.constant 34 : i32
      %add3A_559 = vector.broadcast %add3A_558 : i32 to vector<16xi32>
      %add3A_560 = arith.addi %get3A_211, %add3A_559 : vector<16xi32>
      %gather3A_561 = tpu.vector_load_idx %arg13[%add3A_206, %add3A_560] : memref<256x128xf32, #tpu.memory_space<vmem>>[vector<16xi32>, vector<16xi32>], vector<16xf32>,
      %add3A_562 = arith.constant 34 : i32
      %add3A_563 = vector.broadcast %add3A_562 : i32 to vector<16xi32>
      %add3A_564 = arith.addi %get3A_217, %add3A_563 : vector<16xi32>
      %gather3A_565 = tpu.vector_load_idx %arg14[%add3A_206, %add3A_564] : memref<256x128xf32, #tpu.memory_space<vmem>>[vector<16xi32>, vector<16xi32>], vector<16xf32>,
      %mul3A_566 = arith.mulf %gather3A_561, %gather3A_565 : vector<16xf32>
      %add3A_567 = arith.addf %add3A_557, %mul3A_566 : vector<16xf32>
      %add3A_568 = arith.constant 35 : i32
      %add3A_569 = vector.broadcast %add3A_568 : i32 to vector<16xi32>
      %add3A_570 = arith.addi %get3A_211, %add3A_569 : vector<16xi32>
      %gather3A_571 = tpu.vector_load_idx %arg13[%add3A_206, %add3A_570] : memref<256x128xf32, #tpu.memory_space<vmem>>[vector<16xi32>, vector<16xi32>], vector<16xf32>,
      %add3A_572 = arith.constant 35 : i32
      %add3A_573 = vector.broadcast %add3A_572 : i32 to vector<16xi32>
      %add3A_574 = arith.addi %get3A_217, %add3A_573 : vector<16xi32>
      %gather3A_575 = tpu.vector_load_idx %arg14[%add3A_206, %add3A_574] : memref<256x128xf32, #tpu.memory_space<vmem>>[vector<16xi32>, vector<16xi32>], vector<16xf32>,
      %mul3A_576 = arith.mulf %gather3A_571, %gather3A_575 : vector<16xf32>
      %add3A_577 = arith.addf %add3A_567, %mul3A_576 : vector<16xf32>
      %add3A_578 = arith.constant 36 : i32
      %add3A_579 = vector.broadcast %add3A_578 : i32 to vector<16xi32>
      %add3A_580 = arith.addi %get3A_211, %add3A_579 : vector<16xi32>
      %gather3A_581 = tpu.vector_load_idx %arg13[%add3A_206, %add3A_580] : memref<256x128xf32, #tpu.memory_space<vmem>>[vector<16xi32>, vector<16xi32>], vector<16xf32>,
      %add3A_582 = arith.constant 36 : i32
      %add3A_583 = vector.broadcast %add3A_582 : i32 to vector<16xi32>
      %add3A_584 = arith.addi %get3A_217, %add3A_583 : vector<16xi32>
      %gather3A_585 = tpu.vector_load_idx %arg14[%add3A_206, %add3A_584] : memref<256x128xf32, #tpu.memory_space<vmem>>[vector<16xi32>, vector<16xi32>], vector<16xf32>,
      %mul3A_586 = arith.mulf %gather3A_581, %gather3A_585 : vector<16xf32>
      %add3A_587 = arith.addf %add3A_577, %mul3A_586 : vector<16xf32>
      %add3A_588 = arith.constant 37 : i32
      %add3A_589 = vector.broadcast %add3A_588 : i32 to vector<16xi32>
      %add3A_590 = arith.addi %get3A_211, %add3A_589 : vector<16xi32>
      %gather3A_591 = tpu.vector_load_idx %arg13[%add3A_206, %add3A_590] : memref<256x128xf32, #tpu.memory_space<vmem>>[vector<16xi32>, vector<16xi32>], vector<16xf32>,
      %add3A_592 = arith.constant 37 : i32
      %add3A_593 = vector.broadcast %add3A_592 : i32 to vector<16xi32>
      %add3A_594 = arith.addi %get3A_217, %add3A_593 : vector<16xi32>
      %gather3A_595 = tpu.vector_load_idx %arg14[%add3A_206, %add3A_594] : memref<256x128xf32, #tpu.memory_space<vmem>>[vector<16xi32>, vector<16xi32>], vector<16xf32>,
      %mul3A_596 = arith.mulf %gather3A_591, %gather3A_595 : vector<16xf32>
      %add3A_597 = arith.addf %add3A_587, %mul3A_596 : vector<16xf32>
      %add3A_598 = arith.constant 38 : i32
      %add3A_599 = vector.broadcast %add3A_598 : i32 to vector<16xi32>
      %add3A_600 = arith.addi %get3A_211, %add3A_599 : vector<16xi32>
      %gather3A_601 = tpu.vector_load_idx %arg13[%add3A_206, %add3A_600] : memref<256x128xf32, #tpu.memory_space<vmem>>[vector<16xi32>, vector<16xi32>], vector<16xf32>,
      %add3A_602 = arith.constant 38 : i32
      %add3A_603 = vector.broadcast %add3A_602 : i32 to vector<16xi32>
      %add3A_604 = arith.addi %get3A_217, %add3A_603 : vector<16xi32>
      %gather3A_605 = tpu.vector_load_idx %arg14[%add3A_206, %add3A_604] : memref<256x128xf32, #tpu.memory_space<vmem>>[vector<16xi32>, vector<16xi32>], vector<16xf32>,
      %mul3A_606 = arith.mulf %gather3A_601, %gather3A_605 : vector<16xf32>
      %add3A_607 = arith.addf %add3A_597, %mul3A_606 : vector<16xf32>
      %add3A_608 = arith.constant 39 : i32
      %add3A_609 = vector.broadcast %add3A_608 : i32 to vector<16xi32>
      %add3A_610 = arith.addi %get3A_211, %add3A_609 : vector<16xi32>
      %gather3A_611 = tpu.vector_load_idx %arg13[%add3A_206, %add3A_610] : memref<256x128xf32, #tpu.memory_space<vmem>>[vector<16xi32>, vector<16xi32>], vector<16xf32>,
      %add3A_612 = arith.constant 39 : i32
      %add3A_613 = vector.broadcast %add3A_612 : i32 to vector<16xi32>
      %add3A_614 = arith.addi %get3A_217, %add3A_613 : vector<16xi32>
      %gather3A_615 = tpu.vector_load_idx %arg14[%add3A_206, %add3A_614] : memref<256x128xf32, #tpu.memory_space<vmem>>[vector<16xi32>, vector<16xi32>], vector<16xf32>,
      %mul3A_616 = arith.mulf %gather3A_611, %gather3A_615 : vector<16xf32>
      %add3A_617 = arith.addf %add3A_607, %mul3A_616 : vector<16xf32>
      %add3A_618 = arith.constant 40 : i32
      %add3A_619 = vector.broadcast %add3A_618 : i32 to vector<16xi32>
      %add3A_620 = arith.addi %get3A_211, %add3A_619 : vector<16xi32>
      %gather3A_621 = tpu.vector_load_idx %arg13[%add3A_206, %add3A_620] : memref<256x128xf32, #tpu.memory_space<vmem>>[vector<16xi32>, vector<16xi32>], vector<16xf32>,
      %add3A_622 = arith.constant 40 : i32
      %add3A_623 = vector.broadcast %add3A_622 : i32 to vector<16xi32>
      %add3A_624 = arith.addi %get3A_217, %add3A_623 : vector<16xi32>
      %gather3A_625 = tpu.vector_load_idx %arg14[%add3A_206, %add3A_624] : memref<256x128xf32, #tpu.memory_space<vmem>>[vector<16xi32>, vector<16xi32>], vector<16xf32>,
      %mul3A_626 = arith.mulf %gather3A_621, %gather3A_625 : vector<16xf32>
      %add3A_627 = arith.addf %add3A_617, %mul3A_626 : vector<16xf32>
      %add3A_628 = arith.constant 41 : i32
      %add3A_629 = vector.broadcast %add3A_628 : i32 to vector<16xi32>
      %add3A_630 = arith.addi %get3A_211, %add3A_629 : vector<16xi32>
      %gather3A_631 = tpu.vector_load_idx %arg13[%add3A_206, %add3A_630] : memref<256x128xf32, #tpu.memory_space<vmem>>[vector<16xi32>, vector<16xi32>], vector<16xf32>,
      %add3A_632 = arith.constant 41 : i32
      %add3A_633 = vector.broadcast %add3A_632 : i32 to vector<16xi32>
      %add3A_634 = arith.addi %get3A_217, %add3A_633 : vector<16xi32>
      %gather3A_635 = tpu.vector_load_idx %arg14[%add3A_206, %add3A_634] : memref<256x128xf32, #tpu.memory_space<vmem>>[vector<16xi32>, vector<16xi32>], vector<16xf32>,
      %mul3A_636 = arith.mulf %gather3A_631, %gather3A_635 : vector<16xf32>
      %add3A_637 = arith.addf %add3A_627, %mul3A_636 : vector<16xf32>
      %add3A_638 = arith.constant 42 : i32
      %add3A_639 = vector.broadcast %add3A_638 : i32 to vector<16xi32>
      %add3A_640 = arith.addi %get3A_211, %add3A_639 : vector<16xi32>
      %gather3A_641 = tpu.vector_load_idx %arg13[%add3A_206, %add3A_640] : memref<256x128xf32, #tpu.memory_space<vmem>>[vector<16xi32>, vector<16xi32>], vector<16xf32>,
      %add3A_642 = arith.constant 42 : i32
      %add3A_643 = vector.broadcast %add3A_642 : i32 to vector<16xi32>
      %add3A_644 = arith.addi %get3A_217, %add3A_643 : vector<16xi32>
      %gather3A_645 = tpu.vector_load_idx %arg14[%add3A_206, %add3A_644] : memref<256x128xf32, #tpu.memory_space<vmem>>[vector<16xi32>, vector<16xi32>], vector<16xf32>,
      %mul3A_646 = arith.mulf %gather3A_641, %gather3A_645 : vector<16xf32>
      %add3A_647 = arith.addf %add3A_637, %mul3A_646 : vector<16xf32>
      %add3A_648 = arith.constant 43 : i32
      %add3A_649 = vector.broadcast %add3A_648 : i32 to vector<16xi32>
      %add3A_650 = arith.addi %get3A_211, %add3A_649 : vector<16xi32>
      %gather3A_651 = tpu.vector_load_idx %arg13[%add3A_206, %add3A_650] : memref<256x128xf32, #tpu.memory_space<vmem>>[vector<16xi32>, vector<16xi32>], vector<16xf32>,
      %add3A_652 = arith.constant 43 : i32
      %add3A_653 = vector.broadcast %add3A_652 : i32 to vector<16xi32>
      %add3A_654 = arith.addi %get3A_217, %add3A_653 : vector<16xi32>
      %gather3A_655 = tpu.vector_load_idx %arg14[%add3A_206, %add3A_654] : memref<256x128xf32, #tpu.memory_space<vmem>>[vector<16xi32>, vector<16xi32>], vector<16xf32>,
      %mul3A_656 = arith.mulf %gather3A_651, %gather3A_655 : vector<16xf32>
      %add3A_657 = arith.addf %add3A_647, %mul3A_656 : vector<16xf32>
      %add3A_658 = arith.constant 44 : i32
      %add3A_659 = vector.broadcast %add3A_658 : i32 to vector<16xi32>
      %add3A_660 = arith.addi %get3A_211, %add3A_659 : vector<16xi32>
      %gather3A_661 = tpu.vector_load_idx %arg13[%add3A_206, %add3A_660] : memref<256x128xf32, #tpu.memory_space<vmem>>[vector<16xi32>, vector<16xi32>], vector<16xf32>,
      %add3A_662 = arith.constant 44 : i32
      %add3A_663 = vector.broadcast %add3A_662 : i32 to vector<16xi32>
      %add3A_664 = arith.addi %get3A_217, %add3A_663 : vector<16xi32>
      %gather3A_665 = tpu.vector_load_idx %arg14[%add3A_206, %add3A_664] : memref<256x128xf32, #tpu.memory_space<vmem>>[vector<16xi32>, vector<16xi32>], vector<16xf32>,
      %mul3A_666 = arith.mulf %gather3A_661, %gather3A_665 : vector<16xf32>
      %add3A_667 = arith.addf %add3A_657, %mul3A_666 : vector<16xf32>
      %add3A_668 = arith.constant 45 : i32
      %add3A_669 = vector.broadcast %add3A_668 : i32 to vector<16xi32>
      %add3A_670 = arith.addi %get3A_211, %add3A_669 : vector<16xi32>
      %gather3A_671 = tpu.vector_load_idx %arg13[%add3A_206, %add3A_670] : memref<256x128xf32, #tpu.memory_space<vmem>>[vector<16xi32>, vector<16xi32>], vector<16xf32>,
      %add3A_672 = arith.constant 45 : i32
      %add3A_673 = vector.broadcast %add3A_672 : i32 to vector<16xi32>
      %add3A_674 = arith.addi %get3A_217, %add3A_673 : vector<16xi32>
      %gather3A_675 = tpu.vector_load_idx %arg14[%add3A_206, %add3A_674] : memref<256x128xf32, #tpu.memory_space<vmem>>[vector<16xi32>, vector<16xi32>], vector<16xf32>,
      %mul3A_676 = arith.mulf %gather3A_671, %gather3A_675 : vector<16xf32>
      %add3A_677 = arith.addf %add3A_667, %mul3A_676 : vector<16xf32>
      %add3A_678 = arith.constant 46 : i32
      %add3A_679 = vector.broadcast %add3A_678 : i32 to vector<16xi32>
      %add3A_680 = arith.addi %get3A_211, %add3A_679 : vector<16xi32>
      %gather3A_681 = tpu.vector_load_idx %arg13[%add3A_206, %add3A_680] : memref<256x128xf32, #tpu.memory_space<vmem>>[vector<16xi32>, vector<16xi32>], vector<16xf32>,
      %add3A_682 = arith.constant 46 : i32
      %add3A_683 = vector.broadcast %add3A_682 : i32 to vector<16xi32>
      %add3A_684 = arith.addi %get3A_217, %add3A_683 : vector<16xi32>
      %gather3A_685 = tpu.vector_load_idx %arg14[%add3A_206, %add3A_684] : memref<256x128xf32, #tpu.memory_space<vmem>>[vector<16xi32>, vector<16xi32>], vector<16xf32>,
      %mul3A_686 = arith.mulf %gather3A_681, %gather3A_685 : vector<16xf32>
      %add3A_687 = arith.addf %add3A_677, %mul3A_686 : vector<16xf32>
      %add3A_688 = arith.constant 47 : i32
      %add3A_689 = vector.broadcast %add3A_688 : i32 to vector<16xi32>
      %add3A_690 = arith.addi %get3A_211, %add3A_689 : vector<16xi32>
      %gather3A_691 = tpu.vector_load_idx %arg13[%add3A_206, %add3A_690] : memref<256x128xf32, #tpu.memory_space<vmem>>[vector<16xi32>, vector<16xi32>], vector<16xf32>,
      %add3A_692 = arith.constant 47 : i32
      %add3A_693 = vector.broadcast %add3A_692 : i32 to vector<16xi32>
      %add3A_694 = arith.addi %get3A_217, %add3A_693 : vector<16xi32>
      %gather3A_695 = tpu.vector_load_idx %arg14[%add3A_206, %add3A_694] : memref<256x128xf32, #tpu.memory_space<vmem>>[vector<16xi32>, vector<16xi32>], vector<16xf32>,
      %mul3A_696 = arith.mulf %gather3A_691, %gather3A_695 : vector<16xf32>
      %add3A_697 = arith.addf %add3A_687, %mul3A_696 : vector<16xf32>
      %add3A_698 = arith.constant 48 : i32
      %add3A_699 = vector.broadcast %add3A_698 : i32 to vector<16xi32>
      %add3A_700 = arith.addi %get3A_211, %add3A_699 : vector<16xi32>
      %gather3A_701 = tpu.vector_load_idx %arg13[%add3A_206, %add3A_700] : memref<256x128xf32, #tpu.memory_space<vmem>>[vector<16xi32>, vector<16xi32>], vector<16xf32>,
      %add3A_702 = arith.constant 48 : i32
      %add3A_703 = vector.broadcast %add3A_702 : i32 to vector<16xi32>
      %add3A_704 = arith.addi %get3A_217, %add3A_703 : vector<16xi32>
      %gather3A_705 = tpu.vector_load_idx %arg14[%add3A_206, %add3A_704] : memref<256x128xf32, #tpu.memory_space<vmem>>[vector<16xi32>, vector<16xi32>], vector<16xf32>,
      %mul3A_706 = arith.mulf %gather3A_701, %gather3A_705 : vector<16xf32>
      %add3A_707 = arith.addf %add3A_697, %mul3A_706 : vector<16xf32>
      %add3A_708 = arith.constant 49 : i32
      %add3A_709 = vector.broadcast %add3A_708 : i32 to vector<16xi32>
      %add3A_710 = arith.addi %get3A_211, %add3A_709 : vector<16xi32>
      %gather3A_711 = tpu.vector_load_idx %arg13[%add3A_206, %add3A_710] : memref<256x128xf32, #tpu.memory_space<vmem>>[vector<16xi32>, vector<16xi32>], vector<16xf32>,
      %add3A_712 = arith.constant 49 : i32
      %add3A_713 = vector.broadcast %add3A_712 : i32 to vector<16xi32>
      %add3A_714 = arith.addi %get3A_217, %add3A_713 : vector<16xi32>
      %gather3A_715 = tpu.vector_load_idx %arg14[%add3A_206, %add3A_714] : memref<256x128xf32, #tpu.memory_space<vmem>>[vector<16xi32>, vector<16xi32>], vector<16xf32>,
      %mul3A_716 = arith.mulf %gather3A_711, %gather3A_715 : vector<16xf32>
      %add3A_717 = arith.addf %add3A_707, %mul3A_716 : vector<16xf32>
      %add3A_718 = arith.constant 50 : i32
      %add3A_719 = vector.broadcast %add3A_718 : i32 to vector<16xi32>
      %add3A_720 = arith.addi %get3A_211, %add3A_719 : vector<16xi32>
      %gather3A_721 = tpu.vector_load_idx %arg13[%add3A_206, %add3A_720] : memref<256x128xf32, #tpu.memory_space<vmem>>[vector<16xi32>, vector<16xi32>], vector<16xf32>,
      %add3A_722 = arith.constant 50 : i32
      %add3A_723 = vector.broadcast %add3A_722 : i32 to vector<16xi32>
      %add3A_724 = arith.addi %get3A_217, %add3A_723 : vector<16xi32>
      %gather3A_725 = tpu.vector_load_idx %arg14[%add3A_206, %add3A_724] : memref<256x128xf32, #tpu.memory_space<vmem>>[vector<16xi32>, vector<16xi32>], vector<16xf32>,
      %mul3A_726 = arith.mulf %gather3A_721, %gather3A_725 : vector<16xf32>
      %add3A_727 = arith.addf %add3A_717, %mul3A_726 : vector<16xf32>
      %add3A_728 = arith.constant 51 : i32
      %add3A_729 = vector.broadcast %add3A_728 : i32 to vector<16xi32>
      %add3A_730 = arith.addi %get3A_211, %add3A_729 : vector<16xi32>
      %gather3A_731 = tpu.vector_load_idx %arg13[%add3A_206, %add3A_730] : memref<256x128xf32, #tpu.memory_space<vmem>>[vector<16xi32>, vector<16xi32>], vector<16xf32>,
      %add3A_732 = arith.constant 51 : i32
      %add3A_733 = vector.broadcast %add3A_732 : i32 to vector<16xi32>
      %add3A_734 = arith.addi %get3A_217, %add3A_733 : vector<16xi32>
      %gather3A_735 = tpu.vector_load_idx %arg14[%add3A_206, %add3A_734] : memref<256x128xf32, #tpu.memory_space<vmem>>[vector<16xi32>, vector<16xi32>], vector<16xf32>,
      %mul3A_736 = arith.mulf %gather3A_731, %gather3A_735 : vector<16xf32>
      %add3A_737 = arith.addf %add3A_727, %mul3A_736 : vector<16xf32>
      %add3A_738 = arith.constant 52 : i32
      %add3A_739 = vector.broadcast %add3A_738 : i32 to vector<16xi32>
      %add3A_740 = arith.addi %get3A_211, %add3A_739 : vector<16xi32>
      %gather3A_741 = tpu.vector_load_idx %arg13[%add3A_206, %add3A_740] : memref<256x128xf32, #tpu.memory_space<vmem>>[vector<16xi32>, vector<16xi32>], vector<16xf32>,
      %add3A_742 = arith.constant 52 : i32
      %add3A_743 = vector.broadcast %add3A_742 : i32 to vector<16xi32>
      %add3A_744 = arith.addi %get3A_217, %add3A_743 : vector<16xi32>
      %gather3A_745 = tpu.vector_load_idx %arg14[%add3A_206, %add3A_744] : memref<256x128xf32, #tpu.memory_space<vmem>>[vector<16xi32>, vector<16xi32>], vector<16xf32>,
      %mul3A_746 = arith.mulf %gather3A_741, %gather3A_745 : vector<16xf32>
      %add3A_747 = arith.addf %add3A_737, %mul3A_746 : vector<16xf32>
      %add3A_748 = arith.constant 53 : i32
      %add3A_749 = vector.broadcast %add3A_748 : i32 to vector<16xi32>
      %add3A_750 = arith.addi %get3A_211, %add3A_749 : vector<16xi32>
      %gather3A_751 = tpu.vector_load_idx %arg13[%add3A_206, %add3A_750] : memref<256x128xf32, #tpu.memory_space<vmem>>[vector<16xi32>, vector<16xi32>], vector<16xf32>,
      %add3A_752 = arith.constant 53 : i32
      %add3A_753 = vector.broadcast %add3A_752 : i32 to vector<16xi32>
      %add3A_754 = arith.addi %get3A_217, %add3A_753 : vector<16xi32>
      %gather3A_755 = tpu.vector_load_idx %arg14[%add3A_206, %add3A_754] : memref<256x128xf32, #tpu.memory_space<vmem>>[vector<16xi32>, vector<16xi32>], vector<16xf32>,
      %mul3A_756 = arith.mulf %gather3A_751, %gather3A_755 : vector<16xf32>
      %add3A_757 = arith.addf %add3A_747, %mul3A_756 : vector<16xf32>
      %add3A_758 = arith.constant 54 : i32
      %add3A_759 = vector.broadcast %add3A_758 : i32 to vector<16xi32>
      %add3A_760 = arith.addi %get3A_211, %add3A_759 : vector<16xi32>
      %gather3A_761 = tpu.vector_load_idx %arg13[%add3A_206, %add3A_760] : memref<256x128xf32, #tpu.memory_space<vmem>>[vector<16xi32>, vector<16xi32>], vector<16xf32>,
      %add3A_762 = arith.constant 54 : i32
      %add3A_763 = vector.broadcast %add3A_762 : i32 to vector<16xi32>
      %add3A_764 = arith.addi %get3A_217, %add3A_763 : vector<16xi32>
      %gather3A_765 = tpu.vector_load_idx %arg14[%add3A_206, %add3A_764] : memref<256x128xf32, #tpu.memory_space<vmem>>[vector<16xi32>, vector<16xi32>], vector<16xf32>,
      %mul3A_766 = arith.mulf %gather3A_761, %gather3A_765 : vector<16xf32>
      %add3A_767 = arith.addf %add3A_757, %mul3A_766 : vector<16xf32>
      %add3A_768 = arith.constant 55 : i32
      %add3A_769 = vector.broadcast %add3A_768 : i32 to vector<16xi32>
      %add3A_770 = arith.addi %get3A_211, %add3A_769 : vector<16xi32>
      %gather3A_771 = tpu.vector_load_idx %arg13[%add3A_206, %add3A_770] : memref<256x128xf32, #tpu.memory_space<vmem>>[vector<16xi32>, vector<16xi32>], vector<16xf32>,
      %add3A_772 = arith.constant 55 : i32
      %add3A_773 = vector.broadcast %add3A_772 : i32 to vector<16xi32>
      %add3A_774 = arith.addi %get3A_217, %add3A_773 : vector<16xi32>
      %gather3A_775 = tpu.vector_load_idx %arg14[%add3A_206, %add3A_774] : memref<256x128xf32, #tpu.memory_space<vmem>>[vector<16xi32>, vector<16xi32>], vector<16xf32>,
      %mul3A_776 = arith.mulf %gather3A_771, %gather3A_775 : vector<16xf32>
      %add3A_777 = arith.addf %add3A_767, %mul3A_776 : vector<16xf32>
      %add3A_778 = arith.constant 56 : i32
      %add3A_779 = vector.broadcast %add3A_778 : i32 to vector<16xi32>
      %add3A_780 = arith.addi %get3A_211, %add3A_779 : vector<16xi32>
      %gather3A_781 = tpu.vector_load_idx %arg13[%add3A_206, %add3A_780] : memref<256x128xf32, #tpu.memory_space<vmem>>[vector<16xi32>, vector<16xi32>], vector<16xf32>,
      %add3A_782 = arith.constant 56 : i32
      %add3A_783 = vector.broadcast %add3A_782 : i32 to vector<16xi32>
      %add3A_784 = arith.addi %get3A_217, %add3A_783 : vector<16xi32>
      %gather3A_785 = tpu.vector_load_idx %arg14[%add3A_206, %add3A_784] : memref<256x128xf32, #tpu.memory_space<vmem>>[vector<16xi32>, vector<16xi32>], vector<16xf32>,
      %mul3A_786 = arith.mulf %gather3A_781, %gather3A_785 : vector<16xf32>
      %add3A_787 = arith.addf %add3A_777, %mul3A_786 : vector<16xf32>
      %add3A_788 = arith.constant 57 : i32
      %add3A_789 = vector.broadcast %add3A_788 : i32 to vector<16xi32>
      %add3A_790 = arith.addi %get3A_211, %add3A_789 : vector<16xi32>
      %gather3A_791 = tpu.vector_load_idx %arg13[%add3A_206, %add3A_790] : memref<256x128xf32, #tpu.memory_space<vmem>>[vector<16xi32>, vector<16xi32>], vector<16xf32>,
      %add3A_792 = arith.constant 57 : i32
      %add3A_793 = vector.broadcast %add3A_792 : i32 to vector<16xi32>
      %add3A_794 = arith.addi %get3A_217, %add3A_793 : vector<16xi32>
      %gather3A_795 = tpu.vector_load_idx %arg14[%add3A_206, %add3A_794] : memref<256x128xf32, #tpu.memory_space<vmem>>[vector<16xi32>, vector<16xi32>], vector<16xf32>,
      %mul3A_796 = arith.mulf %gather3A_791, %gather3A_795 : vector<16xf32>
      %add3A_797 = arith.addf %add3A_787, %mul3A_796 : vector<16xf32>
      %add3A_798 = arith.constant 58 : i32
      %add3A_799 = vector.broadcast %add3A_798 : i32 to vector<16xi32>
      %add3A_800 = arith.addi %get3A_211, %add3A_799 : vector<16xi32>
      %gather3A_801 = tpu.vector_load_idx %arg13[%add3A_206, %add3A_800] : memref<256x128xf32, #tpu.memory_space<vmem>>[vector<16xi32>, vector<16xi32>], vector<16xf32>,
      %add3A_802 = arith.constant 58 : i32
      %add3A_803 = vector.broadcast %add3A_802 : i32 to vector<16xi32>
      %add3A_804 = arith.addi %get3A_217, %add3A_803 : vector<16xi32>
      %gather3A_805 = tpu.vector_load_idx %arg14[%add3A_206, %add3A_804] : memref<256x128xf32, #tpu.memory_space<vmem>>[vector<16xi32>, vector<16xi32>], vector<16xf32>,
      %mul3A_806 = arith.mulf %gather3A_801, %gather3A_805 : vector<16xf32>
      %add3A_807 = arith.addf %add3A_797, %mul3A_806 : vector<16xf32>
      %add3A_808 = arith.constant 59 : i32
      %add3A_809 = vector.broadcast %add3A_808 : i32 to vector<16xi32>
      %add3A_810 = arith.addi %get3A_211, %add3A_809 : vector<16xi32>
      %gather3A_811 = tpu.vector_load_idx %arg13[%add3A_206, %add3A_810] : memref<256x128xf32, #tpu.memory_space<vmem>>[vector<16xi32>, vector<16xi32>], vector<16xf32>,
      %add3A_812 = arith.constant 59 : i32
      %add3A_813 = vector.broadcast %add3A_812 : i32 to vector<16xi32>
      %add3A_814 = arith.addi %get3A_217, %add3A_813 : vector<16xi32>
      %gather3A_815 = tpu.vector_load_idx %arg14[%add3A_206, %add3A_814] : memref<256x128xf32, #tpu.memory_space<vmem>>[vector<16xi32>, vector<16xi32>], vector<16xf32>,
      %mul3A_816 = arith.mulf %gather3A_811, %gather3A_815 : vector<16xf32>
      %add3A_817 = arith.addf %add3A_807, %mul3A_816 : vector<16xf32>
      %add3A_818 = arith.constant 60 : i32
      %add3A_819 = vector.broadcast %add3A_818 : i32 to vector<16xi32>
      %add3A_820 = arith.addi %get3A_211, %add3A_819 : vector<16xi32>
      %gather3A_821 = tpu.vector_load_idx %arg13[%add3A_206, %add3A_820] : memref<256x128xf32, #tpu.memory_space<vmem>>[vector<16xi32>, vector<16xi32>], vector<16xf32>,
      %add3A_822 = arith.constant 60 : i32
      %add3A_823 = vector.broadcast %add3A_822 : i32 to vector<16xi32>
      %add3A_824 = arith.addi %get3A_217, %add3A_823 : vector<16xi32>
      %gather3A_825 = tpu.vector_load_idx %arg14[%add3A_206, %add3A_824] : memref<256x128xf32, #tpu.memory_space<vmem>>[vector<16xi32>, vector<16xi32>], vector<16xf32>,
      %mul3A_826 = arith.mulf %gather3A_821, %gather3A_825 : vector<16xf32>
      %add3A_827 = arith.addf %add3A_817, %mul3A_826 : vector<16xf32>
      %add3A_828 = arith.constant 61 : i32
      %add3A_829 = vector.broadcast %add3A_828 : i32 to vector<16xi32>
      %add3A_830 = arith.addi %get3A_211, %add3A_829 : vector<16xi32>
      %gather3A_831 = tpu.vector_load_idx %arg13[%add3A_206, %add3A_830] : memref<256x128xf32, #tpu.memory_space<vmem>>[vector<16xi32>, vector<16xi32>], vector<16xf32>,
      %add3A_832 = arith.constant 61 : i32
      %add3A_833 = vector.broadcast %add3A_832 : i32 to vector<16xi32>
      %add3A_834 = arith.addi %get3A_217, %add3A_833 : vector<16xi32>
      %gather3A_835 = tpu.vector_load_idx %arg14[%add3A_206, %add3A_834] : memref<256x128xf32, #tpu.memory_space<vmem>>[vector<16xi32>, vector<16xi32>], vector<16xf32>,
      %mul3A_836 = arith.mulf %gather3A_831, %gather3A_835 : vector<16xf32>
      %add3A_837 = arith.addf %add3A_827, %mul3A_836 : vector<16xf32>
      %add3A_838 = arith.constant 62 : i32
      %add3A_839 = vector.broadcast %add3A_838 : i32 to vector<16xi32>
      %add3A_840 = arith.addi %get3A_211, %add3A_839 : vector<16xi32>
      %gather3A_841 = tpu.vector_load_idx %arg13[%add3A_206, %add3A_840] : memref<256x128xf32, #tpu.memory_space<vmem>>[vector<16xi32>, vector<16xi32>], vector<16xf32>,
      %add3A_842 = arith.constant 62 : i32
      %add3A_843 = vector.broadcast %add3A_842 : i32 to vector<16xi32>
      %add3A_844 = arith.addi %get3A_217, %add3A_843 : vector<16xi32>
      %gather3A_845 = tpu.vector_load_idx %arg14[%add3A_206, %add3A_844] : memref<256x128xf32, #tpu.memory_space<vmem>>[vector<16xi32>, vector<16xi32>], vector<16xf32>,
      %mul3A_846 = arith.mulf %gather3A_841, %gather3A_845 : vector<16xf32>
      %add3A_847 = arith.addf %add3A_837, %mul3A_846 : vector<16xf32>
      %add3A_848 = arith.constant 63 : i32
      %add3A_849 = vector.broadcast %add3A_848 : i32 to vector<16xi32>
      %add3A_850 = arith.addi %get3A_211, %add3A_849 : vector<16xi32>
      %gather3A_851 = tpu.vector_load_idx %arg13[%add3A_206, %add3A_850] : memref<256x128xf32, #tpu.memory_space<vmem>>[vector<16xi32>, vector<16xi32>], vector<16xf32>,
      %add3A_852 = arith.constant 63 : i32
      %add3A_853 = vector.broadcast %add3A_852 : i32 to vector<16xi32>
      %add3A_854 = arith.addi %get3A_217, %add3A_853 : vector<16xi32>
      %gather3A_855 = tpu.vector_load_idx %arg14[%add3A_206, %add3A_854] : memref<256x128xf32, #tpu.memory_space<vmem>>[vector<16xi32>, vector<16xi32>], vector<16xf32>,
      %mul3A_856 = arith.mulf %gather3A_851, %gather3A_855 : vector<16xf32>
      %add3A_857 = arith.addf %add3A_847, %mul3A_856 : vector<16xf32>
      %mul3A_858 = arith.constant 16 : i32
      %mul3A_859 = arith.muli %scan3A_201, %mul3A_858 : i32
      %add3A_860 = arith.constant 256 : i32
      %add3A_861 = arith.addi %add3A_860, %mul3A_859 : i32
      %swap3A = arith.index_cast %add3A_861 : i32 to index
      %swap3A_862 = tpu.vector_load %arg15[%swap3A] {strides = array<i32>} : memref<512xf32, #tpu.memory_space<vmem>>, vector<16xf32>,
      tpu.vector_store %arg15[%swap3A], %add3A_857 {strides = array<i32>} : memref<512xf32, #tpu.memory_space<vmem>>, vector<16xf32>,
      %scan3A_863 = arith.constant 0 : i32
      scf.yield %scan3A_863 : i32
    }
    %scan3A_200 = arith.constant 16 : i32
    "tpu.region"() ({
      %run_scoped3A_201 = tpu.sem_alloc : memref<!tpu.dma_semaphore, #tpu.memory_space<semaphore_mem>>
      %dma_start3A_202 = tpu.memref_slice %arg8[%mul3A_2] : memref<16384xf32, #tpu.memory_space<hbm>> -> memref<512xf32, #tpu.memory_space<hbm>>
      %dma_start3A_203 = tpu.memref_slice %arg8[%mul3A_2] : memref<16384xf32, #tpu.memory_space<hbm>> -> memref<512xf32, #tpu.memory_space<hbm>>
      tpu.enqueue_dma source(%arg15 : memref<512xf32, #tpu.memory_space<vmem>>) target(%dma_start3A_203 : memref<512xf32, #tpu.memory_space<hbm>>) target_semaphore(%run_scoped3A_201 : memref<!tpu.dma_semaphore, #tpu.memory_space<semaphore_mem>>)
      %dma_wait3A_204 = tpu.memref_slice %arg8[%mul3A_2] : memref<16384xf32, #tpu.memory_space<hbm>> -> memref<512xf32, #tpu.memory_space<hbm>>
      %dma_wait3A_205 = tpu.memref_slice %arg8[%mul3A_2] : memref<16384xf32, #tpu.memory_space<hbm>> -> memref<512xf32, #tpu.memory_space<hbm>>
      tpu.wait_dma2 semaphore(%run_scoped3A_201 : memref<!tpu.dma_semaphore, #tpu.memory_space<semaphore_mem>>) src(%arg15 : memref<512xf32, #tpu.memory_space<vmem>>) dst(%dma_wait3A_205 : memref<512xf32, #tpu.memory_space<hbm>>)
      tpu.yield
    }) : () -> ()
    return
  }
}

</mosaic_0001>

<sc_bundles>
// kernel: kernel.3.cloned.1.call-start
scs
__scs_entry_jumppad:
0x0: {  	(pc) =	sbr.rel $0x88, $3  }
0x1: {  	(tag) =	ssettag $0x0;
	lr =	simm.s32 $0x1  }
0x2: {  	[smem:$0x3F9D] =	sst lr;
	_ =	strace $0xD0000000  }
0x3: {  	_ = 	snop  }
0x4: {  	_ = 	snop  }
0x5: {  	_ = 	snop  }
0x6: {  	_ = 	snop  }
0x7: {  	_ = 	snop  }
__scs_overlays_trampoline_lowered:
0x8: {  	[smem:$0x3FAC] =	sst s0  }
0x9: {  	[smem:$0x3FAD] =	sst s1  }
0xa: {  	[smem:$0x3FAE] =	sst s2  }
0xb: {  	[smem:$0x3FAF] =	sst s3  }
0xc: {  	[smem:$0x3FB0] =	sst s4  }
0xd: {  	[smem:$0x3FB1] =	sst s5  }
0xe: {  	[smem:$0x3FB2] =	sst s6  }
0xf: {  	[smem:$0x3FB3] =	sst s7  }
0x10: {  	[smem:$0x3FB4] =	sst s8  }
0x11: {  	[smem:$0x3FB5] =	sst s9;
	s0 =	simm.s32 @!p0 $0x0  }
0x12: {  	s1 =	sld [smem:$0x3F9B];
	s0 =	simm.s32 @p0 $0x1  }
0x13: {  	[smem:$0x3FB6] =	sst s0;
	s0 =	simm.s32 @!p1 $0x0  }
0x14: {  	s2 =	sld [smem:$0x3F9A];
	s0 =	simm.s32 @p1 $0x1  }
0x15: {  	[smem:$0x3FB7] =	sst s0;
	s0 =	simm.s32 @!p2 $0x0  }
0x16: {  	s3 =	sld [smem:$0x3FDB];
	s0 =	simm.s32 @p2 $0x1  }
0x17: {  	s4 =	simm.s32 $0x1BF5;
	[smem:$0x3FB9] =	sst s0  }
0x18: {  	s0 =	sld [smem:$0x3F9C];
	_ =	swait.ge [sflag:s4], $0x0  }
0x19: {  	s7 =	sld [smem:$0x3F9D]  }
0x1a: {  	s8 =	sadd.s32 $0xFFFFE003, lr  }
0x1b: {  	s9 =	sadd.s32 $0xFFFFFEF7, lr;
	s5 =	simm.s32 $0xFFFFFFFF;
	p2 =	slt.u32 s8, $0xFFFFF086  }
0x1c: {  	p1 =	slt.u32 s9, $0xF7A;
	s5 =	simm.s32 @!p2 $0x0  }
0x1d: {  	s5 =	simm.s32 @p1 $0x1;
	p0 =	seq.s32 s7, s2  }
0x1e: {  	s7 =	smul.u32 @!p0 $0xF7A, s2;
	p2 =	seq.s32 @!p0 s5, $0x0  }
0x1f: {  	s9 =	smul.u32 $0xF7A, s1;
	s8 =	simm.s32 @!p0 $0x1BF5;
	p2 =	por !p2, p0  }
0x20: {  	[sflag:s8] =	ssyncset.s32 @!p0 $0xFFFFF086;
	s6 =	sadd.s32 @!p0 s3, s7;
	s7 =	simm.s32 @!p0 $0x108  }
0x21: {  	s3 =	sadd.s32 s3, s9;
	s6 =	sadd.s32 @!p0 $0x88, s6;
	s7 =	simm.s32 @p2 $0x1082  }
0x22: {  	[simem:s7], [sflag:s8] =	dma.local @!p0 [hbm:s6], $0xF7A  }
0x23: {  	s9 =	sor.u32 $0xD0000000, s2;
	s6 =	simm.s32 $0x108;
	_ =	swait.ge @!p0 [sflag:s8], $0x0  }
0x24: {  	s3 =	sadd.s32 $0x88, s3;
	s6 =	simm.s32 @!p1 $0x1082;
	[sflag:s4] =	ssyncset.s32 $0xFFFFF086  }
0x25: {  	[simem:s6], [sflag:s4] =	dma.local [hbm:s3], $0xF7A  }
0x26: {  	[smem:$0x3F9D] =	sst s1;
	(tag) =	ssettag s2;
	_ =	strace s9  }
0x27: {  	s1 =	sld [smem:$0x3FAD]  }
0x28: {  	s2 =	sld [smem:$0x3FAE]  }
0x29: {  	s4 =	sld [smem:$0x3FB0]  }
0x2a: {  	p0 =	seq.s32 s5, $0x0;
	s5 =	sld [smem:$0x3FB1]  }
0x2b: {  	s6 =	sld [smem:$0x3FB2]  }
0x2c: {  	s7 =	sld [smem:$0x3FB3]  }
0x2d: {  	s3 =	simm.s32 $0x108;
	s8 =	sld [smem:$0x3FB4]  }
0x2e: {  	s3 =	simm.s32 @!p0 $0x1082;
	s9 =	sld [smem:$0x3FB5]  }
0x2f: {  	lr =	sadd.s32 s0, s3;
	s0 =	sld [smem:$0x3FAC]  }
0x30: {  	s3 =	sld [smem:$0x3FAF]  }
0x31: {  	[smem:$0x3FB8] =	sst s10  }
0x32: {  	s10 =	sld [smem:$0x3FB6];
	_ =	sdelay $0x3  }
0x33: {  	p0 =	seq.s32 s10, $0x1;
	s10 =	sld [smem:$0x3FB8];
	_ =	sdelay $0x3  }
0x34: {  	[smem:$0x3FB8] =	sst s10  }
0x35: {  	s10 =	sld [smem:$0x3FB7];
	_ =	sdelay $0x3  }
0x36: {  	p1 =	seq.s32 s10, $0x1;
	s10 =	sld [smem:$0x3FB8];
	_ =	sdelay $0x3  }
0x37: {  	[smem:$0x3FB8] =	sst s10  }
0x38: {  	s10 =	sld [smem:$0x3FB9]  }
0x39: {  	_ = 	snop;
	(pc) =	sbr.ind lr, $3  }
0x3a: {  	_ = 	snop  }
0x3b: {  	_ = 	snop  }
0x3c: {  	p2 =	seq.s32 s10, $0x1;
	s10 =	sld [smem:$0x3FB8]  }
0x3d: {  	_ =	shalt  }
0x3e: {  	_ =	shalt  }
0x3f: {  	_ =	shalt  }
0x40: {  	_ =	shalt  }
0x41: {  	_ =	shalt  }
0x42: {  	_ =	shalt  }
0x43: {  	_ =	shalt  }
0x44: {  	_ =	shalt  }
0x45: {  	_ =	shalt  }
0x46: {  	_ =	shalt  }
0x47: {  	_ =	shalt  }
0x48: {  	_ =	shalt  }
0x49: {  	_ =	shalt  }
0x4a: {  	_ =	shalt  }
0x4b: {  	_ =	shalt  }
0x4c: {  	_ =	shalt  }
0x4d: {  	_ =	shalt  }
0x4e: {  	_ =	shalt  }
0x4f: {  	_ =	shalt  }
0x50: {  	_ =	shalt  }
0x51: {  	_ =	shalt  }
0x52: {  	_ =	shalt  }
0x53: {  	_ =	shalt  }
0x54: {  	_ =	shalt  }
0x55: {  	_ =	shalt  }
0x56: {  	_ =	shalt  }
0x57: {  	_ =	shalt  }
0x58: {  	_ =	shalt  }
0x59: {  	_ =	shalt  }
0x5a: {  	_ =	shalt  }
0x5b: {  	_ =	shalt  }
0x5c: {  	_ =	shalt  }
0x5d: {  	_ =	shalt  }
0x5e: {  	_ =	shalt  }
0x5f: {  	_ =	shalt  }
0x60: {  	_ =	shalt  }
0x61: {  	_ =	shalt  }
0x62: {  	_ =	shalt  }
0x63: {  	_ =	shalt  }
0x64: {  	_ =	shalt  }
0x65: {  	_ =	shalt  }
0x66: {  	_ =	shalt  }
0x67: {  	_ =	shalt  }
0x68: {  	_ =	shalt  }
0x69: {  	_ =	shalt  }
0x6a: {  	_ =	shalt  }
0x6b: {  	_ =	shalt  }
0x6c: {  	_ =	shalt  }
0x6d: {  	_ =	shalt  }
0x6e: {  	_ =	shalt  }
0x6f: {  	_ =	shalt  }
0x70: {  	_ =	shalt  }
0x71: {  	_ =	shalt  }
0x72: {  	_ =	shalt  }
0x73: {  	_ =	shalt  }
0x74: {  	_ =	shalt  }
0x75: {  	_ =	shalt  }
0x76: {  	_ =	shalt  }
0x77: {  	_ =	shalt  }
0x78: {  	_ =	shalt  }
0x79: {  	_ =	shalt  }
0x7a: {  	_ =	shalt  }
0x7b: {  	_ =	shalt  }
0x7c: {  	_ =	shalt  }
0x7d: {  	_ =	shalt  }
0x7e: {  	_ =	shalt  }
0x7f: {  	_ =	shalt  }
0x80: {  	_ =	shalt  }
0x81: {  	_ =	shalt  }
0x82: {  	_ =	shalt  }
0x83: {  	_ =	shalt  }
0x84: {  	_ =	shalt  }
0x85: {  	_ =	shalt  }
0x86: {  	_ =	shalt  }
0x87: {  	_ =	shalt  }
.Lfunc_end0:
.L_simem_size_0:
called_computation_lowered:
.L_overlay_start_0:
0x88: {  	s2 =	sld [smem:$0x3FD9]  }
0x89: {  	s3 =	sld [smem:$0x3FFE];
	_ =	sdelay $0x1  }
0x8a: {  	s1 =	srdreg.scid  }
0x8b: {  	s0 =	sand.u32 $0x1, s1  }
0x8c: {  	s17 =	sshll.u32 s0, $0xA;
	s2 =	sadd.s32 s3, s2  }
0x8d: {  	s2 =	sadd.s32 s2, s17  }
0x8e: {  	[smem:$0x3FC4] =	sst s2  }
0x8f: {  	_ = 	snop  }
0x90: {  	s2 =	sld [smem:$0x3FC9]  }
0x91: {  	s18 =	sld [smem:$0x3FC8]  }
0x92: {  	s4 =	sld [smem:$0x3FD0];
	(tm) =	ssettm $0x1  }
0x93: {  	s5 =	sld [smem:$0x3FFB];
	_ =	sdelay $0x3  }
0x94: {  	_ =	strace s5  }
0x95: {  	s5 =	sld [smem:$0x3FFC];
	_ =	sdelay $0x3  }
0x96: {  	_ =	strace s5  }
0x97: {  	s5 =	sld [smem:$0x3FFD];
	_ =	sdelay $0x3  }
0x98: {  	_ =	strace s5  }
0x99: {  	_ =	strace $0x8FFFFFFF  }
0x9a: {  	s19 =	sld [smem:$0x3FDB];
	_ =	sdelay $0x1  }
0x9b: {  	s6 =	simm.s32 $_scs_section_size  }
0x9c: {  	s7 =	simm.s32 $_size__tile_overlayer_lowered;
	s8 =	simm.s32 $_tile_overlayer_lowered  }
0x9d: {  	s22 =	simm.s32 $0x1BFF;
	s21 =	sshll.u32 s8, $0x1;
	s5 =	sadd.s32 s6, s19  }
0x9e: {  	s9 =	simm.s32 $0x0;
	s20 =	sshll.u32 s7, $0x1;
	s7 =	sadd.s32 s21, s5  }
0x9f: {  	[timem:s9], [sflag:s22] =	dma.local [hbm:s7], s20  }
0xa0: {  	_ =	swait.ge [sflag:s22], s20  }
0xa1: {  	s6 =	ssub.s32 $0x0, s20;
	[sflag:s22] =	ssyncset.done $0x0  }
0xa2: {  	[sflag:s22] =	ssyncadd.s32 s6;
	_ =	sdelay $0x1  }
0xa3: {  	s23 =	simm.s32 $0x1B8B  }
0xa4: {  	_ =	swait.ge [sflag:s23], $0x1  }
0xa5: {  	[sflag:s23] =	ssyncset.done $0x0  }
0xa6: {  	s25 =	simm.s32 $0x1B8E;
	s24 =	sld [smem:$0x3FFE];
	[sflag:s23] =	ssyncadd.s32 $0xFFFFFFFF  }
0xa7: {  	s26 =	simm.s32 $execute0_lowered;
	[smem:$0x3FD2] =	sst s25  }
0xa8: {  	s7 =	sshll.u32 s26, $0x1;
	_ =	strace $0x80000046;
	[dreg:$0x1] =	wrdreg $0xFFFFFFFF  }
0xa9: {  	s28 =	simm.s32 $_size_execute0_lowered;
	s5 =	sadd.s32 s5, s7;
	[dreg:$0x0] =	wrdreg $0x0  }
0xaa: {  	s7 =	sshll.u32 s28, $0x1;
	[dreg:$0x2] =	wrdreg s5  }
0xab: {  	[dreg:$0x3] =	wrdreg s7  }
0xac: {  	[dreg:$0x4] =	wrdreg $0xC0  }
0xad: {  	_ =	task [dreg:s9], $0x5FFFF  }
0xae: {  	[dreg:$0x1] =	wrdreg $0xFFFFFFFF  }
0xaf: {  	[dreg:$0x0] =	wrdreg $0x60  }
0xb0: {  	[dreg:$0x2] =	wrdreg s2  }
0xb1: {  	[dreg:$0x3] =	wrdreg s18  }
0xb2: {  	[dreg:$0x4] =	wrdreg s24  }
0xb3: {  	[dreg:$0x5] =	wrdreg s4  }
0xb4: {  	[dreg:$0x6] =	wrdreg $0x9  }
0xb5: {  	_ =	task.clear_ibuf [dreg:s9], $0x7FFFF;
	_ =	strace $0x90000046  }
0xb6: {  	s29 =	simm.s32 $0x9;
	_ =	strace $0x80000048  }
0xb7: {  	_ =	swait.ge [sflag:s29], $0x1  }
0xb8: {  	[sflag:s29] =	ssyncadd.s32 $0xFFFFFFFF  }
0xb9: {  	_ =	strace $0x90000048  }
0xba: {  	_ =	sfence  }
0xbb: {  	s30 =	sld [smem:$0x0];
	_ =	sdelay $0x2  }
0xbc: {  	s31 =	sshll.u32 s1, $0xD;
	s1 =	sshrl.u32 s1, $0x2  }
0xbd: {  	s3 =	sand.u32 $0x4000, s31;
	s1 =	sadd.s32 s1, s30  }
0xbe: {  	s0 =	sor.u32 s3, s0;
	s1 =	sshll.u32 s1, $0x11  }
0xbf: {  	s0 =	sor.u32 s1, s0  }
0xc0: {  	s0 =	sadd.s32 $0x8F2B, s0  }
0xc1: {  	[sflag:s0] =	ssyncadd.remote.s32 $0x1  }
0xc2: {  	_ =	sfence.sel $0xFFFF  }
0xc3: {  	[dreg:$0x0] =	wrdreg $0xFFFFFFFF;
	(pc) =	sbr.abs _section_cstart, $3  }
0xc4: {  	[dreg:$0x1] =	wrdreg $0xFFFFFFFF  }
0xc5: {  	_ =	task.clear_ibuf [dreg:s9], $0x2FFFF;
	_ =	strace $0x9FFFFFFF  }
0xc6: {  	(tm) =	ssettm $0x7FFFFFFF  }
0xc7: {  	_ =	shalt  }
tec
execute0_lowered:
.L_overlay_start_1:
0x0: {  	(tag) =	ssettag $0x1  }
0x1: {  	s12 =	rddreg [dreg:$0x0]  }
0x2: {  	s13 =	rddreg [dreg:$0x1]  }
0x3: {  	s4 =	rddreg [dreg:$0x2]  }
0x4: {  	s14 =	rddreg [dreg:$0x3]  }
0x5: {  	s0 =	rddreg [dreg:$0x4];
	s3 =	srdreg.scid  }
0x6: {  	s2 =	simm.s32 $0x0;
	s1 =	stileid.u32;
	s18 =	simm.s32 $0x80  }
0x7: {  	s19 =	simm.s32 $0x180;
	s20 =	simm.s32 $0x600;
	s21 =	simm.s32 $0x8600  }
0x8: {  	s22 =	simm.s32 $0x4600;
	s23 =	simm.s32 $0xC600;
	s24 =	simm.s32 $0x1  }
0x9: {  	s25 =	simm.s32 $0x10600;
	s26 =	simm.s32 $0x0;
	s3 =	sand.u32 $0x1, s3  }
0xa: {  	[smem:$0x7FF] =	sst s2;
	s5 =	sshll.u32 s1, $0x7;
	s6 =	sshll.u32 s3, $0x6  }
0xb: {  	_ =	strace $0x80000047;
	s31 =	ssub.s32 $0x2, s3;
	s15 =	sor.u32 s6, s5  }
0xc: {  	s3 =	sadd.s32 $0x10C9400, s4;
	s7 =	sshrl.u32 s31, $0x1;
	s6 =	sadd.s32 s15, s4  }
0xd: {  	s4 =	sadd.s32 $0x600, s4;
	s16 =	ssub.s32 s31, s7;
	s7 =	sadd.s32 s13, s15  }
0xe: {  	s9 =	sor.u32 $0x10, s15;
	s11 =	sor.u32 $0x20, s15;
	s17 =	sor.u32 $0x30, s15  }
0xf: {  	v0 =	vlaneseq.u32;
	s14 =	sadd.s32 s14, s15;
	s5 =	sadd.s32 $0x187000, s6;
	s6 =	sadd.s32 s12, s15  }
0x10: {  	v1 =	vmul.u32 $0x80, v0;
	s8 =	sadd.s32 s12, s9;
	s9 =	sadd.s32 s13, s9;
	s10 =	sadd.s32 s12, s11  }
0x11: {  	s11 =	sadd.s32 s13, s11;
	s12 =	sadd.s32 s12, s17;
	s13 =	sadd.s32 s13, s17  }
0x12: {  	[tilespmem:$0x1FFF0] =	vst v1;
	s15 =	smax.u32 s16, $0x1;
	s16 =	simm.s32 $0x2;
	s17 =	simm.s32 $0x100  }
.LBB2_1:
0x13: {  	s29 =	simm.s32 $0x200  }
0x14: {  	[tilespmem:s29], [sflag:$0x2] =	stream.linear.gather [hbm4b:s5+s2], $0x200, $0x38;
	[tilespmem:$0x10800] =	vst v63  }
0x15: {  	_ =	swait.ge [sflag:s16], $0x200  }
0x16: {  	[sflag:s16] =	ssyncset.done $0x0  }
0x17: {  	s28 =	simm.s32 $0x400;
	[sflag:s16] =	ssyncadd.s32 $0xFFFFFE00  }
0x18: {  	[tilespmem:s28], [sflag:$0x2] =	stream.linear.gather [hbm4b:s5+s2], $0x200, $0x38;
	[tilespmem:$0x10800] =	vst v63  }
0x19: {  	_ =	swait.ge [sflag:s16], $0x200  }
0x1a: {  	[sflag:s16] =	ssyncset.done $0x0  }
0x1b: {  	[sflag:s16] =	ssyncadd.s32 $0xFFFFFE00  }
0x1c: {  	[tilespmem:s2], [sflag:$0x2] =	stream.linear.gather [hbm4b:s6+s2], $0x80, $0x38;
	[tilespmem:$0x10800] =	vst v63  }
0x1d: {  	_ =	swait.ge [sflag:s16], $0x80  }
0x1e: {  	[sflag:s16] =	ssyncset.done $0x0  }
0x1f: {  	[sflag:s16] =	ssyncadd.s32 $0xFFFFFF80  }
0x20: {  	[tilespmem:s17], [sflag:$0x2] =	stream.linear.gather [hbm4b:s7+s2], $0x80, $0x38;
	[tilespmem:$0x10800] =	vst v63  }
0x21: {  	_ =	swait.ge [sflag:s16], $0x80  }
0x22: {  	[sflag:s16] =	ssyncset.done $0x0  }
0x23: {  	[sflag:s16] =	ssyncadd.s32 $0xFFFFFF80  }
0x24: {  	[tilespmem:s18], [sflag:$0x2] =	stream.linear.gather [hbm4b:s8+s2], $0x80, $0x38;
	[tilespmem:$0x10800] =	vst v63  }
0x25: {  	_ =	swait.ge [sflag:s16], $0x80  }
0x26: {  	[sflag:s16] =	ssyncset.done $0x0  }
0x27: {  	[sflag:s16] =	ssyncadd.s32 $0xFFFFFF80  }
0x28: {  	[tilespmem:s19], [sflag:$0x2] =	stream.linear.gather [hbm4b:s9+s2], $0x80, $0x38;
	[tilespmem:$0x10800] =	vst v63  }
0x29: {  	_ =	swait.ge [sflag:s16], $0x80  }
0x2a: {  	[sflag:s16] =	ssyncset.done $0x0  }
0x2b: {  	[sflag:s16] =	ssyncadd.s32 $0xFFFFFF80  }
0x2c: {  	[tilespmem:s20], [sflag:$0x1] =	stream.indirect.gather [hbm4b:s3+s18], $0x80, s2, s18, $0xb8;
	[tilespmem:$0x10800] =	vst v63  }
0x2d: {  	_ = 	snop  }
0x2e: {  	[tilespmem:s21], [sflag:$0x1] =	stream.indirect.gather [hbm4b:s4+s18], $0x80, s17, s18, $0xb8;
	[tilespmem:$0x10800] =	vst v63  }
0x2f: {  	_ = 	snop  }
0x30: {  	[tilespmem:s22], [sflag:$0x1] =	stream.indirect.gather [hbm4b:s3+s18], $0x80, s18, s18, $0xb8;
	[tilespmem:$0x10800] =	vst v63  }
0x31: {  	_ = 	snop  }
0x32: {  	[tilespmem:s23], [sflag:$0x1] =	stream.indirect.gather [hbm4b:s4+s18], $0x80, s19, s18, $0xb8;
	[tilespmem:$0x10800] =	vst v63  }
0x33: {  	_ =	swait.ge [sflag:s24], $0x4000  }
0x34: {  	[sflag:s24] =	ssyncset.done $0x0  }
0x35: {  	[sflag:s24] =	ssyncadd.s32 $0xFFFFC000  }
0x36: {  	_ =	swait.ge [sflag:s24], $0x4000  }
0x37: {  	[sflag:s24] =	ssyncset.done $0x0  }
0x38: {  	[sflag:s24] =	ssyncadd.s32 $0xFFFFC000  }
0x39: {  	_ =	swait.ge [sflag:s24], $0x4000  }
0x3a: {  	[sflag:s24] =	ssyncset.done $0x0  }
0x3b: {  	[sflag:s24] =	ssyncadd.s32 $0xFFFFC000  }
0x3c: {  	_ =	swait.ge [sflag:s24], $0x4000  }
0x3d: {  	[sflag:s24] =	ssyncset.done $0x0  }
0x3e: {  	[sflag:s24] =	ssyncadd.s32 $0xFFFFC000  }
0x3f: {  	v31 =	vld [tilespmem:s29+$0x0];
	_ =	sdelay $0x2  }
0x40: {  	v0 =	vmov s2  }
0x41: {  	v0 =	vshll.u32 v0, $0x7  }
0x42: {  	v1 =	vor.u32 v1, v0;
	v0 =	vadd.s32 $0x3B, v31;
	v2 =	vadd.s32 $0x3C, v31  }
0x43: {  	v3 =	vadd.s32 $0x3D, v31;
	v4 =	vadd.s32 $0x38, v31;
	v5 =	vadd.s32 $0x39, v31  }
0x44: {  	v6 =	vadd.s32 $0x3A, v31;
	v7 =	vadd.s32 $0x35, v31;
	v8 =	vadd.s32 $0x36, v31  }
0x45: {  	v9 =	vadd.s32 $0x37, v31;
	v10 =	vadd.s32 $0x32, v31;
	v11 =	vadd.s32 $0x33, v31  }
0x46: {  	v12 =	vadd.s32 $0x34, v31;
	v13 =	vadd.s32 $0x2F, v31;
	v14 =	vadd.s32 $0x30, v31  }
0x47: {  	v15 =	vadd.s32 $0x31, v31;
	v16 =	vadd.s32 $0x2C, v31;
	v17 =	vadd.s32 $0x2D, v31  }
0x48: {  	v19 =	vadd.s32 $0x2E, v31;
	v20 =	vadd.s32 $0x29, v31;
	v21 =	vadd.s32 $0x2A, v31  }
0x49: {  	v23 =	vadd.s32 $0x2B, v31;
	v24 =	vadd.s32 $0x26, v31;
	v27 =	vadd.s32 $0x27, v31  }
0x4a: {  	v54 =	vadd.s32 $0x28, v31;
	v22 =	vadd.s32 $0x23, v31;
	v55 =	vadd.s32 $0x24, v31  }
0x4b: {  	v56 =	vadd.s32 $0x25, v31;
	v25 =	vadd.s32 $0x20, v31;
	v26 =	vadd.s32 $0x21, v31  }
0x4c: {  	v57 =	vadd.s32 $0x22, v31;
	v28 =	vadd.s32 $0x1D, v31;
	v29 =	vadd.s32 $0x1E, v31  }
0x4d: {  	v30 =	vadd.s32 $0x1F, v31;
	v32 =	vadd.s32 $0x1A, v31;
	v33 =	vadd.s32 $0x1B, v31  }
0x4e: {  	v34 =	vadd.s32 $0x1C, v31;
	v38 =	vadd.s32 $0x17, v31;
	v39 =	vadd.s32 $0x18, v31  }
0x4f: {  	v40 =	vadd.s32 $0x19, v31;
	v45 =	vadd.s32 $0x15, v31;
	v46 =	vadd.s32 $0x16, v31  }
0x50: {  	v50 =	vadd.s32 $0x11, v31;
	v51 =	vadd.s32 $0x12, v31;
	v44 =	vadd.s32 $0x13, v31  }
0x51: {  	v42 =	vadd.s32 $0xE, v31;
	v47 =	vadd.s32 $0xF, v31;
	v52 =	vadd.s32 $0x10, v31  }
0x52: {  	v41 =	vadd.s32 $0xC, v31;
	v48 =	vadd.s32 $0xD, v31;
	v49 =	vadd.s32 $0x9, v31  }
0x53: {  	v18 =	vadd.s32 $0xA, v31;
	v37 =	vadd.s32 $0x2, v31;
	v35 =	vadd.s32 $0x3, v31  }
0x54: {  	v36 =	vadd.s32 $0x4, v31;
	v43 =	vand.u32 $0xFFFFFF80, v31;
	v58 =	vand.u32 $0x7F, v31  }
0x55: {  	v53 =	vadd.s32 $0x1, v31;
	v59 =	vand.u32 $0xFFFFFF80, v3;
	v60 =	vand.u32 $0x7F, v3  }
0x56: {  	v61 =	vand.u32 $0x7F, v0;
	v3 =	vand.u32 $0xFFFFFF80, v2;
	v2 =	vand.u32 $0x7F, v2  }
0x57: {  	v62 =	vand.u32 $0xFFFFFF80, v6;
	v6 =	vand.u32 $0x7F, v6;
	v43 =	vadd.s32 v1, v43  }
0x58: {  	v63 =	vand.u32 $0xFFFFFF80, v0;
	v0 =	vand.u32 $0x7F, v4;
	v4 =	vand.u32 $0xFFFFFF80, v4  }
0x59: {  	v43 =	vor.u32 v58, v43;
	v58 =	vand.u32 $0xFFFFFF80, v5;
	v5 =	vand.u32 $0x7F, v5  }
0x5a: {  	v3 =	vadd.s32 v1, v3;
	v59 =	vadd.s32 v1, v59;
	v4 =	vadd.s32 v1, v4  }
0x5b: {  	v2 =	vor.u32 v2, v3;
	v58 =	vadd.s32 v1, v58;
	v3 =	vor.u32 v60, v59  }
0x5c: {  	v60 =	vand.u32 $0xFFFFFF80, v8;
	v8 =	vand.u32 $0x7F, v8;
	[tilespmem:$0x1FC90] =	vst v2;
	v2 =	vand.u32 $0xFFFFFF80, v9  }
0x5d: {  	v9 =	vand.u32 $0x7F, v9;
	[tilespmem:$0x1FCA0] =	vst v3;
	v3 =	vand.u32 $0x7F, v7;
	v58 =	vor.u32 v5, v58  }
0x5e: {  	v5 =	vadd.s32 v1, v62;
	v62 =	vand.u32 $0xFFFFFF80, v12;
	v12 =	vand.u32 $0x7F, v12  }
0x5f: {  	v59 =	vor.u32 v6, v5;
	v6 =	vand.u32 $0xFFFFFF80, v7;
	v7 =	vadd.s32 v1, v63  }
0x60: {  	v63 =	vadd.s32 v1, v60;
	v2 =	vadd.s32 v1, v2;
	v5 =	vor.u32 v0, v4  }
0x61: {  	v4 =	vand.u32 $0x7F, v13;
	v0 =	vand.u32 $0xFFFFFF80, v13;
	v60 =	vor.u32 v61, v7  }
0x62: {  	v61 =	vand.u32 $0x7F, v10;
	v8 =	vor.u32 v8, v63;
	v63 =	vand.u32 $0xFFFFFF80, v11  }
0x63: {  	v11 =	vand.u32 $0x7F, v11;
	v7 =	vor.u32 v9, v2;
	v2 =	vand.u32 $0xFFFFFF80, v15  }
0x64: {  	v15 =	vand.u32 $0x7F, v15;
	v9 =	vand.u32 $0xFFFFFF80, v10;
	v6 =	vadd.s32 v1, v6  }
0x65: {  	v0 =	vadd.s32 v1, v0;
	v10 =	vadd.s32 v1, v63;
	v63 =	vand.u32 $0xFFFFFF80, v14  }
0x66: {  	v14 =	vand.u32 $0x7F, v14;
	v3 =	vor.u32 v3, v6;
	v6 =	vand.u32 $0x7F, v16  }
0x67: {  	v2 =	vadd.s32 v1, v2;
	v9 =	vadd.s32 v1, v9;
	v11 =	vor.u32 v11, v10  }
0x68: {  	v10 =	vadd.s32 v1, v62;
	v62 =	vand.u32 $0xFFFFFF80, v19;
	v19 =	vand.u32 $0x7F, v19  }
0x69: {  	v13 =	vor.u32 v15, v2;
	v2 =	vand.u32 $0xFFFFFF80, v23;
	v23 =	vand.u32 $0x7F, v23  }
0x6a: {  	v10 =	vor.u32 v12, v10;
	v12 =	vadd.s32 v1, v63;
	v63 =	vand.u32 $0xFFFFFF80, v16  }
0x6b: {  	v16 =	vadd.s32 v1, v62;
	v62 =	vand.u32 $0xFFFFFF80, v20;
	v2 =	vadd.s32 v1, v2  }
0x6c: {  	v14 =	vor.u32 v14, v12;
	v12 =	vand.u32 $0xFFFFFF80, v17;
	v17 =	vand.u32 $0x7F, v17  }
0x6d: {  	v16 =	vor.u32 v19, v16;
	v15 =	vadd.s32 v1, v12;
	v12 =	vor.u32 v61, v9  }
0x6e: {  	v9 =	vand.u32 $0x7F, v20;
	v61 =	vand.u32 $0xFFFFFF80, v54;
	v54 =	vand.u32 $0x7F, v54  }
0x6f: {  	v20 =	vor.u32 v23, v2;
	v2 =	vand.u32 $0xFFFFFF80, v56;
	v56 =	vand.u32 $0x7F, v56  }
0x70: {  	v23 =	vadd.s32 v1, v63;
	v63 =	vand.u32 $0xFFFFFF80, v25;
	v17 =	vor.u32 v17, v15  }
0x71: {  	v15 =	vand.u32 $0xFFFFFF80, v21;
	v21 =	vand.u32 $0x7F, v21;
	v2 =	vadd.s32 v1, v2  }
0x72: {  	v19 =	vadd.s32 v1, v15;
	v15 =	vor.u32 v4, v0;
	v0 =	vand.u32 $0x7F, v24  }
0x73: {  	v4 =	vand.u32 $0xFFFFFF80, v27;
	v27 =	vand.u32 $0x7F, v27;
	v21 =	vor.u32 v21, v19  }
0x74: {  	v19 =	vand.u32 $0xFFFFFF80, v24;
	v24 =	vadd.s32 v1, v4;
	v4 =	vor.u32 v6, v23  }
0x75: {  	v6 =	vand.u32 $0x7F, v22;
	v23 =	vadd.s32 v1, v61;
	v61 =	vand.u32 $0xFFFFFF80, v22  }
0x76: {  	v22 =	vadd.s32 v1, v62;
	v62 =	vand.u32 $0x7F, v26;
	v24 =	vor.u32 v27, v24  }
0x77: {  	v27 =	vand.u32 $0xFFFFFF80, v55;
	v55 =	vand.u32 $0x7F, v55;
	v23 =	vor.u32 v54, v23  }
0x78: {  	v54 =	vand.u32 $0xFFFFFF80, v57;
	v57 =	vand.u32 $0x7F, v57;
	v22 =	vor.u32 v9, v22  }
0x79: {  	v9 =	vand.u32 $0x7F, v25;
	v19 =	vadd.s32 v1, v19;
	v27 =	vadd.s32 v1, v27  }
0x7a: {  	v25 =	vor.u32 v0, v19;
	v0 =	vand.u32 $0x7F, v28;
	v19 =	vand.u32 $0xFFFFFF80, v29  }
0x7b: {  	v27 =	vor.u32 v55, v27;
	v55 =	vand.u32 $0xFFFFFF80, v26;
	v26 =	vor.u32 v56, v2  }
0x7c: {  	v2 =	vand.u32 $0xFFFFFF80, v30;
	v56 =	vand.u32 $0x7F, v30;
	v19 =	vadd.s32 v1, v19  }
0x7d: {  	v30 =	vadd.s32 v1, v55;
	v55 =	vand.u32 $0x7F, v29;
	v29 =	vadd.s32 v1, v54  }
0x7e: {  	v54 =	vand.u32 $0xFFFFFF80, v34;
	v2 =	vadd.s32 v1, v2;
	v30 =	vor.u32 v62, v30  }
0x7f: {  	v29 =	vor.u32 v57, v29;
	v57 =	vand.u32 $0x7F, v34;
	v62 =	vand.u32 $0xFFFFFF80, v28  }
0x80: {  	v28 =	vadd.s32 v1, v61;
	v34 =	vor.u32 v55, v19;
	v19 =	vand.u32 $0xFFFFFF80, v33  }
0x81: {  	v55 =	vand.u32 $0x7F, v33;
	v33 =	vor.u32 v56, v2;
	v2 =	vand.u32 $0xFFFFFF80, v40  }
0x82: {  	v56 =	vand.u32 $0x7F, v40;
	v61 =	vand.u32 $0xFFFFFF80, v32;
	v40 =	vadd.s32 v1, v63  }
0x83: {  	v54 =	vadd.s32 v1, v54;
	v63 =	vand.u32 $0xFFFFFF80, v38;
	v28 =	vor.u32 v6, v28  }
0x84: {  	v6 =	vand.u32 $0x7F, v32;
	v19 =	vadd.s32 v1, v19;
	v32 =	vor.u32 v9, v40  }
0x85: {  	v9 =	vand.u32 $0x7F, v38;
	v2 =	vadd.s32 v1, v2;
	v61 =	vadd.s32 v1, v61  }
0x86: {  	v40 =	vor.u32 v55, v19;
	v19 =	vand.u32 $0xFFFFFF80, v39;
	v55 =	vand.u32 $0x7F, v39  }
0x87: {  	v39 =	vor.u32 v57, v54;
	v54 =	vand.u32 $0xFFFFFF80, v46;
	v57 =	vadd.s32 v1, v62  }
0x88: {  	v62 =	vand.u32 $0x7F, v46;
	v38 =	vor.u32 v0, v57;
	v0 =	vand.u32 $0xFFFFFF80, v45  }
0x89: {  	v57 =	vand.u32 $0x7F, v45;
	v19 =	vadd.s32 v1, v19;
	v45 =	vor.u32 v56, v2  }
0x8a: {  	v2 =	vand.u32 $0x7F, v50;
	v56 =	vand.u32 $0x7F, v51;
	v46 =	vor.u32 v55, v19  }
0x8b: {  	v19 =	vand.u32 $0xFFFFFF80, v44;
	v55 =	vand.u32 $0x7F, v44;
	v0 =	vadd.s32 v1, v0  }
0x8c: {  	v44 =	vor.u32 v6, v61;
	v6 =	vand.u32 $0xFFFFFF80, v51;
	v61 =	vand.u32 $0xFFFFFF80, v50  }
0x8d: {  	v50 =	vadd.s32 v1, v63;
	v63 =	vand.u32 $0x7F, v47;
	v51 =	vor.u32 v57, v0  }
0x8e: {  	v0 =	vand.u32 $0xFFFFFF80, v52;
	v57 =	vand.u32 $0x7F, v52;
	v52 =	vadd.s32 v1, v54  }
0x8f: {  	v6 =	vadd.s32 v1, v6;
	v50 =	vor.u32 v9, v50;
	v9 =	vand.u32 $0xFFFFFF80, v47  }
0x90: {  	v19 =	vadd.s32 v1, v19;
	v54 =	vand.u32 $0xFFFFFF80, v42;
	v52 =	vor.u32 v62, v52  }
0x91: {  	v62 =	vand.u32 $0x7F, v42;
	v47 =	vor.u32 v56, v6;
	v6 =	vand.u32 $0xFFFFFF80, v48  }
0x92: {  	v56 =	vand.u32 $0x7F, v48;
	v48 =	vadd.s32 v1, v9;
	v9 =	vor.u32 v55, v19  }
0x93: {  	v19 =	vand.u32 $0xFFFFFF80, v41;
	v55 =	vand.u32 $0x7F, v41;
	v41 =	vadd.s32 v1, v61  }
0x94: {  	v0 =	vadd.s32 v1, v0;
	v61 =	vand.u32 $0x7F, v18;
	v48 =	vor.u32 v63, v48  }
0x95: {  	v63 =	vand.u32 $0xFFFFFF80, v18;
	v42 =	vor.u32 v57, v0;
	v41 =	vor.u32 v2, v41  }
0x96: {  	v18 =	vld [tilespmem:s28+$0x0];
	v0 =	vand.u32 $0xFFFFFF80, v49;
	v2 =	vand.u32 $0x7F, v49;
	v19 =	vadd.s32 v1, v19  }
0x97: {  	v57 =	vand.u32 $0x7F, v53;
	v49 =	vadd.s32 v1, v54;
	v6 =	vadd.s32 v1, v6  }
0x98: {  	v54 =	vand.u32 $0x7F, v37;
	v37 =	vand.u32 $0xFFFFFF80, v37;
	v55 =	vor.u32 v55, v19  }
0x99: {  	v19 =	vand.u32 $0xFFFFFF80, v53;
	v0 =	vadd.s32 v1, v0;
	v53 =	vor.u32 v56, v6  }
0x9a: {  	v49 =	vor.u32 v62, v49;
	v62 =	vadd.s32 v1, v37;
	v19 =	vadd.s32 v1, v19  }
0x9b: {  	v56 =	vor.u32 v2, v0;
	v0 =	vor.u32 v57, v19;
	v2 =	vand.u32 $0xFFFFFF80, v18  }
0x9c: {  	v6 =	vand.u32 $0x7F, v18;
	v19 =	vadd.s32 $0x1, v18;
	v2 =	vadd.s32 v1, v2  }
0x9d: {  	v54 =	vor.u32 v54, v62;
	v2 =	vor.u32 v6, v2;
	v6 =	vand.u32 $0xFFFFFF80, v19  }
0x9e: {  	v57 =	vadd.s32 v1, v63;
	v19 =	vand.u32 $0x7F, v19;
	v6 =	vadd.s32 v1, v6  }
0x9f: {  	v63 =	vand.u32 $0xFFFFFF80, v35;
	v6 =	vor.u32 v19, v6;
	v19 =	vadd.s32 $0x2, v18  }
0xa0: {  	v35 =	vand.u32 $0x7F, v35;
	v37 =	vor.u32 v61, v57;
	v61 =	vand.u32 $0xFFFFFF80, v19  }
0xa1: {  	v43 =	vld.idx.msk [tilespmem:v43+s20+$0x0], $0xffff;
	v19 =	vand.u32 $0x7F, v19;
	v57 =	vadd.s32 v1, v61;
	v61 =	vand.u32 $0xFFFFFF80, v36  }
0xa2: {  	v0 =	vld.idx.msk [tilespmem:v0+s20+$0x0], $0xffff;
	v36 =	vand.u32 $0x7F, v36;
	v19 =	vor.u32 v19, v57;
	v57 =	vadd.s32 v1, v63  }
0xa3: {  	v2 =	vld.idx.msk [tilespmem:v2+s21+$0x0], $0xffff;
	v61 =	vadd.s32 v1, v61;
	v35 =	vor.u32 v35, v57;
	v57 =	vadd.s32 $0x3, v18  }
0xa4: {  	v62 =	vadd.s32 $0x4, v18;
	v36 =	vor.u32 v36, v61;
	v6 =	vld.idx.msk [tilespmem:v6+s21+$0x0], $0xffff;
	v61 =	vand.u32 $0xFFFFFF80, v57  }
0xa5: {  	v63 =	vand.u32 $0xFFFFFF80, v62;
	v57 =	vand.u32 $0x7F, v57;
	v61 =	vadd.s32 v1, v61  }
0xa6: {  	v57 =	vor.u32 v57, v61;
	v61 =	vand.u32 $0x7F, v62;
	v62 =	vadd.s32 v1, v63  }
0xa7: {  	v54 =	vld.idx.msk [tilespmem:v54+s20+$0x0], $0xffff;
	v61 =	vor.u32 v61, v62  }
0xa8: {  	v2 =	vmul.f32 v2, v43;
	v43 =	vadd.s32 $0x5, v31;
	v19 =	vld.idx.msk [tilespmem:v19+s21+$0x0], $0xffff;
	v62 =	vadd.s32 $0x5, v18  }
0xa9: {  	v0 =	vmul.f32 v6, v0;
	v6 =	vand.u32 $0x7F, v43;
	v43 =	vand.u32 $0xFFFFFF80, v43  }
0xaa: {  	v63 =	vand.u32 $0xFFFFFF80, v62;
	v2 =	vadd.f32 $0.0e+00, v2;
	v43 =	vadd.s32 v1, v43  }
0xab: {  	v62 =	vand.u32 $0x7F, v62;
	v35 =	vld.idx.msk [tilespmem:v35+s20+$0x0], $0xffff;
	v63 =	vadd.s32 v1, v63;
	v6 =	vor.u32 v6, v43  }
0xac: {  	v43 =	vor.u32 v62, v63;
	v57 =	vld.idx.msk [tilespmem:v57+s21+$0x0], $0xffff;
	v0 =	vadd.f32 v0, v2;
	v2 =	vadd.s32 $0x6, v31  }
0xad: {  	v36 =	vld.idx.msk [tilespmem:v36+s20+$0x0], $0xffff;
	v19 =	vmul.f32 v19, v54;
	v54 =	vadd.s32 $0x6, v18;
	v62 =	vand.u32 $0xFFFFFF80, v2  }
0xae: {  	v2 =	vand.u32 $0x7F, v2;
	v61 =	vld.idx.msk [tilespmem:v61+s21+$0x0], $0xffff;
	v63 =	vand.u32 $0xFFFFFF80, v54;
	v62 =	vadd.s32 v1, v62  }
0xaf: {  	v54 =	vand.u32 $0x7F, v54;
	v63 =	vadd.s32 v1, v63;
	v2 =	vor.u32 v2, v62  }
0xb0: {  	v0 =	vadd.f32 v19, v0;
	v19 =	vadd.s32 $0x7, v31;
	v54 =	vor.u32 v54, v63  }
0xb1: {  	v62 =	vand.u32 $0xFFFFFF80, v19;
	v35 =	vmul.f32 v57, v35;
	v57 =	vadd.s32 $0x7, v18  }
0xb2: {  	v19 =	vand.u32 $0x7F, v19;
	v62 =	vadd.s32 v1, v62;
	v6 =	vld.idx.msk [tilespmem:v6+s20+$0x0], $0xffff;
	v63 =	vand.u32 $0xFFFFFF80, v57  }
0xb3: {  	v43 =	vld.idx.msk [tilespmem:v43+s21+$0x0], $0xffff;
	v57 =	vand.u32 $0x7F, v57;
	v19 =	vor.u32 v19, v62;
	v36 =	vmul.f32 v61, v36  }
0xb4: {  	v63 =	vadd.s32 v1, v63;
	v0 =	vadd.f32 v35, v0;
	v35 =	vadd.s32 $0x8, v31  }
0xb5: {  	v61 =	vadd.s32 $0x8, v18;
	v57 =	vor.u32 v57, v63;
	v62 =	vand.u32 $0x7F, v35  }
0xb6: {  	v35 =	vand.u32 $0xFFFFFF80, v35;
	v63 =	vand.u32 $0xFFFFFF80, v61;
	v61 =	vand.u32 $0x7F, v61  }
0xb7: {  	v2 =	vld.idx.msk [tilespmem:v2+s20+$0x0], $0xffff;
	v35 =	vadd.s32 v1, v35;
	v63 =	vadd.s32 v1, v63;
	v0 =	vadd.f32 v36, v0  }
0xb8: {  	v54 =	vld.idx.msk [tilespmem:v54+s21+$0x0], $0xffff;
	v36 =	vadd.s32 $0xB, v31;
	v35 =	vor.u32 v62, v35;
	v6 =	vmul.f32 v43, v6  }
0xb9: {  	v43 =	vadd.s32 $0x9, v18;
	v62 =	vand.u32 $0x7F, v36;
	v36 =	vand.u32 $0xFFFFFF80, v36  }
0xba: {  	v61 =	vor.u32 v61, v63;
	v63 =	vand.u32 $0xFFFFFF80, v43;
	v36 =	vadd.s32 v1, v36  }
0xbb: {  	v43 =	vand.u32 $0x7F, v43;
	v19 =	vld.idx.msk [tilespmem:v19+s20+$0x0], $0xffff;
	v63 =	vadd.s32 v1, v63;
	v36 =	vor.u32 v62, v36  }
0xbc: {  	v0 =	vadd.f32 v6, v0;
	v6 =	vadd.s32 $0xB, v18;
	v43 =	vor.u32 v43, v63;
	v57 =	vld.idx.msk [tilespmem:v57+s21+$0x0], $0xffff  }
0xbd: {  	v63 =	vand.u32 $0xFFFFFF80, v6;
	v2 =	vmul.f32 v54, v2;
	v54 =	vadd.s32 $0xA, v18  }
0xbe: {  	v6 =	vand.u32 $0x7F, v6;
	v63 =	vadd.s32 v1, v63;
	v62 =	vand.u32 $0xFFFFFF80, v54;
	v35 =	vld.idx.msk [tilespmem:v35+s20+$0x0], $0xffff  }
0xbf: {  	v54 =	vand.u32 $0x7F, v54;
	v6 =	vor.u32 v6, v63;
	v61 =	vld.idx.msk [tilespmem:v61+s21+$0x0], $0xffff;
	v62 =	vadd.s32 v1, v62  }
0xc0: {  	v0 =	vadd.f32 v2, v0;
	v2 =	vadd.s32 $0xD, v18;
	v54 =	vor.u32 v54, v62  }
0xc1: {  	v56 =	vld.idx.msk [tilespmem:v56+s20+$0x0], $0xffff;
	v63 =	vand.u32 $0xFFFFFF80, v2;
	v19 =	vmul.f32 v57, v19;
	v57 =	vadd.s32 $0xC, v18  }
0xc2: {  	v2 =	vand.u32 $0x7F, v2;
	v43 =	vld.idx.msk [tilespmem:v43+s21+$0x0], $0xffff;
	v63 =	vadd.s32 v1, v63;
	v62 =	vand.u32 $0xFFFFFF80, v57  }
0xc3: {  	v57 =	vand.u32 $0x7F, v57;
	v62 =	vadd.s32 v1, v62;
	v0 =	vadd.f32 v19, v0  }
0xc4: {  	v37 =	vld.idx.msk [tilespmem:v37+s20+$0x0], $0xffff;
	v35 =	vmul.f32 v61, v35;
	v57 =	vor.u32 v57, v62;
	v62 =	vadd.s32 $0xE, v18  }
0xc5: {  	v2 =	vor.u32 v2, v63;
	v19 =	vld.idx.msk [tilespmem:v54+s21+$0x0], $0xffff;
	v54 =	vand.u32 $0xFFFFFF80, v62;
	v61 =	vand.u32 $0x7F, v62  }
0xc6: {  	v36 =	vld.idx.msk [tilespmem:v36+s20+$0x0], $0xffff;
	v62 =	vadd.s32 $0xF, v18;
	v0 =	vadd.f32 v35, v0;
	v54 =	vadd.s32 v1, v54  }
0xc7: {  	v6 =	vld.idx.msk [tilespmem:v6+s21+$0x0], $0xffff;
	v35 =	vand.u32 $0xFFFFFF80, v62;
	v43 =	vmul.f32 v43, v56;
	v54 =	vor.u32 v61, v54  }
0xc8: {  	v61 =	vand.u32 $0x7F, v62;
	v35 =	vadd.s32 v1, v35;
	v62 =	vadd.s32 $0x10, v18  }
0xc9: {  	v56 =	vadd.s32 $0x3E, v31;
	v61 =	vor.u32 v61, v35;
	v63 =	vand.u32 $0xFFFFFF80, v62  }
0xca: {  	v53 =	vld.idx.msk [tilespmem:v53+s20+$0x0], $0xffff;
	v0 =	vadd.f32 v43, v0;
	v35 =	vand.u32 $0x7F, v62;
	v43 =	vadd.s32 v1, v63  }
0xcb: {  	v62 =	vadd.s32 $0x14, v31;
	v19 =	vmul.f32 v19, v37;
	v63 =	vor.u32 v35, v43;
	v43 =	vld.idx.msk [tilespmem:v55+s20+$0x0], $0xffff  }
0xcc: {  	v6 =	vmul.f32 v6, v36;
	v37 =	vadd.s32 $0x3F, v31;
	v31 =	vadd.s32 $0x11, v18;
	v55 =	vld.idx.msk [tilespmem:v57+s21+$0x0], $0xffff  }
0xcd: {  	v2 =	vld.idx.msk [tilespmem:v2+s21+$0x0], $0xffff;
	v35 =	vand.u32 $0x7F, v56;
	v0 =	vadd.f32 v19, v0;
	v19 =	vand.u32 $0xFFFFFF80, v31  }
0xce: {  	v36 =	vand.u32 $0xFFFFFF80, v37;
	v31 =	vand.u32 $0x7F, v31;
	v19 =	vadd.s32 v1, v19  }
0xcf: {  	v49 =	vld.idx.msk [tilespmem:v49+s20+$0x0], $0xffff;
	v19 =	vor.u32 v31, v19;
	v31 =	vand.u32 $0x7F, v37;
	v37 =	vand.u32 $0xFFFFFF80, v56  }
0xd0: {  	v54 =	vld.idx.msk [tilespmem:v54+s21+$0x0], $0xffff;
	v0 =	vadd.f32 v6, v0;
	v6 =	vand.u32 $0x7F, v62;
	v62 =	vand.u32 $0xFFFFFF80, v62  }
0xd1: {  	v48 =	vld.idx.msk [tilespmem:v48+s20+$0x0], $0xffff;
	v56 =	vadd.s32 v1, v62;
	v43 =	vmul.f32 v55, v43;
	v55 =	vadd.s32 $0x12, v18  }
0xd2: {  	v2 =	vmul.f32 v2, v53;
	v57 =	vld.idx.msk [tilespmem:v61+s21+$0x0], $0xffff;
	v6 =	vor.u32 v6, v56;
	v62 =	vand.u32 $0xFFFFFF80, v55  }
0xd3: {  	v61 =	vld.idx.msk [tilespmem:v42+s20+$0x0], $0xffff;
	v55 =	vand.u32 $0x7F, v55;
	v56 =	vadd.s32 v1, v62;
	v0 =	vadd.f32 v43, v0  }
0xd4: {  	v42 =	vadd.s32 $0x3D, v18;
	v53 =	vor.u32 v55, v56;
	v55 =	vld.idx.msk [tilespmem:v63+s21+$0x0], $0xffff  }
0xd5: {  	v56 =	vadd.s32 $0x13, v18;
	v0 =	vadd.f32 v2, v0;
	v2 =	vmul.f32 v54, v49  }
0xd6: {  	v43 =	vadd.s32 $0x3C, v18;
	v62 =	vld.idx.msk [tilespmem:v41+s20+$0x0], $0xffff;
	v63 =	vand.u32 $0xFFFFFF80, v56;
	v54 =	vand.u32 $0x7F, v56  }
0xd7: {  	v19 =	vld.idx.msk [tilespmem:v19+s21+$0x0], $0xffff;
	v63 =	vadd.s32 v1, v63;
	v0 =	vadd.f32 v2, v0;
	v2 =	vmul.f32 v57, v48  }
0xd8: {  	v49 =	vadd.s32 $0x39, v18;
	v48 =	vadd.s32 $0x3A, v18;
	v54 =	vor.u32 v54, v63  }
0xd9: {  	v56 =	vld.idx.msk [tilespmem:v47+s20+$0x0], $0xffff;
	v57 =	vadd.s32 $0x14, v18;
	v0 =	vadd.f32 v2, v0;
	v2 =	vmul.f32 v55, v61  }
0xda: {  	v63 =	vld.idx.msk [tilespmem:v53+s21+$0x0], $0xffff;
	v61 =	vand.u32 $0xFFFFFF80, v57;
	v55 =	vand.u32 $0x7F, v57;
	v53 =	vadd.s32 $0x36, v18  }
0xdb: {  	v57 =	vadd.s32 $0x16, v18;
	v61 =	vadd.s32 v1, v61;
	v0 =	vadd.f32 v2, v0  }
0xdc: {  	v9 =	vld.idx.msk [tilespmem:v9+s20+$0x0], $0xffff;
	v2 =	vmul.f32 v19, v62;
	v55 =	vor.u32 v55, v61;
	v61 =	vand.u32 $0xFFFFFF80, v57  }
0xdd: {  	v19 =	vadd.s32 $0x15, v18;
	v57 =	vand.u32 $0x7F, v57;
	v54 =	vld.idx.msk [tilespmem:v54+s21+$0x0], $0xffff;
	v61 =	vadd.s32 v1, v61  }
0xde: {  	v0 =	vadd.f32 v2, v0;
	v2 =	vand.u32 $0xFFFFFF80, v19;
	v19 =	vand.u32 $0x7F, v19  }
0xdf: {  	v57 =	vor.u32 v57, v61;
	v56 =	vmul.f32 v63, v56;
	v2 =	vadd.s32 v1, v2  }
0xe0: {  	v6 =	vld.idx.msk [tilespmem:v6+s20+$0x0], $0xffff;
	v61 =	vadd.s32 $0x18, v18;
	v2 =	vor.u32 v19, v2;
	v19 =	vadd.s32 $0x17, v18  }
0xe1: {  	v0 =	vadd.f32 v56, v0;
	v63 =	vand.u32 $0xFFFFFF80, v19;
	v55 =	vld.idx.msk [tilespmem:v55+s21+$0x0], $0xffff;
	v19 =	vand.u32 $0x7F, v19  }
0xe2: {  	v52 =	vld.idx.msk [tilespmem:v52+s20+$0x0], $0xffff;
	v9 =	vmul.f32 v54, v9;
	v54 =	vand.u32 $0xFFFFFF80, v61;
	v56 =	vadd.s32 v1, v63  }
0xe3: {  	v62 =	vld.idx.msk [tilespmem:v51+s20+$0x0], $0xffff;
	v61 =	vand.u32 $0x7F, v61;
	v54 =	vadd.s32 v1, v54;
	v19 =	vor.u32 v19, v56  }
0xe4: {  	v56 =	vadd.s32 $0x19, v18;
	v57 =	vld.idx.msk [tilespmem:v57+s21+$0x0], $0xffff;
	v54 =	vor.u32 v61, v54;
	v61 =	vadd.s32 $0x1A, v18  }
0xe5: {  	v0 =	vadd.f32 v9, v0;
	v9 =	vand.u32 $0xFFFFFF80, v56;
	v56 =	vand.u32 $0x7F, v56;
	v2 =	vld.idx.msk [tilespmem:v2+s21+$0x0], $0xffff  }
0xe6: {  	v63 =	vand.u32 $0xFFFFFF80, v61;
	v9 =	vadd.s32 v1, v9;
	v6 =	vmul.f32 v55, v6  }
0xe7: {  	v51 =	vand.u32 $0x7F, v61;
	v61 =	vld.idx.msk [tilespmem:v50+s20+$0x0], $0xffff;
	v55 =	vadd.s32 v1, v63;
	v9 =	vor.u32 v56, v9  }
0xe8: {  	v56 =	vadd.s32 $0x1B, v18;
	v55 =	vor.u32 v51, v55;
	v0 =	vadd.f32 v6, v0;
	v19 =	vld.idx.msk [tilespmem:v19+s21+$0x0], $0xffff  }
0xe9: {  	v6 =	vand.u32 $0xFFFFFF80, v56;
	v56 =	vand.u32 $0x7F, v56;
	v52 =	vmul.f32 v57, v52  }
0xea: {  	v46 =	vld.idx.msk [tilespmem:v46+s20+$0x0], $0xffff;
	v57 =	vadd.s32 $0x1D, v18;
	v6 =	vadd.s32 v1, v6;
	v2 =	vmul.f32 v2, v62  }
0xeb: {  	v54 =	vld.idx.msk [tilespmem:v54+s21+$0x0], $0xffff;
	v63 =	vand.u32 $0x7F, v57;
	v6 =	vor.u32 v56, v6;
	v56 =	vadd.s32 $0x1C, v18  }
0xec: {  	v62 =	vld.idx.msk [tilespmem:v45+s20+$0x0], $0xffff;
	v45 =	vand.u32 $0xFFFFFF80, v57;
	v0 =	vadd.f32 v2, v0;
	v2 =	vand.u32 $0xFFFFFF80, v56  }
0xed: {  	v9 =	vld.idx.msk [tilespmem:v9+s21+$0x0], $0xffff;
	v56 =	vand.u32 $0x7F, v56;
	v2 =	vadd.s32 v1, v2;
	v19 =	vmul.f32 v19, v61  }
0xee: {  	v57 =	vld.idx.msk [tilespmem:v44+s20+$0x0], $0xffff;
	v61 =	vadd.s32 v1, v45;
	v2 =	vor.u32 v56, v2;
	v0 =	vadd.f32 v52, v0  }
0xef: {  	v50 =	vadd.s32 $0x38, v18;
	v51 =	vadd.s32 $0x37, v18;
	v55 =	vld.idx.msk [tilespmem:v55+s21+$0x0], $0xffff;
	v52 =	vor.u32 v63, v61  }
0xf0: {  	v56 =	vadd.s32 $0x1E, v18;
	v61 =	vld.idx.msk [tilespmem:v40+s20+$0x0], $0xffff;
	v0 =	vadd.f32 v19, v0;
	v19 =	vmul.f32 v54, v46  }
0xf1: {  	v44 =	vadd.s32 $0x34, v18;
	v63 =	vand.u32 $0xFFFFFF80, v56;
	v6 =	vld.idx.msk [tilespmem:v6+s21+$0x0], $0xffff;
	v54 =	vand.u32 $0x7F, v56  }
0xf2: {  	v56 =	vadd.s32 v1, v63;
	v63 =	vld.idx.msk [tilespmem:v39+s20+$0x0], $0xffff;
	v9 =	vmul.f32 v9, v62;
	v0 =	vadd.f32 v19, v0  }
0xf3: {  	v45 =	vadd.s32 $0x33, v18;
	v40 =	vadd.s32 $0x35, v18;
	v19 =	vor.u32 v54, v56;
	v2 =	vld.idx.msk [tilespmem:v2+s21+$0x0], $0xffff  }
0xf4: {  	v54 =	vadd.s32 $0x1F, v18;
	v56 =	vld.idx.msk [tilespmem:v38+s20+$0x0], $0xffff;
	v0 =	vadd.f32 v9, v0;
	v9 =	vmul.f32 v55, v57  }
0xf5: {  	v46 =	vadd.s32 $0x30, v18;
	v62 =	vand.u32 $0xFFFFFF80, v54;
	v54 =	vand.u32 $0x7F, v54;
	v52 =	vld.idx.msk [tilespmem:v52+s21+$0x0], $0xffff  }
0xf6: {  	v55 =	vadd.s32 v1, v62;
	v6 =	vmul.f32 v6, v61;
	v0 =	vadd.f32 v9, v0  }
0xf7: {  	v34 =	vld.idx.msk [tilespmem:v34+s20+$0x0], $0xffff;
	v57 =	vadd.s32 $0x2E, v18;
	v54 =	vor.u32 v54, v55;
	v55 =	vadd.s32 $0x20, v18  }
0xf8: {  	v61 =	vand.u32 $0xFFFFFF80, v55;
	v19 =	vld.idx.msk [tilespmem:v19+s21+$0x0], $0xffff;
	v0 =	vadd.f32 v6, v0;
	v2 =	vmul.f32 v2, v63  }
0xf9: {  	v9 =	vadd.s32 $0x2D, v18;
	v55 =	vand.u32 $0x7F, v55;
	v61 =	vadd.s32 v1, v61  }
0xfa: {  	v6 =	vadd.s32 $0x2F, v18;
	v0 =	vadd.f32 v2, v0;
	v2 =	vmul.f32 v52, v56  }
0xfb: {  	v33 =	vld.idx.msk [tilespmem:v33+s20+$0x0], $0xffff;
	v55 =	vor.u32 v55, v61;
	v61 =	vadd.s32 $0x22, v18;
	v56 =	vadd.s32 $0x21, v18  }
0xfc: {  	v52 =	vadd.s32 $0x2A, v18;
	v54 =	vld.idx.msk [tilespmem:v54+s21+$0x0], $0xffff;
	v0 =	vadd.f32 v2, v0;
	v2 =	vand.u32 $0xFFFFFF80, v56  }
0xfd: {  	v56 =	vand.u32 $0x7F, v56;
	v19 =	vmul.f32 v19, v34;
	v34 =	vand.u32 $0xFFFFFF80, v61  }
0xfe: {  	v61 =	vand.u32 $0x7F, v61;
	v2 =	vadd.s32 v1, v2;
	v34 =	vadd.s32 v1, v34  }
0xff: {  	v32 =	vld.idx.msk [tilespmem:v32+s20+$0x0], $0xffff;
	v2 =	vor.u32 v56, v2;
	v56 =	vadd.s32 $0x23, v18;
	v34 =	vor.u32 v61, v34  }
0x100: {  	v55 =	vld.idx.msk [tilespmem:v55+s21+$0x0], $0xffff;
	v61 =	vadd.s32 $0x24, v18;
	v0 =	vadd.f32 v19, v0;
	v19 =	vand.u32 $0xFFFFFF80, v56  }
0x101: {  	v56 =	vand.u32 $0x7F, v56;
	v33 =	vmul.f32 v54, v33;
	v54 =	vand.u32 $0xFFFFFF80, v61  }
0x102: {  	v30 =	vld.idx.msk [tilespmem:v30+s20+$0x0], $0xffff;
	v61 =	vand.u32 $0x7F, v61;
	v19 =	vadd.s32 v1, v19;
	v54 =	vadd.s32 v1, v54  }
0x103: {  	v29 =	vld.idx.msk [tilespmem:v29+s20+$0x0], $0xffff;
	v19 =	vor.u32 v56, v19;
	v56 =	vadd.s32 $0x25, v18;
	v54 =	vor.u32 v61, v54  }
0x104: {  	v61 =	vadd.s32 $0x26, v18;
	v0 =	vadd.f32 v33, v0;
	v63 =	vand.u32 $0xFFFFFF80, v56;
	v2 =	vld.idx.msk [tilespmem:v2+s21+$0x0], $0xffff  }
0x105: {  	v56 =	vand.u32 $0x7F, v56;
	v32 =	vmul.f32 v55, v32;
	v55 =	vand.u32 $0xFFFFFF80, v61;
	v34 =	vld.idx.msk [tilespmem:v34+s21+$0x0], $0xffff  }
0x106: {  	v61 =	vand.u32 $0x7F, v61;
	v33 =	vadd.s32 v1, v63;
	v55 =	vadd.s32 v1, v55  }
0x107: {  	v28 =	vld.idx.msk [tilespmem:v28+s20+$0x0], $0xffff;
	v63 =	vadd.s32 $0x28, v18;
	v33 =	vor.u32 v56, v33;
	v56 =	vadd.s32 $0x27, v18  }
0x108: {  	v55 =	vor.u32 v61, v55;
	v61 =	vadd.s32 $0x2B, v18;
	v0 =	vadd.f32 v32, v0;
	v19 =	vld.idx.msk [tilespmem:v19+s21+$0x0], $0xffff  }
0x109: {  	v32 =	vadd.s32 $0x2C, v18;
	v62 =	vand.u32 $0xFFFFFF80, v56;
	v56 =	vand.u32 $0x7F, v56  }
0x10a: {  	v27 =	vld.idx.msk [tilespmem:v27+s20+$0x0], $0xffff;
	v2 =	vmul.f32 v2, v30;
	v30 =	vadd.s32 v1, v62;
	v29 =	vmul.f32 v34, v29  }
0x10b: {  	v54 =	vld.idx.msk [tilespmem:v54+s21+$0x0], $0xffff;
	v62 =	vadd.s32 $0x29, v18;
	v30 =	vor.u32 v56, v30;
	v56 =	vand.u32 $0x7F, v63  }
0x10c: {  	v26 =	vld.idx.msk [tilespmem:v26+s20+$0x0], $0xffff;
	v34 =	vand.u32 $0x7F, v62;
	v0 =	vadd.f32 v2, v0;
	v2 =	vand.u32 $0xFFFFFF80, v63  }
0x10d: {  	v33 =	vld.idx.msk [tilespmem:v33+s21+$0x0], $0xffff;
	v63 =	vand.u32 $0xFFFFFF80, v62;
	v2 =	vadd.s32 v1, v2;
	v19 =	vmul.f32 v19, v28  }
0x10e: {  	v25 =	vld.idx.msk [tilespmem:v25+s20+$0x0], $0xffff;
	v28 =	vadd.s32 v1, v63;
	v2 =	vor.u32 v56, v2;
	v0 =	vadd.f32 v29, v0  }
0x10f: {  	v29 =	vld.idx.msk [tilespmem:v55+s21+$0x0], $0xffff;
	v28 =	vor.u32 v34, v28;
	v56 =	vand.u32 $0xFFFFFF80, v52;
	v52 =	vand.u32 $0x7F, v52  }
0x110: {  	v24 =	vld.idx.msk [tilespmem:v24+s20+$0x0], $0xffff;
	v0 =	vadd.f32 v19, v0;
	v19 =	vmul.f32 v54, v27;
	v27 =	vadd.s32 v1, v56  }
0x111: {  	v62 =	vand.u32 $0xFFFFFF80, v61;
	v63 =	vand.u32 $0x7F, v61;
	v30 =	vld.idx.msk [tilespmem:v30+s21+$0x0], $0xffff;
	v27 =	vor.u32 v52, v27  }
0x112: {  	v23 =	vld.idx.msk [tilespmem:v23+s20+$0x0], $0xffff;
	v0 =	vadd.f32 v19, v0;
	v19 =	vmul.f32 v33, v26;
	v26 =	vadd.s32 v1, v62  }
0x113: {  	v54 =	vand.u32 $0xFFFFFF80, v32;
	v32 =	vand.u32 $0x7F, v32;
	v2 =	vld.idx.msk [tilespmem:v2+s21+$0x0], $0xffff;
	v26 =	vor.u32 v63, v26  }
0x114: {  	v22 =	vld.idx.msk [tilespmem:v22+s20+$0x0], $0xffff;
	v0 =	vadd.f32 v19, v0;
	v19 =	vmul.f32 v29, v25;
	v25 =	vadd.s32 v1, v54  }
0x115: {  	v28 =	vld.idx.msk [tilespmem:v28+s21+$0x0], $0xffff;
	v29 =	vand.u32 $0xFFFFFF80, v9;
	v9 =	vand.u32 $0x7F, v9;
	v25 =	vor.u32 v32, v25  }
0x116: {  	v21 =	vld.idx.msk [tilespmem:v21+s20+$0x0], $0xffff;
	v0 =	vadd.f32 v19, v0;
	v19 =	vmul.f32 v30, v24;
	v24 =	vadd.s32 v1, v29  }
0x117: {  	v27 =	vld.idx.msk [tilespmem:v27+s21+$0x0], $0xffff;
	v29 =	vand.u32 $0x7F, v57;
	v9 =	vor.u32 v9, v24;
	v24 =	vand.u32 $0xFFFFFF80, v57  }
0x118: {  	v20 =	vld.idx.msk [tilespmem:v20+s20+$0x0], $0xffff;
	v0 =	vadd.f32 v19, v0;
	v2 =	vmul.f32 v2, v23;
	v19 =	vadd.s32 v1, v24  }
0x119: {  	v23 =	vld.idx.msk [tilespmem:v26+s21+$0x0], $0xffff;
	v24 =	vand.u32 $0xFFFFFF80, v6;
	v6 =	vand.u32 $0x7F, v6;
	v19 =	vor.u32 v29, v19  }
0x11a: {  	v4 =	vld.idx.msk [tilespmem:v4+s20+$0x0], $0xffff;
	v0 =	vadd.f32 v2, v0;
	v2 =	vmul.f32 v28, v22;
	v22 =	vadd.s32 v1, v24  }
0x11b: {  	v39 =	vadd.s32 $0x31, v18;
	v38 =	vadd.s32 $0x32, v18;
	v24 =	vld.idx.msk [tilespmem:v25+s21+$0x0], $0xffff;
	v6 =	vor.u32 v6, v22  }
0x11c: {  	v17 =	vld.idx.msk [tilespmem:v17+s20+$0x0], $0xffff;
	v22 =	vand.u32 $0xFFFFFF80, v46;
	v0 =	vadd.f32 v2, v0;
	v2 =	vmul.f32 v27, v21  }
0x11d: {  	v25 =	vand.u32 $0x7F, v46;
	v21 =	vadd.s32 v1, v22;
	v9 =	vld.idx.msk [tilespmem:v9+s21+$0x0], $0xffff;
	v22 =	vand.u32 $0xFFFFFF80, v39  }
0x11e: {  	v16 =	vld.idx.msk [tilespmem:v16+s20+$0x0], $0xffff;
	v21 =	vor.u32 v25, v21;
	v0 =	vadd.f32 v2, v0;
	v2 =	vmul.f32 v23, v20  }
0x11f: {  	v25 =	vand.u32 $0x7F, v39;
	v20 =	vadd.s32 v1, v22;
	v19 =	vld.idx.msk [tilespmem:v19+s21+$0x0], $0xffff;
	v22 =	vand.u32 $0xFFFFFF80, v38  }
0x120: {  	v15 =	vld.idx.msk [tilespmem:v15+s20+$0x0], $0xffff;
	v20 =	vor.u32 v25, v20;
	v0 =	vadd.f32 v2, v0;
	v2 =	vmul.f32 v24, v4  }
0x121: {  	v23 =	vand.u32 $0x7F, v38;
	v4 =	vadd.s32 v1, v22;
	v6 =	vld.idx.msk [tilespmem:v6+s21+$0x0], $0xffff;
	v22 =	vand.u32 $0xFFFFFF80, v45  }
0x122: {  	v14 =	vld.idx.msk [tilespmem:v14+s20+$0x0], $0xffff;
	v4 =	vor.u32 v23, v4;
	v0 =	vadd.f32 v2, v0;
	v2 =	vmul.f32 v9, v17  }
0x123: {  	v23 =	vand.u32 $0x7F, v45;
	v9 =	vadd.s32 v1, v22;
	v17 =	vld.idx.msk [tilespmem:v21+s21+$0x0], $0xffff;
	v21 =	vand.u32 $0xFFFFFF80, v44  }
0x124: {  	v13 =	vld.idx.msk [tilespmem:v13+s20+$0x0], $0xffff;
	v9 =	vor.u32 v23, v9;
	v0 =	vadd.f32 v2, v0;
	v2 =	vmul.f32 v19, v16  }
0x125: {  	v22 =	vand.u32 $0x7F, v44;
	v16 =	vadd.s32 v1, v21;
	v19 =	vld.idx.msk [tilespmem:v20+s21+$0x0], $0xffff;
	v20 =	vand.u32 $0xFFFFFF80, v40  }
0x126: {  	v12 =	vld.idx.msk [tilespmem:v12+s20+$0x0], $0xffff;
	v16 =	vor.u32 v22, v16;
	v0 =	vadd.f32 v2, v0;
	v2 =	vmul.f32 v6, v15  }
0x127: {  	v21 =	vand.u32 $0x7F, v40;
	v6 =	vadd.s32 v1, v20;
	v4 =	vld.idx.msk [tilespmem:v4+s21+$0x0], $0xffff;
	v15 =	vand.u32 $0xFFFFFF80, v53  }
0x128: {  	v11 =	vld.idx.msk [tilespmem:v11+s20+$0x0], $0xffff;
	v6 =	vor.u32 v21, v6;
	v0 =	vadd.f32 v2, v0;
	v2 =	vmul.f32 v17, v14  }
0x129: {  	v20 =	vand.u32 $0x7F, v53;
	v14 =	vadd.s32 v1, v15;
	v9 =	vld.idx.msk [tilespmem:v9+s21+$0x0], $0xffff;
	v15 =	vand.u32 $0xFFFFFF80, v51  }
0x12a: {  	v10 =	vld.idx.msk [tilespmem:v10+s20+$0x0], $0xffff;
	v14 =	vor.u32 v20, v14;
	v0 =	vadd.f32 v2, v0;
	v2 =	vmul.f32 v19, v13  }
0x12b: {  	v17 =	vand.u32 $0x7F, v51;
	v13 =	vadd.s32 v1, v15;
	v15 =	vld.idx.msk [tilespmem:v16+s21+$0x0], $0xffff;
	v16 =	vand.u32 $0xFFFFFF80, v50  }
0x12c: {  	v3 =	vld.idx.msk [tilespmem:v3+s20+$0x0], $0xffff;
	v13 =	vor.u32 v17, v13;
	v0 =	vadd.f32 v2, v0;
	v2 =	vmul.f32 v4, v12  }
0x12d: {  	v17 =	vand.u32 $0x7F, v50;
	v4 =	vadd.s32 v1, v16;
	v6 =	vld.idx.msk [tilespmem:v6+s21+$0x0], $0xffff;
	v12 =	vand.u32 $0xFFFFFF80, v49  }
0x12e: {  	v8 =	vld.idx.msk [tilespmem:v8+s20+$0x0], $0xffff;
	v4 =	vor.u32 v17, v4;
	v0 =	vadd.f32 v2, v0;
	v2 =	vmul.f32 v9, v11  }
0x12f: {  	v16 =	vand.u32 $0x7F, v49;
	v9 =	vadd.s32 v1, v12;
	v11 =	vld.idx.msk [tilespmem:v14+s21+$0x0], $0xffff;
	v12 =	vand.u32 $0xFFFFFF80, v48  }
0x130: {  	v7 =	vld.idx.msk [tilespmem:v7+s20+$0x0], $0xffff;
	v9 =	vor.u32 v16, v9;
	v0 =	vadd.f32 v2, v0;
	v2 =	vmul.f32 v15, v10  }
0x131: {  	v47 =	vadd.s32 $0x3B, v18;
	v14 =	vand.u32 $0x7F, v48;
	v10 =	vadd.s32 v1, v12;
	v12 =	vld.idx.msk [tilespmem:v13+s21+$0x0], $0xffff  }
0x132: {  	v5 =	vld.idx.msk [tilespmem:v5+s20+$0x0], $0xffff;
	v10 =	vor.u32 v14, v10;
	v0 =	vadd.f32 v2, v0;
	v2 =	vmul.f32 v6, v3  }
0x133: {  	v41 =	vadd.s32 $0x3E, v18;
	v13 =	vand.u32 $0xFFFFFF80, v47;
	v14 =	vand.u32 $0x7F, v47;
	v4 =	vld.idx.msk [tilespmem:v4+s21+$0x0], $0xffff  }
0x134: {  	v3 =	vadd.s32 v1, v13;
	v0 =	vadd.f32 v2, v0;
	v2 =	vmul.f32 v11, v8  }
0x135: {  	v3 =	vor.u32 v14, v3;
	v8 =	vld.idx.msk [tilespmem:v9+s21+$0x0], $0xffff;
	v9 =	vand.u32 $0xFFFFFF80, v42;
	v11 =	vand.u32 $0x7F, v42  }
0x136: {  	v14 =	vld.idx.msk [tilespmem:v58+s20+$0x0], $0xffff;
	v0 =	vadd.f32 v2, v0;
	v2 =	vmul.f32 v12, v7;
	v7 =	vadd.s32 v1, v9  }
0x137: {  	v9 =	vld.idx.msk [tilespmem:v10+s21+$0x0], $0xffff;
	v10 =	vand.u32 $0xFFFFFF80, v41;
	v7 =	vor.u32 v11, v7;
	v11 =	vand.u32 $0x7F, v41  }
0x138: {  	v0 =	vadd.f32 v2, v0;
	v2 =	vmul.f32 v4, v5;
	v4 =	vadd.s32 v1, v10  }
0x139: {  	v6 =	vand.u32 $0xFFFFFF80, v43;
	v4 =	vor.u32 v11, v4;
	v11 =	vld [tilespmem:$0x1FC90]  }
0x13a: {  	v13 =	vand.u32 $0x7F, v43;
	v6 =	vadd.s32 v1, v6  }
0x13b: {  	v6 =	vor.u32 v13, v6;
	v0 =	vadd.f32 v2, v0;
	v2 =	vmul.f32 v8, v14;
	v14 =	vld [tilespmem:$0x1FCA0];
	_ =	sdelay $0x1  }
0x13c: {  	v13 =	vld.idx.msk [tilespmem:v59+s20+$0x0], $0xffff  }
0x13d: {  	v37 =	vadd.s32 v1, v37;
	v12 =	vld.idx.msk [tilespmem:v60+s20+$0x0], $0xffff  }
0x13e: {  	v5 =	vor.u32 v35, v37;
	v10 =	vadd.s32 $0x3F, v18;
	v3 =	vld.idx.msk [tilespmem:v3+s21+$0x0], $0xffff  }
0x13f: {  	v36 =	vadd.s32 v1, v36;
	v15 =	vand.u32 $0xFFFFFF80, v10;
	v6 =	vld.idx.msk [tilespmem:v6+s21+$0x0], $0xffff  }
0x140: {  	v10 =	vand.u32 $0x7F, v10;
	v8 =	vor.u32 v31, v36;
	v1 =	vadd.s32 v1, v15;
	v11 =	vld.idx.msk [tilespmem:v11+s20+$0x0], $0xffff  }
0x141: {  	v1 =	vor.u32 v10, v1;
	v0 =	vadd.f32 v2, v0;
	v2 =	vmul.f32 v9, v13;
	v7 =	vld.idx.msk [tilespmem:v7+s21+$0x0], $0xffff  }
0x142: {  	v14 =	vld.idx.msk [tilespmem:v14+s20+$0x0], $0xffff  }
0x143: {  	v5 =	vld.idx.msk [tilespmem:v5+s20+$0x0], $0xffff;
	v0 =	vadd.f32 v2, v0;
	v2 =	vmul.f32 v3, v12  }
0x144: {  	v3 =	vld.idx.msk [tilespmem:v4+s21+$0x0], $0xffff  }
0x145: {  	v4 =	vld.idx.msk [tilespmem:v8+s20+$0x0], $0xffff;
	v0 =	vadd.f32 v2, v0;
	v2 =	vmul.f32 v6, v11  }
0x146: {  	v1 =	vld.idx.msk [tilespmem:v1+s21+$0x0], $0xffff  }
0x147: {  	v0 =	vadd.f32 v2, v0;
	v2 =	vmul.f32 v7, v14;
	_ =	sdelay $0x1  }
0x148: {  	v0 =	vadd.f32 v2, v0;
	v2 =	vmul.f32 v3, v5;
	_ =	sdelay $0x1  }
0x149: {  	v1 =	vmul.f32 v1, v4;
	v0 =	vadd.f32 v2, v0;
	_ =	sdelay $0x1  }
0x14a: {  	v0 =	vadd.f32 v1, v0;
	_ =	sdelay $0x1  }
0x14b: {  	s29 =	simm.s32 $0x210;
	v1 =	vld [tilespmem:$0x1FFF0];
	[tilespmem:s25+$0x0] =	vst v0  }
0x14c: {  	v4 =	vld [tilespmem:s29+$0x0];
	_ =	sdelay $0x1  }
0x14d: {  	s28 =	simm.s32 $0x10  }
0x14e: {  	v0 =	vmov s28  }
0x14f: {  	v0 =	vshll.u32 v0, $0x7  }
0x150: {  	v1 =	vor.u32 v1, v0;
	v40 =	vadd.s32 $0x3E, v4;
	v32 =	vadd.s32 $0x3F, v4  }
0x151: {  	v41 =	vadd.s32 $0x3B, v4;
	v42 =	vadd.s32 $0x3C, v4;
	v43 =	vadd.s32 $0x3D, v4  }
0x152: {  	v2 =	vadd.s32 $0x38, v4;
	v45 =	vadd.s32 $0x39, v4;
	v46 =	vadd.s32 $0x3A, v4  }
0x153: {  	v47 =	vadd.s32 $0x35, v4;
	v48 =	vadd.s32 $0x36, v4;
	v49 =	vadd.s32 $0x37, v4  }
0x154: {  	v50 =	vadd.s32 $0x32, v4;
	v51 =	vadd.s32 $0x33, v4;
	v52 =	vadd.s32 $0x34, v4  }
0x155: {  	v53 =	vadd.s32 $0x2F, v4;
	v54 =	vadd.s32 $0x30, v4;
	v44 =	vadd.s32 $0x31, v4  }
0x156: {  	v56 =	vadd.s32 $0x2C, v4;
	v57 =	vadd.s32 $0x2D, v4;
	v58 =	vadd.s32 $0x2E, v4  }
0x157: {  	v37 =	vadd.s32 $0x29, v4;
	v59 =	vadd.s32 $0x2A, v4;
	v60 =	vadd.s32 $0x2B, v4  }
0x158: {  	v34 =	vadd.s32 $0x26, v4;
	v39 =	vadd.s32 $0x27, v4;
	v38 =	vadd.s32 $0x28, v4  }
0x159: {  	v30 =	vadd.s32 $0x23, v4;
	v36 =	vadd.s32 $0x24, v4;
	v35 =	vadd.s32 $0x25, v4  }
0x15a: {  	v27 =	vadd.s32 $0x20, v4;
	v33 =	vadd.s32 $0x21, v4;
	v31 =	vadd.s32 $0x22, v4  }
0x15b: {  	v24 =	vadd.s32 $0x1D, v4;
	v29 =	vadd.s32 $0x1E, v4;
	v28 =	vadd.s32 $0x1F, v4  }
0x15c: {  	v6 =	vadd.s32 $0x1A, v4;
	v26 =	vadd.s32 $0x1B, v4;
	v25 =	vadd.s32 $0x1C, v4  }
0x15d: {  	v7 =	vadd.s32 $0x17, v4;
	v3 =	vadd.s32 $0x18, v4;
	v5 =	vadd.s32 $0x19, v4  }
0x15e: {  	v13 =	vadd.s32 $0x14, v4;
	v10 =	vadd.s32 $0x15, v4;
	v8 =	vadd.s32 $0x16, v4  }
0x15f: {  	v21 =	vadd.s32 $0x11, v4;
	v17 =	vadd.s32 $0x12, v4;
	v15 =	vadd.s32 $0x13, v4  }
0x160: {  	v18 =	vadd.s32 $0xE, v4;
	v23 =	vadd.s32 $0xF, v4;
	v22 =	vadd.s32 $0x10, v4  }
0x161: {  	v12 =	vadd.s32 $0xB, v4;
	v20 =	vadd.s32 $0xC, v4;
	v19 =	vadd.s32 $0xD, v4  }
0x162: {  	v0 =	vadd.s32 $0x8, v4;
	v16 =	vadd.s32 $0x9, v4;
	v14 =	vadd.s32 $0xA, v4  }
0x163: {  	v61 =	vand.u32 $0xFFFFFF80, v4;
	v62 =	vand.u32 $0x7F, v4;
	[tilespmem:$0x1FF20] =	vst v0;
	v0 =	vadd.s32 $0x3, v4  }
0x164: {  	v55 =	vand.u32 $0xFFFFFF80, v32;
	[tilespmem:$0x1FF30] =	vst v0;
	v0 =	vand.u32 $0x7F, v32;
	v32 =	vadd.s32 v1, v61  }
0x165: {  	v11 =	vadd.s32 $0x6, v4;
	v55 =	vadd.s32 v1, v55;
	v32 =	vor.u32 v62, v32  }
0x166: {  	v9 =	vadd.s32 $0x7, v4;
	v61 =	vand.u32 $0x7F, v45;
	v0 =	vor.u32 v0, v55;
	[tilespmem:$0x1FCB0] =	vst v32  }
0x167: {  	v32 =	vand.u32 $0xFFFFFF80, v42;
	[tilespmem:$0x1FCC0] =	vst v0;
	v0 =	vand.u32 $0x7F, v40;
	v42 =	vand.u32 $0x7F, v42  }
0x168: {  	v40 =	vand.u32 $0xFFFFFF80, v40;
	v55 =	vadd.s32 v1, v32;
	v32 =	vand.u32 $0xFFFFFF80, v43  }
0x169: {  	v43 =	vand.u32 $0x7F, v43;
	v40 =	vadd.s32 v1, v40;
	v63 =	vor.u32 v42, v55  }
0x16a: {  	v42 =	vadd.s32 v1, v32;
	v55 =	vand.u32 $0xFFFFFF80, v45;
	v0 =	vor.u32 v0, v40  }
0x16b: {  	v32 =	vand.u32 $0x7F, v46;
	v43 =	vor.u32 v43, v42;
	[tilespmem:$0x1FCF0] =	vst v0;
	v0 =	vand.u32 $0x7F, v41  }
0x16c: {  	[tilespmem:$0x1FCD0] =	vst v63;
	v42 =	vadd.s32 v1, v55;
	v63 =	vand.u32 $0xFFFFFF80, v46;
	v41 =	vand.u32 $0xFFFFFF80, v41  }
0x16d: {  	v46 =	vand.u32 $0xFFFFFF80, v48;
	v48 =	vand.u32 $0x7F, v48;
	v62 =	vor.u32 v61, v42  }
0x16e: {  	v41 =	vadd.s32 v1, v41;
	v40 =	vadd.s32 v1, v63;
	v61 =	vand.u32 $0xFFFFFF80, v49  }
0x16f: {  	v63 =	vand.u32 $0x7F, v49;
	v49 =	vand.u32 $0xFFFFFF80, v54;
	v45 =	vor.u32 v32, v40  }
0x170: {  	[tilespmem:$0x1FD00] =	vst v62;
	v0 =	vor.u32 v0, v41;
	v40 =	vadd.s32 v1, v46;
	v62 =	vand.u32 $0xFFFFFF80, v2  }
0x171: {  	v32 =	vand.u32 $0xFFFFFF80, v51;
	v46 =	vand.u32 $0xFFFFFF80, v52;
	[tilespmem:$0x1FD20] =	vst v0;
	v0 =	vand.u32 $0x7F, v2  }
0x172: {  	v55 =	vor.u32 v48, v40;
	v41 =	vadd.s32 v1, v62;
	v40 =	vadd.s32 v1, v61  }
0x173: {  	[tilespmem:$0x1FD10] =	vst v45;
	v45 =	vand.u32 $0x7F, v51;
	v48 =	vand.u32 $0x7F, v52;
	v51 =	vand.u32 $0x7F, v54  }
0x174: {  	v54 =	vand.u32 $0xFFFFFF80, v44;
	v61 =	vand.u32 $0x7F, v44;
	v62 =	vand.u32 $0xFFFFFF80, v57  }
0x175: {  	v2 =	vor.u32 v63, v40;
	v0 =	vor.u32 v0, v41;
	v40 =	vadd.s32 v1, v32  }
0x176: {  	[tilespmem:$0x1FD30] =	vst v55;
	v55 =	vand.u32 $0xFFFFFF80, v50;
	v63 =	vand.u32 $0x7F, v57;
	v32 =	vand.u32 $0xFFFFFF80, v58  }
0x177: {  	v57 =	vand.u32 $0xFFFFFF80, v38;
	v38 =	vand.u32 $0x7F, v38;
	[tilespmem:$0x1FD50] =	vst v0;
	v0 =	vand.u32 $0x7F, v47  }
0x178: {  	[tilespmem:$0x1FD40] =	vst v2;
	v2 =	vor.u32 v45, v40;
	v47 =	vand.u32 $0xFFFFFF80, v47;
	v40 =	vadd.s32 v1, v46  }
0x179: {  	v45 =	vand.u32 $0xFFFFFF80, v53;
	v46 =	vand.u32 $0x7F, v58;
	v58 =	vand.u32 $0xFFFFFF80, v36  }
0x17a: {  	v36 =	vand.u32 $0x7F, v36;
	[tilespmem:$0x1FD60] =	vst v2;
	v41 =	vadd.s32 v1, v47;
	v2 =	vor.u32 v48, v40  }
0x17b: {  	v40 =	vadd.s32 v1, v49;
	v47 =	vand.u32 $0xFFFFFF80, v59;
	v48 =	vand.u32 $0x7F, v59  }
0x17c: {  	v49 =	vand.u32 $0xFFFFFF80, v60;
	v59 =	vadd.s32 v1, v58;
	v52 =	vor.u32 v0, v41  }
0x17d: {  	[tilespmem:$0x1FD70] =	vst v2;
	v0 =	vand.u32 $0x7F, v50;
	v2 =	vor.u32 v51, v40;
	v41 =	vadd.s32 v1, v55  }
0x17e: {  	v40 =	vadd.s32 v1, v54;
	v51 =	vand.u32 $0xFFFFFF80, v56;
	v54 =	vand.u32 $0xFFFFFF80, v39  }
0x17f: {  	v39 =	vand.u32 $0x7F, v39;
	v55 =	vor.u32 v61, v40;
	v44 =	vor.u32 v0, v41  }
0x180: {  	v0 =	vand.u32 $0x7F, v53;
	v40 =	vadd.s32 v1, v62;
	v41 =	vadd.s32 v1, v45  }
0x181: {  	v53 =	vand.u32 $0x7F, v60;
	v60 =	vand.u32 $0xFFFFFF80, v35;
	v35 =	vand.u32 $0x7F, v35  }
0x182: {  	[tilespmem:$0x1FD80] =	vst v2;
	v61 =	vand.u32 $0xFFFFFF80, v33;
	v33 =	vand.u32 $0x7F, v33;
	v2 =	vor.u32 v63, v40  }
0x183: {  	v40 =	vadd.s32 v1, v32;
	v50 =	vor.u32 v0, v41;
	v0 =	vand.u32 $0x7F, v56  }
0x184: {  	v41 =	vadd.s32 v1, v51;
	[tilespmem:$0x1FD90] =	vst v2;
	v2 =	vor.u32 v46, v40;
	v40 =	vadd.s32 v1, v47  }
0x185: {  	v62 =	vadd.s32 v1, v61;
	[tilespmem:$0x1FDA0] =	vst v2;
	v2 =	vor.u32 v48, v40;
	v40 =	vadd.s32 v1, v49  }
0x186: {  	v49 =	vor.u32 v0, v41;
	v0 =	vand.u32 $0x7F, v37;
	v37 =	vand.u32 $0xFFFFFF80, v37  }
0x187: {  	s30 =	simm.s32 $0x410;
	v56 =	vor.u32 v53, v40;
	v40 =	vadd.s32 v1, v54;
	v37 =	vadd.s32 v1, v37  }
0x188: {  	v41 =	vld [tilespmem:s30+$0x0];
	[tilespmem:$0x1FDB0] =	vst v2;
	v2 =	vor.u32 v39, v40;
	v39 =	vadd.s32 v1, v57;
	v53 =	vor.u32 v0, v37  }
0x189: {  	v0 =	vand.u32 $0x7F, v34;
	v34 =	vand.u32 $0xFFFFFF80, v34;
	[tilespmem:$0x1FDC0] =	vst v2;
	v2 =	vor.u32 v38, v39  }
0x18a: {  	v63 =	vand.u32 $0xFFFFFF80, v31;
	v34 =	vadd.s32 v1, v34;
	[tilespmem:$0x1FDD0] =	vst v2;
	v2 =	vor.u32 v36, v59  }
0x18b: {  	v31 =	vand.u32 $0x7F, v31;
	v36 =	vadd.s32 v1, v60;
	v0 =	vor.u32 v0, v34;
	[tilespmem:$0x1FDE0] =	vst v2  }
0x18c: {  	v2 =	vor.u32 v35, v36;
	[tilespmem:$0x1FE00] =	vst v0;
	v0 =	vand.u32 $0x7F, v30;
	v30 =	vand.u32 $0xFFFFFF80, v30  }
0x18d: {  	v36 =	vadd.s32 $0x3F, v41;
	v40 =	vadd.s32 $0x3C, v41;
	v39 =	vadd.s32 $0x3D, v41  }
0x18e: {  	[tilespmem:$0x1FCE0] =	vst v43;
	v37 =	vadd.s32 $0x3E, v41;
	v46 =	vadd.s32 $0x39, v41;
	v43 =	vadd.s32 $0x3A, v41  }
0x18f: {  	v42 =	vadd.s32 $0x3B, v41;
	v57 =	vadd.s32 $0x36, v41;
	v51 =	vadd.s32 $0x37, v41  }
0x190: {  	v48 =	vadd.s32 $0x38, v41;
	v61 =	vadd.s32 $0x33, v41;
	v59 =	vadd.s32 $0x34, v41  }
0x191: {  	[tilespmem:$0x1FDF0] =	vst v2;
	v2 =	vor.u32 v33, v62;
	v30 =	vadd.s32 v1, v30;
	v33 =	vadd.s32 v1, v63  }
0x192: {  	[tilespmem:$0x1FE10] =	vst v2;
	v2 =	vor.u32 v31, v33;
	v31 =	vand.u32 $0xFFFFFF80, v29;
	v0 =	vor.u32 v0, v30  }
0x193: {  	v29 =	vand.u32 $0x7F, v29;
	[tilespmem:$0x1FE30] =	vst v0;
	v0 =	vand.u32 $0x7F, v27;
	v30 =	vadd.s32 v1, v31  }
0x194: {  	[tilespmem:$0x1FE20] =	vst v2;
	v27 =	vand.u32 $0xFFFFFF80, v27;
	v2 =	vor.u32 v29, v30;
	v29 =	vand.u32 $0xFFFFFF80, v28  }
0x195: {  	v28 =	vand.u32 $0x7F, v28;
	v27 =	vadd.s32 v1, v27;
	v29 =	vadd.s32 v1, v29  }
0x196: {  	[tilespmem:$0x1FE40] =	vst v2;
	v0 =	vor.u32 v0, v27;
	v2 =	vor.u32 v28, v29;
	v28 =	vand.u32 $0xFFFFFF80, v26  }
0x197: {  	[tilespmem:$0x1FE60] =	vst v0;
	v0 =	vand.u32 $0x7F, v24;
	v26 =	vand.u32 $0x7F, v26;
	v27 =	vadd.s32 v1, v28  }
0x198: {  	v24 =	vand.u32 $0xFFFFFF80, v24;
	[tilespmem:$0x1FE50] =	vst v2;
	v2 =	vor.u32 v26, v27;
	v26 =	vand.u32 $0xFFFFFF80, v25  }
0x199: {  	v24 =	vadd.s32 v1, v24;
	v25 =	vand.u32 $0x7F, v25;
	v26 =	vadd.s32 v1, v26  }
0x19a: {  	v0 =	vor.u32 v0, v24;
	[tilespmem:$0x1FE70] =	vst v2;
	v2 =	vor.u32 v25, v26;
	v25 =	vand.u32 $0xFFFFFF80, v3  }
0x19b: {  	v58 =	vadd.s32 $0x35, v41;
	[tilespmem:$0x1FE90] =	vst v0;
	v0 =	vand.u32 $0x7F, v3;
	v3 =	vadd.s32 v1, v25  }
0x19c: {  	v63 =	vadd.s32 $0x32, v41;
	v28 =	vadd.s32 $0x1B, v41;
	[tilespmem:$0x1FE80] =	vst v2;
	v0 =	vor.u32 v0, v3  }
0x19d: {  	v24 =	vand.u32 $0x7F, v6;
	v2 =	vand.u32 $0x7F, v5;
	[tilespmem:$0x1FEA0] =	vst v0;
	v0 =	vand.u32 $0xFFFFFF80, v5  }
0x19e: {  	v25 =	vadd.s32 $0x1C, v41;
	v3 =	vand.u32 $0xFFFFFF80, v6;
	v0 =	vadd.s32 v1, v0  }
0x19f: {  	v3 =	vadd.s32 v1, v3;
	v0 =	vor.u32 v2, v0;
	v2 =	vand.u32 $0xFFFFFF80, v10  }
0x1a0: {  	v5 =	vand.u32 $0x7F, v10;
	[tilespmem:$0x1FEB0] =	vst v0;
	v0 =	vor.u32 v24, v3;
	v2 =	vadd.s32 v1, v2  }
0x1a1: {  	v3 =	vand.u32 $0x7F, v7;
	[tilespmem:$0x1FEC0] =	vst v0;
	v0 =	vor.u32 v5, v2;
	v2 =	vand.u32 $0xFFFFFF80, v8  }
0x1a2: {  	v5 =	vand.u32 $0xFFFFFF80, v7;
	v7 =	vand.u32 $0x7F, v8;
	v2 =	vadd.s32 v1, v2  }
0x1a3: {  	[tilespmem:$0x1FED0] =	vst v0;
	v5 =	vadd.s32 v1, v5;
	v0 =	vor.u32 v7, v2;
	v2 =	vand.u32 $0xFFFFFF80, v17  }
0x1a4: {  	[tilespmem:$0x1FEE0] =	vst v0;
	v0 =	vor.u32 v3, v5;
	v5 =	vand.u32 $0x7F, v17;
	v2 =	vadd.s32 v1, v2  }
0x1a5: {  	v3 =	vand.u32 $0x7F, v13;
	v17 =	vor.u32 v5, v2;
	v2 =	vand.u32 $0xFFFFFF80, v15  }
0x1a6: {  	v5 =	vand.u32 $0xFFFFFF80, v13;
	v13 =	vand.u32 $0x7F, v15;
	v2 =	vadd.s32 v1, v2  }
0x1a7: {  	[tilespmem:$0x1FEF0] =	vst v0;
	v5 =	vadd.s32 v1, v5;
	v0 =	vor.u32 v13, v2;
	v2 =	vand.u32 $0xFFFFFF80, v23  }
0x1a8: {  	[tilespmem:$0x1FF00] =	vst v0;
	v0 =	vor.u32 v3, v5;
	v5 =	vand.u32 $0x7F, v23;
	v2 =	vadd.s32 v1, v2  }
0x1a9: {  	v3 =	vand.u32 $0x7F, v21;
	v31 =	vor.u32 v5, v2;
	v2 =	vand.u32 $0xFFFFFF80, v22  }
0x1aa: {  	v5 =	vand.u32 $0xFFFFFF80, v21;
	v21 =	vand.u32 $0x7F, v22;
	v2 =	vadd.s32 v1, v2  }
0x1ab: {  	v5 =	vadd.s32 v1, v5;
	v26 =	vor.u32 v21, v2;
	v2 =	vand.u32 $0xFFFFFF80, v20  }
0x1ac: {  	v21 =	vor.u32 v3, v5;
	v5 =	vand.u32 $0x7F, v20;
	v2 =	vadd.s32 v1, v2  }
0x1ad: {  	v3 =	vand.u32 $0x7F, v18;
	v62 =	vor.u32 v5, v2;
	v2 =	vand.u32 $0xFFFFFF80, v19  }
0x1ae: {  	v5 =	vand.u32 $0xFFFFFF80, v18;
	v18 =	vand.u32 $0x7F, v19;
	v2 =	vadd.s32 v1, v2  }
0x1af: {  	v5 =	vadd.s32 v1, v5;
	v34 =	vor.u32 v18, v2;
	v2 =	vand.u32 $0xFFFFFF80, v16  }
0x1b0: {  	[tilespmem:$0x1FF10] =	vst v0;
	v0 =	vld [tilespmem:$0x1FF20];
	v13 =	vor.u32 v3, v5;
	v5 =	vand.u32 $0x7F, v16;
	v2 =	vadd.s32 v1, v2  }
0x1b1: {  	v3 =	vand.u32 $0x7F, v12;
	v22 =	vor.u32 v5, v2;
	v2 =	vand.u32 $0xFFFFFF80, v14  }
0x1b2: {  	v5 =	vand.u32 $0xFFFFFF80, v12;
	v12 =	vand.u32 $0x7F, v14;
	v2 =	vadd.s32 v1, v2  }
0x1b3: {  	v5 =	vadd.s32 v1, v5;
	v15 =	vor.u32 v12, v2;
	v2 =	vand.u32 $0xFFFFFF80, v11  }
0x1b4: {  	v19 =	vor.u32 v3, v5;
	v5 =	vand.u32 $0x7F, v11;
	v2 =	vadd.s32 v1, v2  }
0x1b5: {  	v3 =	vand.u32 $0x7F, v0;
	v47 =	vor.u32 v5, v2;
	v5 =	vand.u32 $0xFFFFFF80, v0;
	v0 =	vld [tilespmem:$0x1FF30]  }
0x1b6: {  	v6 =	vand.u32 $0x7F, v9;
	v20 =	vadd.s32 $0x1D, v41;
	v18 =	vadd.s32 $0x1E, v41  }
0x1b7: {  	v16 =	vadd.s32 $0x1F, v41;
	v14 =	vadd.s32 $0x20, v41;
	v2 =	vand.u32 $0xFFFFFF80, v9  }
0x1b8: {  	v12 =	vadd.s32 $0x21, v41;
	v11 =	vadd.s32 $0x22, v41;
	v2 =	vadd.s32 v1, v2  }
0x1b9: {  	v9 =	vadd.s32 $0x23, v41;
	v5 =	vadd.s32 v1, v5;
	v23 =	vor.u32 v6, v2  }
0x1ba: {  	v45 =	vor.u32 v3, v5;
	v3 =	vadd.s32 $0x4, v4;
	v2 =	vand.u32 $0xFFFFFF80, v0  }
0x1bb: {  	v5 =	vand.u32 $0x7F, v0;
	v0 =	vadd.s32 $0x30, v41;
	v2 =	vadd.s32 v1, v2  }
0x1bc: {  	[tilespmem:$0x1FF40] =	vst v0;
	v0 =	vadd.s32 $0x31, v41;
	v54 =	vor.u32 v5, v2;
	v2 =	vadd.s32 $0x5, v4  }
0x1bd: {  	v5 =	vand.u32 $0xFFFFFF80, v3;
	v3 =	vand.u32 $0x7F, v3;
	[tilespmem:$0x1FF50] =	vst v0;
	v0 =	vadd.s32 $0x2D, v41  }
0x1be: {  	v5 =	vadd.s32 v1, v5;
	v6 =	vand.u32 $0xFFFFFF80, v2;
	[tilespmem:$0x1FF60] =	vst v0;
	v0 =	vadd.s32 $0x2E, v41  }
0x1bf: {  	v2 =	vand.u32 $0x7F, v2;
	v30 =	vor.u32 v3, v5;
	[tilespmem:$0x1FF70] =	vst v0;
	v0 =	vadd.s32 $0x2F, v41  }
0x1c0: {  	v3 =	vadd.s32 v1, v6;
	v6 =	vadd.s32 $0x24, v41;
	[tilespmem:$0x1FF80] =	vst v0;
	v0 =	vadd.s32 $0x2A, v41  }
0x1c1: {  	v29 =	vor.u32 v2, v3;
	v2 =	vadd.s32 $0x2, v4;
	[tilespmem:$0x1FF90] =	vst v0;
	v0 =	vadd.s32 $0x2B, v41  }
0x1c2: {  	v3 =	vadd.s32 $0x1, v4;
	v4 =	vand.u32 $0x7F, v2;
	[tilespmem:$0x1FFA0] =	vst v0;
	v0 =	vadd.s32 $0x2C, v41  }
0x1c3: {  	v2 =	vand.u32 $0xFFFFFF80, v2;
	v5 =	vand.u32 $0xFFFFFF80, v3;
	[tilespmem:$0x1FFB0] =	vst v0;
	v0 =	vadd.s32 $0x27, v41  }
0x1c4: {  	v3 =	vand.u32 $0x7F, v3;
	v5 =	vadd.s32 v1, v5;
	[tilespmem:$0x1FFC0] =	vst v0;
	v0 =	vadd.s32 $0x28, v41  }
0x1c5: {  	v2 =	vadd.s32 v1, v2;
	v60 =	vor.u32 v3, v5;
	[tilespmem:$0x1FFD0] =	vst v0;
	v0 =	vadd.s32 $0x29, v41  }
0x1c6: {  	s31 =	simm.s32 $0x20;
	s28 =	simm.s32 $0x10600;
	v38 =	vor.u32 v4, v2;
	v5 =	vadd.s32 $0x25, v41;
	v4 =	vadd.s32 $0x26, v41;
	[tilespmem:$0x1FFE0] =	vst v0  }
.LBB2_2:
0x1c7: {  	[tilespmem:$0x1F5B0] =	vst v53  }
0x1c8: {  	[tilespmem:$0x1F5C0] =	vst v56  }
0x1c9: {  	[tilespmem:$0x1F5D0] =	vst v49  }
0x1ca: {  	[tilespmem:$0x1F620] =	vst v58  }
0x1cb: {  	[tilespmem:$0x1F5E0] =	vst v50  }
0x1cc: {  	[tilespmem:$0x1F610] =	vst v59  }
0x1cd: {  	[tilespmem:$0x1F630] =	vst v57;
	v50 =	vadd.s32 $0x18, v41  }
0x1ce: {  	[tilespmem:$0x1F660] =	vst v48;
	v27 =	vadd.s32 $0x19, v41;
	v24 =	vadd.s32 $0x1A, v41;
	v35 =	vadd.s32 $0x15, v41  }
0x1cf: {  	[tilespmem:$0x1F650] =	vst v52;
	v33 =	vadd.s32 $0x16, v41;
	v52 =	vadd.s32 $0x17, v41;
	v59 =	vadd.s32 $0x12, v41  }
0x1d0: {  	[tilespmem:$0x1F6B0] =	vst v36;
	v57 =	vadd.s32 $0x13, v41;
	v36 =	vadd.s32 $0x14, v41;
	v2 =	vadd.s32 $0xF, v41  }
0x1d1: {  	[tilespmem:$0x1F690] =	vst v42;
	v42 =	vadd.s32 $0x10, v41;
	v3 =	vadd.s32 $0x11, v41;
	v56 =	vand.u32 $0xFFFFFF80, v41  }
0x1d2: {  	[tilespmem:$0x1F6A0] =	vst v40;
	v48 =	vadd.s32 $0xD, v41;
	v40 =	vadd.s32 $0xE, v41;
	v0 =	vand.u32 $0x7F, v41;
	v8 =	vld [tilespmem:$0x1FCB0]  }
0x1d3: {  	[tilespmem:$0x1F670] =	vst v46;
	v58 =	vadd.s32 $0x1, v41;
	v49 =	vadd.s32 $0xC, v41;
	v46 =	vadd.s32 v1, v56  }
0x1d4: {  	[tilespmem:$0x1F5F0] =	vst v61;
	v32 =	vadd.s32 $0x2, v41;
	v61 =	vand.u32 $0xFFFFFF80, v58;
	v0 =	vor.u32 v0, v46  }
0x1d5: {  	[tilespmem:$0x1F680] =	vst v43;
	v53 =	vadd.s32 $0xB, v41;
	v43 =	vand.u32 $0x7F, v58;
	v46 =	vadd.s32 v1, v61  }
0x1d6: {  	[tilespmem:$0x1F600] =	vst v55;
	v7 =	vadd.s32 $0x3, v41;
	v56 =	vand.u32 $0xFFFFFF80, v32;
	v43 =	vor.u32 v43, v46  }
0x1d7: {  	[tilespmem:$0x1F640] =	vst v51;
	v55 =	vadd.s32 $0x4, v41;
	v60 =	vld.idx.msk [tilespmem:v60+s20+$0x0], $0xffff;
	v51 =	vand.u32 $0x7F, v32;
	v46 =	vadd.s32 v1, v56  }
0x1d8: {  	v10 =	vadd.s32 $0x5, v41;
	v38 =	vld.idx.msk [tilespmem:v38+s20+$0x0], $0xffff;
	v58 =	vand.u32 $0xFFFFFF80, v7;
	v46 =	vor.u32 v51, v46  }
0x1d9: {  	v7 =	vand.u32 $0x7F, v7;
	v61 =	vand.u32 $0xFFFFFF80, v55;
	v51 =	vadd.s32 v1, v58;
	v0 =	vld.idx.msk [tilespmem:v0+s21+$0x0], $0xffff  }
0x1da: {  	v55 =	vand.u32 $0x7F, v55;
	v56 =	vadd.s32 $0x9, v41;
	v7 =	vor.u32 v7, v51;
	v32 =	vld.idx.msk [tilespmem:v8+s20+$0x0], $0xffff  }
0x1db: {  	v51 =	vadd.s32 v1, v61;
	v61 =	vand.u32 $0xFFFFFF80, v10;
	v10 =	vand.u32 $0x7F, v10;
	v43 =	vld.idx.msk [tilespmem:v43+s21+$0x0], $0xffff  }
0x1dc: {  	v54 =	vld.idx.msk [tilespmem:v54+s20+$0x0], $0xffff;
	v51 =	vor.u32 v55, v51;
	v55 =	vadd.s32 v1, v61;
	v61 =	vadd.s32 $0x6, v41  }
0x1dd: {  	v58 =	vadd.s32 $0x8, v41;
	v10 =	vor.u32 v10, v55;
	v55 =	vand.u32 $0xFFFFFF80, v61;
	v46 =	vld.idx.msk [tilespmem:v46+s21+$0x0], $0xffff  }
0x1de: {  	v30 =	vld.idx.msk [tilespmem:v30+s20+$0x0], $0xffff;
	v61 =	vand.u32 $0x7F, v61;
	v8 =	vadd.s32 $0xA, v41;
	v55 =	vadd.s32 v1, v55  }
0x1df: {  	v41 =	vadd.s32 $0x7, v41;
	v7 =	vld.idx.msk [tilespmem:v7+s21+$0x0], $0xffff;
	v0 =	vmul.f32 v0, v32;
	v32 =	vor.u32 v61, v55  }
0x1e0: {  	v29 =	vld.idx.msk [tilespmem:v29+s20+$0x0], $0xffff;
	v61 =	vand.u32 $0xFFFFFF80, v41;
	v41 =	vand.u32 $0x7F, v41;
	v43 =	vmul.f32 v43, v60  }
0x1e1: {  	v23 =	vld.idx.msk [tilespmem:v23+s20+$0x0], $0xffff;
	v60 =	vand.u32 $0xFFFFFF80, v56;
	v55 =	vadd.s32 v1, v61;
	v0 =	vadd.f32 $0.0e+00, v0  }
0x1e2: {  	v51 =	vld.idx.msk [tilespmem:v51+s21+$0x0], $0xffff;
	v61 =	vand.u32 $0xFFFFFF80, v58;
	v58 =	vand.u32 $0x7F, v58;
	v38 =	vmul.f32 v46, v38  }
0x1e3: {  	v45 =	vld.idx.msk [tilespmem:v45+s20+$0x0], $0xffff;
	v41 =	vor.u32 v41, v55;
	v55 =	vadd.s32 v1, v61;
	v0 =	vadd.f32 v43, v0  }
0x1e4: {  	v10 =	vld.idx.msk [tilespmem:v10+s21+$0x0], $0xffff;
	v61 =	vand.u32 $0x7F, v56;
	v7 =	vmul.f32 v7, v54;
	v43 =	vor.u32 v58, v55  }
0x1e5: {  	v46 =	vld.idx.msk [tilespmem:v47+s20+$0x0], $0xffff;
	v58 =	vadd.s32 v1, v60;
	v60 =	vand.u32 $0xFFFFFF80, v8;
	v0 =	vadd.f32 v38, v0  }
0x1e6: {  	v8 =	vand.u32 $0x7F, v8;
	v32 =	vld.idx.msk [tilespmem:v32+s21+$0x0], $0xffff;
	v38 =	vor.u32 v61, v58;
	v61 =	vadd.s32 v1, v60  }
0x1e7: {  	v22 =	vld.idx.msk [tilespmem:v22+s20+$0x0], $0xffff;
	v8 =	vor.u32 v8, v61;
	v0 =	vadd.f32 v7, v0;
	v7 =	vmul.f32 v51, v30  }
0x1e8: {  	v54 =	vand.u32 $0x7F, v53;
	v30 =	vld.idx.msk [tilespmem:v41+s21+$0x0], $0xffff;
	v51 =	vand.u32 $0xFFFFFF80, v53  }
0x1e9: {  	v41 =	vld.idx.msk [tilespmem:v15+s20+$0x0], $0xffff;
	v0 =	vadd.f32 v7, v0;
	v7 =	vmul.f32 v10, v29;
	v29 =	vadd.s32 v1, v51  }
0x1ea: {  	v56 =	vand.u32 $0x7F, v49;
	v55 =	vand.u32 $0xFFFFFF80, v49;
	v10 =	vld.idx.msk [tilespmem:v43+s21+$0x0], $0xffff;
	v29 =	vor.u32 v54, v29  }
0x1eb: {  	v60 =	vadd.s32 v1, v55;
	v58 =	vld.idx.msk [tilespmem:v38+s21+$0x0], $0xffff;
	v0 =	vadd.f32 v7, v0;
	v7 =	vmul.f32 v32, v46  }
0x1ec: {  	v61 =	vand.u32 $0xFFFFFF80, v48;
	v15 =	vand.u32 $0x7F, v40;
	v51 =	vand.u32 $0x7F, v48;
	v8 =	vld.idx.msk [tilespmem:v8+s21+$0x0], $0xffff  }
0x1ed: {  	v0 =	vadd.f32 v7, v0;
	v7 =	vmul.f32 v30, v23;
	v23 =	vadd.s32 v1, v61;
	v61 =	vld.idx.msk [tilespmem:v13+s20+$0x0], $0xffff  }
0x1ee: {  	v38 =	vor.u32 v56, v60;
	v30 =	vand.u32 $0xFFFFFF80, v40;
	v13 =	vld [tilespmem:$0x1FF00];
	v23 =	vor.u32 v51, v23  }
0x1ef: {  	v0 =	vadd.f32 v7, v0;
	v7 =	vmul.f32 v10, v45;
	v10 =	vld.idx.msk [tilespmem:v29+s21+$0x0], $0xffff;
	v29 =	vadd.s32 v1, v30  }
0x1f0: {  	v19 =	vld.idx.msk [tilespmem:v19+s20+$0x0], $0xffff;
	v29 =	vor.u32 v15, v29  }
0x1f1: {  	v56 =	vld.idx.msk [tilespmem:v34+s20+$0x0], $0xffff;
	v0 =	vadd.f32 v7, v0;
	v7 =	vmul.f32 v58, v22  }
0x1f2: {  	v30 =	vld.idx.msk [tilespmem:v62+s20+$0x0], $0xffff;
	v15 =	vand.u32 $0xFFFFFF80, v2;
	v2 =	vand.u32 $0x7F, v2  }
0x1f3: {  	v22 =	vld.idx.msk [tilespmem:v38+s21+$0x0], $0xffff;
	v54 =	vadd.s32 v1, v15;
	v0 =	vadd.f32 v7, v0;
	v7 =	vmul.f32 v8, v41  }
0x1f4: {  	v60 =	vand.u32 $0x7F, v42;
	v58 =	vand.u32 $0xFFFFFF80, v42;
	v2 =	vor.u32 v2, v54;
	v8 =	vld.idx.msk [tilespmem:v23+s21+$0x0], $0xffff  }
0x1f5: {  	v23 =	vadd.s32 v1, v58;
	v0 =	vadd.f32 v7, v0;
	v7 =	vmul.f32 v10, v19;
	v10 =	vld.idx.msk [tilespmem:v29+s21+$0x0], $0xffff  }
0x1f6: {  	v62 =	vand.u32 $0xFFFFFF80, v3;
	v23 =	vor.u32 v60, v23;
	v29 =	vld.idx.msk [tilespmem:v31+s20+$0x0], $0xffff  }
0x1f7: {  	v3 =	vand.u32 $0x7F, v3;
	v19 =	vadd.s32 v1, v62;
	v15 =	vld.idx.msk [tilespmem:v13+s20+$0x0], $0xffff  }
0x1f8: {  	v31 =	vand.u32 $0x7F, v59;
	v13 =	vld [tilespmem:$0x1FF10];
	v3 =	vor.u32 v3, v19;
	v19 =	vand.u32 $0xFFFFFF80, v59  }
0x1f9: {  	v0 =	vadd.f32 v7, v0;
	v7 =	vmul.f32 v22, v30;
	v2 =	vld.idx.msk [tilespmem:v2+s21+$0x0], $0xffff;
	v19 =	vadd.s32 v1, v19  }
0x1fa: {  	v22 =	vld.idx.msk [tilespmem:v26+s20+$0x0], $0xffff;
	v26 =	vand.u32 $0xFFFFFF80, v57;
	v30 =	vand.u32 $0x7F, v57;
	v19 =	vor.u32 v31, v19  }
0x1fb: {  	v0 =	vadd.f32 v7, v0;
	v7 =	vmul.f32 v8, v56;
	v8 =	vld.idx.msk [tilespmem:v23+s21+$0x0], $0xffff;
	v23 =	vadd.s32 v1, v26  }
0x1fc: {  	v26 =	vand.u32 $0xFFFFFF80, v36;
	v23 =	vor.u32 v30, v23;
	v30 =	vand.u32 $0x7F, v36  }
0x1fd: {  	v21 =	vld.idx.msk [tilespmem:v21+s20+$0x0], $0xffff;
	v0 =	vadd.f32 v7, v0;
	v7 =	vmul.f32 v10, v61;
	v10 =	vadd.s32 v1, v26  }
0x1fe: {  	v3 =	vld.idx.msk [tilespmem:v3+s21+$0x0], $0xffff;
	v26 =	vand.u32 $0xFFFFFF80, v35;
	v10 =	vor.u32 v30, v10;
	v30 =	vand.u32 $0x7F, v35  }
0x1ff: {  	v2 =	vmul.f32 v2, v29;
	v0 =	vadd.f32 v7, v0;
	v7 =	vld.idx.msk [tilespmem:v19+s21+$0x0], $0xffff;
	v19 =	vadd.s32 v1, v26  }
0x200: {  	v17 =	vld.idx.msk [tilespmem:v17+s20+$0x0], $0xffff;
	v29 =	vand.u32 $0x7F, v33;
	v26 =	vand.u32 $0xFFFFFF80, v33;
	v19 =	vor.u32 v30, v19  }
0x201: {  	v13 =	vld.idx.msk [tilespmem:v13+s20+$0x0], $0xffff;
	v0 =	vadd.f32 v2, v0;
	v2 =	vmul.f32 v8, v22;
	v22 =	vadd.s32 v1, v26  }
0x202: {  	v8 =	vld.idx.msk [tilespmem:v23+s21+$0x0], $0xffff;
	v22 =	vor.u32 v29, v22  }
0x203: {  	v0 =	vadd.f32 v2, v0;
	v2 =	vmul.f32 v3, v21;
	v3 =	vld.idx.msk [tilespmem:v10+s21+$0x0], $0xffff  }
0x204: {  	v21 =	vld [tilespmem:$0x1FED0]  }
0x205: {  	v0 =	vadd.f32 v2, v0;
	v2 =	vmul.f32 v7, v17;
	v7 =	vld.idx.msk [tilespmem:v19+s21+$0x0], $0xffff  }
0x206: {  	v19 =	vld [tilespmem:$0x1FEE0]  }
0x207: {  	v23 =	vand.u32 $0xFFFFFF80, v52;
	v0 =	vadd.f32 v2, v0;
	v2 =	vmul.f32 v8, v15;
	v8 =	vld.idx.msk [tilespmem:v22+s21+$0x0], $0xffff  }
0x208: {  	v26 =	vand.u32 $0x7F, v52;
	v10 =	vadd.s32 v1, v23;
	v22 =	vld [tilespmem:$0x1FEF0]  }
0x209: {  	v10 =	vor.u32 v26, v10  }
0x20a: {  	v23 =	vand.u32 $0xFFFFFF80, v50;
	v26 =	vand.u32 $0x7F, v50  }
0x20b: {  	v17 =	vadd.s32 v1, v23;
	v0 =	vadd.f32 v2, v0;
	v2 =	vmul.f32 v3, v13;
	v13 =	vld [tilespmem:$0x1FEA0]  }
0x20c: {  	v17 =	vor.u32 v26, v17;
	v21 =	vld.idx.msk [tilespmem:v21+s20+$0x0], $0xffff;
	_ =	sdelay $0x1  }
0x20d: {  	v23 =	vand.u32 $0xFFFFFF80, v27;
	v3 =	vld.idx.msk [tilespmem:v10+s21+$0x0], $0xffff  }
0x20e: {  	v26 =	vand.u32 $0x7F, v27;
	v15 =	vadd.s32 v1, v23;
	v23 =	vand.u32 $0xFFFFFF80, v24;
	v19 =	vld.idx.msk [tilespmem:v19+s20+$0x0], $0xffff  }
0x20f: {  	v24 =	vand.u32 $0x7F, v24;
	v15 =	vor.u32 v26, v15;
	v10 =	vadd.s32 v1, v23;
	v22 =	vld.idx.msk [tilespmem:v22+s20+$0x0], $0xffff  }
0x210: {  	v23 =	vand.u32 $0xFFFFFF80, v28;
	v0 =	vadd.f32 v2, v0;
	v2 =	vmul.f32 v7, v21;
	v7 =	vld.idx.msk [tilespmem:v17+s21+$0x0], $0xffff  }
0x211: {  	v10 =	vor.u32 v24, v10;
	v24 =	vand.u32 $0x7F, v28;
	v17 =	vadd.s32 v1, v23;
	v21 =	vld [tilespmem:$0x1FEB0]  }
0x212: {  	v13 =	vld.idx.msk [tilespmem:v13+s20+$0x0], $0xffff;
	v17 =	vor.u32 v24, v17  }
0x213: {  	v0 =	vadd.f32 v2, v0;
	v2 =	vmul.f32 v8, v19  }
0x214: {  	v8 =	vld.idx.msk [tilespmem:v15+s21+$0x0], $0xffff  }
0x215: {  	v19 =	vld [tilespmem:$0x1FEC0];
	v0 =	vadd.f32 v2, v0;
	v2 =	vmul.f32 v3, v22  }
0x216: {  	v22 =	vld [tilespmem:$0x1FE70]  }
0x217: {  	v23 =	vand.u32 $0xFFFFFF80, v25;
	v0 =	vadd.f32 v2, v0;
	v2 =	vmul.f32 v7, v13;
	v7 =	vld.idx.msk [tilespmem:v17+s21+$0x0], $0xffff  }
0x218: {  	v24 =	vand.u32 $0x7F, v25;
	v15 =	vadd.s32 v1, v23;
	v17 =	vld [tilespmem:$0x1FE80]  }
0x219: {  	v23 =	vand.u32 $0xFFFFFF80, v20;
	v15 =	vor.u32 v24, v15;
	v21 =	vld.idx.msk [tilespmem:v21+s20+$0x0], $0xffff  }
0x21a: {  	v20 =	vand.u32 $0x7F, v20;
	v3 =	vld.idx.msk [tilespmem:v10+s21+$0x0], $0xffff;
	v10 =	vadd.s32 v1, v23  }
0x21b: {  	v10 =	vor.u32 v20, v10;
	v20 =	vand.u32 $0xFFFFFF80, v18  }
0x21c: {  	v18 =	vand.u32 $0x7F, v18;
	v13 =	vadd.s32 v1, v20  }
0x21d: {  	v13 =	vor.u32 v18, v13;
	v19 =	vld.idx.msk [tilespmem:v19+s20+$0x0], $0xffff  }
0x21e: {  	v18 =	vand.u32 $0xFFFFFF80, v16;
	v0 =	vadd.f32 v2, v0;
	v2 =	vmul.f32 v8, v21;
	v8 =	vld.idx.msk [tilespmem:v15+s21+$0x0], $0xffff  }
0x21f: {  	v15 =	vadd.s32 v1, v18;
	v18 =	vld [tilespmem:$0x1FE90]  }
0x220: {  	v16 =	vand.u32 $0x7F, v16;
	v22 =	vld.idx.msk [tilespmem:v22+s20+$0x0], $0xffff  }
0x221: {  	v17 =	vld.idx.msk [tilespmem:v17+s20+$0x0], $0xffff;
	v15 =	vor.u32 v16, v15  }
0x222: {  	v16 =	vand.u32 $0xFFFFFF80, v14;
	v0 =	vadd.f32 v2, v0;
	v2 =	vmul.f32 v3, v19;
	v3 =	vld.idx.msk [tilespmem:v10+s21+$0x0], $0xffff  }
0x223: {  	v14 =	vand.u32 $0x7F, v14;
	v10 =	vadd.s32 v1, v16;
	v16 =	vld [tilespmem:$0x1FE40]  }
0x224: {  	v10 =	vor.u32 v14, v10  }
0x225: {  	v14 =	vand.u32 $0xFFFFFF80, v12;
	v0 =	vadd.f32 v2, v0;
	v2 =	vmul.f32 v7, v22;
	v7 =	vld.idx.msk [tilespmem:v13+s21+$0x0], $0xffff  }
0x226: {  	v13 =	vadd.s32 v1, v14;
	v14 =	vld [tilespmem:$0x1FE50]  }
0x227: {  	v18 =	vld.idx.msk [tilespmem:v18+s20+$0x0], $0xffff  }
0x228: {  	v12 =	vand.u32 $0x7F, v12;
	v0 =	vadd.f32 v2, v0;
	v2 =	vmul.f32 v8, v17;
	v8 =	vld.idx.msk [tilespmem:v15+s21+$0x0], $0xffff  }
0x229: {  	v12 =	vor.u32 v12, v13;
	v13 =	vand.u32 $0xFFFFFF80, v11;
	v15 =	vld [tilespmem:$0x1FE60]  }
0x22a: {  	v11 =	vand.u32 $0x7F, v11;
	v13 =	vadd.s32 v1, v13  }
0x22b: {  	v11 =	vor.u32 v11, v13;
	v16 =	vld.idx.msk [tilespmem:v16+s20+$0x0], $0xffff  }
0x22c: {  	v13 =	vand.u32 $0xFFFFFF80, v9;
	v0 =	vadd.f32 v2, v0;
	v2 =	vmul.f32 v3, v18;
	v3 =	vld.idx.msk [tilespmem:v10+s21+$0x0], $0xffff  }
0x22d: {  	v10 =	vadd.s32 v1, v13;
	v13 =	vld [tilespmem:$0x1FE10];
	_ =	sdelay $0x1  }
0x22e: {  	v14 =	vld.idx.msk [tilespmem:v14+s20+$0x0], $0xffff  }
0x22f: {  	v9 =	vand.u32 $0x7F, v9  }
0x230: {  	v15 =	vld.idx.msk [tilespmem:v15+s20+$0x0], $0xffff;
	v9 =	vor.u32 v9, v10;
	v10 =	vand.u32 $0xFFFFFF80, v6;
	v6 =	vand.u32 $0x7F, v6  }
0x231: {  	v0 =	vadd.f32 v2, v0;
	v2 =	vmul.f32 v7, v16;
	v7 =	vld.idx.msk [tilespmem:v12+s21+$0x0], $0xffff;
	v10 =	vadd.s32 v1, v10  }
0x232: {  	v12 =	vld [tilespmem:$0x1FE20];
	v6 =	vor.u32 v6, v10  }
0x233: {  	v10 =	vand.u32 $0xFFFFFF80, v5;
	v0 =	vadd.f32 v2, v0;
	v2 =	vmul.f32 v8, v14;
	v14 =	vld [tilespmem:$0x1FFC0]  }
0x234: {  	v5 =	vand.u32 $0x7F, v5;
	v10 =	vadd.s32 v1, v10;
	v13 =	vld.idx.msk [tilespmem:v13+s20+$0x0], $0xffff  }
0x235: {  	v5 =	vor.u32 v5, v10  }
0x236: {  	v10 =	vand.u32 $0xFFFFFF80, v4;
	v0 =	vadd.f32 v2, v0;
	v2 =	vmul.f32 v3, v15  }
0x237: {  	v4 =	vand.u32 $0x7F, v4;
	v3 =	vld.idx.msk [tilespmem:v9+s21+$0x0], $0xffff;
	v9 =	vadd.s32 v1, v10  }
0x238: {  	v8 =	vld.idx.msk [tilespmem:v11+s21+$0x0], $0xffff;
	v4 =	vor.u32 v4, v9;
	v0 =	vadd.f32 v2, v0;
	v9 =	vand.u32 $0xFFFFFF80, v14  }
0x239: {  	v11 =	vld [tilespmem:$0x1FE30];
	v14 =	vand.u32 $0x7F, v14;
	v2 =	vmul.f32 v7, v13;
	v7 =	vadd.s32 v1, v9  }
0x23a: {  	v7 =	vor.u32 v14, v7;
	v14 =	vld [tilespmem:$0x1FFD0]  }
0x23b: {  	v12 =	vld.idx.msk [tilespmem:v12+s20+$0x0], $0xffff;
	_ =	sdelay $0x3  }
0x23c: {  	v0 =	vadd.f32 v2, v0;
	v13 =	vand.u32 $0xFFFFFF80, v14  }
0x23d: {  	v10 =	vld [tilespmem:$0x1FDE0];
	v2 =	vmul.f32 v8, v12;
	v14 =	vand.u32 $0x7F, v14;
	v8 =	vadd.s32 v1, v13  }
0x23e: {  	v8 =	vor.u32 v14, v8;
	v14 =	vld [tilespmem:$0x1FFE0]  }
0x23f: {  	v11 =	vld.idx.msk [tilespmem:v11+s20+$0x0], $0xffff;
	_ =	sdelay $0x2  }
0x240: {  	v6 =	vld.idx.msk [tilespmem:v6+s21+$0x0], $0xffff  }
0x241: {  	v9 =	vld [tilespmem:$0x1FDF0];
	v0 =	vadd.f32 v2, v0;
	v13 =	vand.u32 $0xFFFFFF80, v14  }
0x242: {  	v2 =	vmul.f32 v3, v11;
	v3 =	vld.idx.msk [tilespmem:v4+s21+$0x0], $0xffff;
	v14 =	vand.u32 $0x7F, v14;
	v4 =	vadd.s32 v1, v13  }
0x243: {  	v4 =	vor.u32 v14, v4;
	v14 =	vld [tilespmem:$0x1FF90]  }
0x244: {  	v10 =	vld.idx.msk [tilespmem:v10+s20+$0x0], $0xffff;
	_ =	sdelay $0x2  }
0x245: {  	v5 =	vld.idx.msk [tilespmem:v5+s21+$0x0], $0xffff  }
0x246: {  	v12 =	vld [tilespmem:$0x1FE00];
	v0 =	vadd.f32 v2, v0;
	v13 =	vand.u32 $0xFFFFFF80, v14  }
0x247: {  	v2 =	vmul.f32 v6, v10;
	v6 =	vld.idx.msk [tilespmem:v7+s21+$0x0], $0xffff;
	v14 =	vand.u32 $0x7F, v14;
	v7 =	vadd.s32 v1, v13  }
0x248: {  	v7 =	vor.u32 v14, v7;
	v14 =	vld [tilespmem:$0x1FFA0]  }
0x249: {  	v9 =	vld.idx.msk [tilespmem:v9+s20+$0x0], $0xffff;
	_ =	sdelay $0x3  }
0x24a: {  	v11 =	vld [tilespmem:$0x1FDC0];
	v0 =	vadd.f32 v2, v0;
	v13 =	vand.u32 $0xFFFFFF80, v14  }
0x24b: {  	v2 =	vmul.f32 v5, v9;
	v5 =	vld.idx.msk [tilespmem:v8+s21+$0x0], $0xffff;
	v14 =	vand.u32 $0x7F, v14;
	v8 =	vadd.s32 v1, v13  }
0x24c: {  	v8 =	vor.u32 v14, v8;
	v14 =	vld [tilespmem:$0x1FFB0]  }
0x24d: {  	v12 =	vld.idx.msk [tilespmem:v12+s20+$0x0], $0xffff;
	_ =	sdelay $0x3  }
0x24e: {  	v10 =	vld [tilespmem:$0x1FDD0];
	v0 =	vadd.f32 v2, v0;
	v13 =	vand.u32 $0xFFFFFF80, v14  }
0x24f: {  	v2 =	vmul.f32 v3, v12;
	v3 =	vld.idx.msk [tilespmem:v4+s21+$0x0], $0xffff;
	v14 =	vand.u32 $0x7F, v14;
	v4 =	vadd.s32 v1, v13  }
0x250: {  	v4 =	vor.u32 v14, v4;
	v14 =	vld [tilespmem:$0x1FF60]  }
0x251: {  	v11 =	vld.idx.msk [tilespmem:v11+s20+$0x0], $0xffff;
	_ =	sdelay $0x3  }
0x252: {  	v9 =	vld [tilespmem:$0x1F5B0];
	v0 =	vadd.f32 v2, v0;
	v13 =	vand.u32 $0xFFFFFF80, v14  }
0x253: {  	v2 =	vmul.f32 v6, v11;
	v6 =	vld.idx.msk [tilespmem:v7+s21+$0x0], $0xffff;
	v14 =	vand.u32 $0x7F, v14;
	v7 =	vadd.s32 v1, v13  }
0x254: {  	v7 =	vor.u32 v14, v7;
	v14 =	vld [tilespmem:$0x1FF70]  }
0x255: {  	v10 =	vld.idx.msk [tilespmem:v10+s20+$0x0], $0xffff;
	_ =	sdelay $0x3  }
0x256: {  	v12 =	vld [tilespmem:$0x1FDB0];
	v0 =	vadd.f32 v2, v0;
	v13 =	vand.u32 $0xFFFFFF80, v14  }
0x257: {  	v2 =	vmul.f32 v5, v10;
	v5 =	vld.idx.msk [tilespmem:v8+s21+$0x0], $0xffff;
	v14 =	vand.u32 $0x7F, v14;
	v8 =	vadd.s32 v1, v13  }
0x258: {  	v8 =	vor.u32 v14, v8;
	v14 =	vld [tilespmem:$0x1FF80]  }
0x259: {  	v9 =	vld.idx.msk [tilespmem:v9+s20+$0x0], $0xffff;
	_ =	sdelay $0x1  }
0x25a: {  	v11 =	vld [tilespmem:$0x1F5C0]  }
0x25b: {  	v10 =	vld [tilespmem:$0x1F5D0]  }
0x25c: {  	v0 =	vadd.f32 v2, v0;
	v13 =	vand.u32 $0xFFFFFF80, v14  }
0x25d: {  	v2 =	vmul.f32 v3, v9;
	v3 =	vld.idx.msk [tilespmem:v4+s21+$0x0], $0xffff;
	v14 =	vand.u32 $0x7F, v14;
	v4 =	vadd.s32 v1, v13  }
0x25e: {  	v4 =	vor.u32 v14, v4;
	v14 =	vld [tilespmem:$0x1FF40]  }
0x25f: {  	v12 =	vld.idx.msk [tilespmem:v12+s20+$0x0], $0xffff;
	_ =	sdelay $0x2  }
0x260: {  	v11 =	vld.idx.msk [tilespmem:v11+s20+$0x0], $0xffff  }
0x261: {  	v10 =	vld.idx.msk [tilespmem:v10+s20+$0x0], $0xffff;
	v0 =	vadd.f32 v2, v0;
	v13 =	vand.u32 $0xFFFFFF80, v14  }
0x262: {  	v2 =	vmul.f32 v6, v12;
	v6 =	vld.idx.msk [tilespmem:v7+s21+$0x0], $0xffff;
	v14 =	vand.u32 $0x7F, v14;
	v7 =	vadd.s32 v1, v13  }
0x263: {  	v7 =	vor.u32 v14, v7;
	v14 =	vld [tilespmem:$0x1FF50]  }
0x264: {  	v9 =	vld [tilespmem:$0x1FD90];
	_ =	sdelay $0x1  }
0x265: {  	v0 =	vadd.f32 v2, v0;
	v2 =	vmul.f32 v5, v11;
	_ =	sdelay $0x1  }
0x266: {  	v12 =	vld [tilespmem:$0x1FDA0];
	v0 =	vadd.f32 v2, v0;
	v2 =	vmul.f32 v3, v10;
	v13 =	vand.u32 $0xFFFFFF80, v14  }
0x267: {  	v5 =	vld.idx.msk [tilespmem:v8+s21+$0x0], $0xffff;
	v14 =	vand.u32 $0x7F, v14;
	v8 =	vadd.s32 v1, v13;
	v13 =	vand.u32 $0xFFFFFF80, v63  }
0x268: {  	v3 =	vld.idx.msk [tilespmem:v4+s21+$0x0], $0xffff;
	v8 =	vor.u32 v14, v8;
	v14 =	vand.u32 $0x7F, v63;
	v4 =	vadd.s32 v1, v13  }
0x269: {  	v4 =	vor.u32 v14, v4;
	v14 =	vld [tilespmem:$0x1F5F0]  }
0x26a: {  	v9 =	vld.idx.msk [tilespmem:v9+s20+$0x0], $0xffff;
	_ =	sdelay $0x3  }
0x26b: {  	v11 =	vld [tilespmem:$0x1F5E0];
	v0 =	vadd.f32 v2, v0;
	v13 =	vand.u32 $0xFFFFFF80, v14  }
0x26c: {  	v2 =	vmul.f32 v6, v9;
	v6 =	vld.idx.msk [tilespmem:v7+s21+$0x0], $0xffff;
	v14 =	vand.u32 $0x7F, v14;
	v7 =	vadd.s32 v1, v13  }
0x26d: {  	v7 =	vor.u32 v14, v7;
	v14 =	vld [tilespmem:$0x1F610]  }
0x26e: {  	v12 =	vld.idx.msk [tilespmem:v12+s20+$0x0], $0xffff;
	_ =	sdelay $0x3  }
0x26f: {  	v10 =	vld [tilespmem:$0x1FD80];
	v0 =	vadd.f32 v2, v0;
	v13 =	vand.u32 $0xFFFFFF80, v14  }
0x270: {  	v2 =	vmul.f32 v5, v12;
	v5 =	vld.idx.msk [tilespmem:v8+s21+$0x0], $0xffff;
	v14 =	vand.u32 $0x7F, v14;
	v8 =	vadd.s32 v1, v13  }
0x271: {  	v8 =	vor.u32 v14, v8;
	v14 =	vld [tilespmem:$0x1F620]  }
0x272: {  	v11 =	vld.idx.msk [tilespmem:v11+s20+$0x0], $0xffff;
	_ =	sdelay $0x3  }
0x273: {  	v9 =	vld [tilespmem:$0x1F600];
	v0 =	vadd.f32 v2, v0;
	v13 =	vand.u32 $0xFFFFFF80, v14  }
0x274: {  	v2 =	vmul.f32 v3, v11;
	v3 =	vld.idx.msk [tilespmem:v4+s21+$0x0], $0xffff;
	v14 =	vand.u32 $0x7F, v14;
	v4 =	vadd.s32 v1, v13  }
0x275: {  	v4 =	vor.u32 v14, v4;
	v14 =	vld [tilespmem:$0x1F630]  }
0x276: {  	v10 =	vld.idx.msk [tilespmem:v10+s20+$0x0], $0xffff;
	_ =	sdelay $0x3  }
0x277: {  	v0 =	vadd.f32 v2, v0;
	v13 =	vand.u32 $0xFFFFFF80, v14  }
0x278: {  	v2 =	vmul.f32 v6, v10;
	v6 =	vld.idx.msk [tilespmem:v7+s21+$0x0], $0xffff;
	v14 =	vand.u32 $0x7F, v14;
	v7 =	vadd.s32 v1, v13  }
0x279: {  	v7 =	vor.u32 v14, v7;
	v14 =	vld [tilespmem:$0x1F640]  }
0x27a: {  	v9 =	vld.idx.msk [tilespmem:v9+s20+$0x0], $0xffff;
	_ =	sdelay $0x1  }
0x27b: {  	v49 =	vmov v44;
	_ =	sdelay $0x1  }
0x27c: {  	v11 =	vld [tilespmem:$0x1FD60];
	v0 =	vadd.f32 v2, v0;
	v13 =	vand.u32 $0xFFFFFF80, v14  }
0x27d: {  	v2 =	vmul.f32 v5, v9;
	v5 =	vld.idx.msk [tilespmem:v8+s21+$0x0], $0xffff;
	v14 =	vand.u32 $0x7F, v14;
	v8 =	vadd.s32 v1, v13  }
0x27e: {  	v8 =	vor.u32 v14, v8;
	v14 =	vld [tilespmem:$0x1F660]  }
0x27f: {  	v12 =	vld.idx.msk [tilespmem:v49+s20+$0x0], $0xffff;
	_ =	sdelay $0x2  }
0x280: {  	v10 =	vld [tilespmem:$0x1FD70]  }
0x281: {  	v0 =	vadd.f32 v2, v0;
	v13 =	vand.u32 $0xFFFFFF80, v14  }
0x282: {  	v2 =	vmul.f32 v3, v12;
	v3 =	vld.idx.msk [tilespmem:v4+s21+$0x0], $0xffff;
	v14 =	vand.u32 $0x7F, v14;
	v4 =	vadd.s32 v1, v13  }
0x283: {  	v4 =	vor.u32 v14, v4;
	v14 =	vld [tilespmem:$0x1F670]  }
0x284: {  	v11 =	vld.idx.msk [tilespmem:v11+s20+$0x0], $0xffff;
	_ =	sdelay $0x1  }
0x285: {  	v9 =	vld [tilespmem:$0x1F650]  }
0x286: {  	v12 =	vld [tilespmem:$0x1FD30]  }
0x287: {  	v10 =	vld.idx.msk [tilespmem:v10+s20+$0x0], $0xffff;
	v0 =	vadd.f32 v2, v0;
	v13 =	vand.u32 $0xFFFFFF80, v14  }
0x288: {  	v2 =	vmul.f32 v6, v11;
	v6 =	vld.idx.msk [tilespmem:v7+s21+$0x0], $0xffff;
	v14 =	vand.u32 $0x7F, v14;
	v7 =	vadd.s32 v1, v13  }
0x289: {  	v7 =	vor.u32 v14, v7;
	v14 =	vld [tilespmem:$0x1F680]  }
0x28a: {  	v11 =	vld [tilespmem:$0x1FD40];
	_ =	sdelay $0x2  }
0x28b: {  	v9 =	vld.idx.msk [tilespmem:v9+s20+$0x0], $0xffff  }
0x28c: {  	v12 =	vld.idx.msk [tilespmem:v12+s20+$0x0], $0xffff;
	v0 =	vadd.f32 v2, v0;
	v13 =	vand.u32 $0xFFFFFF80, v14  }
0x28d: {  	v2 =	vmul.f32 v5, v10;
	v5 =	vld.idx.msk [tilespmem:v8+s21+$0x0], $0xffff;
	v14 =	vand.u32 $0x7F, v14;
	v8 =	vadd.s32 v1, v13  }
0x28e: {  	v8 =	vor.u32 v14, v8;
	v14 =	vld [tilespmem:$0x1F690]  }
0x28f: {  	v10 =	vld [tilespmem:$0x1FD50]  }
0x290: {  	v11 =	vld.idx.msk [tilespmem:v11+s20+$0x0], $0xffff;
	v0 =	vadd.f32 v2, v0;
	v2 =	vmul.f32 v3, v9  }
0x291: {  	v9 =	vld [tilespmem:$0x1FD00]  }
0x292: {  	v0 =	vadd.f32 v2, v0;
	v2 =	vmul.f32 v6, v12;
	v12 =	vld [tilespmem:$0x1FD10]  }
0x293: {  	v13 =	vand.u32 $0xFFFFFF80, v14  }
0x294: {  	v3 =	vld.idx.msk [tilespmem:v4+s21+$0x0], $0xffff;
	v14 =	vand.u32 $0x7F, v14;
	v4 =	vadd.s32 v1, v13  }
0x295: {  	v4 =	vor.u32 v14, v4;
	v14 =	vld [tilespmem:$0x1F6A0]  }
0x296: {  	v0 =	vadd.f32 v2, v0;
	v2 =	vmul.f32 v5, v11;
	v11 =	vld [tilespmem:$0x1FD20]  }
0x297: {  	v10 =	vld.idx.msk [tilespmem:v10+s20+$0x0], $0xffff;
	_ =	sdelay $0x1  }
0x298: {  	v9 =	vld.idx.msk [tilespmem:v9+s20+$0x0], $0xffff  }
0x299: {  	v12 =	vld.idx.msk [tilespmem:v12+s20+$0x0], $0xffff;
	v13 =	vand.u32 $0xFFFFFF80, v14  }
0x29a: {  	v53 =	vmovc v39;
	v0 =	vadd.f32 v2, v0;
	v6 =	vld.idx.msk [tilespmem:v7+s21+$0x0], $0xffff;
	v14 =	vand.u32 $0x7F, v14;
	v7 =	vadd.s32 v1, v13  }
0x29b: {  	v2 =	vmul.f32 v3, v10;
	v10 =	vld [tilespmem:$0x1FCD0];
	v13 =	vand.u32 $0xFFFFFF80, v53;
	v7 =	vor.u32 v14, v7  }
0x29c: {  	v55 =	vmov v37;
	v5 =	vld.idx.msk [tilespmem:v8+s21+$0x0], $0xffff;
	v14 =	vand.u32 $0x7F, v53;
	v8 =	vadd.s32 v1, v13  }
0x29d: {  	v11 =	vld.idx.msk [tilespmem:v11+s20+$0x0], $0xffff;
	v13 =	vand.u32 $0xFFFFFF80, v55;
	v8 =	vor.u32 v14, v8  }
0x29e: {  	v3 =	vld.idx.msk [tilespmem:v4+s21+$0x0], $0xffff;
	v14 =	vand.u32 $0x7F, v55;
	v4 =	vadd.s32 v1, v13  }
0x29f: {  	v4 =	vor.u32 v14, v4;
	v14 =	vld [tilespmem:$0x1F6B0]  }
0x2a0: {  	v0 =	vadd.f32 v2, v0;
	v2 =	vmul.f32 v6, v9;
	v6 =	vld.idx.msk [tilespmem:v7+s21+$0x0], $0xffff  }
0x2a1: {  	v7 =	vld [tilespmem:$0x1FCE0]  }
0x2a2: {  	v0 =	vadd.f32 v2, v0;
	v2 =	vmul.f32 v5, v12;
	v5 =	vld.idx.msk [tilespmem:v8+s21+$0x0], $0xffff  }
0x2a3: {  	v8 =	vld [tilespmem:$0x1FCF0]  }
0x2a4: {  	v0 =	vadd.f32 v2, v0;
	v2 =	vmul.f32 v3, v11;
	v3 =	vld.idx.msk [tilespmem:v4+s21+$0x0], $0xffff  }
0x2a5: {  	v13 =	vand.u32 $0xFFFFFF80, v14;
	v4 =	vld [tilespmem:$0x1FCC0]  }
0x2a6: {  	v14 =	vand.u32 $0x7F, v14;
	v1 =	vadd.s32 v1, v13  }
0x2a7: {  	v10 =	vld.idx.msk [tilespmem:v10+s20+$0x0], $0xffff;
	v1 =	vor.u32 v14, v1;
	_ =	sdelay $0x1  }
0x2a8: {  	v7 =	vld.idx.msk [tilespmem:v7+s20+$0x0], $0xffff;
	_ =	sdelay $0x1  }
0x2a9: {  	v8 =	vld.idx.msk [tilespmem:v8+s20+$0x0], $0xffff  }
0x2aa: {  	v0 =	vadd.f32 v2, v0;
	v2 =	vmul.f32 v6, v10;
	v1 =	vld.idx.msk [tilespmem:v1+s21+$0x0], $0xffff  }
0x2ab: {  	v4 =	vld.idx.msk [tilespmem:v4+s20+$0x0], $0xffff  }
0x2ac: {  	v0 =	vadd.f32 v2, v0;
	v2 =	vmul.f32 v5, v7;
	_ =	sdelay $0x1  }
0x2ad: {  	v0 =	vadd.f32 v2, v0;
	v2 =	vmul.f32 v3, v8;
	_ =	sdelay $0x1  }
0x2ae: {  	v1 =	vmul.f32 v1, v4;
	v0 =	vadd.f32 v2, v0;
	_ =	sdelay $0x1  }
0x2af: {  	v0 =	vadd.f32 v1, v0  }
0x2b0: {  	s28 =	sadd.s32 $0x10, s28  }
0x2b1: {  	s29 =	sadd.s32 $0x10, s29;
	[tilespmem:s28+$0x0] =	vst v0  }
0x2b2: {  	v0 =	vld [tilespmem:s29+$0x0];
	_ =	sdelay $0x4  }
0x2b3: {  	v37 =	vadd.s32 $0x5, v0  }
0x2b4: {  	v59 =	vadd.s32 $0x3, v0;
	[tilespmem:$0x1F6C0] =	vst v37  }
0x2b5: {  	v62 =	vand.u32 $0xFFFFFF80, v0;
	[tilespmem:$0x1F6D0] =	vst v59  }
0x2b6: {  	v5 =	vadd.s32 $0x3E, v0;
	[tilespmem:$0x1F6E0] =	vst v62;
	v62 =	vand.u32 $0x7F, v0  }
0x2b7: {  	[tilespmem:$0x1F870] =	vst v62;
	v62 =	vand.u32 $0x7F, v5  }
0x2b8: {  	v6 =	vadd.s32 $0x3F, v0;
	v5 =	vand.u32 $0xFFFFFF80, v5;
	[tilespmem:$0x1F8B0] =	vst v62  }
0x2b9: {  	v2 =	vld [tilespmem:$0x1FFF0];
	v7 =	vadd.s32 $0x3B, v0;
	v62 =	vand.u32 $0xFFFFFF80, v6;
	v6 =	vand.u32 $0x7F, v6;
	[tilespmem:$0x1F6F0] =	vst v5  }
0x2ba: {  	v9 =	vadd.s32 $0x3D, v0;
	v5 =	vand.u32 $0x7F, v7;
	[tilespmem:$0x1F880] =	vst v6  }
0x2bb: {  	v8 =	vadd.s32 $0x3C, v0;
	v6 =	vand.u32 $0xFFFFFF80, v9;
	[tilespmem:$0x1F8E0] =	vst v5  }
0x2bc: {  	v1 =	vmov s31;
	v5 =	vand.u32 $0x7F, v8;
	[tilespmem:$0x1F710] =	vst v6  }
0x2bd: {  	v1 =	vshll.u32 v1, $0x7;
	v12 =	vadd.s32 $0x3A, v0;
	v6 =	vand.u32 $0x7F, v9;
	[tilespmem:$0x1F890] =	vst v5  }
0x2be: {  	v1 =	vor.u32 v2, v1;
	v10 =	vadd.s32 $0x38, v0;
	v5 =	vand.u32 $0x7F, v12;
	[tilespmem:$0x1F8A0] =	vst v6  }
0x2bf: {  	v11 =	vadd.s32 $0x39, v0;
	v13 =	vadd.s32 $0x35, v0;
	[tilespmem:$0x1F8D0] =	vst v5;
	v5 =	vand.u32 $0x7F, v10  }
0x2c0: {  	v14 =	vadd.s32 $0x36, v0;
	v15 =	vadd.s32 $0x37, v0;
	[tilespmem:$0x1F910] =	vst v5;
	v5 =	vand.u32 $0x7F, v11  }
0x2c1: {  	v16 =	vadd.s32 $0x32, v0;
	v18 =	vadd.s32 $0x34, v0;
	[tilespmem:$0x1F8C0] =	vst v5;
	v5 =	vand.u32 $0x7F, v15  }
0x2c2: {  	v2 =	vadd.s32 $0x31, v0;
	v6 =	vand.u32 $0xFFFFFF80, v12;
	[tilespmem:$0x1F900] =	vst v5;
	v5 =	vand.u32 $0x7F, v13  }
0x2c3: {  	v12 =	vand.u32 $0xFFFFFF80, v7;
	v7 =	vand.u32 $0xFFFFFF80, v15;
	[tilespmem:$0x1F940] =	vst v5;
	v5 =	vand.u32 $0x7F, v14  }
0x2c4: {  	v15 =	vand.u32 $0xFFFFFF80, v10;
	v10 =	vand.u32 $0xFFFFFF80, v18;
	[tilespmem:$0x1F8F0] =	vst v5;
	v5 =	vand.u32 $0x7F, v18  }
0x2c5: {  	v18 =	vand.u32 $0xFFFFFF80, v13;
	v13 =	vand.u32 $0xFFFFFF80, v2;
	v2 =	vand.u32 $0x7F, v2;
	[tilespmem:$0x1F930] =	vst v5  }
0x2c6: {  	v21 =	vadd.s32 $0x2F, v0;
	[tilespmem:$0x1F960] =	vst v2;
	v2 =	vand.u32 $0xFFFFFF80, v16  }
0x2c7: {  	v20 =	vadd.s32 $0x30, v0;
	[tilespmem:$0x1F720] =	vst v2;
	v2 =	vand.u32 $0x7F, v21  }
0x2c8: {  	v3 =	vadd.s32 $0x2E, v0;
	[tilespmem:$0x1F9A0] =	vst v2;
	v2 =	vand.u32 $0x7F, v20  }
0x2c9: {  	[tilespmem:$0x1F950] =	vst v2;
	v2 =	vand.u32 $0x7F, v3  }
0x2ca: {  	v24 =	vadd.s32 $0x2C, v0;
	[tilespmem:$0x1F990] =	vst v2;
	v2 =	vand.u32 $0xFFFFFF80, v21  }
0x2cb: {  	v19 =	vadd.s32 $0x2D, v0;
	[tilespmem:$0x1F730] =	vst v2;
	v2 =	vand.u32 $0x7F, v24  }
0x2cc: {  	v4 =	vadd.s32 $0x2B, v0;
	[tilespmem:$0x1F9D0] =	vst v2;
	v2 =	vand.u32 $0x7F, v19  }
0x2cd: {  	[tilespmem:$0x1F980] =	vst v2;
	v2 =	vand.u32 $0x7F, v4  }
0x2ce: {  	v27 =	vadd.s32 $0x29, v0;
	[tilespmem:$0x1F9C0] =	vst v2;
	v2 =	vand.u32 $0xFFFFFF80, v24  }
0x2cf: {  	v23 =	vadd.s32 $0x2A, v0;
	[tilespmem:$0x1F740] =	vst v2;
	v2 =	vand.u32 $0x7F, v27  }
0x2d0: {  	v22 =	vadd.s32 $0x28, v0;
	[tilespmem:$0x1FA00] =	vst v2;
	v2 =	vand.u32 $0x7F, v23  }
0x2d1: {  	v30 =	vadd.s32 $0x26, v0;
	[tilespmem:$0x1F9B0] =	vst v2;
	v2 =	vand.u32 $0x7F, v22  }
0x2d2: {  	v26 =	vadd.s32 $0x27, v0;
	[tilespmem:$0x1F9F0] =	vst v2;
	v2 =	vand.u32 $0x7F, v30  }
0x2d3: {  	v25 =	vadd.s32 $0x25, v0;
	[tilespmem:$0x1FA30] =	vst v2;
	v2 =	vand.u32 $0x7F, v26  }
0x2d4: {  	v32 =	vadd.s32 $0x23, v0;
	[tilespmem:$0x1F9E0] =	vst v2;
	v2 =	vand.u32 $0x7F, v25  }
0x2d5: {  	v29 =	vadd.s32 $0x24, v0;
	[tilespmem:$0x1FA20] =	vst v2;
	v2 =	vand.u32 $0x7F, v32  }
0x2d6: {  	v28 =	vadd.s32 $0x22, v0;
	[tilespmem:$0x1FA60] =	vst v2;
	v2 =	vand.u32 $0x7F, v29  }
0x2d7: {  	[tilespmem:$0x1FA10] =	vst v2;
	v2 =	vand.u32 $0x7F, v28  }
0x2d8: {  	v33 =	vadd.s32 $0x20, v0;
	[tilespmem:$0x1FA50] =	vst v2;
	v2 =	vand.u32 $0xFFFFFF80, v32  }
0x2d9: {  	v40 =	vadd.s32 $0x21, v0;
	[tilespmem:$0x1F750] =	vst v2;
	v2 =	vand.u32 $0x7F, v33  }
0x2da: {  	v31 =	vadd.s32 $0x1F, v0;
	[tilespmem:$0x1FA90] =	vst v2;
	v2 =	vand.u32 $0x7F, v40  }
0x2db: {  	[tilespmem:$0x1FA40] =	vst v2;
	v2 =	vand.u32 $0x7F, v31  }
0x2dc: {  	v36 =	vadd.s32 $0x1D, v0;
	[tilespmem:$0x1FA80] =	vst v2;
	v2 =	vand.u32 $0xFFFFFF80, v33  }
0x2dd: {  	v38 =	vadd.s32 $0x1E, v0;
	[tilespmem:$0x1F760] =	vst v2;
	v2 =	vand.u32 $0x7F, v36  }
0x2de: {  	[tilespmem:$0x1FAC0] =	vst v2;
	v2 =	vand.u32 $0xFFFFFF80, v38  }
0x2df: {  	v43 =	vadd.s32 $0x1C, v0;
	[tilespmem:$0x1F780] =	vst v2;
	v2 =	vand.u32 $0x7F, v38  }
0x2e0: {  	[tilespmem:$0x1FA70] =	vst v2;
	v2 =	vand.u32 $0x7F, v43  }
0x2e1: {  	v39 =	vadd.s32 $0x1A, v0;
	[tilespmem:$0x1FAB0] =	vst v2;
	v2 =	vand.u32 $0xFFFFFF80, v36  }
0x2e2: {  	v41 =	vadd.s32 $0x1B, v0;
	[tilespmem:$0x1F770] =	vst v2;
	v2 =	vand.u32 $0x7F, v39  }
0x2e3: {  	[tilespmem:$0x1FAF0] =	vst v2;
	v2 =	vand.u32 $0xFFFFFF80, v41  }
0x2e4: {  	v46 =	vadd.s32 $0x19, v0;
	[tilespmem:$0x1F7A0] =	vst v2;
	v2 =	vand.u32 $0x7F, v41  }
0x2e5: {  	[tilespmem:$0x1FAA0] =	vst v2;
	v2 =	vand.u32 $0x7F, v46  }
0x2e6: {  	v42 =	vadd.s32 $0x17, v0;
	[tilespmem:$0x1FAE0] =	vst v2;
	v2 =	vand.u32 $0xFFFFFF80, v39  }
0x2e7: {  	v45 =	vadd.s32 $0x18, v0;
	[tilespmem:$0x1F790] =	vst v2;
	v2 =	vand.u32 $0x7F, v42  }
0x2e8: {  	[tilespmem:$0x1FB20] =	vst v2;
	v2 =	vand.u32 $0xFFFFFF80, v45  }
0x2e9: {  	v50 =	vadd.s32 $0x16, v0;
	[tilespmem:$0x1F7B0] =	vst v2;
	v2 =	vand.u32 $0x7F, v45  }
0x2ea: {  	[tilespmem:$0x1FAD0] =	vst v2;
	v2 =	vand.u32 $0xFFFFFF80, v50  }
0x2eb: {  	v44 =	vadd.s32 $0x14, v0;
	[tilespmem:$0x1F7D0] =	vst v2;
	v2 =	vand.u32 $0x7F, v50  }
0x2ec: {  	v48 =	vadd.s32 $0x15, v0;
	[tilespmem:$0x1FB10] =	vst v2;
	v2 =	vand.u32 $0x7F, v44  }
0x2ed: {  	[tilespmem:$0x1FB50] =	vst v2;
	v2 =	vand.u32 $0xFFFFFF80, v48  }
0x2ee: {  	v53 =	vadd.s32 $0x13, v0;
	[tilespmem:$0x1F7C0] =	vst v2;
	v2 =	vand.u32 $0x7F, v48  }
0x2ef: {  	[tilespmem:$0x1FB00] =	vst v2;
	v2 =	vand.u32 $0xFFFFFF80, v53  }
0x2f0: {  	v47 =	vadd.s32 $0x11, v0;
	[tilespmem:$0x1F800] =	vst v2;
	v2 =	vand.u32 $0x7F, v53  }
0x2f1: {  	v49 =	vadd.s32 $0x12, v0;
	[tilespmem:$0x1FB40] =	vst v2;
	v2 =	vand.u32 $0x7F, v47  }
0x2f2: {  	[tilespmem:$0x1FB80] =	vst v2;
	v2 =	vand.u32 $0xFFFFFF80, v49  }
0x2f3: {  	v55 =	vadd.s32 $0x10, v0;
	[tilespmem:$0x1F7F0] =	vst v2;
	v2 =	vand.u32 $0x7F, v49  }
0x2f4: {  	[tilespmem:$0x1FB30] =	vst v2;
	v2 =	vand.u32 $0xFFFFFF80, v55  }
0x2f5: {  	[tilespmem:$0x1F820] =	vst v2;
	v2 =	vand.u32 $0x7F, v55  }
0x2f6: {  	v51 =	vadd.s32 $0xE, v0;
	[tilespmem:$0x1FB70] =	vst v2;
	v2 =	vand.u32 $0xFFFFFF80, v47  }
0x2f7: {  	v52 =	vadd.s32 $0xF, v0;
	[tilespmem:$0x1F7E0] =	vst v2;
	v2 =	vand.u32 $0x7F, v51  }
0x2f8: {  	[tilespmem:$0x1FBB0] =	vst v2;
	v2 =	vand.u32 $0xFFFFFF80, v52  }
0x2f9: {  	v58 =	vadd.s32 $0xD, v0;
	[tilespmem:$0x1F810] =	vst v2;
	v2 =	vand.u32 $0x7F, v52  }
0x2fa: {  	[tilespmem:$0x1FB60] =	vst v2;
	v2 =	vand.u32 $0xFFFFFF80, v58  }
0x2fb: {  	v35 =	vadd.s32 $0xB, v0;
	[tilespmem:$0x1F830] =	vst v2;
	v2 =	vand.u32 $0x7F, v58  }
0x2fc: {  	v56 =	vadd.s32 $0xC, v0;
	[tilespmem:$0x1FBA0] =	vst v2;
	v2 =	vand.u32 $0x7F, v35  }
0x2fd: {  	v61 =	vadd.s32 $0xA, v0;
	[tilespmem:$0x1FBE0] =	vst v2;
	v2 =	vand.u32 $0x7F, v56  }
0x2fe: {  	v57 =	vadd.s32 $0x8, v0;
	[tilespmem:$0x1FB90] =	vst v2;
	v2 =	vand.u32 $0xFFFFFF80, v61  }
0x2ff: {  	v5 =	vand.u32 $0x7F, v16;
	v16 =	vand.u32 $0xFFFFFF80, v3;
	v3 =	vld [tilespmem:$0x1F6C0];
	[tilespmem:$0x1F840] =	vst v2;
	v2 =	vand.u32 $0x7F, v61  }
0x300: {  	v54 =	vadd.s32 $0x9, v0;
	[tilespmem:$0x1FBD0] =	vst v2;
	v2 =	vand.u32 $0x7F, v57  }
0x301: {  	v63 =	vadd.s32 $0x7, v0;
	[tilespmem:$0x1FC20] =	vst v2;
	v2 =	vand.u32 $0x7F, v54  }
0x302: {  	[tilespmem:$0x1FBC0] =	vst v2;
	v2 =	vand.u32 $0xFFFFFF80, v63  }
0x303: {  	[tilespmem:$0x1F850] =	vst v2;
	v2 =	vand.u32 $0x7F, v63  }
0x304: {  	v34 =	vadd.s32 $0x6, v0;
	[tilespmem:$0x1FC10] =	vst v2;
	v2 =	vand.u32 $0x7F, v3  }
0x305: {  	v37 =	vadd.s32 $0x4, v0;
	[tilespmem:$0x1FC60] =	vst v2;
	v2 =	vand.u32 $0x7F, v34  }
0x306: {  	[tilespmem:$0x1FC00] =	vst v2;
	v2 =	vand.u32 $0xFFFFFF80, v37  }
0x307: {  	v60 =	vadd.s32 $0x2, v0;
	[tilespmem:$0x1F860] =	vst v2;
	v2 =	vand.u32 $0x7F, v37  }
0x308: {  	[tilespmem:$0x1FC50] =	vst v2;
	v2 =	vand.u32 $0x7F, v60  }
0x309: {  	[tilespmem:$0x1FC80] =	vst v2;
	v2 =	vld [tilespmem:$0x1F6D0];
	_ =	sdelay $0x4  }
0x30a: {  	v39 =	vand.u32 $0xFFFFFF80, v2;
	v2 =	vand.u32 $0x7F, v2  }
0x30b: {  	[tilespmem:$0x1FC40] =	vst v2;
	v2 =	vld [tilespmem:$0x1F6E0];
	_ =	sdelay $0x2  }
0x30c: {  	v58 =	vand.u32 $0xFFFFFF80, v35  }
0x30d: {  	v36 =	vand.u32 $0xFFFFFF80, v46;
	v46 =	vand.u32 $0xFFFFFF80, v57;
	v58 =	vadd.s32 v1, v58  }
0x30e: {  	[tilespmem:$0x1FBF0] =	vst v58;
	v58 =	vadd.s32 v1, v46;
	v32 =	vadd.s32 v1, v2;
	v2 =	vld [tilespmem:$0x1F6F0]  }
0x30f: {  	[tilespmem:$0x1FC30] =	vst v58;
	v58 =	vld [tilespmem:$0x1F870];
	_ =	sdelay $0x2  }
0x310: {  	[tilespmem:$0x1F700] =	vst v62;
	v24 =	vand.u32 $0xFFFFFF80, v23;
	v23 =	vand.u32 $0xFFFFFF80, v26  }
0x311: {  	v26 =	vand.u32 $0xFFFFFF80, v29;
	v29 =	vand.u32 $0xFFFFFF80, v40;
	v40 =	vadd.s32 v1, v2;
	v2 =	vld [tilespmem:$0x1F700]  }
0x312: {  	v32 =	vor.u32 v58, v32;
	v58 =	vld [tilespmem:$0x1F880];
	_ =	sdelay $0x3  }
0x313: {  	v33 =	vadd.s32 v1, v2  }
0x314: {  	v33 =	vor.u32 v58, v33;
	v58 =	vld [tilespmem:$0x1F890];
	_ =	sdelay $0x2  }
0x315: {  	v9 =	vand.u32 $0xFFFFFF80, v8  }
0x316: {  	v2 =	vadd.s32 v1, v9  }
0x317: {  	v38 =	vand.u32 $0xFFFFFF80, v3;
	v3 =	vld [tilespmem:$0x1F710];
	v2 =	vor.u32 v58, v2  }
0x318: {  	[tilespmem:$0x1FCD0] =	vst v2;
	v2 =	vld [tilespmem:$0x1F8A0];
	_ =	sdelay $0x3  }
0x319: {  	v3 =	vadd.s32 v1, v3  }
0x31a: {  	v2 =	vor.u32 v2, v3  }
0x31b: {  	[tilespmem:$0x1FCE0] =	vst v2;
	v2 =	vld [tilespmem:$0x1F8B0];
	_ =	sdelay $0x4  }
0x31c: {  	v2 =	vor.u32 v2, v40  }
0x31d: {  	[tilespmem:$0x1FCF0] =	vst v2;
	v2 =	vld [tilespmem:$0x1F8C0];
	_ =	sdelay $0x1  }
0x31e: {  	v17 =	vadd.s32 $0x33, v0;
	v8 =	vand.u32 $0xFFFFFF80, v11;
	v11 =	vand.u32 $0xFFFFFF80, v14  }
0x31f: {  	v14 =	vand.u32 $0xFFFFFF80, v17;
	[tilespmem:$0x1F970] =	vst v5;
	v5 =	vand.u32 $0x7F, v17;
	v17 =	vand.u32 $0xFFFFFF80, v20  }
0x320: {  	v20 =	vand.u32 $0xFFFFFF80, v19;
	v19 =	vand.u32 $0xFFFFFF80, v4;
	v4 =	vadd.s32 v1, v8  }
0x321: {  	v2 =	vor.u32 v2, v4  }
0x322: {  	[tilespmem:$0x1FD00] =	vst v2;
	v2 =	vld [tilespmem:$0x1F8D0];
	_ =	sdelay $0x3  }
0x323: {  	[tilespmem:$0x1F920] =	vst v5;
	v5 =	vadd.s32 v1, v6  }
0x324: {  	v2 =	vor.u32 v2, v5  }
0x325: {  	[tilespmem:$0x1FD10] =	vst v2;
	v2 =	vld [tilespmem:$0x1F8E0];
	_ =	sdelay $0x3  }
0x326: {  	v52 =	vadd.s32 v1, v12  }
0x327: {  	v2 =	vor.u32 v2, v52  }
0x328: {  	[tilespmem:$0x1FD20] =	vst v2;
	v2 =	vld [tilespmem:$0x1F8F0];
	_ =	sdelay $0x3  }
0x329: {  	v6 =	vadd.s32 v1, v11  }
0x32a: {  	v2 =	vor.u32 v2, v6  }
0x32b: {  	[tilespmem:$0x1FD30] =	vst v2;
	v2 =	vld [tilespmem:$0x1F900];
	_ =	sdelay $0x3  }
0x32c: {  	v7 =	vadd.s32 v1, v7  }
0x32d: {  	v2 =	vor.u32 v2, v7  }
0x32e: {  	[tilespmem:$0x1FD40] =	vst v2;
	v2 =	vld [tilespmem:$0x1F910];
	_ =	sdelay $0x3  }
0x32f: {  	v48 =	vand.u32 $0xFFFFFF80, v44;
	v44 =	vadd.s32 v1, v15  }
0x330: {  	v8 =	vld [tilespmem:$0x1F720];
	v2 =	vor.u32 v2, v44  }
0x331: {  	[tilespmem:$0x1FD50] =	vst v2;
	v2 =	vld [tilespmem:$0x1F920];
	_ =	sdelay $0x3  }
0x332: {  	v50 =	vadd.s32 v1, v8;
	v8 =	vadd.s32 v1, v14  }
0x333: {  	v2 =	vor.u32 v2, v8  }
0x334: {  	[tilespmem:$0x1FD60] =	vst v2;
	v2 =	vld [tilespmem:$0x1F930];
	_ =	sdelay $0x3  }
0x335: {  	v9 =	vadd.s32 v1, v10  }
0x336: {  	v2 =	vor.u32 v2, v9  }
0x337: {  	[tilespmem:$0x1FD70] =	vst v2;
	v2 =	vld [tilespmem:$0x1F940];
	_ =	sdelay $0x3  }
0x338: {  	v55 =	vadd.s32 v1, v18;
	v10 =	vld [tilespmem:$0x1F730]  }
0x339: {  	v52 =	vor.u32 v2, v55;
	v2 =	vld [tilespmem:$0x1F950];
	_ =	sdelay $0x3  }
0x33a: {  	v62 =	vand.u32 $0xFFFFFF80, v56;
	v56 =	vadd.s32 v1, v10;
	v10 =	vadd.s32 v1, v17  }
0x33b: {  	v2 =	vor.u32 v2, v10  }
0x33c: {  	[tilespmem:$0x1FD80] =	vst v2;
	v2 =	vld [tilespmem:$0x1F960];
	_ =	sdelay $0x3  }
0x33d: {  	v11 =	vadd.s32 v1, v13  }
0x33e: {  	v55 =	vor.u32 v2, v11;
	v2 =	vld [tilespmem:$0x1F970];
	_ =	sdelay $0x3  }
0x33f: {  	v12 =	vld [tilespmem:$0x1F740]  }
0x340: {  	v44 =	vor.u32 v2, v50;
	v2 =	vld [tilespmem:$0x1F980];
	_ =	sdelay $0x3  }
0x341: {  	v49 =	vadd.s32 v1, v12;
	v12 =	vadd.s32 v1, v20  }
0x342: {  	v2 =	vor.u32 v2, v12  }
0x343: {  	[tilespmem:$0x1FD90] =	vst v2;
	v2 =	vld [tilespmem:$0x1F990];
	_ =	sdelay $0x3  }
0x344: {  	v13 =	vadd.s32 v1, v16  }
0x345: {  	v2 =	vor.u32 v2, v13  }
0x346: {  	[tilespmem:$0x1FDA0] =	vst v2;
	v2 =	vld [tilespmem:$0x1F9A0];
	_ =	sdelay $0x4  }
0x347: {  	v50 =	vor.u32 v2, v56;
	v2 =	vld [tilespmem:$0x1F9B0];
	_ =	sdelay $0x3  }
0x348: {  	v14 =	vadd.s32 v1, v24  }
0x349: {  	v2 =	vor.u32 v2, v14  }
0x34a: {  	[tilespmem:$0x1FDB0] =	vst v2;
	v2 =	vld [tilespmem:$0x1F9C0];
	_ =	sdelay $0x3  }
0x34b: {  	v15 =	vadd.s32 v1, v19  }
0x34c: {  	v56 =	vor.u32 v2, v15;
	v2 =	vld [tilespmem:$0x1F9D0];
	_ =	sdelay $0x4  }
0x34d: {  	v49 =	vor.u32 v2, v49;
	v2 =	vld [tilespmem:$0x1F9E0];
	_ =	sdelay $0x3  }
0x34e: {  	v16 =	vadd.s32 v1, v23  }
0x34f: {  	v2 =	vor.u32 v2, v16  }
0x350: {  	[tilespmem:$0x1FDC0] =	vst v2;
	v2 =	vld [tilespmem:$0x1F9F0];
	_ =	sdelay $0x2  }
0x351: {  	v21 =	vand.u32 $0xFFFFFF80, v22  }
0x352: {  	v17 =	vadd.s32 v1, v21  }
0x353: {  	v2 =	vor.u32 v2, v17  }
0x354: {  	[tilespmem:$0x1FDD0] =	vst v2;
	v2 =	vld [tilespmem:$0x1FA00];
	_ =	sdelay $0x2  }
0x355: {  	v27 =	vand.u32 $0xFFFFFF80, v27  }
0x356: {  	v53 =	vadd.s32 v1, v27;
	v18 =	vld [tilespmem:$0x1F750]  }
0x357: {  	v53 =	vor.u32 v2, v53;
	v2 =	vld [tilespmem:$0x1FA10];
	_ =	sdelay $0x3  }
0x358: {  	v47 =	vadd.s32 v1, v18;
	v18 =	vadd.s32 v1, v26  }
0x359: {  	v2 =	vor.u32 v2, v18  }
0x35a: {  	[tilespmem:$0x1FDE0] =	vst v2;
	v2 =	vld [tilespmem:$0x1FA20];
	_ =	sdelay $0x2  }
0x35b: {  	v22 =	vand.u32 $0xFFFFFF80, v25  }
0x35c: {  	v19 =	vadd.s32 v1, v22  }
0x35d: {  	v2 =	vor.u32 v2, v19  }
0x35e: {  	[tilespmem:$0x1FDF0] =	vst v2;
	v2 =	vld [tilespmem:$0x1FA30];
	_ =	sdelay $0x2  }
0x35f: {  	v30 =	vand.u32 $0xFFFFFF80, v30;
	v25 =	vand.u32 $0xFFFFFF80, v28  }
0x360: {  	v28 =	vand.u32 $0xFFFFFF80, v31;
	v31 =	vand.u32 $0xFFFFFF80, v43;
	v43 =	vadd.s32 v1, v30  }
0x361: {  	v20 =	vld [tilespmem:$0x1F760];
	v2 =	vor.u32 v2, v43  }
0x362: {  	[tilespmem:$0x1FE00] =	vst v2;
	v2 =	vld [tilespmem:$0x1FA40];
	_ =	sdelay $0x3  }
0x363: {  	v59 =	vand.u32 $0xFFFFFF80, v51;
	v51 =	vadd.s32 v1, v20;
	v20 =	vadd.s32 v1, v29  }
0x364: {  	v2 =	vor.u32 v2, v20  }
0x365: {  	[tilespmem:$0x1FE10] =	vst v2;
	v2 =	vld [tilespmem:$0x1FA50];
	_ =	sdelay $0x3  }
0x366: {  	v21 =	vadd.s32 v1, v25  }
0x367: {  	v22 =	vld [tilespmem:$0x1F770];
	v2 =	vor.u32 v2, v21  }
0x368: {  	[tilespmem:$0x1FE20] =	vst v2;
	v2 =	vld [tilespmem:$0x1FA60];
	_ =	sdelay $0x4  }
0x369: {  	v61 =	vand.u32 $0xFFFFFF80, v54;
	v54 =	vadd.s32 v1, v22;
	v22 =	vld [tilespmem:$0x1F780];
	v2 =	vor.u32 v2, v47  }
0x36a: {  	[tilespmem:$0x1FE30] =	vst v2;
	v2 =	vld [tilespmem:$0x1FA70];
	_ =	sdelay $0x3  }
0x36b: {  	v22 =	vadd.s32 v1, v22  }
0x36c: {  	v2 =	vor.u32 v2, v22  }
0x36d: {  	[tilespmem:$0x1FE40] =	vst v2;
	v2 =	vld [tilespmem:$0x1FA80];
	_ =	sdelay $0x3  }
0x36e: {  	v23 =	vadd.s32 v1, v28  }
0x36f: {  	v24 =	vld [tilespmem:$0x1F790];
	v2 =	vor.u32 v2, v23  }
0x370: {  	[tilespmem:$0x1FE50] =	vst v2;
	v2 =	vld [tilespmem:$0x1FA90];
	_ =	sdelay $0x4  }
0x371: {  	v45 =	vand.u32 $0xFFFFFF80, v42;
	v42 =	vadd.s32 v1, v24;
	v24 =	vld [tilespmem:$0x1F7A0];
	v2 =	vor.u32 v2, v51  }
0x372: {  	[tilespmem:$0x1FE60] =	vst v2;
	v2 =	vld [tilespmem:$0x1FAA0];
	_ =	sdelay $0x3  }
0x373: {  	v24 =	vadd.s32 v1, v24  }
0x374: {  	v2 =	vor.u32 v2, v24  }
0x375: {  	[tilespmem:$0x1FE70] =	vst v2;
	v2 =	vld [tilespmem:$0x1FAB0];
	_ =	sdelay $0x3  }
0x376: {  	v25 =	vadd.s32 v1, v31  }
0x377: {  	v2 =	vor.u32 v2, v25  }
0x378: {  	[tilespmem:$0x1FE80] =	vst v2;
	v2 =	vld [tilespmem:$0x1FAC0];
	_ =	sdelay $0x4  }
0x379: {  	v26 =	vld [tilespmem:$0x1F7B0];
	v2 =	vor.u32 v2, v54  }
0x37a: {  	[tilespmem:$0x1FE90] =	vst v2;
	v2 =	vld [tilespmem:$0x1FAD0];
	_ =	sdelay $0x3  }
0x37b: {  	v26 =	vadd.s32 v1, v26  }
0x37c: {  	v2 =	vor.u32 v2, v26  }
0x37d: {  	[tilespmem:$0x1FEA0] =	vst v2;
	v2 =	vld [tilespmem:$0x1FAE0];
	_ =	sdelay $0x3  }
0x37e: {  	v27 =	vadd.s32 v1, v36  }
0x37f: {  	v2 =	vor.u32 v2, v27  }
0x380: {  	[tilespmem:$0x1FEB0] =	vst v2;
	v2 =	vld [tilespmem:$0x1FAF0];
	_ =	sdelay $0x4  }
0x381: {  	v28 =	vld [tilespmem:$0x1F7C0];
	v2 =	vor.u32 v2, v42  }
0x382: {  	[tilespmem:$0x1FEC0] =	vst v2;
	v2 =	vld [tilespmem:$0x1FB00];
	_ =	sdelay $0x3  }
0x383: {  	v28 =	vadd.s32 v1, v28  }
0x384: {  	v29 =	vld [tilespmem:$0x1F7D0];
	v2 =	vor.u32 v2, v28  }
0x385: {  	[tilespmem:$0x1FED0] =	vst v2;
	v2 =	vld [tilespmem:$0x1FB10];
	_ =	sdelay $0x3  }
0x386: {  	v29 =	vadd.s32 v1, v29  }
0x387: {  	v30 =	vld [tilespmem:$0x1F7E0];
	v2 =	vor.u32 v2, v29  }
0x388: {  	[tilespmem:$0x1FEE0] =	vst v2;
	v2 =	vld [tilespmem:$0x1FB20];
	_ =	sdelay $0x2  }
0x389: {  	v0 =	vadd.s32 $0x1, v0  }
0x38a: {  	v41 =	vand.u32 $0xFFFFFF80, v0;
	v0 =	vand.u32 $0x7F, v0;
	v45 =	vadd.s32 v1, v45  }
0x38b: {  	[tilespmem:$0x1FC70] =	vst v0;
	v0 =	vand.u32 $0xFFFFFF80, v60;
	v60 =	vadd.s32 v1, v30;
	v30 =	vld [tilespmem:$0x1F7F0];
	v2 =	vor.u32 v2, v45  }
0x38c: {  	[tilespmem:$0x1FEF0] =	vst v2;
	v2 =	vld [tilespmem:$0x1FB30];
	_ =	sdelay $0x3  }
0x38d: {  	v30 =	vadd.s32 v1, v30;
	v31 =	vld [tilespmem:$0x1F800]  }
0x38e: {  	v17 =	vor.u32 v2, v30;
	v2 =	vld [tilespmem:$0x1FB40];
	_ =	sdelay $0x3  }
0x38f: {  	v31 =	vadd.s32 v1, v31  }
0x390: {  	v2 =	vor.u32 v2, v31  }
0x391: {  	[tilespmem:$0x1FF00] =	vst v2;
	v2 =	vld [tilespmem:$0x1FB50];
	_ =	sdelay $0x3  }
0x392: {  	v48 =	vadd.s32 v1, v48  }
0x393: {  	v36 =	vld [tilespmem:$0x1F810];
	v2 =	vor.u32 v2, v48  }
0x394: {  	[tilespmem:$0x1FF10] =	vst v2;
	v2 =	vld [tilespmem:$0x1FB60];
	_ =	sdelay $0x3  }
0x395: {  	v57 =	vand.u32 $0xFFFFFF80, v34;
	v34 =	vadd.s32 v1, v36;
	v37 =	vld [tilespmem:$0x1F820]  }
0x396: {  	v31 =	vor.u32 v2, v34;
	v2 =	vld [tilespmem:$0x1FB70];
	_ =	sdelay $0x3  }
0x397: {  	v35 =	vadd.s32 v1, v37  }
0x398: {  	v26 =	vor.u32 v2, v35;
	v2 =	vld [tilespmem:$0x1FB80];
	_ =	sdelay $0x4  }
0x399: {  	v21 =	vor.u32 v2, v60;
	v2 =	vld [tilespmem:$0x1FB90];
	_ =	sdelay $0x3  }
0x39a: {  	v62 =	vadd.s32 v1, v62;
	v63 =	vld [tilespmem:$0x1F830]  }
0x39b: {  	v62 =	vor.u32 v2, v62;
	v2 =	vld [tilespmem:$0x1FBA0];
	_ =	sdelay $0x3  }
0x39c: {  	v36 =	vadd.s32 v1, v63  }
0x39d: {  	v34 =	vor.u32 v2, v36;
	v2 =	vld [tilespmem:$0x1FBB0];
	_ =	sdelay $0x3  }
0x39e: {  	v59 =	vadd.s32 v1, v59  }
0x39f: {  	v13 =	vor.u32 v2, v59;
	v2 =	vld [tilespmem:$0x1FBC0];
	_ =	sdelay $0x3  }
0x3a0: {  	v61 =	vadd.s32 v1, v61;
	v63 =	vld [tilespmem:$0x1F840]  }
0x3a1: {  	v22 =	vor.u32 v2, v61;
	v2 =	vld [tilespmem:$0x1FBD0];
	_ =	sdelay $0x3  }
0x3a2: {  	v37 =	vadd.s32 v1, v63;
	v3 =	vld [tilespmem:$0x1FBF0]  }
0x3a3: {  	v15 =	vor.u32 v2, v37;
	v2 =	vld [tilespmem:$0x1FBE0];
	_ =	sdelay $0x4  }
0x3a4: {  	v19 =	vor.u32 v2, v3;
	v2 =	vld [tilespmem:$0x1FC00];
	_ =	sdelay $0x3  }
0x3a5: {  	v57 =	vadd.s32 v1, v57;
	v46 =	vld [tilespmem:$0x1F850]  }
0x3a6: {  	v47 =	vor.u32 v2, v57;
	v2 =	vld [tilespmem:$0x1FC10];
	_ =	sdelay $0x3  }
0x3a7: {  	v63 =	vadd.s32 v1, v38;
	v38 =	vadd.s32 v1, v46;
	v3 =	vld [tilespmem:$0x1FC30]  }
0x3a8: {  	v23 =	vor.u32 v2, v38;
	v2 =	vld [tilespmem:$0x1FC20];
	_ =	sdelay $0x4  }
0x3a9: {  	v45 =	vor.u32 v2, v3;
	v2 =	vld [tilespmem:$0x1FC40];
	_ =	sdelay $0x3  }
0x3aa: {  	v46 =	vadd.s32 v1, v0;
	v0 =	vld [tilespmem:$0x1F860];
	v39 =	vadd.s32 v1, v39  }
0x3ab: {  	v54 =	vor.u32 v2, v39;
	v2 =	vld [tilespmem:$0x1FC50];
	_ =	sdelay $0x3  }
0x3ac: {  	v0 =	vadd.s32 v1, v0  }
0x3ad: {  	v30 =	vor.u32 v2, v0;
	v0 =	vld [tilespmem:$0x1FC60];
	_ =	sdelay $0x4  }
0x3ae: {  	v29 =	vor.u32 v0, v63;
	v0 =	vld [tilespmem:$0x1FC70];
	_ =	sdelay $0x2  }
0x3af: {  	s30 =	sadd.s32 $0x10, s30  }
0x3b0: {  	[tilespmem:$0x1FCB0] =	vst v32;
	v32 =	vadd.s32 v1, v41;
	v41 =	vld [tilespmem:s30+$0x0]  }
0x3b1: {  	v60 =	vor.u32 v0, v32;
	v0 =	vld [tilespmem:$0x1FC80];
	_ =	sdelay $0x3  }
0x3b2: {  	v58 =	vadd.s32 $0x35, v41;
	v40 =	vadd.s32 $0x3C, v41  }
0x3b3: {  	[tilespmem:$0x1FCC0] =	vst v33;
	v4 =	vadd.s32 $0x26, v41;
	v38 =	vor.u32 v0, v46;
	v0 =	vadd.s32 $0x30, v41  }
0x3b4: {  	v5 =	vadd.s32 $0x25, v41;
	v6 =	vadd.s32 $0x24, v41;
	[tilespmem:$0x1FF40] =	vst v0;
	v0 =	vadd.s32 $0x31, v41  }
0x3b5: {  	v9 =	vadd.s32 $0x23, v41;
	v11 =	vadd.s32 $0x22, v41;
	[tilespmem:$0x1FF50] =	vst v0;
	v0 =	vadd.s32 $0x2D, v41  }
0x3b6: {  	v12 =	vadd.s32 $0x21, v41;
	v14 =	vadd.s32 $0x20, v41;
	[tilespmem:$0x1FF60] =	vst v0;
	v0 =	vadd.s32 $0x2E, v41  }
0x3b7: {  	v16 =	vadd.s32 $0x1F, v41;
	v18 =	vadd.s32 $0x1E, v41;
	[tilespmem:$0x1FF70] =	vst v0;
	v0 =	vadd.s32 $0x2F, v41  }
0x3b8: {  	v43 =	vadd.s32 $0x3A, v41;
	v20 =	vadd.s32 $0x1D, v41;
	[tilespmem:$0x1FF80] =	vst v0;
	v0 =	vadd.s32 $0x2A, v41  }
0x3b9: {  	p0 =	sne.s32 s31, $0xF0;
	v51 =	vadd.s32 $0x37, v41;
	v25 =	vadd.s32 $0x1C, v41;
	[tilespmem:$0x1FF90] =	vst v0;
	v0 =	vadd.s32 $0x2B, v41  }
.Ltmp0:
0x3ba: {  	v42 =	vadd.s32 $0x3B, v41;
	v28 =	vadd.s32 $0x1B, v41;
	[tilespmem:$0x1FFA0] =	vst v0;
	v0 =	vadd.s32 $0x2C, v41;
	(pc) =	sbr.rel @p0 .LBB2_2-.Ltmp0, $4  }
0x3bb: {  	v48 =	vadd.s32 $0x38, v41;
	v36 =	vadd.s32 $0x3F, v41;
	[tilespmem:$0x1FFB0] =	vst v0;
	v0 =	vadd.s32 $0x27, v41  }
0x3bc: {  	v59 =	vadd.s32 $0x34, v41;
	v61 =	vadd.s32 $0x33, v41;
	[tilespmem:$0x1FFC0] =	vst v0;
	v0 =	vadd.s32 $0x28, v41  }
0x3bd: {  	v37 =	vadd.s32 $0x3E, v41;
	v57 =	vadd.s32 $0x36, v41;
	[tilespmem:$0x1FFD0] =	vst v0;
	v0 =	vadd.s32 $0x29, v41  }
0x3be: {  	s31 =	sadd.s32 $0x10, s31;
	v39 =	vadd.s32 $0x3D, v41;
	v63 =	vadd.s32 $0x32, v41;
	v46 =	vadd.s32 $0x39, v41;
	[tilespmem:$0x1FFE0] =	vst v0  }
0x3bf: {  	v0 =	vand.u32 $0xFFFFFF80, v41;
	v8 =	vld [tilespmem:$0x1FCB0]  }
0x3c0: {  	v2 =	vand.u32 $0x7F, v41;
	v0 =	vadd.s32 v1, v0  }
0x3c1: {  	v3 =	vadd.s32 $0x1, v41;
	v0 =	vor.u32 v2, v0  }
0x3c2: {  	v2 =	vand.u32 $0xFFFFFF80, v3  }
0x3c3: {  	v3 =	vand.u32 $0x7F, v3;
	v2 =	vadd.s32 v1, v2  }
0x3c4: {  	v2 =	vor.u32 v3, v2;
	v3 =	vadd.s32 $0x2, v41  }
0x3c5: {  	v7 =	vand.u32 $0xFFFFFF80, v3  }
0x3c6: {  	v10 =	vadd.s32 $0x3, v41;
	v3 =	vand.u32 $0x7F, v3;
	v7 =	vadd.s32 v1, v7;
	v0 =	vld.idx.msk [tilespmem:v0+s21+$0x0], $0xffff  }
0x3c7: {  	v3 =	vor.u32 v3, v7;
	v7 =	vand.u32 $0xFFFFFF80, v10;
	v8 =	vld.idx.msk [tilespmem:v8+s20+$0x0], $0xffff  }
0x3c8: {  	v24 =	vld.idx.msk [tilespmem:v60+s20+$0x0], $0xffff;
	v27 =	vadd.s32 $0x4, v41;
	v10 =	vand.u32 $0x7F, v10;
	v7 =	vadd.s32 v1, v7  }
0x3c9: {  	v7 =	vor.u32 v10, v7;
	v2 =	vld.idx.msk [tilespmem:v2+s21+$0x0], $0xffff;
	v10 =	vand.u32 $0xFFFFFF80, v27  }
0x3ca: {  	v32 =	vadd.s32 $0x5, v41;
	v27 =	vand.u32 $0x7F, v27;
	v10 =	vadd.s32 v1, v10  }
0x3cb: {  	v33 =	vand.u32 $0xFFFFFF80, v32;
	v10 =	vor.u32 v27, v10;
	v27 =	vld.idx.msk [tilespmem:v38+s20+$0x0], $0xffff  }
0x3cc: {  	v38 =	vadd.s32 v1, v33;
	v3 =	vld.idx.msk [tilespmem:v3+s21+$0x0], $0xffff;
	v0 =	vmul.f32 v0, v8;
	v8 =	vand.u32 $0x7F, v32  }
0x3cd: {  	v54 =	vld.idx.msk [tilespmem:v54+s20+$0x0], $0xffff;
	v60 =	vadd.s32 $0x6, v41;
	v8 =	vor.u32 v8, v38  }
0x3ce: {  	v2 =	vmul.f32 v2, v24;
	v7 =	vld.idx.msk [tilespmem:v7+s21+$0x0], $0xffff;
	v24 =	vand.u32 $0xFFFFFF80, v60;
	v0 =	vadd.f32 $0.0e+00, v0  }
0x3cf: {  	v35 =	vadd.s32 $0x7, v41;
	v33 =	vand.u32 $0x7F, v60;
	v24 =	vadd.s32 v1, v24  }
0x3d0: {  	v24 =	vor.u32 v33, v24;
	v0 =	vadd.f32 v2, v0;
	v2 =	vld.idx.msk [tilespmem:v30+s20+$0x0], $0xffff;
	v30 =	vand.u32 $0xFFFFFF80, v35  }
0x3d1: {  	v10 =	vld.idx.msk [tilespmem:v10+s21+$0x0], $0xffff;
	v3 =	vmul.f32 v3, v27;
	v27 =	vand.u32 $0x7F, v35;
	v30 =	vadd.s32 v1, v30  }
0x3d2: {  	v29 =	vld.idx.msk [tilespmem:v29+s20+$0x0], $0xffff;
	v27 =	vor.u32 v27, v30;
	v30 =	vadd.s32 $0x8, v41  }
0x3d3: {  	v0 =	vadd.f32 v3, v0;
	v3 =	vmul.f32 v7, v54;
	v7 =	vld.idx.msk [tilespmem:v8+s21+$0x0], $0xffff;
	v8 =	vand.u32 $0xFFFFFF80, v30  }
0x3d4: {  	v38 =	vadd.s32 $0x9, v41;
	v30 =	vand.u32 $0x7F, v30;
	v8 =	vadd.s32 v1, v8  }
0x3d5: {  	v0 =	vadd.f32 v3, v0;
	v3 =	vld.idx.msk [tilespmem:v47+s20+$0x0], $0xffff;
	v8 =	vor.u32 v30, v8;
	v30 =	vand.u32 $0xFFFFFF80, v38  }
0x3d6: {  	v24 =	vld.idx.msk [tilespmem:v24+s21+$0x0], $0xffff;
	v2 =	vmul.f32 v10, v2;
	v10 =	vand.u32 $0x7F, v38;
	v30 =	vadd.s32 v1, v30  }
0x3d7: {  	v23 =	vld.idx.msk [tilespmem:v23+s20+$0x0], $0xffff;
	v10 =	vor.u32 v10, v30;
	v30 =	vadd.s32 $0xA, v41  }
0x3d8: {  	v0 =	vadd.f32 v2, v0;
	v2 =	vmul.f32 v7, v29;
	v7 =	vld.idx.msk [tilespmem:v27+s21+$0x0], $0xffff;
	v27 =	vand.u32 $0xFFFFFF80, v30  }
0x3d9: {  	v29 =	vand.u32 $0x7F, v30;
	v30 =	vadd.s32 $0xB, v41;
	v27 =	vadd.s32 v1, v27  }
0x3da: {  	v0 =	vadd.f32 v2, v0;
	v2 =	vld.idx.msk [tilespmem:v45+s20+$0x0], $0xffff;
	v27 =	vor.u32 v29, v27;
	v29 =	vand.u32 $0xFFFFFF80, v30  }
0x3db: {  	v3 =	vmul.f32 v24, v3;
	v24 =	vand.u32 $0x7F, v30;
	v8 =	vld.idx.msk [tilespmem:v8+s21+$0x0], $0xffff;
	v29 =	vadd.s32 v1, v29  }
0x3dc: {  	v22 =	vld.idx.msk [tilespmem:v22+s20+$0x0], $0xffff;
	v24 =	vor.u32 v24, v29;
	v29 =	vadd.s32 $0xC, v41  }
0x3dd: {  	v0 =	vadd.f32 v3, v0;
	v3 =	vmul.f32 v7, v23;
	v7 =	vld.idx.msk [tilespmem:v10+s21+$0x0], $0xffff;
	v10 =	vand.u32 $0xFFFFFF80, v29  }
0x3de: {  	v23 =	vand.u32 $0x7F, v29;
	v29 =	vadd.s32 $0xD, v41;
	v10 =	vadd.s32 v1, v10  }
0x3df: {  	v0 =	vadd.f32 v3, v0;
	v3 =	vld.idx.msk [tilespmem:v15+s20+$0x0], $0xffff;
	v15 =	vand.u32 $0xFFFFFF80, v29;
	v10 =	vor.u32 v23, v10  }
0x3e0: {  	v2 =	vmul.f32 v8, v2;
	v8 =	vand.u32 $0x7F, v29;
	v23 =	vld.idx.msk [tilespmem:v27+s21+$0x0], $0xffff;
	v15 =	vadd.s32 v1, v15  }
0x3e1: {  	v8 =	vor.u32 v8, v15;
	v15 =	vld.idx.msk [tilespmem:v19+s20+$0x0], $0xffff;
	v19 =	vadd.s32 $0xE, v41  }
0x3e2: {  	v0 =	vadd.f32 v2, v0;
	v2 =	vmul.f32 v7, v22;
	v7 =	vld.idx.msk [tilespmem:v24+s21+$0x0], $0xffff;
	v22 =	vand.u32 $0xFFFFFF80, v19  }
0x3e3: {  	v19 =	vand.u32 $0x7F, v19;
	v24 =	vadd.s32 $0xF, v41;
	v22 =	vadd.s32 v1, v22  }
0x3e4: {  	v19 =	vor.u32 v19, v22;
	v0 =	vadd.f32 v2, v0;
	v2 =	vld.idx.msk [tilespmem:v62+s20+$0x0], $0xffff;
	v22 =	vand.u32 $0xFFFFFF80, v24  }
0x3e5: {  	v3 =	vmul.f32 v23, v3;
	v23 =	vand.u32 $0x7F, v24;
	v10 =	vld.idx.msk [tilespmem:v10+s21+$0x0], $0xffff;
	v22 =	vadd.s32 v1, v22  }
0x3e6: {  	v24 =	vadd.s32 $0x10, v41;
	v22 =	vor.u32 v23, v22;
	v23 =	vld.idx.msk [tilespmem:v34+s20+$0x0], $0xffff  }
0x3e7: {  	v0 =	vadd.f32 v3, v0;
	v3 =	vmul.f32 v7, v15;
	v7 =	vld.idx.msk [tilespmem:v8+s21+$0x0], $0xffff;
	v8 =	vand.u32 $0xFFFFFF80, v24  }
0x3e8: {  	v15 =	vand.u32 $0x7F, v24;
	v24 =	vadd.s32 $0x11, v41;
	v8 =	vadd.s32 v1, v8  }
0x3e9: {  	v8 =	vor.u32 v15, v8;
	v0 =	vadd.f32 v3, v0;
	v3 =	vld.idx.msk [tilespmem:v13+s20+$0x0], $0xffff;
	v13 =	vand.u32 $0xFFFFFF80, v24  }
0x3ea: {  	v15 =	vld.idx.msk [tilespmem:v19+s21+$0x0], $0xffff;
	v2 =	vmul.f32 v10, v2;
	v10 =	vand.u32 $0x7F, v24;
	v13 =	vadd.s32 v1, v13  }
0x3eb: {  	v19 =	vadd.s32 $0x12, v41;
	v10 =	vor.u32 v10, v13;
	v13 =	vld.idx.msk [tilespmem:v31+s20+$0x0], $0xffff  }
0x3ec: {  	v0 =	vadd.f32 v2, v0;
	v2 =	vmul.f32 v7, v23;
	v7 =	vld.idx.msk [tilespmem:v22+s21+$0x0], $0xffff;
	v22 =	vand.u32 $0xFFFFFF80, v19  }
0x3ed: {  	v19 =	vand.u32 $0x7F, v19;
	v23 =	vadd.s32 $0x13, v41;
	v22 =	vadd.s32 v1, v22  }
0x3ee: {  	v19 =	vor.u32 v19, v22;
	v0 =	vadd.f32 v2, v0;
	v2 =	vld.idx.msk [tilespmem:v26+s20+$0x0], $0xffff;
	v22 =	vand.u32 $0xFFFFFF80, v23  }
0x3ef: {  	v3 =	vmul.f32 v15, v3;
	v15 =	vand.u32 $0x7F, v23;
	v8 =	vld.idx.msk [tilespmem:v8+s21+$0x0], $0xffff;
	v22 =	vadd.s32 v1, v22  }
0x3f0: {  	v15 =	vor.u32 v15, v22;
	v22 =	vadd.s32 $0x14, v41  }
0x3f1: {  	v0 =	vadd.f32 v3, v0;
	v3 =	vmul.f32 v7, v13;
	v7 =	vld.idx.msk [tilespmem:v10+s21+$0x0], $0xffff;
	v10 =	vand.u32 $0xFFFFFF80, v22  }
0x3f2: {  	v21 =	vld.idx.msk [tilespmem:v21+s20+$0x0], $0xffff;
	v13 =	vand.u32 $0x7F, v22;
	v22 =	vadd.s32 $0x15, v41;
	v10 =	vadd.s32 v1, v10  }
0x3f3: {  	v10 =	vor.u32 v13, v10;
	v13 =	vand.u32 $0xFFFFFF80, v22  }
0x3f4: {  	v2 =	vmul.f32 v8, v2;
	v8 =	vand.u32 $0x7F, v22;
	v13 =	vadd.s32 v1, v13  }
0x3f5: {  	v0 =	vadd.f32 v3, v0;
	v8 =	vor.u32 v8, v13;
	v13 =	vld [tilespmem:$0x1FF00];
	_ =	sdelay $0x1  }
0x3f6: {  	v0 =	vadd.f32 v2, v0;
	v2 =	vmul.f32 v7, v21  }
0x3f7: {  	v3 =	vld.idx.msk [tilespmem:v17+s20+$0x0], $0xffff  }
0x3f8: {  	v0 =	vadd.f32 v2, v0;
	v2 =	vld [tilespmem:$0x1FF10]  }
0x3f9: {  	v17 =	vld.idx.msk [tilespmem:v19+s21+$0x0], $0xffff  }
0x3fa: {  	v19 =	vadd.s32 $0x16, v41  }
0x3fb: {  	v7 =	vld.idx.msk [tilespmem:v15+s21+$0x0], $0xffff;
	v15 =	vand.u32 $0xFFFFFF80, v19  }
0x3fc: {  	v19 =	vand.u32 $0x7F, v19;
	v21 =	vadd.s32 $0x17, v41;
	v15 =	vadd.s32 v1, v15;
	v13 =	vld.idx.msk [tilespmem:v13+s20+$0x0], $0xffff  }
0x3fd: {  	v15 =	vor.u32 v19, v15;
	v19 =	vand.u32 $0xFFFFFF80, v21  }
0x3fe: {  	v3 =	vmul.f32 v17, v3;
	v17 =	vand.u32 $0x7F, v21;
	v10 =	vld.idx.msk [tilespmem:v10+s21+$0x0], $0xffff;
	v19 =	vadd.s32 v1, v19  }
0x3ff: {  	v17 =	vor.u32 v17, v19;
	v19 =	vld [tilespmem:$0x1FED0]  }
0x400: {  	v2 =	vld.idx.msk [tilespmem:v2+s20+$0x0], $0xffff  }
0x401: {  	v21 =	vadd.s32 $0x18, v41;
	v0 =	vadd.f32 v3, v0;
	v3 =	vmul.f32 v7, v13  }
0x402: {  	v7 =	vld.idx.msk [tilespmem:v8+s21+$0x0], $0xffff;
	v8 =	vand.u32 $0xFFFFFF80, v21  }
0x403: {  	v13 =	vand.u32 $0x7F, v21;
	v8 =	vadd.s32 v1, v8;
	v0 =	vadd.f32 v3, v0;
	v3 =	vld [tilespmem:$0x1FEE0]  }
0x404: {  	v21 =	vadd.s32 $0x19, v41;
	v8 =	vor.u32 v13, v8  }
0x405: {  	v13 =	vand.u32 $0xFFFFFF80, v21;
	v2 =	vmul.f32 v10, v2;
	v10 =	vand.u32 $0x7F, v21;
	v21 =	vld [tilespmem:$0x1FEF0];
	_ =	sdelay $0x1  }
0x406: {  	v19 =	vld.idx.msk [tilespmem:v19+s20+$0x0], $0xffff;
	_ =	sdelay $0x2  }
0x407: {  	v15 =	vld.idx.msk [tilespmem:v15+s21+$0x0], $0xffff;
	v13 =	vadd.s32 v1, v13  }
0x408: {  	v10 =	vor.u32 v10, v13;
	v3 =	vld.idx.msk [tilespmem:v3+s20+$0x0], $0xffff  }
0x409: {  	v13 =	vadd.s32 $0x1A, v41;
	v0 =	vadd.f32 v2, v0;
	v2 =	vmul.f32 v7, v19;
	v7 =	vld.idx.msk [tilespmem:v17+s21+$0x0], $0xffff  }
0x40a: {  	v17 =	vand.u32 $0xFFFFFF80, v13;
	v21 =	vld.idx.msk [tilespmem:v21+s20+$0x0], $0xffff  }
0x40b: {  	v13 =	vand.u32 $0x7F, v13;
	v17 =	vadd.s32 v1, v17;
	v0 =	vadd.f32 v2, v0;
	v2 =	vld [tilespmem:$0x1FEA0]  }
0x40c: {  	v13 =	vor.u32 v13, v17;
	v17 =	vand.u32 $0xFFFFFF80, v28  }
0x40d: {  	v17 =	vadd.s32 v1, v17;
	v3 =	vmul.f32 v15, v3;
	v15 =	vand.u32 $0x7F, v28  }
0x40e: {  	v15 =	vor.u32 v15, v17;
	v17 =	vld [tilespmem:$0x1FEB0]  }
0x40f: {  	v0 =	vadd.f32 v3, v0;
	v3 =	vmul.f32 v7, v21;
	v7 =	vld.idx.msk [tilespmem:v10+s21+$0x0], $0xffff  }
0x410: {  	v10 =	vand.u32 $0xFFFFFF80, v25;
	v21 =	vld [tilespmem:$0x1FEC0]  }
0x411: {  	v19 =	vand.u32 $0x7F, v25;
	v8 =	vld.idx.msk [tilespmem:v8+s21+$0x0], $0xffff;
	v10 =	vadd.s32 v1, v10  }
0x412: {  	v10 =	vor.u32 v19, v10;
	v19 =	vld [tilespmem:$0x1FE70]  }
0x413: {  	v2 =	vld.idx.msk [tilespmem:v2+s20+$0x0], $0xffff;
	_ =	sdelay $0x2  }
0x414: {  	v17 =	vld.idx.msk [tilespmem:v17+s20+$0x0], $0xffff  }
0x415: {  	v0 =	vadd.f32 v3, v0;
	v3 =	vld.idx.msk [tilespmem:v13+s21+$0x0], $0xffff;
	v13 =	vand.u32 $0xFFFFFF80, v20  }
0x416: {  	v2 =	vmul.f32 v8, v2;
	v8 =	vand.u32 $0x7F, v20;
	v13 =	vadd.s32 v1, v13;
	v21 =	vld.idx.msk [tilespmem:v21+s20+$0x0], $0xffff  }
0x417: {  	v8 =	vor.u32 v8, v13;
	v13 =	vld.idx.msk [tilespmem:v15+s21+$0x0], $0xffff  }
0x418: {  	v19 =	vld.idx.msk [tilespmem:v19+s20+$0x0], $0xffff  }
0x419: {  	v0 =	vadd.f32 v2, v0;
	v2 =	vmul.f32 v7, v17  }
0x41a: {  	v17 =	vld [tilespmem:$0x1FE80]  }
0x41b: {  	v0 =	vadd.f32 v2, v0;
	v2 =	vmul.f32 v3, v21  }
0x41c: {  	v3 =	vld.idx.msk [tilespmem:v10+s21+$0x0], $0xffff  }
0x41d: {  	v10 =	vld [tilespmem:$0x1FE90];
	v0 =	vadd.f32 v2, v0;
	v2 =	vmul.f32 v13, v19;
	_ =	sdelay $0x1  }
0x41e: {  	v7 =	vand.u32 $0xFFFFFF80, v18;
	v0 =	vadd.f32 v2, v0;
	v2 =	vld [tilespmem:$0x1FE40]  }
0x41f: {  	v15 =	vand.u32 $0x7F, v18;
	v7 =	vadd.s32 v1, v7  }
0x420: {  	v7 =	vor.u32 v15, v7  }
0x421: {  	v17 =	vld.idx.msk [tilespmem:v17+s20+$0x0], $0xffff;
	_ =	sdelay $0x1  }
0x422: {  	v8 =	vld.idx.msk [tilespmem:v8+s21+$0x0], $0xffff  }
0x423: {  	v10 =	vld.idx.msk [tilespmem:v10+s20+$0x0], $0xffff  }
0x424: {  	v7 =	vld.idx.msk [tilespmem:v7+s21+$0x0], $0xffff  }
0x425: {  	v3 =	vmul.f32 v3, v17;
	v2 =	vld.idx.msk [tilespmem:v2+s20+$0x0], $0xffff;
	_ =	sdelay $0x1  }
0x426: {  	v13 =	vand.u32 $0xFFFFFF80, v16;
	v0 =	vadd.f32 v3, v0  }
0x427: {  	v3 =	vand.u32 $0xFFFFFF80, v12;
	v8 =	vmul.f32 v8, v10;
	v10 =	vand.u32 $0x7F, v12;
	v12 =	vld [tilespmem:$0x1FE50]  }
0x428: {  	v15 =	vand.u32 $0x7F, v16;
	v13 =	vadd.s32 v1, v13  }
0x429: {  	v13 =	vor.u32 v15, v13;
	v15 =	vand.u32 $0xFFFFFF80, v14;
	v2 =	vmul.f32 v7, v2;
	v7 =	vld [tilespmem:$0x1FE60]  }
0x42a: {  	v14 =	vand.u32 $0x7F, v14;
	v15 =	vadd.s32 v1, v15  }
0x42b: {  	v14 =	vor.u32 v14, v15;
	_ =	sdelay $0x1  }
0x42c: {  	v3 =	vadd.s32 v1, v3  }
0x42d: {  	v3 =	vor.u32 v10, v3;
	v10 =	vld.idx.msk [tilespmem:v13+s21+$0x0], $0xffff  }
0x42e: {  	v12 =	vld.idx.msk [tilespmem:v12+s20+$0x0], $0xffff  }
0x42f: {  	v0 =	vadd.f32 v8, v0;
	v8 =	vand.u32 $0xFFFFFF80, v11;
	v13 =	vld.idx.msk [tilespmem:v14+s21+$0x0], $0xffff  }
0x430: {  	v11 =	vand.u32 $0x7F, v11;
	v14 =	vand.u32 $0xFFFFFF80, v9;
	v8 =	vadd.s32 v1, v8;
	v7 =	vld.idx.msk [tilespmem:v7+s20+$0x0], $0xffff  }
0x431: {  	v9 =	vand.u32 $0x7F, v9;
	v8 =	vor.u32 v11, v8;
	v11 =	vadd.s32 v1, v14  }
0x432: {  	v9 =	vor.u32 v9, v11;
	v11 =	vld [tilespmem:$0x1FE10];
	v0 =	vadd.f32 v2, v0;
	v2 =	vand.u32 $0xFFFFFF80, v6  }
0x433: {  	v6 =	vand.u32 $0x7F, v6;
	v2 =	vadd.s32 v1, v2;
	v10 =	vmul.f32 v10, v12  }
0x434: {  	v2 =	vor.u32 v6, v2  }
0x435: {  	v0 =	vadd.f32 v10, v0;
	v10 =	vand.u32 $0xFFFFFF80, v5;
	v6 =	vmul.f32 v13, v7;
	v7 =	vld [tilespmem:$0x1FE20]  }
0x436: {  	v14 =	vld [tilespmem:$0x1FDF0];
	v5 =	vand.u32 $0x7F, v5;
	v10 =	vadd.s32 v1, v10  }
0x437: {  	v5 =	vor.u32 v5, v10;
	v10 =	vld [tilespmem:$0x1FE30]  }
0x438: {  	v3 =	vld.idx.msk [tilespmem:v3+s21+$0x0], $0xffff  }
0x439: {  	v8 =	vld.idx.msk [tilespmem:v8+s21+$0x0], $0xffff;
	v12 =	vand.u32 $0xFFFFFF80, v4  }
0x43a: {  	v11 =	vld.idx.msk [tilespmem:v11+s20+$0x0], $0xffff;
	v4 =	vand.u32 $0x7F, v4;
	v12 =	vadd.s32 v1, v12  }
0x43b: {  	v4 =	vor.u32 v4, v12;
	v12 =	vld [tilespmem:$0x1FFC0]  }
0x43c: {  	v13 =	vld [tilespmem:$0x1FFD0]  }
0x43d: {  	v7 =	vld.idx.msk [tilespmem:v7+s20+$0x0], $0xffff  }
0x43e: {  	v0 =	vadd.f32 v6, v0;
	v6 =	vld.idx.msk [tilespmem:v9+s21+$0x0], $0xffff  }
0x43f: {  	v3 =	vmul.f32 v3, v11;
	v10 =	vld.idx.msk [tilespmem:v10+s20+$0x0], $0xffff  }
0x440: {  	v9 =	vand.u32 $0xFFFFFF80, v12  }
0x441: {  	v11 =	vld [tilespmem:$0x1FDE0];
	v12 =	vand.u32 $0x7F, v12;
	v9 =	vadd.s32 v1, v9;
	v0 =	vadd.f32 v3, v0  }
0x442: {  	v9 =	vor.u32 v12, v9;
	v12 =	vand.u32 $0xFFFFFF80, v13;
	v3 =	vmul.f32 v8, v7  }
0x443: {  	v7 =	vadd.s32 v1, v12;
	v12 =	vld [tilespmem:$0x1FFE0]  }
0x444: {  	v0 =	vadd.f32 v3, v0;
	v3 =	vmul.f32 v6, v10;
	v10 =	vld [tilespmem:$0x1FF90];
	_ =	sdelay $0x1  }
0x445: {  	v14 =	vld.idx.msk [tilespmem:v14+s20+$0x0], $0xffff  }
0x446: {  	v2 =	vld.idx.msk [tilespmem:v2+s21+$0x0], $0xffff  }
0x447: {  	v13 =	vand.u32 $0x7F, v13;
	v5 =	vld.idx.msk [tilespmem:v5+s21+$0x0], $0xffff;
	v8 =	vand.u32 $0xFFFFFF80, v12  }
0x448: {  	v11 =	vld.idx.msk [tilespmem:v11+s20+$0x0], $0xffff;
	v7 =	vor.u32 v13, v7;
	v6 =	vadd.s32 v1, v8;
	v8 =	vand.u32 $0xFFFFFF80, v10  }
0x449: {  	v13 =	vld [tilespmem:$0x1FE00];
	v0 =	vadd.f32 v3, v0;
	v10 =	vand.u32 $0x7F, v10;
	v3 =	vadd.s32 v1, v8  }
0x44a: {  	v3 =	vor.u32 v10, v3;
	v10 =	vld [tilespmem:$0x1FFA0];
	_ =	sdelay $0x2  }
0x44b: {  	v2 =	vmul.f32 v2, v11  }
0x44c: {  	v4 =	vld.idx.msk [tilespmem:v4+s21+$0x0], $0xffff;
	v12 =	vand.u32 $0x7F, v12  }
0x44d: {  	v0 =	vadd.f32 v2, v0;
	v2 =	vmul.f32 v5, v14;
	v8 =	vld.idx.msk [tilespmem:v9+s21+$0x0], $0xffff;
	v9 =	vand.u32 $0xFFFFFF80, v10  }
0x44e: {  	v6 =	vor.u32 v12, v6;
	v12 =	vld [tilespmem:$0x1FDC0];
	v10 =	vand.u32 $0x7F, v10;
	v5 =	vadd.s32 v1, v9  }
0x44f: {  	v5 =	vor.u32 v10, v5;
	v10 =	vld [tilespmem:$0x1FFB0]  }
0x450: {  	v13 =	vld.idx.msk [tilespmem:v13+s20+$0x0], $0xffff;
	_ =	sdelay $0x3  }
0x451: {  	v0 =	vadd.f32 v2, v0;
	v9 =	vand.u32 $0xFFFFFF80, v10  }
0x452: {  	v11 =	vld [tilespmem:$0x1FDD0];
	v2 =	vmul.f32 v4, v13;
	v10 =	vand.u32 $0x7F, v10;
	v4 =	vadd.s32 v1, v9  }
0x453: {  	v4 =	vor.u32 v10, v4;
	v10 =	vld [tilespmem:$0x1FF60]  }
0x454: {  	v12 =	vld.idx.msk [tilespmem:v12+s20+$0x0], $0xffff;
	_ =	sdelay $0x3  }
0x455: {  	v13 =	vld [tilespmem:$0x1FDB0];
	v0 =	vadd.f32 v2, v0;
	v9 =	vand.u32 $0xFFFFFF80, v10  }
0x456: {  	v7 =	vld.idx.msk [tilespmem:v7+s21+$0x0], $0xffff;
	v2 =	vmul.f32 v8, v12;
	v10 =	vand.u32 $0x7F, v10;
	v8 =	vadd.s32 v1, v9  }
0x457: {  	v8 =	vor.u32 v10, v8;
	v10 =	vld [tilespmem:$0x1FF70]  }
0x458: {  	v11 =	vld.idx.msk [tilespmem:v11+s20+$0x0], $0xffff  }
0x459: {  	v14 =	vld.idx.msk [tilespmem:v53+s20+$0x0], $0xffff  }
0x45a: {  	v6 =	vld.idx.msk [tilespmem:v6+s21+$0x0], $0xffff  }
0x45b: {  	v3 =	vld.idx.msk [tilespmem:v3+s21+$0x0], $0xffff  }
0x45c: {  	v12 =	vld.idx.msk [tilespmem:v56+s20+$0x0], $0xffff;
	v0 =	vadd.f32 v2, v0;
	v9 =	vand.u32 $0xFFFFFF80, v10  }
0x45d: {  	v13 =	vld.idx.msk [tilespmem:v13+s20+$0x0], $0xffff;
	v2 =	vmul.f32 v7, v11;
	v10 =	vand.u32 $0x7F, v10;
	v7 =	vadd.s32 v1, v9  }
0x45e: {  	v7 =	vor.u32 v10, v7;
	v10 =	vld [tilespmem:$0x1FF80]  }
0x45f: {  	v0 =	vadd.f32 v2, v0;
	v2 =	vmul.f32 v6, v14;
	v14 =	vld [tilespmem:$0x1FD90]  }
0x460: {  	v5 =	vld.idx.msk [tilespmem:v5+s21+$0x0], $0xffff  }
0x461: {  	v11 =	vld.idx.msk [tilespmem:v49+s20+$0x0], $0xffff  }
0x462: {  	v0 =	vadd.f32 v2, v0;
	v2 =	vmul.f32 v3, v13;
	v13 =	vld [tilespmem:$0x1FDA0]  }
0x463: {  	v4 =	vld.idx.msk [tilespmem:v4+s21+$0x0], $0xffff;
	v9 =	vand.u32 $0xFFFFFF80, v10  }
0x464: {  	v10 =	vand.u32 $0x7F, v10;
	v6 =	vadd.s32 v1, v9  }
0x465: {  	v6 =	vor.u32 v10, v6;
	v10 =	vld [tilespmem:$0x1FF40]  }
0x466: {  	v0 =	vadd.f32 v2, v0;
	v2 =	vmul.f32 v5, v12  }
0x467: {  	v14 =	vld.idx.msk [tilespmem:v14+s20+$0x0], $0xffff  }
0x468: {  	v0 =	vadd.f32 v2, v0;
	v2 =	vmul.f32 v4, v11;
	v11 =	vld [tilespmem:$0x1FD80]  }
0x469: {  	v8 =	vld.idx.msk [tilespmem:v8+s21+$0x0], $0xffff  }
0x46a: {  	v13 =	vld.idx.msk [tilespmem:v13+s20+$0x0], $0xffff;
	v9 =	vand.u32 $0xFFFFFF80, v10  }
0x46b: {  	v7 =	vld.idx.msk [tilespmem:v7+s21+$0x0], $0xffff;
	v10 =	vand.u32 $0x7F, v10;
	v3 =	vadd.s32 v1, v9  }
0x46c: {  	v3 =	vor.u32 v10, v3;
	v10 =	vld [tilespmem:$0x1FF50]  }
0x46d: {  	v12 =	vld.idx.msk [tilespmem:v50+s20+$0x0], $0xffff  }
0x46e: {  	v0 =	vadd.f32 v2, v0;
	v2 =	vmul.f32 v8, v14;
	v6 =	vld.idx.msk [tilespmem:v6+s21+$0x0], $0xffff;
	_ =	sdelay $0x1  }
0x46f: {  	v0 =	vadd.f32 v2, v0;
	v2 =	vmul.f32 v7, v13  }
0x470: {  	v9 =	vand.u32 $0xFFFFFF80, v10  }
0x471: {  	v11 =	vld.idx.msk [tilespmem:v11+s20+$0x0], $0xffff;
	v0 =	vadd.f32 v2, v0;
	v10 =	vand.u32 $0x7F, v10;
	v5 =	vadd.s32 v1, v9  }
0x472: {  	v2 =	vmul.f32 v6, v12;
	v12 =	vld [tilespmem:$0x1FD60];
	v9 =	vand.u32 $0xFFFFFF80, v63;
	v5 =	vor.u32 v10, v5  }
0x473: {  	v3 =	vld.idx.msk [tilespmem:v3+s21+$0x0], $0xffff;
	v10 =	vand.u32 $0x7F, v63;
	v4 =	vadd.s32 v1, v9  }
0x474: {  	v9 =	vand.u32 $0xFFFFFF80, v61;
	v4 =	vor.u32 v10, v4  }
0x475: {  	v14 =	vld.idx.msk [tilespmem:v55+s20+$0x0], $0xffff;
	v10 =	vand.u32 $0x7F, v61;
	v8 =	vadd.s32 v1, v9  }
0x476: {  	v13 =	vld.idx.msk [tilespmem:v44+s20+$0x0], $0xffff;
	v8 =	vor.u32 v10, v8  }
0x477: {  	v5 =	vld.idx.msk [tilespmem:v5+s21+$0x0], $0xffff  }
0x478: {  	v0 =	vadd.f32 v2, v0;
	v9 =	vand.u32 $0xFFFFFF80, v59;
	v2 =	vmul.f32 v3, v11;
	v11 =	vld [tilespmem:$0x1FD70]  }
0x479: {  	v10 =	vand.u32 $0x7F, v59;
	v7 =	vadd.s32 v1, v9;
	v4 =	vld.idx.msk [tilespmem:v4+s21+$0x0], $0xffff  }
0x47a: {  	v9 =	vand.u32 $0xFFFFFF80, v58;
	v7 =	vor.u32 v10, v7;
	v12 =	vld.idx.msk [tilespmem:v12+s20+$0x0], $0xffff  }
0x47b: {  	v10 =	vand.u32 $0x7F, v58;
	v6 =	vadd.s32 v1, v9;
	v9 =	vand.u32 $0xFFFFFF80, v57;
	v8 =	vld.idx.msk [tilespmem:v8+s21+$0x0], $0xffff  }
0x47c: {  	v6 =	vor.u32 v10, v6;
	v0 =	vadd.f32 v2, v0;
	v2 =	vmul.f32 v5, v14  }
0x47d: {  	v10 =	vand.u32 $0x7F, v57;
	v3 =	vadd.s32 v1, v9  }
0x47e: {  	v9 =	vand.u32 $0xFFFFFF80, v51;
	v0 =	vadd.f32 v2, v0;
	v2 =	vmul.f32 v4, v13;
	v13 =	vld [tilespmem:$0x1FD30]  }
0x47f: {  	v3 =	vor.u32 v10, v3;
	v10 =	vand.u32 $0x7F, v51;
	v7 =	vld.idx.msk [tilespmem:v7+s21+$0x0], $0xffff;
	v5 =	vadd.s32 v1, v9  }
0x480: {  	v5 =	vor.u32 v10, v5;
	v0 =	vadd.f32 v2, v0;
	v2 =	vmul.f32 v8, v12;
	v12 =	vld [tilespmem:$0x1FD40]  }
0x481: {  	v6 =	vld.idx.msk [tilespmem:v6+s21+$0x0], $0xffff  }
0x482: {  	v11 =	vld.idx.msk [tilespmem:v11+s20+$0x0], $0xffff  }
0x483: {  	v14 =	vld.idx.msk [tilespmem:v52+s20+$0x0], $0xffff  }
0x484: {  	v3 =	vld.idx.msk [tilespmem:v3+s21+$0x0], $0xffff  }
0x485: {  	v9 =	vand.u32 $0xFFFFFF80, v48;
	v5 =	vld.idx.msk [tilespmem:v5+s21+$0x0], $0xffff  }
0x486: {  	v10 =	vand.u32 $0x7F, v48;
	v4 =	vadd.s32 v1, v9;
	v9 =	vand.u32 $0xFFFFFF80, v46;
	v13 =	vld.idx.msk [tilespmem:v13+s20+$0x0], $0xffff  }
0x487: {  	v4 =	vor.u32 v10, v4;
	v0 =	vadd.f32 v2, v0;
	v2 =	vmul.f32 v7, v11;
	v11 =	vld [tilespmem:$0x1FD50]  }
0x488: {  	v10 =	vand.u32 $0x7F, v46;
	v8 =	vadd.s32 v1, v9;
	v9 =	vand.u32 $0xFFFFFF80, v43;
	v12 =	vld.idx.msk [tilespmem:v12+s20+$0x0], $0xffff  }
0x489: {  	v8 =	vor.u32 v10, v8;
	v0 =	vadd.f32 v2, v0;
	v2 =	vmul.f32 v6, v14;
	v14 =	vld [tilespmem:$0x1FD00]  }
0x48a: {  	v10 =	vand.u32 $0x7F, v43;
	v7 =	vadd.s32 v1, v9;
	v9 =	vand.u32 $0xFFFFFF80, v42  }
0x48b: {  	v7 =	vor.u32 v10, v7;
	v0 =	vadd.f32 v2, v0;
	v2 =	vmul.f32 v3, v13;
	v13 =	vld [tilespmem:$0x1FD10]  }
0x48c: {  	v10 =	vand.u32 $0x7F, v42;
	v6 =	vadd.s32 v1, v9;
	v4 =	vld.idx.msk [tilespmem:v4+s21+$0x0], $0xffff  }
0x48d: {  	v6 =	vor.u32 v10, v6;
	v0 =	vadd.f32 v2, v0;
	v2 =	vmul.f32 v5, v12;
	v12 =	vld [tilespmem:$0x1FD20]  }
0x48e: {  	v8 =	vld.idx.msk [tilespmem:v8+s21+$0x0], $0xffff  }
0x48f: {  	v11 =	vld.idx.msk [tilespmem:v11+s20+$0x0], $0xffff  }
0x490: {  	v9 =	vand.u32 $0xFFFFFF80, v40;
	v7 =	vld.idx.msk [tilespmem:v7+s21+$0x0], $0xffff  }
0x491: {  	v10 =	vand.u32 $0x7F, v40;
	v3 =	vadd.s32 v1, v9;
	v9 =	vand.u32 $0xFFFFFF80, v39;
	v14 =	vld.idx.msk [tilespmem:v14+s20+$0x0], $0xffff  }
0x492: {  	v6 =	vld.idx.msk [tilespmem:v6+s21+$0x0], $0xffff;
	v3 =	vor.u32 v10, v3;
	v10 =	vand.u32 $0x7F, v39;
	v5 =	vadd.s32 v1, v9  }
0x493: {  	v9 =	vand.u32 $0xFFFFFF80, v37;
	v5 =	vor.u32 v10, v5;
	v10 =	vand.u32 $0x7F, v37;
	v13 =	vld.idx.msk [tilespmem:v13+s20+$0x0], $0xffff  }
0x494: {  	v0 =	vadd.f32 v2, v0;
	v2 =	vmul.f32 v4, v11;
	v4 =	vadd.s32 v1, v9;
	v9 =	vld [tilespmem:$0x1FCD0]  }
0x495: {  	v4 =	vor.u32 v10, v4;
	v10 =	vand.u32 $0xFFFFFF80, v36;
	v12 =	vld.idx.msk [tilespmem:v12+s20+$0x0], $0xffff  }
0x496: {  	v0 =	vadd.f32 v2, v0;
	v2 =	vmul.f32 v8, v14;
	v1 =	vadd.s32 v1, v10;
	v10 =	vld [tilespmem:$0x1FCE0];
	_ =	sdelay $0x1  }
0x497: {  	v0 =	vadd.f32 v2, v0;
	v2 =	vmul.f32 v7, v13;
	v7 =	vld [tilespmem:$0x1FCF0];
	_ =	sdelay $0x1  }
0x498: {  	v0 =	vadd.f32 v2, v0;
	v2 =	vmul.f32 v6, v12;
	v6 =	vld [tilespmem:$0x1FCC0]  }
0x499: {  	v8 =	vand.u32 $0x7F, v36;
	v3 =	vld.idx.msk [tilespmem:v3+s21+$0x0], $0xffff  }
0x49a: {  	v1 =	vor.u32 v8, v1;
	v9 =	vld.idx.msk [tilespmem:v9+s20+$0x0], $0xffff  }
0x49b: {  	v5 =	vld.idx.msk [tilespmem:v5+s21+$0x0], $0xffff  }
0x49c: {  	v10 =	vld.idx.msk [tilespmem:v10+s20+$0x0], $0xffff  }
0x49d: {  	v4 =	vld.idx.msk [tilespmem:v4+s21+$0x0], $0xffff  }
0x49e: {  	v7 =	vld.idx.msk [tilespmem:v7+s20+$0x0], $0xffff  }
0x49f: {  	v1 =	vld.idx.msk [tilespmem:v1+s21+$0x0], $0xffff;
	v0 =	vadd.f32 v2, v0;
	v2 =	vmul.f32 v3, v9  }
0x4a0: {  	v6 =	vld.idx.msk [tilespmem:v6+s20+$0x0], $0xffff  }
0x4a1: {  	v0 =	vadd.f32 v2, v0;
	v2 =	vmul.f32 v5, v10;
	_ =	sdelay $0x1  }
0x4a2: {  	v0 =	vadd.f32 v2, v0;
	v2 =	vmul.f32 v4, v7;
	_ =	sdelay $0x1  }
0x4a3: {  	v0 =	vadd.f32 v2, v0;
	v1 =	vmul.f32 v1, v6;
	_ =	sdelay $0x1  }
0x4a4: {  	v0 =	vadd.f32 v1, v0  }
0x4a5: {  	s28 =	sadd.s32 $0x10, s28  }
0x4a6: {  	[tilespmem:s28+$0x0] =	vst v0;
	s28 =	simm.s32 $0x0  }
0x4a7: {  	[tilespmem:s28], [sflag:$0x2] =	stream.linear.gather [hbm4b:s10+s28], $0x80, $0x38;
	[tilespmem:$0x10800] =	vst v63  }
0x4a8: {  	_ =	swait.ge [sflag:s16], $0x80  }
0x4a9: {  	[sflag:s16] =	ssyncset.done $0x0  }
0x4aa: {  	[sflag:s16] =	ssyncadd.s32 $0xFFFFFF80  }
0x4ab: {  	[tilespmem:s17], [sflag:$0x2] =	stream.linear.gather [hbm4b:s11+s28], $0x80, $0x38;
	[tilespmem:$0x10800] =	vst v63  }
0x4ac: {  	_ =	swait.ge [sflag:s16], $0x80  }
0x4ad: {  	[sflag:s16] =	ssyncset.done $0x0  }
0x4ae: {  	[sflag:s16] =	ssyncadd.s32 $0xFFFFFF80  }
0x4af: {  	[tilespmem:s18], [sflag:$0x2] =	stream.linear.gather [hbm4b:s12+s28], $0x80, $0x38;
	[tilespmem:$0x10800] =	vst v63  }
0x4b0: {  	_ =	swait.ge [sflag:s16], $0x80  }
0x4b1: {  	[sflag:s16] =	ssyncset.done $0x0  }
0x4b2: {  	[sflag:s16] =	ssyncadd.s32 $0xFFFFFF80  }
0x4b3: {  	[tilespmem:s19], [sflag:$0x2] =	stream.linear.gather [hbm4b:s13+s28], $0x80, $0x38;
	[tilespmem:$0x10800] =	vst v63  }
0x4b4: {  	_ =	swait.ge [sflag:s16], $0x80  }
0x4b5: {  	[sflag:s16] =	ssyncset.done $0x0  }
0x4b6: {  	[sflag:s16] =	ssyncadd.s32 $0xFFFFFF80  }
0x4b7: {  	[tilespmem:s20], [sflag:$0x1] =	stream.indirect.gather [hbm4b:s3+s18], $0x80, s28, s18, $0xb8;
	[tilespmem:$0x10800] =	vst v63  }
0x4b8: {  	_ = 	snop  }
0x4b9: {  	[tilespmem:s21], [sflag:$0x1] =	stream.indirect.gather [hbm4b:s4+s18], $0x80, s17, s18, $0xb8;
	[tilespmem:$0x10800] =	vst v63  }
0x4ba: {  	_ = 	snop  }
0x4bb: {  	[tilespmem:s22], [sflag:$0x1] =	stream.indirect.gather [hbm4b:s3+s18], $0x80, s18, s18, $0xb8;
	[tilespmem:$0x10800] =	vst v63  }
0x4bc: {  	_ = 	snop  }
0x4bd: {  	[tilespmem:s23], [sflag:$0x1] =	stream.indirect.gather [hbm4b:s4+s18], $0x80, s19, s18, $0xb8;
	[tilespmem:$0x10800] =	vst v63  }
0x4be: {  	_ =	swait.ge [sflag:s24], $0x4000  }
0x4bf: {  	[sflag:s24] =	ssyncset.done $0x0  }
0x4c0: {  	[sflag:s24] =	ssyncadd.s32 $0xFFFFC000  }
0x4c1: {  	_ =	swait.ge [sflag:s24], $0x4000  }
0x4c2: {  	[sflag:s24] =	ssyncset.done $0x0  }
0x4c3: {  	[sflag:s24] =	ssyncadd.s32 $0xFFFFC000  }
0x4c4: {  	_ =	swait.ge [sflag:s24], $0x4000  }
0x4c5: {  	[sflag:s24] =	ssyncset.done $0x0  }
0x4c6: {  	[sflag:s24] =	ssyncadd.s32 $0xFFFFC000  }
0x4c7: {  	_ =	swait.ge [sflag:s24], $0x4000  }
0x4c8: {  	[sflag:s24] =	ssyncset.done $0x0  }
0x4c9: {  	s29 =	simm.s32 $0x300;
	v1 =	vld [tilespmem:$0x1FFF0];
	[sflag:s24] =	ssyncadd.s32 $0xFFFFC000  }
0x4ca: {  	v31 =	vld [tilespmem:s29+$0x0];
	_ =	sdelay $0x2  }
0x4cb: {  	v0 =	vmov s28  }
0x4cc: {  	v0 =	vshll.u32 v0, $0x7  }
0x4cd: {  	v1 =	vor.u32 v1, v0;
	v0 =	vadd.s32 $0x3B, v31;
	v2 =	vadd.s32 $0x3C, v31  }
0x4ce: {  	v3 =	vadd.s32 $0x3D, v31;
	v4 =	vadd.s32 $0x38, v31;
	v5 =	vadd.s32 $0x39, v31  }
0x4cf: {  	v6 =	vadd.s32 $0x3A, v31;
	v7 =	vadd.s32 $0x35, v31;
	v8 =	vadd.s32 $0x36, v31  }
0x4d0: {  	v9 =	vadd.s32 $0x37, v31;
	v10 =	vadd.s32 $0x32, v31;
	v11 =	vadd.s32 $0x33, v31  }
0x4d1: {  	v12 =	vadd.s32 $0x34, v31;
	v13 =	vadd.s32 $0x2F, v31;
	v14 =	vadd.s32 $0x30, v31  }
0x4d2: {  	v15 =	vadd.s32 $0x31, v31;
	v16 =	vadd.s32 $0x2C, v31;
	v17 =	vadd.s32 $0x2D, v31  }
0x4d3: {  	v19 =	vadd.s32 $0x2E, v31;
	v20 =	vadd.s32 $0x29, v31;
	v21 =	vadd.s32 $0x2A, v31  }
0x4d4: {  	v23 =	vadd.s32 $0x2B, v31;
	v24 =	vadd.s32 $0x26, v31;
	v27 =	vadd.s32 $0x27, v31  }
0x4d5: {  	v54 =	vadd.s32 $0x28, v31;
	v22 =	vadd.s32 $0x23, v31;
	v55 =	vadd.s32 $0x24, v31  }
0x4d6: {  	v56 =	vadd.s32 $0x25, v31;
	v25 =	vadd.s32 $0x20, v31;
	v26 =	vadd.s32 $0x21, v31  }
0x4d7: {  	v57 =	vadd.s32 $0x22, v31;
	v28 =	vadd.s32 $0x1D, v31;
	v29 =	vadd.s32 $0x1E, v31  }
0x4d8: {  	v30 =	vadd.s32 $0x1F, v31;
	v32 =	vadd.s32 $0x1A, v31;
	v33 =	vadd.s32 $0x1B, v31  }
0x4d9: {  	v34 =	vadd.s32 $0x1C, v31;
	v38 =	vadd.s32 $0x17, v31;
	v39 =	vadd.s32 $0x18, v31  }
0x4da: {  	v40 =	vadd.s32 $0x19, v31;
	v45 =	vadd.s32 $0x15, v31;
	v46 =	vadd.s32 $0x16, v31  }
0x4db: {  	v50 =	vadd.s32 $0x11, v31;
	v51 =	vadd.s32 $0x12, v31;
	v44 =	vadd.s32 $0x13, v31  }
0x4dc: {  	v43 =	vadd.s32 $0xE, v31;
	v47 =	vadd.s32 $0xF, v31;
	v52 =	vadd.s32 $0x10, v31  }
0x4dd: {  	v41 =	vadd.s32 $0xC, v31;
	v48 =	vadd.s32 $0xD, v31;
	v49 =	vadd.s32 $0x9, v31  }
0x4de: {  	v18 =	vadd.s32 $0xA, v31;
	v37 =	vadd.s32 $0x2, v31;
	v35 =	vadd.s32 $0x3, v31  }
0x4df: {  	v36 =	vadd.s32 $0x4, v31;
	v42 =	vand.u32 $0xFFFFFF80, v31;
	v58 =	vand.u32 $0x7F, v31  }
0x4e0: {  	v53 =	vadd.s32 $0x1, v31;
	v59 =	vand.u32 $0xFFFFFF80, v3;
	v60 =	vand.u32 $0x7F, v3  }
0x4e1: {  	v61 =	vand.u32 $0x7F, v0;
	v3 =	vand.u32 $0xFFFFFF80, v2;
	v2 =	vand.u32 $0x7F, v2  }
0x4e2: {  	v62 =	vand.u32 $0xFFFFFF80, v6;
	v6 =	vand.u32 $0x7F, v6;
	v42 =	vadd.s32 v1, v42  }
0x4e3: {  	v63 =	vand.u32 $0xFFFFFF80, v0;
	v0 =	vand.u32 $0x7F, v4;
	v4 =	vand.u32 $0xFFFFFF80, v4  }
0x4e4: {  	v42 =	vor.u32 v58, v42;
	v58 =	vand.u32 $0xFFFFFF80, v5;
	v5 =	vand.u32 $0x7F, v5  }
0x4e5: {  	v3 =	vadd.s32 v1, v3;
	v59 =	vadd.s32 v1, v59;
	v4 =	vadd.s32 v1, v4  }
0x4e6: {  	v2 =	vor.u32 v2, v3;
	v58 =	vadd.s32 v1, v58;
	v3 =	vor.u32 v60, v59  }
0x4e7: {  	v60 =	vand.u32 $0xFFFFFF80, v8;
	v8 =	vand.u32 $0x7F, v8;
	[tilespmem:$0x1F260] =	vst v2;
	v2 =	vand.u32 $0xFFFFFF80, v9  }
0x4e8: {  	v9 =	vand.u32 $0x7F, v9;
	[tilespmem:$0x1F270] =	vst v3;
	v3 =	vand.u32 $0x7F, v7;
	v58 =	vor.u32 v5, v58  }
0x4e9: {  	v5 =	vadd.s32 v1, v62;
	v62 =	vand.u32 $0xFFFFFF80, v12;
	v12 =	vand.u32 $0x7F, v12  }
0x4ea: {  	v59 =	vor.u32 v6, v5;
	v6 =	vand.u32 $0xFFFFFF80, v7;
	v7 =	vadd.s32 v1, v63  }
0x4eb: {  	v63 =	vadd.s32 v1, v60;
	v2 =	vadd.s32 v1, v2;
	v5 =	vor.u32 v0, v4  }
0x4ec: {  	v4 =	vand.u32 $0x7F, v13;
	v0 =	vand.u32 $0xFFFFFF80, v13;
	v60 =	vor.u32 v61, v7  }
0x4ed: {  	v61 =	vand.u32 $0x7F, v10;
	v8 =	vor.u32 v8, v63;
	v63 =	vand.u32 $0xFFFFFF80, v11  }
0x4ee: {  	v11 =	vand.u32 $0x7F, v11;
	v7 =	vor.u32 v9, v2;
	v2 =	vand.u32 $0xFFFFFF80, v15  }
0x4ef: {  	v15 =	vand.u32 $0x7F, v15;
	v9 =	vand.u32 $0xFFFFFF80, v10;
	v6 =	vadd.s32 v1, v6  }
0x4f0: {  	v0 =	vadd.s32 v1, v0;
	v10 =	vadd.s32 v1, v63;
	v63 =	vand.u32 $0xFFFFFF80, v14  }
0x4f1: {  	v14 =	vand.u32 $0x7F, v14;
	v3 =	vor.u32 v3, v6;
	v6 =	vand.u32 $0x7F, v16  }
0x4f2: {  	v2 =	vadd.s32 v1, v2;
	v9 =	vadd.s32 v1, v9;
	v11 =	vor.u32 v11, v10  }
0x4f3: {  	v10 =	vadd.s32 v1, v62;
	v62 =	vand.u32 $0xFFFFFF80, v19;
	v19 =	vand.u32 $0x7F, v19  }
0x4f4: {  	v13 =	vor.u32 v15, v2;
	v2 =	vand.u32 $0xFFFFFF80, v23;
	v23 =	vand.u32 $0x7F, v23  }
0x4f5: {  	v10 =	vor.u32 v12, v10;
	v12 =	vadd.s32 v1, v63;
	v63 =	vand.u32 $0xFFFFFF80, v16  }
0x4f6: {  	v16 =	vadd.s32 v1, v62;
	v62 =	vand.u32 $0xFFFFFF80, v20;
	v2 =	vadd.s32 v1, v2  }
0x4f7: {  	v14 =	vor.u32 v14, v12;
	v12 =	vand.u32 $0xFFFFFF80, v17;
	v17 =	vand.u32 $0x7F, v17  }
0x4f8: {  	v16 =	vor.u32 v19, v16;
	v15 =	vadd.s32 v1, v12;
	v12 =	vor.u32 v61, v9  }
0x4f9: {  	v9 =	vand.u32 $0x7F, v20;
	v61 =	vand.u32 $0xFFFFFF80, v54;
	v54 =	vand.u32 $0x7F, v54  }
0x4fa: {  	v20 =	vor.u32 v23, v2;
	v2 =	vand.u32 $0xFFFFFF80, v56;
	v56 =	vand.u32 $0x7F, v56  }
0x4fb: {  	v23 =	vadd.s32 v1, v63;
	v63 =	vand.u32 $0xFFFFFF80, v25;
	v17 =	vor.u32 v17, v15  }
0x4fc: {  	v15 =	vand.u32 $0xFFFFFF80, v21;
	v21 =	vand.u32 $0x7F, v21;
	v2 =	vadd.s32 v1, v2  }
0x4fd: {  	v19 =	vadd.s32 v1, v15;
	v15 =	vor.u32 v4, v0;
	v0 =	vand.u32 $0x7F, v24  }
0x4fe: {  	v4 =	vand.u32 $0xFFFFFF80, v27;
	v27 =	vand.u32 $0x7F, v27;
	v21 =	vor.u32 v21, v19  }
0x4ff: {  	v19 =	vand.u32 $0xFFFFFF80, v24;
	v24 =	vadd.s32 v1, v4;
	v4 =	vor.u32 v6, v23  }
0x500: {  	v6 =	vand.u32 $0x7F, v22;
	v23 =	vadd.s32 v1, v61;
	v61 =	vand.u32 $0xFFFFFF80, v22  }
0x501: {  	v22 =	vadd.s32 v1, v62;
	v62 =	vand.u32 $0x7F, v26;
	v24 =	vor.u32 v27, v24  }
0x502: {  	v27 =	vand.u32 $0xFFFFFF80, v55;
	v55 =	vand.u32 $0x7F, v55;
	v23 =	vor.u32 v54, v23  }
0x503: {  	v54 =	vand.u32 $0xFFFFFF80, v57;
	v57 =	vand.u32 $0x7F, v57;
	v22 =	vor.u32 v9, v22  }
0x504: {  	v9 =	vand.u32 $0x7F, v25;
	v19 =	vadd.s32 v1, v19;
	v27 =	vadd.s32 v1, v27  }
0x505: {  	v25 =	vor.u32 v0, v19;
	v0 =	vand.u32 $0x7F, v28;
	v19 =	vand.u32 $0xFFFFFF80, v29  }
0x506: {  	v27 =	vor.u32 v55, v27;
	v55 =	vand.u32 $0xFFFFFF80, v26;
	v26 =	vor.u32 v56, v2  }
0x507: {  	v2 =	vand.u32 $0xFFFFFF80, v30;
	v56 =	vand.u32 $0x7F, v30;
	v19 =	vadd.s32 v1, v19  }
0x508: {  	v30 =	vadd.s32 v1, v55;
	v55 =	vand.u32 $0x7F, v29;
	v29 =	vadd.s32 v1, v54  }
0x509: {  	v54 =	vand.u32 $0xFFFFFF80, v34;
	v2 =	vadd.s32 v1, v2;
	v30 =	vor.u32 v62, v30  }
0x50a: {  	v29 =	vor.u32 v57, v29;
	v57 =	vand.u32 $0x7F, v34;
	v62 =	vand.u32 $0xFFFFFF80, v28  }
0x50b: {  	v28 =	vadd.s32 v1, v61;
	v34 =	vor.u32 v55, v19;
	v19 =	vand.u32 $0xFFFFFF80, v33  }
0x50c: {  	v55 =	vand.u32 $0x7F, v33;
	v33 =	vor.u32 v56, v2;
	v2 =	vand.u32 $0xFFFFFF80, v40  }
0x50d: {  	v56 =	vand.u32 $0x7F, v40;
	v61 =	vand.u32 $0xFFFFFF80, v32;
	v40 =	vadd.s32 v1, v63  }
0x50e: {  	v54 =	vadd.s32 v1, v54;
	v63 =	vand.u32 $0xFFFFFF80, v38;
	v28 =	vor.u32 v6, v28  }
0x50f: {  	v6 =	vand.u32 $0x7F, v32;
	v19 =	vadd.s32 v1, v19;
	v32 =	vor.u32 v9, v40  }
0x510: {  	v9 =	vand.u32 $0x7F, v38;
	v2 =	vadd.s32 v1, v2;
	v61 =	vadd.s32 v1, v61  }
0x511: {  	v40 =	vor.u32 v55, v19;
	v19 =	vand.u32 $0xFFFFFF80, v39;
	v55 =	vand.u32 $0x7F, v39  }
0x512: {  	v39 =	vor.u32 v57, v54;
	v54 =	vand.u32 $0xFFFFFF80, v46;
	v57 =	vadd.s32 v1, v62  }
0x513: {  	v62 =	vand.u32 $0x7F, v46;
	v38 =	vor.u32 v0, v57;
	v0 =	vand.u32 $0xFFFFFF80, v45  }
0x514: {  	v57 =	vand.u32 $0x7F, v45;
	v19 =	vadd.s32 v1, v19;
	v45 =	vor.u32 v56, v2  }
0x515: {  	v2 =	vand.u32 $0x7F, v50;
	v56 =	vand.u32 $0x7F, v51;
	v46 =	vor.u32 v55, v19  }
0x516: {  	v19 =	vand.u32 $0xFFFFFF80, v44;
	v55 =	vand.u32 $0x7F, v44;
	v0 =	vadd.s32 v1, v0  }
0x517: {  	v44 =	vor.u32 v6, v61;
	v6 =	vand.u32 $0xFFFFFF80, v51;
	v61 =	vand.u32 $0xFFFFFF80, v50  }
0x518: {  	v50 =	vadd.s32 v1, v63;
	v63 =	vand.u32 $0x7F, v47;
	v51 =	vor.u32 v57, v0  }
0x519: {  	v0 =	vand.u32 $0xFFFFFF80, v52;
	v57 =	vand.u32 $0x7F, v52;
	v52 =	vadd.s32 v1, v54  }
0x51a: {  	v6 =	vadd.s32 v1, v6;
	v50 =	vor.u32 v9, v50;
	v9 =	vand.u32 $0xFFFFFF80, v47  }
0x51b: {  	v19 =	vadd.s32 v1, v19;
	v54 =	vand.u32 $0xFFFFFF80, v43;
	v52 =	vor.u32 v62, v52  }
0x51c: {  	v62 =	vand.u32 $0x7F, v43;
	v47 =	vor.u32 v56, v6;
	v6 =	vand.u32 $0xFFFFFF80, v48  }
0x51d: {  	v56 =	vand.u32 $0x7F, v48;
	v48 =	vadd.s32 v1, v9;
	v9 =	vor.u32 v55, v19  }
0x51e: {  	v19 =	vand.u32 $0xFFFFFF80, v41;
	v55 =	vand.u32 $0x7F, v41;
	v41 =	vadd.s32 v1, v61  }
0x51f: {  	v0 =	vadd.s32 v1, v0;
	v61 =	vand.u32 $0x7F, v18;
	v43 =	vor.u32 v63, v48  }
0x520: {  	s28 =	simm.s32 $0x500;
	v63 =	vand.u32 $0xFFFFFF80, v18;
	v48 =	vor.u32 v57, v0;
	v41 =	vor.u32 v2, v41  }
0x521: {  	v18 =	vld [tilespmem:s28+$0x0];
	v0 =	vand.u32 $0xFFFFFF80, v49;
	v2 =	vand.u32 $0x7F, v49;
	v19 =	vadd.s32 v1, v19  }
0x522: {  	v57 =	vand.u32 $0x7F, v53;
	v49 =	vadd.s32 v1, v54;
	v6 =	vadd.s32 v1, v6  }
0x523: {  	v54 =	vand.u32 $0x7F, v37;
	v37 =	vand.u32 $0xFFFFFF80, v37;
	v55 =	vor.u32 v55, v19  }
0x524: {  	v19 =	vand.u32 $0xFFFFFF80, v53;
	v0 =	vadd.s32 v1, v0;
	v53 =	vor.u32 v56, v6  }
0x525: {  	v49 =	vor.u32 v62, v49;
	v62 =	vadd.s32 v1, v37;
	v19 =	vadd.s32 v1, v19  }
0x526: {  	v56 =	vor.u32 v2, v0;
	v0 =	vor.u32 v57, v19;
	v2 =	vand.u32 $0xFFFFFF80, v18  }
0x527: {  	v6 =	vand.u32 $0x7F, v18;
	v19 =	vadd.s32 $0x1, v18;
	v2 =	vadd.s32 v1, v2  }
0x528: {  	v54 =	vor.u32 v54, v62;
	v2 =	vor.u32 v6, v2;
	v6 =	vand.u32 $0xFFFFFF80, v19  }
0x529: {  	v57 =	vadd.s32 v1, v63;
	v19 =	vand.u32 $0x7F, v19;
	v6 =	vadd.s32 v1, v6  }
0x52a: {  	v63 =	vand.u32 $0xFFFFFF80, v35;
	v6 =	vor.u32 v19, v6;
	v19 =	vadd.s32 $0x2, v18  }
0x52b: {  	v35 =	vand.u32 $0x7F, v35;
	v37 =	vor.u32 v61, v57;
	v61 =	vand.u32 $0xFFFFFF80, v19  }
0x52c: {  	v42 =	vld.idx.msk [tilespmem:v42+s20+$0x0], $0xffff;
	v19 =	vand.u32 $0x7F, v19;
	v57 =	vadd.s32 v1, v61;
	v61 =	vand.u32 $0xFFFFFF80, v36  }
0x52d: {  	v0 =	vld.idx.msk [tilespmem:v0+s20+$0x0], $0xffff;
	v36 =	vand.u32 $0x7F, v36;
	v19 =	vor.u32 v19, v57;
	v57 =	vadd.s32 v1, v63  }
0x52e: {  	v2 =	vld.idx.msk [tilespmem:v2+s21+$0x0], $0xffff;
	v61 =	vadd.s32 v1, v61;
	v35 =	vor.u32 v35, v57;
	v57 =	vadd.s32 $0x3, v18  }
0x52f: {  	v62 =	vadd.s32 $0x4, v18;
	v36 =	vor.u32 v36, v61;
	v6 =	vld.idx.msk [tilespmem:v6+s21+$0x0], $0xffff;
	v61 =	vand.u32 $0xFFFFFF80, v57  }
0x530: {  	v63 =	vand.u32 $0xFFFFFF80, v62;
	v57 =	vand.u32 $0x7F, v57;
	v61 =	vadd.s32 v1, v61  }
0x531: {  	v57 =	vor.u32 v57, v61;
	v61 =	vand.u32 $0x7F, v62;
	v62 =	vadd.s32 v1, v63  }
0x532: {  	v54 =	vld.idx.msk [tilespmem:v54+s20+$0x0], $0xffff;
	v61 =	vor.u32 v61, v62  }
0x533: {  	v2 =	vmul.f32 v2, v42;
	v42 =	vadd.s32 $0x5, v31;
	v19 =	vld.idx.msk [tilespmem:v19+s21+$0x0], $0xffff;
	v62 =	vadd.s32 $0x5, v18  }
0x534: {  	v0 =	vmul.f32 v6, v0;
	v6 =	vand.u32 $0x7F, v42;
	v42 =	vand.u32 $0xFFFFFF80, v42  }
0x535: {  	v63 =	vand.u32 $0xFFFFFF80, v62;
	v2 =	vadd.f32 $0.0e+00, v2;
	v42 =	vadd.s32 v1, v42  }
0x536: {  	v62 =	vand.u32 $0x7F, v62;
	v35 =	vld.idx.msk [tilespmem:v35+s20+$0x0], $0xffff;
	v63 =	vadd.s32 v1, v63;
	v6 =	vor.u32 v6, v42  }
0x537: {  	v42 =	vor.u32 v62, v63;
	v57 =	vld.idx.msk [tilespmem:v57+s21+$0x0], $0xffff;
	v0 =	vadd.f32 v0, v2;
	v2 =	vadd.s32 $0x6, v31  }
0x538: {  	v36 =	vld.idx.msk [tilespmem:v36+s20+$0x0], $0xffff;
	v19 =	vmul.f32 v19, v54;
	v54 =	vadd.s32 $0x6, v18;
	v62 =	vand.u32 $0xFFFFFF80, v2  }
0x539: {  	v2 =	vand.u32 $0x7F, v2;
	v61 =	vld.idx.msk [tilespmem:v61+s21+$0x0], $0xffff;
	v63 =	vand.u32 $0xFFFFFF80, v54;
	v62 =	vadd.s32 v1, v62  }
0x53a: {  	v54 =	vand.u32 $0x7F, v54;
	v63 =	vadd.s32 v1, v63;
	v2 =	vor.u32 v2, v62  }
0x53b: {  	v0 =	vadd.f32 v19, v0;
	v19 =	vadd.s32 $0x7, v31;
	v54 =	vor.u32 v54, v63  }
0x53c: {  	v62 =	vand.u32 $0xFFFFFF80, v19;
	v35 =	vmul.f32 v57, v35;
	v57 =	vadd.s32 $0x7, v18  }
0x53d: {  	v19 =	vand.u32 $0x7F, v19;
	v62 =	vadd.s32 v1, v62;
	v6 =	vld.idx.msk [tilespmem:v6+s20+$0x0], $0xffff;
	v63 =	vand.u32 $0xFFFFFF80, v57  }
0x53e: {  	v42 =	vld.idx.msk [tilespmem:v42+s21+$0x0], $0xffff;
	v57 =	vand.u32 $0x7F, v57;
	v19 =	vor.u32 v19, v62;
	v36 =	vmul.f32 v61, v36  }
0x53f: {  	v63 =	vadd.s32 v1, v63;
	v0 =	vadd.f32 v35, v0;
	v35 =	vadd.s32 $0x8, v31  }
0x540: {  	v61 =	vadd.s32 $0x8, v18;
	v57 =	vor.u32 v57, v63;
	v62 =	vand.u32 $0x7F, v35  }
0x541: {  	v35 =	vand.u32 $0xFFFFFF80, v35;
	v63 =	vand.u32 $0xFFFFFF80, v61;
	v61 =	vand.u32 $0x7F, v61  }
0x542: {  	v2 =	vld.idx.msk [tilespmem:v2+s20+$0x0], $0xffff;
	v35 =	vadd.s32 v1, v35;
	v63 =	vadd.s32 v1, v63;
	v0 =	vadd.f32 v36, v0  }
0x543: {  	v54 =	vld.idx.msk [tilespmem:v54+s21+$0x0], $0xffff;
	v36 =	vadd.s32 $0xB, v31;
	v35 =	vor.u32 v62, v35;
	v6 =	vmul.f32 v42, v6  }
0x544: {  	v42 =	vadd.s32 $0x9, v18;
	v62 =	vand.u32 $0x7F, v36;
	v36 =	vand.u32 $0xFFFFFF80, v36  }
0x545: {  	v61 =	vor.u32 v61, v63;
	v63 =	vand.u32 $0xFFFFFF80, v42;
	v36 =	vadd.s32 v1, v36  }
0x546: {  	v42 =	vand.u32 $0x7F, v42;
	v19 =	vld.idx.msk [tilespmem:v19+s20+$0x0], $0xffff;
	v63 =	vadd.s32 v1, v63;
	v36 =	vor.u32 v62, v36  }
0x547: {  	v0 =	vadd.f32 v6, v0;
	v6 =	vadd.s32 $0xB, v18;
	v42 =	vor.u32 v42, v63;
	v57 =	vld.idx.msk [tilespmem:v57+s21+$0x0], $0xffff  }
0x548: {  	v63 =	vand.u32 $0xFFFFFF80, v6;
	v2 =	vmul.f32 v54, v2;
	v54 =	vadd.s32 $0xA, v18  }
0x549: {  	v6 =	vand.u32 $0x7F, v6;
	v63 =	vadd.s32 v1, v63;
	v62 =	vand.u32 $0xFFFFFF80, v54;
	v35 =	vld.idx.msk [tilespmem:v35+s20+$0x0], $0xffff  }
0x54a: {  	v54 =	vand.u32 $0x7F, v54;
	v6 =	vor.u32 v6, v63;
	v61 =	vld.idx.msk [tilespmem:v61+s21+$0x0], $0xffff;
	v62 =	vadd.s32 v1, v62  }
0x54b: {  	v0 =	vadd.f32 v2, v0;
	v2 =	vadd.s32 $0xD, v18;
	v54 =	vor.u32 v54, v62  }
0x54c: {  	v56 =	vld.idx.msk [tilespmem:v56+s20+$0x0], $0xffff;
	v63 =	vand.u32 $0xFFFFFF80, v2;
	v19 =	vmul.f32 v57, v19;
	v57 =	vadd.s32 $0xC, v18  }
0x54d: {  	v2 =	vand.u32 $0x7F, v2;
	v42 =	vld.idx.msk [tilespmem:v42+s21+$0x0], $0xffff;
	v63 =	vadd.s32 v1, v63;
	v62 =	vand.u32 $0xFFFFFF80, v57  }
0x54e: {  	v57 =	vand.u32 $0x7F, v57;
	v62 =	vadd.s32 v1, v62;
	v0 =	vadd.f32 v19, v0  }
0x54f: {  	v37 =	vld.idx.msk [tilespmem:v37+s20+$0x0], $0xffff;
	v35 =	vmul.f32 v61, v35;
	v57 =	vor.u32 v57, v62;
	v62 =	vadd.s32 $0xE, v18  }
0x550: {  	v2 =	vor.u32 v2, v63;
	v19 =	vld.idx.msk [tilespmem:v54+s21+$0x0], $0xffff;
	v54 =	vand.u32 $0xFFFFFF80, v62;
	v61 =	vand.u32 $0x7F, v62  }
0x551: {  	v36 =	vld.idx.msk [tilespmem:v36+s20+$0x0], $0xffff;
	v62 =	vadd.s32 $0xF, v18;
	v0 =	vadd.f32 v35, v0;
	v54 =	vadd.s32 v1, v54  }
0x552: {  	v6 =	vld.idx.msk [tilespmem:v6+s21+$0x0], $0xffff;
	v35 =	vand.u32 $0xFFFFFF80, v62;
	v42 =	vmul.f32 v42, v56;
	v54 =	vor.u32 v61, v54  }
0x553: {  	v61 =	vand.u32 $0x7F, v62;
	v35 =	vadd.s32 v1, v35;
	v62 =	vadd.s32 $0x10, v18  }
0x554: {  	v56 =	vadd.s32 $0x3E, v31;
	v61 =	vor.u32 v61, v35;
	v63 =	vand.u32 $0xFFFFFF80, v62  }
0x555: {  	v53 =	vld.idx.msk [tilespmem:v53+s20+$0x0], $0xffff;
	v0 =	vadd.f32 v42, v0;
	v35 =	vand.u32 $0x7F, v62;
	v42 =	vadd.s32 v1, v63  }
0x556: {  	v62 =	vadd.s32 $0x14, v31;
	v19 =	vmul.f32 v19, v37;
	v63 =	vor.u32 v35, v42;
	v42 =	vld.idx.msk [tilespmem:v55+s20+$0x0], $0xffff  }
0x557: {  	v6 =	vmul.f32 v6, v36;
	v37 =	vadd.s32 $0x3F, v31;
	v31 =	vadd.s32 $0x11, v18;
	v55 =	vld.idx.msk [tilespmem:v57+s21+$0x0], $0xffff  }
0x558: {  	v2 =	vld.idx.msk [tilespmem:v2+s21+$0x0], $0xffff;
	v35 =	vand.u32 $0x7F, v56;
	v0 =	vadd.f32 v19, v0;
	v19 =	vand.u32 $0xFFFFFF80, v31  }
0x559: {  	v36 =	vand.u32 $0xFFFFFF80, v37;
	v31 =	vand.u32 $0x7F, v31;
	v19 =	vadd.s32 v1, v19  }
0x55a: {  	v49 =	vld.idx.msk [tilespmem:v49+s20+$0x0], $0xffff;
	v19 =	vor.u32 v31, v19;
	v31 =	vand.u32 $0x7F, v37;
	v37 =	vand.u32 $0xFFFFFF80, v56  }
0x55b: {  	v54 =	vld.idx.msk [tilespmem:v54+s21+$0x0], $0xffff;
	v0 =	vadd.f32 v6, v0;
	v6 =	vand.u32 $0x7F, v62;
	v62 =	vand.u32 $0xFFFFFF80, v62  }
0x55c: {  	v57 =	vld.idx.msk [tilespmem:v43+s20+$0x0], $0xffff;
	v56 =	vadd.s32 v1, v62;
	v42 =	vmul.f32 v55, v42;
	v55 =	vadd.s32 $0x12, v18  }
0x55d: {  	v2 =	vmul.f32 v2, v53;
	v6 =	vor.u32 v6, v56;
	v62 =	vand.u32 $0xFFFFFF80, v55;
	v56 =	vld.idx.msk [tilespmem:v61+s21+$0x0], $0xffff  }
0x55e: {  	v55 =	vand.u32 $0x7F, v55;
	v61 =	vadd.s32 v1, v62;
	v62 =	vld.idx.msk [tilespmem:v48+s20+$0x0], $0xffff;
	v0 =	vadd.f32 v42, v0  }
0x55f: {  	v43 =	vadd.s32 $0x3C, v18;
	v53 =	vor.u32 v55, v61;
	v55 =	vld.idx.msk [tilespmem:v63+s21+$0x0], $0xffff  }
0x560: {  	v48 =	vadd.s32 $0x13, v18;
	v0 =	vadd.f32 v2, v0;
	v2 =	vmul.f32 v54, v49  }
0x561: {  	v42 =	vadd.s32 $0x3D, v18;
	v61 =	vld.idx.msk [tilespmem:v41+s20+$0x0], $0xffff;
	v63 =	vand.u32 $0xFFFFFF80, v48;
	v54 =	vand.u32 $0x7F, v48  }
0x562: {  	v19 =	vld.idx.msk [tilespmem:v19+s21+$0x0], $0xffff;
	v63 =	vadd.s32 v1, v63;
	v0 =	vadd.f32 v2, v0;
	v2 =	vmul.f32 v56, v57  }
0x563: {  	v49 =	vadd.s32 $0x39, v18;
	v48 =	vadd.s32 $0x3A, v18;
	v54 =	vor.u32 v54, v63  }
0x564: {  	v56 =	vld.idx.msk [tilespmem:v47+s20+$0x0], $0xffff;
	v57 =	vadd.s32 $0x14, v18;
	v0 =	vadd.f32 v2, v0;
	v2 =	vmul.f32 v55, v62  }
0x565: {  	v63 =	vld.idx.msk [tilespmem:v53+s21+$0x0], $0xffff;
	v62 =	vand.u32 $0xFFFFFF80, v57;
	v55 =	vand.u32 $0x7F, v57;
	v53 =	vadd.s32 $0x36, v18  }
0x566: {  	v57 =	vadd.s32 $0x16, v18;
	v62 =	vadd.s32 v1, v62;
	v0 =	vadd.f32 v2, v0  }
0x567: {  	v9 =	vld.idx.msk [tilespmem:v9+s20+$0x0], $0xffff;
	v2 =	vmul.f32 v19, v61;
	v55 =	vor.u32 v55, v62;
	v61 =	vand.u32 $0xFFFFFF80, v57  }
0x568: {  	v19 =	vadd.s32 $0x15, v18;
	v54 =	vld.idx.msk [tilespmem:v54+s21+$0x0], $0xffff;
	v57 =	vand.u32 $0x7F, v57;
	v61 =	vadd.s32 v1, v61  }
0x569: {  	v0 =	vadd.f32 v2, v0;
	v2 =	vand.u32 $0xFFFFFF80, v19;
	v19 =	vand.u32 $0x7F, v19  }
0x56a: {  	v57 =	vor.u32 v57, v61;
	v56 =	vmul.f32 v63, v56;
	v2 =	vadd.s32 v1, v2  }
0x56b: {  	v6 =	vld.idx.msk [tilespmem:v6+s20+$0x0], $0xffff;
	v61 =	vadd.s32 $0x18, v18;
	v2 =	vor.u32 v19, v2;
	v19 =	vadd.s32 $0x17, v18  }
0x56c: {  	v0 =	vadd.f32 v56, v0;
	v63 =	vand.u32 $0xFFFFFF80, v19;
	v55 =	vld.idx.msk [tilespmem:v55+s21+$0x0], $0xffff;
	v19 =	vand.u32 $0x7F, v19  }
0x56d: {  	v52 =	vld.idx.msk [tilespmem:v52+s20+$0x0], $0xffff;
	v9 =	vmul.f32 v54, v9;
	v54 =	vand.u32 $0xFFFFFF80, v61;
	v56 =	vadd.s32 v1, v63  }
0x56e: {  	v62 =	vld.idx.msk [tilespmem:v51+s20+$0x0], $0xffff;
	v61 =	vand.u32 $0x7F, v61;
	v54 =	vadd.s32 v1, v54;
	v19 =	vor.u32 v19, v56  }
0x56f: {  	v56 =	vadd.s32 $0x19, v18;
	v54 =	vor.u32 v61, v54;
	v61 =	vadd.s32 $0x1A, v18;
	v57 =	vld.idx.msk [tilespmem:v57+s21+$0x0], $0xffff  }
0x570: {  	v0 =	vadd.f32 v9, v0;
	v9 =	vand.u32 $0xFFFFFF80, v56;
	v56 =	vand.u32 $0x7F, v56;
	v2 =	vld.idx.msk [tilespmem:v2+s21+$0x0], $0xffff  }
0x571: {  	v63 =	vand.u32 $0xFFFFFF80, v61;
	v9 =	vadd.s32 v1, v9;
	v6 =	vmul.f32 v55, v6  }
0x572: {  	v51 =	vand.u32 $0x7F, v61;
	v61 =	vld.idx.msk [tilespmem:v50+s20+$0x0], $0xffff;
	v55 =	vadd.s32 v1, v63;
	v9 =	vor.u32 v56, v9  }
0x573: {  	v56 =	vadd.s32 $0x1B, v18;
	v55 =	vor.u32 v51, v55;
	v0 =	vadd.f32 v6, v0;
	v19 =	vld.idx.msk [tilespmem:v19+s21+$0x0], $0xffff  }
0x574: {  	v6 =	vand.u32 $0xFFFFFF80, v56;
	v56 =	vand.u32 $0x7F, v56;
	v52 =	vmul.f32 v57, v52  }
0x575: {  	v46 =	vld.idx.msk [tilespmem:v46+s20+$0x0], $0xffff;
	v57 =	vadd.s32 $0x1D, v18;
	v6 =	vadd.s32 v1, v6;
	v2 =	vmul.f32 v2, v62  }
0x576: {  	v54 =	vld.idx.msk [tilespmem:v54+s21+$0x0], $0xffff;
	v63 =	vand.u32 $0x7F, v57;
	v6 =	vor.u32 v56, v6;
	v56 =	vadd.s32 $0x1C, v18  }
0x577: {  	v62 =	vld.idx.msk [tilespmem:v45+s20+$0x0], $0xffff;
	v45 =	vand.u32 $0xFFFFFF80, v57;
	v0 =	vadd.f32 v2, v0;
	v2 =	vand.u32 $0xFFFFFF80, v56  }
0x578: {  	v9 =	vld.idx.msk [tilespmem:v9+s21+$0x0], $0xffff;
	v56 =	vand.u32 $0x7F, v56;
	v2 =	vadd.s32 v1, v2;
	v19 =	vmul.f32 v19, v61  }
0x579: {  	v57 =	vld.idx.msk [tilespmem:v44+s20+$0x0], $0xffff;
	v61 =	vadd.s32 v1, v45;
	v2 =	vor.u32 v56, v2;
	v0 =	vadd.f32 v52, v0  }
0x57a: {  	v50 =	vadd.s32 $0x38, v18;
	v51 =	vadd.s32 $0x37, v18;
	v55 =	vld.idx.msk [tilespmem:v55+s21+$0x0], $0xffff;
	v52 =	vor.u32 v63, v61  }
0x57b: {  	v56 =	vadd.s32 $0x1E, v18;
	v61 =	vld.idx.msk [tilespmem:v40+s20+$0x0], $0xffff;
	v0 =	vadd.f32 v19, v0;
	v19 =	vmul.f32 v54, v46  }
0x57c: {  	v44 =	vadd.s32 $0x34, v18;
	v63 =	vand.u32 $0xFFFFFF80, v56;
	v6 =	vld.idx.msk [tilespmem:v6+s21+$0x0], $0xffff;
	v54 =	vand.u32 $0x7F, v56  }
0x57d: {  	v56 =	vadd.s32 v1, v63;
	v63 =	vld.idx.msk [tilespmem:v39+s20+$0x0], $0xffff;
	v9 =	vmul.f32 v9, v62;
	v0 =	vadd.f32 v19, v0  }
0x57e: {  	v45 =	vadd.s32 $0x33, v18;
	v40 =	vadd.s32 $0x35, v18;
	v19 =	vor.u32 v54, v56;
	v2 =	vld.idx.msk [tilespmem:v2+s21+$0x0], $0xffff  }
0x57f: {  	v54 =	vadd.s32 $0x1F, v18;
	v56 =	vld.idx.msk [tilespmem:v38+s20+$0x0], $0xffff;
	v0 =	vadd.f32 v9, v0;
	v9 =	vmul.f32 v55, v57  }
0x580: {  	v46 =	vadd.s32 $0x30, v18;
	v62 =	vand.u32 $0xFFFFFF80, v54;
	v54 =	vand.u32 $0x7F, v54;
	v52 =	vld.idx.msk [tilespmem:v52+s21+$0x0], $0xffff  }
0x581: {  	v55 =	vadd.s32 v1, v62;
	v6 =	vmul.f32 v6, v61;
	v0 =	vadd.f32 v9, v0  }
0x582: {  	v34 =	vld.idx.msk [tilespmem:v34+s20+$0x0], $0xffff;
	v57 =	vadd.s32 $0x2E, v18;
	v54 =	vor.u32 v54, v55;
	v55 =	vadd.s32 $0x20, v18  }
0x583: {  	v61 =	vand.u32 $0xFFFFFF80, v55;
	v19 =	vld.idx.msk [tilespmem:v19+s21+$0x0], $0xffff;
	v0 =	vadd.f32 v6, v0;
	v2 =	vmul.f32 v2, v63  }
0x584: {  	v9 =	vadd.s32 $0x2D, v18;
	v55 =	vand.u32 $0x7F, v55;
	v61 =	vadd.s32 v1, v61  }
0x585: {  	v6 =	vadd.s32 $0x2F, v18;
	v0 =	vadd.f32 v2, v0;
	v2 =	vmul.f32 v52, v56  }
0x586: {  	v33 =	vld.idx.msk [tilespmem:v33+s20+$0x0], $0xffff;
	v55 =	vor.u32 v55, v61;
	v61 =	vadd.s32 $0x22, v18;
	v56 =	vadd.s32 $0x21, v18  }
0x587: {  	v52 =	vadd.s32 $0x2A, v18;
	v54 =	vld.idx.msk [tilespmem:v54+s21+$0x0], $0xffff;
	v0 =	vadd.f32 v2, v0;
	v2 =	vand.u32 $0xFFFFFF80, v56  }
0x588: {  	v56 =	vand.u32 $0x7F, v56;
	v19 =	vmul.f32 v19, v34;
	v34 =	vand.u32 $0xFFFFFF80, v61  }
0x589: {  	v61 =	vand.u32 $0x7F, v61;
	v2 =	vadd.s32 v1, v2;
	v34 =	vadd.s32 v1, v34  }
0x58a: {  	v32 =	vld.idx.msk [tilespmem:v32+s20+$0x0], $0xffff;
	v2 =	vor.u32 v56, v2;
	v56 =	vadd.s32 $0x23, v18;
	v34 =	vor.u32 v61, v34  }
0x58b: {  	v55 =	vld.idx.msk [tilespmem:v55+s21+$0x0], $0xffff;
	v61 =	vadd.s32 $0x24, v18;
	v0 =	vadd.f32 v19, v0;
	v19 =	vand.u32 $0xFFFFFF80, v56  }
0x58c: {  	v56 =	vand.u32 $0x7F, v56;
	v33 =	vmul.f32 v54, v33;
	v54 =	vand.u32 $0xFFFFFF80, v61  }
0x58d: {  	v30 =	vld.idx.msk [tilespmem:v30+s20+$0x0], $0xffff;
	v61 =	vand.u32 $0x7F, v61;
	v19 =	vadd.s32 v1, v19;
	v54 =	vadd.s32 v1, v54  }
0x58e: {  	v29 =	vld.idx.msk [tilespmem:v29+s20+$0x0], $0xffff;
	v19 =	vor.u32 v56, v19;
	v56 =	vadd.s32 $0x25, v18;
	v54 =	vor.u32 v61, v54  }
0x58f: {  	v61 =	vadd.s32 $0x26, v18;
	v0 =	vadd.f32 v33, v0;
	v63 =	vand.u32 $0xFFFFFF80, v56;
	v2 =	vld.idx.msk [tilespmem:v2+s21+$0x0], $0xffff  }
0x590: {  	v56 =	vand.u32 $0x7F, v56;
	v32 =	vmul.f32 v55, v32;
	v55 =	vand.u32 $0xFFFFFF80, v61;
	v34 =	vld.idx.msk [tilespmem:v34+s21+$0x0], $0xffff  }
0x591: {  	v61 =	vand.u32 $0x7F, v61;
	v33 =	vadd.s32 v1, v63;
	v55 =	vadd.s32 v1, v55  }
0x592: {  	v28 =	vld.idx.msk [tilespmem:v28+s20+$0x0], $0xffff;
	v63 =	vadd.s32 $0x28, v18;
	v33 =	vor.u32 v56, v33;
	v56 =	vadd.s32 $0x27, v18  }
0x593: {  	v55 =	vor.u32 v61, v55;
	v61 =	vadd.s32 $0x2B, v18;
	v0 =	vadd.f32 v32, v0;
	v19 =	vld.idx.msk [tilespmem:v19+s21+$0x0], $0xffff  }
0x594: {  	v32 =	vadd.s32 $0x2C, v18;
	v62 =	vand.u32 $0xFFFFFF80, v56;
	v56 =	vand.u32 $0x7F, v56  }
0x595: {  	v27 =	vld.idx.msk [tilespmem:v27+s20+$0x0], $0xffff;
	v2 =	vmul.f32 v2, v30;
	v30 =	vadd.s32 v1, v62;
	v29 =	vmul.f32 v34, v29  }
0x596: {  	v54 =	vld.idx.msk [tilespmem:v54+s21+$0x0], $0xffff;
	v62 =	vadd.s32 $0x29, v18;
	v30 =	vor.u32 v56, v30;
	v56 =	vand.u32 $0x7F, v63  }
0x597: {  	v26 =	vld.idx.msk [tilespmem:v26+s20+$0x0], $0xffff;
	v34 =	vand.u32 $0x7F, v62;
	v0 =	vadd.f32 v2, v0;
	v2 =	vand.u32 $0xFFFFFF80, v63  }
0x598: {  	v33 =	vld.idx.msk [tilespmem:v33+s21+$0x0], $0xffff;
	v63 =	vand.u32 $0xFFFFFF80, v62;
	v2 =	vadd.s32 v1, v2;
	v19 =	vmul.f32 v19, v28  }
0x599: {  	v25 =	vld.idx.msk [tilespmem:v25+s20+$0x0], $0xffff;
	v28 =	vadd.s32 v1, v63;
	v2 =	vor.u32 v56, v2;
	v0 =	vadd.f32 v29, v0  }
0x59a: {  	v29 =	vld.idx.msk [tilespmem:v55+s21+$0x0], $0xffff;
	v28 =	vor.u32 v34, v28;
	v56 =	vand.u32 $0xFFFFFF80, v52;
	v52 =	vand.u32 $0x7F, v52  }
0x59b: {  	v24 =	vld.idx.msk [tilespmem:v24+s20+$0x0], $0xffff;
	v0 =	vadd.f32 v19, v0;
	v19 =	vmul.f32 v54, v27;
	v27 =	vadd.s32 v1, v56  }
0x59c: {  	v62 =	vand.u32 $0xFFFFFF80, v61;
	v63 =	vand.u32 $0x7F, v61;
	v30 =	vld.idx.msk [tilespmem:v30+s21+$0x0], $0xffff;
	v27 =	vor.u32 v52, v27  }
0x59d: {  	v23 =	vld.idx.msk [tilespmem:v23+s20+$0x0], $0xffff;
	v0 =	vadd.f32 v19, v0;
	v19 =	vmul.f32 v33, v26;
	v26 =	vadd.s32 v1, v62  }
0x59e: {  	v54 =	vand.u32 $0xFFFFFF80, v32;
	v32 =	vand.u32 $0x7F, v32;
	v2 =	vld.idx.msk [tilespmem:v2+s21+$0x0], $0xffff;
	v26 =	vor.u32 v63, v26  }
0x59f: {  	v22 =	vld.idx.msk [tilespmem:v22+s20+$0x0], $0xffff;
	v0 =	vadd.f32 v19, v0;
	v19 =	vmul.f32 v29, v25;
	v25 =	vadd.s32 v1, v54  }
0x5a0: {  	v28 =	vld.idx.msk [tilespmem:v28+s21+$0x0], $0xffff;
	v29 =	vand.u32 $0xFFFFFF80, v9;
	v9 =	vand.u32 $0x7F, v9;
	v25 =	vor.u32 v32, v25  }
0x5a1: {  	v21 =	vld.idx.msk [tilespmem:v21+s20+$0x0], $0xffff;
	v0 =	vadd.f32 v19, v0;
	v19 =	vmul.f32 v30, v24;
	v24 =	vadd.s32 v1, v29  }
0x5a2: {  	v27 =	vld.idx.msk [tilespmem:v27+s21+$0x0], $0xffff;
	v29 =	vand.u32 $0x7F, v57;
	v9 =	vor.u32 v9, v24;
	v24 =	vand.u32 $0xFFFFFF80, v57  }
0x5a3: {  	v20 =	vld.idx.msk [tilespmem:v20+s20+$0x0], $0xffff;
	v0 =	vadd.f32 v19, v0;
	v2 =	vmul.f32 v2, v23;
	v19 =	vadd.s32 v1, v24  }
0x5a4: {  	v23 =	vld.idx.msk [tilespmem:v26+s21+$0x0], $0xffff;
	v24 =	vand.u32 $0xFFFFFF80, v6;
	v6 =	vand.u32 $0x7F, v6;
	v19 =	vor.u32 v29, v19  }
0x5a5: {  	v4 =	vld.idx.msk [tilespmem:v4+s20+$0x0], $0xffff;
	v0 =	vadd.f32 v2, v0;
	v2 =	vmul.f32 v28, v22;
	v22 =	vadd.s32 v1, v24  }
0x5a6: {  	v39 =	vadd.s32 $0x31, v18;
	v38 =	vadd.s32 $0x32, v18;
	v24 =	vld.idx.msk [tilespmem:v25+s21+$0x0], $0xffff;
	v6 =	vor.u32 v6, v22  }
0x5a7: {  	v17 =	vld.idx.msk [tilespmem:v17+s20+$0x0], $0xffff;
	v22 =	vand.u32 $0xFFFFFF80, v46;
	v0 =	vadd.f32 v2, v0;
	v2 =	vmul.f32 v27, v21  }
0x5a8: {  	v25 =	vand.u32 $0x7F, v46;
	v21 =	vadd.s32 v1, v22;
	v9 =	vld.idx.msk [tilespmem:v9+s21+$0x0], $0xffff;
	v22 =	vand.u32 $0xFFFFFF80, v39  }
0x5a9: {  	v16 =	vld.idx.msk [tilespmem:v16+s20+$0x0], $0xffff;
	v21 =	vor.u32 v25, v21;
	v0 =	vadd.f32 v2, v0;
	v2 =	vmul.f32 v23, v20  }
0x5aa: {  	v25 =	vand.u32 $0x7F, v39;
	v20 =	vadd.s32 v1, v22;
	v19 =	vld.idx.msk [tilespmem:v19+s21+$0x0], $0xffff;
	v22 =	vand.u32 $0xFFFFFF80, v38  }
0x5ab: {  	v15 =	vld.idx.msk [tilespmem:v15+s20+$0x0], $0xffff;
	v20 =	vor.u32 v25, v20;
	v0 =	vadd.f32 v2, v0;
	v2 =	vmul.f32 v24, v4  }
0x5ac: {  	v23 =	vand.u32 $0x7F, v38;
	v4 =	vadd.s32 v1, v22;
	v6 =	vld.idx.msk [tilespmem:v6+s21+$0x0], $0xffff;
	v22 =	vand.u32 $0xFFFFFF80, v45  }
0x5ad: {  	v14 =	vld.idx.msk [tilespmem:v14+s20+$0x0], $0xffff;
	v4 =	vor.u32 v23, v4;
	v0 =	vadd.f32 v2, v0;
	v2 =	vmul.f32 v9, v17  }
0x5ae: {  	v23 =	vand.u32 $0x7F, v45;
	v9 =	vadd.s32 v1, v22;
	v17 =	vld.idx.msk [tilespmem:v21+s21+$0x0], $0xffff;
	v21 =	vand.u32 $0xFFFFFF80, v44  }
0x5af: {  	v13 =	vld.idx.msk [tilespmem:v13+s20+$0x0], $0xffff;
	v9 =	vor.u32 v23, v9;
	v0 =	vadd.f32 v2, v0;
	v2 =	vmul.f32 v19, v16  }
0x5b0: {  	v22 =	vand.u32 $0x7F, v44;
	v16 =	vadd.s32 v1, v21;
	v19 =	vld.idx.msk [tilespmem:v20+s21+$0x0], $0xffff;
	v20 =	vand.u32 $0xFFFFFF80, v40  }
0x5b1: {  	v12 =	vld.idx.msk [tilespmem:v12+s20+$0x0], $0xffff;
	v16 =	vor.u32 v22, v16;
	v0 =	vadd.f32 v2, v0;
	v2 =	vmul.f32 v6, v15  }
0x5b2: {  	v21 =	vand.u32 $0x7F, v40;
	v6 =	vadd.s32 v1, v20;
	v4 =	vld.idx.msk [tilespmem:v4+s21+$0x0], $0xffff;
	v15 =	vand.u32 $0xFFFFFF80, v53  }
0x5b3: {  	v11 =	vld.idx.msk [tilespmem:v11+s20+$0x0], $0xffff;
	v6 =	vor.u32 v21, v6;
	v0 =	vadd.f32 v2, v0;
	v2 =	vmul.f32 v17, v14  }
0x5b4: {  	v20 =	vand.u32 $0x7F, v53;
	v14 =	vadd.s32 v1, v15;
	v9 =	vld.idx.msk [tilespmem:v9+s21+$0x0], $0xffff;
	v15 =	vand.u32 $0xFFFFFF80, v51  }
0x5b5: {  	v10 =	vld.idx.msk [tilespmem:v10+s20+$0x0], $0xffff;
	v14 =	vor.u32 v20, v14;
	v0 =	vadd.f32 v2, v0;
	v2 =	vmul.f32 v19, v13  }
0x5b6: {  	v17 =	vand.u32 $0x7F, v51;
	v13 =	vadd.s32 v1, v15;
	v15 =	vld.idx.msk [tilespmem:v16+s21+$0x0], $0xffff;
	v16 =	vand.u32 $0xFFFFFF80, v50  }
0x5b7: {  	v3 =	vld.idx.msk [tilespmem:v3+s20+$0x0], $0xffff;
	v13 =	vor.u32 v17, v13;
	v0 =	vadd.f32 v2, v0;
	v2 =	vmul.f32 v4, v12  }
0x5b8: {  	v17 =	vand.u32 $0x7F, v50;
	v4 =	vadd.s32 v1, v16;
	v6 =	vld.idx.msk [tilespmem:v6+s21+$0x0], $0xffff;
	v12 =	vand.u32 $0xFFFFFF80, v49  }
0x5b9: {  	v8 =	vld.idx.msk [tilespmem:v8+s20+$0x0], $0xffff;
	v4 =	vor.u32 v17, v4;
	v0 =	vadd.f32 v2, v0;
	v2 =	vmul.f32 v9, v11  }
0x5ba: {  	v16 =	vand.u32 $0x7F, v49;
	v9 =	vadd.s32 v1, v12;
	v11 =	vld.idx.msk [tilespmem:v14+s21+$0x0], $0xffff;
	v12 =	vand.u32 $0xFFFFFF80, v48  }
0x5bb: {  	v7 =	vld.idx.msk [tilespmem:v7+s20+$0x0], $0xffff;
	v9 =	vor.u32 v16, v9;
	v0 =	vadd.f32 v2, v0;
	v2 =	vmul.f32 v15, v10  }
0x5bc: {  	v47 =	vadd.s32 $0x3B, v18;
	v14 =	vand.u32 $0x7F, v48;
	v10 =	vadd.s32 v1, v12;
	v12 =	vld.idx.msk [tilespmem:v13+s21+$0x0], $0xffff  }
0x5bd: {  	v5 =	vld.idx.msk [tilespmem:v5+s20+$0x0], $0xffff;
	v10 =	vor.u32 v14, v10;
	v0 =	vadd.f32 v2, v0;
	v2 =	vmul.f32 v6, v3  }
0x5be: {  	v41 =	vadd.s32 $0x3E, v18;
	v13 =	vand.u32 $0xFFFFFF80, v47;
	v14 =	vand.u32 $0x7F, v47;
	v4 =	vld.idx.msk [tilespmem:v4+s21+$0x0], $0xffff  }
0x5bf: {  	v3 =	vadd.s32 v1, v13;
	v0 =	vadd.f32 v2, v0;
	v2 =	vmul.f32 v11, v8  }
0x5c0: {  	v3 =	vor.u32 v14, v3;
	v8 =	vld.idx.msk [tilespmem:v9+s21+$0x0], $0xffff;
	v9 =	vand.u32 $0xFFFFFF80, v42;
	v11 =	vand.u32 $0x7F, v42  }
0x5c1: {  	v14 =	vld.idx.msk [tilespmem:v58+s20+$0x0], $0xffff;
	v0 =	vadd.f32 v2, v0;
	v2 =	vmul.f32 v12, v7;
	v7 =	vadd.s32 v1, v9  }
0x5c2: {  	v9 =	vld.idx.msk [tilespmem:v10+s21+$0x0], $0xffff;
	v10 =	vand.u32 $0xFFFFFF80, v41;
	v7 =	vor.u32 v11, v7;
	v11 =	vand.u32 $0x7F, v41  }
0x5c3: {  	v0 =	vadd.f32 v2, v0;
	v2 =	vmul.f32 v4, v5;
	v4 =	vadd.s32 v1, v10  }
0x5c4: {  	v6 =	vand.u32 $0xFFFFFF80, v43;
	v4 =	vor.u32 v11, v4;
	v11 =	vld [tilespmem:$0x1F260]  }
0x5c5: {  	v13 =	vand.u32 $0x7F, v43;
	v6 =	vadd.s32 v1, v6  }
0x5c6: {  	v6 =	vor.u32 v13, v6;
	v0 =	vadd.f32 v2, v0;
	v2 =	vmul.f32 v8, v14;
	v14 =	vld [tilespmem:$0x1F270];
	_ =	sdelay $0x1  }
0x5c7: {  	v13 =	vld.idx.msk [tilespmem:v59+s20+$0x0], $0xffff  }
0x5c8: {  	v37 =	vadd.s32 v1, v37;
	v12 =	vld.idx.msk [tilespmem:v60+s20+$0x0], $0xffff  }
0x5c9: {  	v5 =	vor.u32 v35, v37;
	v10 =	vadd.s32 $0x3F, v18;
	v3 =	vld.idx.msk [tilespmem:v3+s21+$0x0], $0xffff  }
0x5ca: {  	v36 =	vadd.s32 v1, v36;
	v15 =	vand.u32 $0xFFFFFF80, v10;
	v6 =	vld.idx.msk [tilespmem:v6+s21+$0x0], $0xffff  }
0x5cb: {  	v10 =	vand.u32 $0x7F, v10;
	v8 =	vor.u32 v31, v36;
	v1 =	vadd.s32 v1, v15;
	v11 =	vld.idx.msk [tilespmem:v11+s20+$0x0], $0xffff  }
0x5cc: {  	v1 =	vor.u32 v10, v1;
	v0 =	vadd.f32 v2, v0;
	v2 =	vmul.f32 v9, v13;
	v7 =	vld.idx.msk [tilespmem:v7+s21+$0x0], $0xffff  }
0x5cd: {  	v14 =	vld.idx.msk [tilespmem:v14+s20+$0x0], $0xffff  }
0x5ce: {  	v5 =	vld.idx.msk [tilespmem:v5+s20+$0x0], $0xffff;
	v0 =	vadd.f32 v2, v0;
	v2 =	vmul.f32 v3, v12  }
0x5cf: {  	v3 =	vld.idx.msk [tilespmem:v4+s21+$0x0], $0xffff  }
0x5d0: {  	v4 =	vld.idx.msk [tilespmem:v8+s20+$0x0], $0xffff;
	v0 =	vadd.f32 v2, v0;
	v2 =	vmul.f32 v6, v11  }
0x5d1: {  	v1 =	vld.idx.msk [tilespmem:v1+s21+$0x0], $0xffff  }
0x5d2: {  	v0 =	vadd.f32 v2, v0;
	v2 =	vmul.f32 v7, v14;
	_ =	sdelay $0x1  }
0x5d3: {  	v0 =	vadd.f32 v2, v0;
	v2 =	vmul.f32 v3, v5;
	_ =	sdelay $0x1  }
0x5d4: {  	v1 =	vmul.f32 v1, v4;
	v0 =	vadd.f32 v2, v0;
	_ =	sdelay $0x1  }
0x5d5: {  	v0 =	vadd.f32 v1, v0  }
0x5d6: {  	s28 =	simm.s32 $0x10700  }
0x5d7: {  	s29 =	simm.s32 $0x310;
	v1 =	vld [tilespmem:$0x1FFF0];
	[tilespmem:s28+$0x0] =	vst v0  }
0x5d8: {  	v3 =	vld [tilespmem:s29+$0x0];
	_ =	sdelay $0x1  }
0x5d9: {  	s30 =	simm.s32 $0x10  }
0x5da: {  	v0 =	vmov s30  }
0x5db: {  	v0 =	vshll.u32 v0, $0x7  }
0x5dc: {  	v1 =	vor.u32 v1, v0;
	v40 =	vadd.s32 $0x3E, v3;
	v33 =	vadd.s32 $0x3F, v3  }
0x5dd: {  	v41 =	vadd.s32 $0x3B, v3;
	v42 =	vadd.s32 $0x3C, v3;
	v43 =	vadd.s32 $0x3D, v3  }
0x5de: {  	v2 =	vadd.s32 $0x38, v3;
	v45 =	vadd.s32 $0x39, v3;
	v46 =	vadd.s32 $0x3A, v3  }
0x5df: {  	v47 =	vadd.s32 $0x35, v3;
	v48 =	vadd.s32 $0x36, v3;
	v49 =	vadd.s32 $0x37, v3  }
0x5e0: {  	v50 =	vadd.s32 $0x32, v3;
	v51 =	vadd.s32 $0x33, v3;
	v52 =	vadd.s32 $0x34, v3  }
0x5e1: {  	v53 =	vadd.s32 $0x2F, v3;
	v54 =	vadd.s32 $0x30, v3;
	v44 =	vadd.s32 $0x31, v3  }
0x5e2: {  	v56 =	vadd.s32 $0x2C, v3;
	v57 =	vadd.s32 $0x2D, v3;
	v58 =	vadd.s32 $0x2E, v3  }
0x5e3: {  	v37 =	vadd.s32 $0x29, v3;
	v59 =	vadd.s32 $0x2A, v3;
	v60 =	vadd.s32 $0x2B, v3  }
0x5e4: {  	v34 =	vadd.s32 $0x26, v3;
	v39 =	vadd.s32 $0x27, v3;
	v38 =	vadd.s32 $0x28, v3  }
0x5e5: {  	v30 =	vadd.s32 $0x23, v3;
	v36 =	vadd.s32 $0x24, v3;
	v35 =	vadd.s32 $0x25, v3  }
0x5e6: {  	v27 =	vadd.s32 $0x20, v3;
	v32 =	vadd.s32 $0x21, v3;
	v31 =	vadd.s32 $0x22, v3  }
0x5e7: {  	v24 =	vadd.s32 $0x1D, v3;
	v29 =	vadd.s32 $0x1E, v3;
	v28 =	vadd.s32 $0x1F, v3  }
0x5e8: {  	v6 =	vadd.s32 $0x1A, v3;
	v26 =	vadd.s32 $0x1B, v3;
	v25 =	vadd.s32 $0x1C, v3  }
0x5e9: {  	v7 =	vadd.s32 $0x17, v3;
	v4 =	vadd.s32 $0x18, v3;
	v5 =	vadd.s32 $0x19, v3  }
0x5ea: {  	v13 =	vadd.s32 $0x14, v3;
	v11 =	vadd.s32 $0x15, v3;
	v9 =	vadd.s32 $0x16, v3  }
0x5eb: {  	v21 =	vadd.s32 $0x11, v3;
	v17 =	vadd.s32 $0x12, v3;
	v15 =	vadd.s32 $0x13, v3  }
0x5ec: {  	v18 =	vadd.s32 $0xE, v3;
	v23 =	vadd.s32 $0xF, v3;
	v22 =	vadd.s32 $0x10, v3  }
0x5ed: {  	v12 =	vadd.s32 $0xB, v3;
	v20 =	vadd.s32 $0xC, v3;
	v19 =	vadd.s32 $0xD, v3  }
0x5ee: {  	v0 =	vadd.s32 $0x8, v3;
	v16 =	vadd.s32 $0x9, v3;
	v14 =	vadd.s32 $0xA, v3  }
0x5ef: {  	v10 =	vadd.s32 $0x6, v3;
	v8 =	vadd.s32 $0x7, v3;
	v61 =	vand.u32 $0xFFFFFF80, v3  }
0x5f0: {  	v62 =	vand.u32 $0x7F, v3;
	[tilespmem:$0x1F4F0] =	vst v0;
	v0 =	vadd.s32 $0x3, v3;
	v55 =	vand.u32 $0xFFFFFF80, v33  }
0x5f1: {  	v63 =	vand.u32 $0xFFFFFF80, v42;
	[tilespmem:$0x1F500] =	vst v0;
	v0 =	vand.u32 $0x7F, v33;
	v33 =	vadd.s32 v1, v61  }
0x5f2: {  	v42 =	vand.u32 $0x7F, v42;
	v55 =	vadd.s32 v1, v55;
	v33 =	vor.u32 v62, v33  }
0x5f3: {  	v61 =	vand.u32 $0x7F, v45;
	v0 =	vor.u32 v0, v55;
	v55 =	vadd.s32 v1, v63;
	[tilespmem:$0x1F280] =	vst v33  }
0x5f4: {  	v63 =	vand.u32 $0xFFFFFF80, v46;
	[tilespmem:$0x1F290] =	vst v0;
	v0 =	vand.u32 $0x7F, v40;
	v33 =	vor.u32 v42, v55  }
0x5f5: {  	v40 =	vand.u32 $0xFFFFFF80, v40;
	v55 =	vand.u32 $0xFFFFFF80, v45;
	[tilespmem:$0x1F2A0] =	vst v33;
	v33 =	vand.u32 $0xFFFFFF80, v43  }
0x5f6: {  	v43 =	vand.u32 $0x7F, v43;
	v40 =	vadd.s32 v1, v40;
	v42 =	vadd.s32 v1, v33  }
0x5f7: {  	v0 =	vor.u32 v0, v40;
	v33 =	vand.u32 $0x7F, v46;
	v40 =	vadd.s32 v1, v63  }
0x5f8: {  	v46 =	vand.u32 $0xFFFFFF80, v48;
	v48 =	vand.u32 $0x7F, v48;
	v63 =	vand.u32 $0x7F, v49  }
0x5f9: {  	v43 =	vor.u32 v43, v42;
	[tilespmem:$0x1F2C0] =	vst v0;
	v0 =	vand.u32 $0x7F, v41;
	v42 =	vadd.s32 v1, v55  }
0x5fa: {  	v41 =	vand.u32 $0xFFFFFF80, v41;
	v45 =	vor.u32 v33, v40;
	v40 =	vadd.s32 v1, v46  }
0x5fb: {  	v33 =	vand.u32 $0xFFFFFF80, v51;
	v46 =	vand.u32 $0xFFFFFF80, v52;
	v62 =	vor.u32 v61, v42  }
0x5fc: {  	v41 =	vadd.s32 v1, v41;
	v55 =	vor.u32 v48, v40;
	v61 =	vand.u32 $0xFFFFFF80, v49  }
0x5fd: {  	[tilespmem:$0x1F2E0] =	vst v45;
	v45 =	vand.u32 $0x7F, v51;
	v48 =	vand.u32 $0x7F, v52;
	v49 =	vand.u32 $0xFFFFFF80, v54  }
0x5fe: {  	v51 =	vand.u32 $0x7F, v54;
	v54 =	vand.u32 $0xFFFFFF80, v44;
	[tilespmem:$0x1F2D0] =	vst v62;
	v0 =	vor.u32 v0, v41  }
0x5ff: {  	[tilespmem:$0x1F300] =	vst v55;
	v62 =	vand.u32 $0xFFFFFF80, v2;
	v40 =	vadd.s32 v1, v61;
	v55 =	vand.u32 $0xFFFFFF80, v50  }
0x600: {  	v61 =	vand.u32 $0x7F, v44;
	[tilespmem:$0x1F2F0] =	vst v0;
	v0 =	vand.u32 $0x7F, v2;
	v41 =	vadd.s32 v1, v62  }
0x601: {  	v2 =	vor.u32 v63, v40;
	v40 =	vadd.s32 v1, v33;
	v62 =	vand.u32 $0xFFFFFF80, v57  }
0x602: {  	v63 =	vand.u32 $0x7F, v57;
	v33 =	vand.u32 $0xFFFFFF80, v58;
	v57 =	vand.u32 $0xFFFFFF80, v38  }
0x603: {  	v38 =	vand.u32 $0x7F, v38;
	[tilespmem:$0x1F310] =	vst v2;
	v0 =	vor.u32 v0, v41;
	v2 =	vor.u32 v45, v40  }
0x604: {  	v40 =	vadd.s32 v1, v46;
	v45 =	vand.u32 $0xFFFFFF80, v53;
	v46 =	vand.u32 $0x7F, v58  }
0x605: {  	v58 =	vand.u32 $0xFFFFFF80, v36;
	v36 =	vand.u32 $0x7F, v36;
	[tilespmem:$0x1F320] =	vst v0;
	v0 =	vand.u32 $0x7F, v47  }
0x606: {  	[tilespmem:$0x1F330] =	vst v2;
	v47 =	vand.u32 $0xFFFFFF80, v47;
	v2 =	vor.u32 v48, v40;
	v40 =	vadd.s32 v1, v49  }
0x607: {  	v48 =	vand.u32 $0x7F, v59;
	v49 =	vand.u32 $0xFFFFFF80, v60;
	v41 =	vadd.s32 v1, v47  }
0x608: {  	[tilespmem:$0x1F340] =	vst v2;
	v2 =	vor.u32 v51, v40;
	v40 =	vadd.s32 v1, v54;
	v47 =	vand.u32 $0xFFFFFF80, v59  }
0x609: {  	v51 =	vand.u32 $0xFFFFFF80, v56;
	v54 =	vand.u32 $0xFFFFFF80, v39;
	v39 =	vand.u32 $0x7F, v39  }
0x60a: {  	v59 =	vadd.s32 v1, v58;
	v52 =	vor.u32 v0, v41;
	v0 =	vand.u32 $0x7F, v50  }
0x60b: {  	v41 =	vadd.s32 v1, v55;
	v55 =	vor.u32 v61, v40;
	v40 =	vadd.s32 v1, v62  }
0x60c: {  	v61 =	vand.u32 $0xFFFFFF80, v32;
	v50 =	vor.u32 v0, v41;
	v0 =	vand.u32 $0x7F, v53  }
0x60d: {  	[tilespmem:$0x1F350] =	vst v2;
	v2 =	vor.u32 v63, v40;
	v41 =	vadd.s32 v1, v45;
	v40 =	vadd.s32 v1, v33  }
0x60e: {  	v53 =	vand.u32 $0x7F, v60;
	v60 =	vand.u32 $0xFFFFFF80, v35;
	[tilespmem:$0x1F360] =	vst v2;
	v2 =	vor.u32 v46, v40  }
0x60f: {  	v0 =	vor.u32 v0, v41;
	v40 =	vadd.s32 v1, v47;
	v41 =	vadd.s32 v1, v51;
	[tilespmem:$0x1F370] =	vst v2  }
0x610: {  	[tilespmem:$0x1F380] =	vst v0;
	v0 =	vand.u32 $0x7F, v56;
	v2 =	vor.u32 v48, v40;
	v40 =	vadd.s32 v1, v49  }
0x611: {  	v35 =	vand.u32 $0x7F, v35;
	v56 =	vor.u32 v53, v40;
	v49 =	vor.u32 v0, v41  }
0x612: {  	v0 =	vand.u32 $0x7F, v37;
	v40 =	vadd.s32 v1, v54;
	v37 =	vand.u32 $0xFFFFFF80, v37  }
0x613: {  	s30 =	simm.s32 $0x510;
	[tilespmem:$0x1F390] =	vst v2;
	v2 =	vor.u32 v39, v40;
	v37 =	vadd.s32 v1, v37;
	v39 =	vadd.s32 v1, v57  }
0x614: {  	v41 =	vld [tilespmem:s30+$0x0];
	[tilespmem:$0x1F3A0] =	vst v2;
	v2 =	vor.u32 v38, v39;
	v53 =	vor.u32 v0, v37;
	v0 =	vand.u32 $0x7F, v34  }
0x615: {  	v34 =	vand.u32 $0xFFFFFF80, v34;
	[tilespmem:$0x1F3B0] =	vst v2;
	v2 =	vor.u32 v36, v59;
	v36 =	vadd.s32 v1, v60  }
0x616: {  	v32 =	vand.u32 $0x7F, v32;
	v34 =	vadd.s32 v1, v34;
	[tilespmem:$0x1F3C0] =	vst v2;
	v2 =	vor.u32 v35, v36  }
0x617: {  	v62 =	vadd.s32 v1, v61;
	v63 =	vand.u32 $0xFFFFFF80, v31;
	v0 =	vor.u32 v0, v34;
	[tilespmem:$0x1F3D0] =	vst v2  }
0x618: {  	v31 =	vand.u32 $0x7F, v31;
	[tilespmem:$0x1F3E0] =	vst v0;
	v0 =	vand.u32 $0x7F, v30;
	v2 =	vor.u32 v32, v62  }
0x619: {  	v30 =	vand.u32 $0xFFFFFF80, v30;
	v32 =	vadd.s32 v1, v63;
	v62 =	vadd.s32 $0x3F, v41  }
0x61a: {  	v37 =	vadd.s32 $0x3C, v41;
	v36 =	vadd.s32 $0x3D, v41;
	v34 =	vadd.s32 $0x3E, v41  }
0x61b: {  	[tilespmem:$0x1F2B0] =	vst v43;
	v43 =	vadd.s32 $0x39, v41;
	v42 =	vadd.s32 $0x3A, v41;
	v38 =	vadd.s32 $0x3B, v41  }
0x61c: {  	v47 =	vadd.s32 $0x36, v41;
	v46 =	vadd.s32 $0x37, v41;
	v45 =	vadd.s32 $0x38, v41  }
0x61d: {  	v58 =	vadd.s32 $0x33, v41;
	v57 =	vadd.s32 $0x34, v41;
	v30 =	vadd.s32 v1, v30  }
0x61e: {  	[tilespmem:$0x1F3F0] =	vst v2;
	v2 =	vor.u32 v31, v32;
	v31 =	vand.u32 $0xFFFFFF80, v29;
	v0 =	vor.u32 v0, v30  }
0x61f: {  	v29 =	vand.u32 $0x7F, v29;
	v30 =	vadd.s32 v1, v31;
	[tilespmem:$0x1F410] =	vst v0;
	v0 =	vand.u32 $0x7F, v27  }
0x620: {  	[tilespmem:$0x1F400] =	vst v2;
	v2 =	vor.u32 v29, v30;
	v29 =	vand.u32 $0xFFFFFF80, v28;
	v27 =	vand.u32 $0xFFFFFF80, v27  }
0x621: {  	v28 =	vand.u32 $0x7F, v28;
	v27 =	vadd.s32 v1, v27;
	v29 =	vadd.s32 v1, v29  }
0x622: {  	[tilespmem:$0x1F420] =	vst v2;
	v2 =	vor.u32 v28, v29;
	v28 =	vand.u32 $0xFFFFFF80, v26;
	v0 =	vor.u32 v0, v27  }
0x623: {  	v26 =	vand.u32 $0x7F, v26;
	[tilespmem:$0x1F440] =	vst v0;
	v0 =	vand.u32 $0x7F, v24;
	v27 =	vadd.s32 v1, v28  }
0x624: {  	[tilespmem:$0x1F430] =	vst v2;
	v24 =	vand.u32 $0xFFFFFF80, v24;
	v2 =	vor.u32 v26, v27;
	v26 =	vand.u32 $0xFFFFFF80, v25  }
0x625: {  	v25 =	vand.u32 $0x7F, v25;
	v24 =	vadd.s32 v1, v24;
	v26 =	vadd.s32 v1, v26  }
0x626: {  	[tilespmem:$0x1F450] =	vst v2;
	v0 =	vor.u32 v0, v24;
	v2 =	vor.u32 v25, v26;
	v25 =	vand.u32 $0xFFFFFF80, v4  }
0x627: {  	v48 =	vadd.s32 $0x35, v41;
	[tilespmem:$0x1F470] =	vst v0;
	v0 =	vand.u32 $0x7F, v4;
	v4 =	vadd.s32 v1, v25  }
0x628: {  	v61 =	vadd.s32 $0x31, v41;
	v60 =	vadd.s32 $0x32, v41;
	v0 =	vor.u32 v0, v4  }
0x629: {  	v28 =	vadd.s32 $0x1B, v41;
	v24 =	vand.u32 $0x7F, v6;
	[tilespmem:$0x1F480] =	vst v0;
	v0 =	vand.u32 $0xFFFFFF80, v5  }
0x62a: {  	[tilespmem:$0x1F460] =	vst v2;
	v2 =	vand.u32 $0x7F, v5;
	v4 =	vand.u32 $0xFFFFFF80, v6;
	v0 =	vadd.s32 v1, v0  }
0x62b: {  	v4 =	vadd.s32 v1, v4;
	v0 =	vor.u32 v2, v0;
	v2 =	vand.u32 $0xFFFFFF80, v11  }
0x62c: {  	v5 =	vand.u32 $0x7F, v11;
	[tilespmem:$0x1F490] =	vst v0;
	v0 =	vor.u32 v24, v4;
	v2 =	vadd.s32 v1, v2  }
0x62d: {  	v4 =	vand.u32 $0x7F, v7;
	[tilespmem:$0x1F4A0] =	vst v0;
	v0 =	vor.u32 v5, v2;
	v2 =	vand.u32 $0xFFFFFF80, v9  }
0x62e: {  	v5 =	vand.u32 $0xFFFFFF80, v7;
	v7 =	vand.u32 $0x7F, v9;
	v2 =	vadd.s32 v1, v2  }
0x62f: {  	[tilespmem:$0x1F4B0] =	vst v0;
	v5 =	vadd.s32 v1, v5;
	v0 =	vor.u32 v7, v2;
	v2 =	vand.u32 $0xFFFFFF80, v17  }
0x630: {  	[tilespmem:$0x1F4C0] =	vst v0;
	v0 =	vor.u32 v4, v5;
	v5 =	vand.u32 $0x7F, v17;
	v2 =	vadd.s32 v1, v2  }
0x631: {  	v4 =	vand.u32 $0x7F, v13;
	v17 =	vor.u32 v5, v2;
	v2 =	vand.u32 $0xFFFFFF80, v15  }
0x632: {  	v5 =	vand.u32 $0xFFFFFF80, v13;
	v13 =	vand.u32 $0x7F, v15;
	v2 =	vadd.s32 v1, v2  }
0x633: {  	v5 =	vadd.s32 v1, v5;
	v15 =	vor.u32 v13, v2;
	v2 =	vand.u32 $0xFFFFFF80, v23  }
0x634: {  	[tilespmem:$0x1F4D0] =	vst v0;
	v0 =	vor.u32 v4, v5;
	v5 =	vand.u32 $0x7F, v23;
	v2 =	vadd.s32 v1, v2  }
0x635: {  	v4 =	vand.u32 $0x7F, v21;
	v31 =	vor.u32 v5, v2;
	v2 =	vand.u32 $0xFFFFFF80, v22  }
0x636: {  	v5 =	vand.u32 $0xFFFFFF80, v21;
	v21 =	vand.u32 $0x7F, v22;
	v2 =	vadd.s32 v1, v2  }
0x637: {  	v5 =	vadd.s32 v1, v5;
	v26 =	vor.u32 v21, v2;
	v2 =	vand.u32 $0xFFFFFF80, v20  }
0x638: {  	v21 =	vor.u32 v4, v5;
	v5 =	vand.u32 $0x7F, v20;
	v2 =	vadd.s32 v1, v2  }
0x639: {  	v4 =	vand.u32 $0x7F, v18;
	v40 =	vor.u32 v5, v2;
	v2 =	vand.u32 $0xFFFFFF80, v19  }
0x63a: {  	v5 =	vand.u32 $0xFFFFFF80, v18;
	v18 =	vand.u32 $0x7F, v19;
	v2 =	vadd.s32 v1, v2  }
0x63b: {  	v5 =	vadd.s32 v1, v5;
	v63 =	vor.u32 v18, v2;
	v2 =	vand.u32 $0xFFFFFF80, v16  }
0x63c: {  	[tilespmem:$0x1F4E0] =	vst v0;
	v0 =	vld [tilespmem:$0x1F4F0];
	v13 =	vor.u32 v4, v5;
	v5 =	vand.u32 $0x7F, v16;
	v2 =	vadd.s32 v1, v2  }
0x63d: {  	v4 =	vand.u32 $0x7F, v12;
	v22 =	vor.u32 v5, v2;
	v2 =	vand.u32 $0xFFFFFF80, v14  }
0x63e: {  	v5 =	vand.u32 $0xFFFFFF80, v12;
	v12 =	vand.u32 $0x7F, v14;
	v2 =	vadd.s32 v1, v2  }
0x63f: {  	v5 =	vadd.s32 v1, v5;
	v35 =	vor.u32 v12, v2;
	v2 =	vand.u32 $0xFFFFFF80, v10  }
0x640: {  	v19 =	vor.u32 v4, v5;
	v5 =	vand.u32 $0x7F, v10;
	v2 =	vadd.s32 v1, v2  }
0x641: {  	v4 =	vand.u32 $0x7F, v0;
	v24 =	vor.u32 v5, v2;
	v5 =	vand.u32 $0xFFFFFF80, v0;
	v0 =	vld [tilespmem:$0x1F500]  }
0x642: {  	v25 =	vadd.s32 $0x1C, v41;
	v6 =	vand.u32 $0x7F, v8;
	v20 =	vadd.s32 $0x1D, v41  }
0x643: {  	v18 =	vadd.s32 $0x1E, v41;
	v16 =	vadd.s32 $0x1F, v41;
	v14 =	vadd.s32 $0x20, v41  }
0x644: {  	v12 =	vadd.s32 $0x21, v41;
	v10 =	vadd.s32 $0x22, v41;
	v2 =	vand.u32 $0xFFFFFF80, v8  }
0x645: {  	v8 =	vadd.s32 $0x23, v41;
	v5 =	vadd.s32 v1, v5;
	v2 =	vadd.s32 v1, v2  }
0x646: {  	v44 =	vor.u32 v6, v2;
	v23 =	vor.u32 v4, v5;
	v2 =	vand.u32 $0xFFFFFF80, v0  }
0x647: {  	v5 =	vand.u32 $0x7F, v0;
	v0 =	vadd.s32 $0x30, v41;
	v2 =	vadd.s32 v1, v2  }
0x648: {  	v4 =	vadd.s32 $0x4, v3;
	[tilespmem:$0x1F510] =	vst v0;
	v0 =	vadd.s32 $0x2D, v41;
	v54 =	vor.u32 v5, v2  }
0x649: {  	v2 =	vadd.s32 $0x5, v3;
	v5 =	vand.u32 $0xFFFFFF80, v4;
	v4 =	vand.u32 $0x7F, v4  }
0x64a: {  	[tilespmem:$0x1F520] =	vst v0;
	v0 =	vadd.s32 $0x2E, v41;
	v5 =	vadd.s32 v1, v5;
	v6 =	vand.u32 $0xFFFFFF80, v2  }
0x64b: {  	v2 =	vand.u32 $0x7F, v2;
	[tilespmem:$0x1F530] =	vst v0;
	v0 =	vadd.s32 $0x2F, v41;
	v51 =	vor.u32 v4, v5  }
0x64c: {  	v4 =	vadd.s32 v1, v6;
	[tilespmem:$0x1F540] =	vst v0;
	v0 =	vadd.s32 $0x2A, v41;
	v6 =	vadd.s32 $0x24, v41  }
0x64d: {  	v29 =	vor.u32 v2, v4;
	v2 =	vadd.s32 $0x2, v3;
	[tilespmem:$0x1F550] =	vst v0;
	v0 =	vadd.s32 $0x2B, v41  }
0x64e: {  	v3 =	vadd.s32 $0x1, v3;
	v4 =	vand.u32 $0x7F, v2;
	[tilespmem:$0x1F560] =	vst v0;
	v0 =	vadd.s32 $0x2C, v41  }
0x64f: {  	v2 =	vand.u32 $0xFFFFFF80, v2;
	v5 =	vand.u32 $0xFFFFFF80, v3;
	[tilespmem:$0x1F570] =	vst v0;
	v0 =	vadd.s32 $0x27, v41  }
0x650: {  	v3 =	vand.u32 $0x7F, v3;
	v5 =	vadd.s32 v1, v5;
	[tilespmem:$0x1F580] =	vst v0;
	v0 =	vadd.s32 $0x28, v41  }
0x651: {  	v2 =	vadd.s32 v1, v2;
	v59 =	vor.u32 v3, v5;
	[tilespmem:$0x1F590] =	vst v0;
	v0 =	vadd.s32 $0x29, v41  }
0x652: {  	s31 =	simm.s32 $0x20;
	v39 =	vor.u32 v4, v2;
	v5 =	vadd.s32 $0x25, v41;
	v3 =	vadd.s32 $0x26, v41;
	[tilespmem:$0x1F5A0] =	vst v0  }
.LBB2_4:
0x653: {  	[tilespmem:$0x1EB70] =	vst v56  }
0x654: {  	[tilespmem:$0x1EB60] =	vst v53  }
0x655: {  	[tilespmem:$0x1EBA0] =	vst v58  }
0x656: {  	[tilespmem:$0x1EBC0] =	vst v57  }
0x657: {  	[tilespmem:$0x1EBE0] =	vst v48  }
0x658: {  	[tilespmem:$0x1EC40] =	vst v37;
	v30 =	vadd.s32 $0x18, v41;
	v27 =	vadd.s32 $0x19, v41;
	v48 =	vadd.s32 $0x1A, v41  }
0x659: {  	[tilespmem:$0x1EC60] =	vst v34;
	v34 =	vadd.s32 $0x15, v41;
	v32 =	vadd.s32 $0x16, v41;
	v53 =	vadd.s32 $0x17, v41  }
0x65a: {  	[tilespmem:$0x1EC50] =	vst v36;
	v37 =	vadd.s32 $0x12, v41;
	v57 =	vadd.s32 $0x13, v41;
	v36 =	vadd.s32 $0x14, v41  }
0x65b: {  	[tilespmem:$0x1EC30] =	vst v42;
	v42 =	vadd.s32 $0xF, v41;
	v56 =	vand.u32 $0xFFFFFF80, v41;
	v0 =	vand.u32 $0x7F, v41;
	v9 =	vld [tilespmem:$0x1F280]  }
0x65c: {  	[tilespmem:$0x1EC10] =	vst v45;
	v58 =	vadd.s32 $0x1, v41;
	v33 =	vadd.s32 $0x2, v41;
	v45 =	vadd.s32 v1, v56  }
0x65d: {  	[tilespmem:$0x1EC70] =	vst v62;
	v7 =	vadd.s32 $0x3, v41;
	v62 =	vand.u32 $0xFFFFFF80, v58;
	v0 =	vor.u32 v0, v45  }
0x65e: {  	[tilespmem:$0x1EC20] =	vst v43;
	v43 =	vand.u32 $0x7F, v58;
	v56 =	vand.u32 $0xFFFFFF80, v33;
	v45 =	vadd.s32 v1, v62  }
0x65f: {  	[tilespmem:$0x1EBD0] =	vst v50;
	v50 =	vand.u32 $0x7F, v33;
	v43 =	vor.u32 v43, v45;
	v45 =	vadd.s32 v1, v56  }
0x660: {  	[tilespmem:$0x1EB90] =	vst v60;
	v60 =	vadd.s32 $0x10, v41;
	v59 =	vld.idx.msk [tilespmem:v59+s20+$0x0], $0xffff;
	v58 =	vand.u32 $0xFFFFFF80, v7;
	v45 =	vor.u32 v50, v45  }
0x661: {  	[tilespmem:$0x1EB80] =	vst v49;
	v4 =	vadd.s32 $0x11, v41;
	v39 =	vld.idx.msk [tilespmem:v39+s20+$0x0], $0xffff;
	v7 =	vand.u32 $0x7F, v7;
	v50 =	vadd.s32 v1, v58  }
0x662: {  	[tilespmem:$0x1EBF0] =	vst v47;
	v47 =	vadd.s32 $0xD, v41;
	v2 =	vadd.s32 $0xE, v41;
	v7 =	vor.u32 v7, v50;
	v0 =	vld.idx.msk [tilespmem:v0+s21+$0x0], $0xffff  }
0x663: {  	[tilespmem:$0x1EC00] =	vst v52;
	v49 =	vadd.s32 $0xC, v41;
	v52 =	vadd.s32 $0xB, v41;
	v33 =	vld.idx.msk [tilespmem:v9+s20+$0x0], $0xffff;
	v9 =	vadd.s32 $0x4, v41  }
0x664: {  	[tilespmem:$0x1EBB0] =	vst v55;
	v55 =	vadd.s32 $0xA, v41;
	v11 =	vadd.s32 $0x5, v41;
	v43 =	vld.idx.msk [tilespmem:v43+s21+$0x0], $0xffff;
	v62 =	vand.u32 $0xFFFFFF80, v9  }
0x665: {  	v9 =	vand.u32 $0x7F, v9;
	v45 =	vld.idx.msk [tilespmem:v45+s21+$0x0], $0xffff;
	v50 =	vadd.s32 v1, v62;
	v62 =	vand.u32 $0xFFFFFF80, v11  }
0x666: {  	v54 =	vld.idx.msk [tilespmem:v54+s20+$0x0], $0xffff;
	v11 =	vand.u32 $0x7F, v11;
	v9 =	vor.u32 v9, v50;
	v50 =	vadd.s32 v1, v62  }
0x667: {  	v56 =	vadd.s32 $0x9, v41;
	v58 =	vadd.s32 $0x8, v41;
	v7 =	vld.idx.msk [tilespmem:v7+s21+$0x0], $0xffff;
	v11 =	vor.u32 v11, v50  }
0x668: {  	v62 =	vmovc v61;
	v61 =	vadd.s32 $0x6, v41;
	v41 =	vadd.s32 $0x7, v41;
	v0 =	vmul.f32 v0, v33  }
0x669: {  	v51 =	vld.idx.msk [tilespmem:v51+s20+$0x0], $0xffff;
	v43 =	vmul.f32 v43, v59;
	v59 =	vand.u32 $0xFFFFFF80, v56;
	v50 =	vand.u32 $0xFFFFFF80, v61  }
0x66a: {  	v29 =	vld.idx.msk [tilespmem:v29+s20+$0x0], $0xffff;
	v61 =	vand.u32 $0x7F, v61;
	v39 =	vmul.f32 v45, v39;
	v50 =	vadd.s32 v1, v50  }
0x66b: {  	v24 =	vld.idx.msk [tilespmem:v24+s20+$0x0], $0xffff;
	v0 =	vadd.f32 $0.0e+00, v0;
	v33 =	vor.u32 v61, v50;
	v61 =	vand.u32 $0xFFFFFF80, v41  }
0x66c: {  	v7 =	vmul.f32 v7, v54;
	v41 =	vand.u32 $0x7F, v41;
	v9 =	vld.idx.msk [tilespmem:v9+s21+$0x0], $0xffff;
	v50 =	vadd.s32 v1, v61  }
0x66d: {  	v23 =	vld.idx.msk [tilespmem:v23+s20+$0x0], $0xffff;
	v61 =	vand.u32 $0xFFFFFF80, v58;
	v0 =	vadd.f32 v43, v0;
	v41 =	vor.u32 v41, v50  }
0x66e: {  	v54 =	vadd.s32 v1, v59;
	v58 =	vand.u32 $0x7F, v58;
	v11 =	vld.idx.msk [tilespmem:v11+s21+$0x0], $0xffff;
	v50 =	vadd.s32 v1, v61  }
0x66f: {  	v22 =	vld.idx.msk [tilespmem:v22+s20+$0x0], $0xffff;
	v61 =	vand.u32 $0x7F, v56;
	v43 =	vor.u32 v58, v50;
	v0 =	vadd.f32 v39, v0  }
0x670: {  	v56 =	vand.u32 $0xFFFFFF80, v55;
	v39 =	vor.u32 v61, v54;
	v58 =	vand.u32 $0x7F, v55;
	v33 =	vld.idx.msk [tilespmem:v33+s21+$0x0], $0xffff  }
0x671: {  	v45 =	vld.idx.msk [tilespmem:v44+s20+$0x0], $0xffff;
	v59 =	vadd.s32 v1, v56;
	v0 =	vadd.f32 v7, v0;
	v7 =	vmul.f32 v9, v51  }
0x672: {  	v61 =	vand.u32 $0xFFFFFF80, v52;
	v55 =	vand.u32 $0x7F, v52;
	v9 =	vld.idx.msk [tilespmem:v41+s21+$0x0], $0xffff;
	v41 =	vor.u32 v58, v59  }
0x673: {  	v0 =	vadd.f32 v7, v0;
	v7 =	vmul.f32 v11, v29;
	v29 =	vadd.s32 v1, v61;
	v61 =	vld.idx.msk [tilespmem:v35+s20+$0x0], $0xffff  }
0x674: {  	v56 =	vand.u32 $0xFFFFFF80, v49;
	v58 =	vand.u32 $0x7F, v49;
	v35 =	vand.u32 $0xFFFFFF80, v47;
	v11 =	vld.idx.msk [tilespmem:v43+s21+$0x0], $0xffff  }
0x675: {  	v19 =	vld.idx.msk [tilespmem:v19+s20+$0x0], $0xffff;
	v29 =	vor.u32 v55, v29;
	v0 =	vadd.f32 v7, v0;
	v7 =	vmul.f32 v33, v24  }
0x676: {  	v59 =	vadd.s32 v1, v56;
	v49 =	vand.u32 $0x7F, v47;
	v50 =	vadd.s32 v1, v35;
	v24 =	vld.idx.msk [tilespmem:v39+s21+$0x0], $0xffff  }
0x677: {  	v33 =	vor.u32 v58, v59;
	v59 =	vld.idx.msk [tilespmem:v13+s20+$0x0], $0xffff;
	v0 =	vadd.f32 v7, v0;
	v7 =	vmul.f32 v9, v45  }
0x678: {  	v51 =	vand.u32 $0xFFFFFF80, v2;
	v2 =	vand.u32 $0x7F, v2;
	v9 =	vld.idx.msk [tilespmem:v41+s21+$0x0], $0xffff;
	v41 =	vor.u32 v49, v50  }
0x679: {  	v13 =	vld [tilespmem:$0x1F4E0];
	v0 =	vadd.f32 v7, v0;
	v7 =	vmul.f32 v11, v23;
	v23 =	vadd.s32 v1, v51  }
0x67a: {  	v52 =	vand.u32 $0x7F, v42;
	v11 =	vld.idx.msk [tilespmem:v29+s21+$0x0], $0xffff;
	v2 =	vor.u32 v2, v23;
	v23 =	vand.u32 $0xFFFFFF80, v42  }
0x67b: {  	v29 =	vld.idx.msk [tilespmem:v40+s20+$0x0], $0xffff;
	v0 =	vadd.f32 v7, v0;
	v7 =	vmul.f32 v24, v22;
	v23 =	vadd.s32 v1, v23  }
0x67c: {  	v55 =	vand.u32 $0xFFFFFF80, v60;
	v58 =	vand.u32 $0x7F, v60;
	v22 =	vld.idx.msk [tilespmem:v33+s21+$0x0], $0xffff;
	v23 =	vor.u32 v52, v23  }
0x67d: {  	v24 =	vld.idx.msk [tilespmem:v63+s20+$0x0], $0xffff;
	v33 =	vadd.s32 v1, v55;
	v0 =	vadd.f32 v7, v0;
	v7 =	vmul.f32 v9, v61  }
0x67e: {  	v60 =	vand.u32 $0xFFFFFF80, v4;
	v4 =	vand.u32 $0x7F, v4;
	v33 =	vor.u32 v58, v33;
	v9 =	vld.idx.msk [tilespmem:v41+s21+$0x0], $0xffff  }
0x67f: {  	v0 =	vadd.f32 v7, v0;
	v7 =	vmul.f32 v11, v19;
	v2 =	vld.idx.msk [tilespmem:v2+s21+$0x0], $0xffff;
	v11 =	vadd.s32 v1, v60  }
0x680: {  	v19 =	vld.idx.msk [tilespmem:v31+s20+$0x0], $0xffff;
	v31 =	vand.u32 $0x7F, v37;
	v4 =	vor.u32 v4, v11;
	v11 =	vand.u32 $0xFFFFFF80, v37  }
0x681: {  	v0 =	vadd.f32 v7, v0;
	v7 =	vmul.f32 v22, v29;
	v22 =	vld.idx.msk [tilespmem:v23+s21+$0x0], $0xffff;
	v11 =	vadd.s32 v1, v11  }
0x682: {  	v23 =	vld.idx.msk [tilespmem:v26+s20+$0x0], $0xffff;
	v26 =	vand.u32 $0xFFFFFF80, v57;
	v29 =	vand.u32 $0x7F, v57;
	v11 =	vor.u32 v31, v11  }
0x683: {  	v21 =	vld.idx.msk [tilespmem:v21+s20+$0x0], $0xffff;
	v0 =	vadd.f32 v7, v0;
	v7 =	vmul.f32 v9, v24;
	v24 =	vadd.s32 v1, v26  }
0x684: {  	v9 =	vld.idx.msk [tilespmem:v33+s21+$0x0], $0xffff;
	v26 =	vand.u32 $0xFFFFFF80, v36;
	v24 =	vor.u32 v29, v24;
	v29 =	vand.u32 $0x7F, v36  }
0x685: {  	v17 =	vld.idx.msk [tilespmem:v17+s20+$0x0], $0xffff;
	v2 =	vmul.f32 v2, v59;
	v0 =	vadd.f32 v7, v0;
	v7 =	vadd.s32 v1, v26  }
0x686: {  	v4 =	vld.idx.msk [tilespmem:v4+s21+$0x0], $0xffff;
	v26 =	vand.u32 $0xFFFFFF80, v34;
	v7 =	vor.u32 v29, v7;
	v29 =	vand.u32 $0x7F, v34  }
0x687: {  	v15 =	vld.idx.msk [tilespmem:v15+s20+$0x0], $0xffff;
	v0 =	vadd.f32 v2, v0;
	v2 =	vmul.f32 v22, v19;
	v19 =	vadd.s32 v1, v26  }
0x688: {  	v11 =	vld.idx.msk [tilespmem:v11+s21+$0x0], $0xffff;
	v22 =	vand.u32 $0xFFFFFF80, v32;
	v26 =	vand.u32 $0x7F, v32;
	v19 =	vor.u32 v29, v19  }
0x689: {  	v13 =	vld.idx.msk [tilespmem:v13+s20+$0x0], $0xffff;
	v22 =	vadd.s32 v1, v22;
	v0 =	vadd.f32 v2, v0;
	v2 =	vmul.f32 v9, v23  }
0x68a: {  	v9 =	vld.idx.msk [tilespmem:v24+s21+$0x0], $0xffff;
	v22 =	vor.u32 v26, v22  }
0x68b: {  	v0 =	vadd.f32 v2, v0;
	v2 =	vmul.f32 v4, v21;
	v4 =	vld.idx.msk [tilespmem:v7+s21+$0x0], $0xffff  }
0x68c: {  	v21 =	vld [tilespmem:$0x1F4B0]  }
0x68d: {  	v0 =	vadd.f32 v2, v0;
	v2 =	vmul.f32 v11, v17;
	v11 =	vld.idx.msk [tilespmem:v19+s21+$0x0], $0xffff  }
0x68e: {  	v19 =	vld [tilespmem:$0x1F4C0]  }
0x68f: {  	v23 =	vand.u32 $0xFFFFFF80, v53;
	v0 =	vadd.f32 v2, v0;
	v2 =	vmul.f32 v9, v15;
	v9 =	vld.idx.msk [tilespmem:v22+s21+$0x0], $0xffff  }
0x690: {  	v24 =	vand.u32 $0x7F, v53;
	v7 =	vadd.s32 v1, v23;
	v22 =	vld [tilespmem:$0x1F4D0]  }
0x691: {  	v7 =	vor.u32 v24, v7  }
0x692: {  	v23 =	vand.u32 $0xFFFFFF80, v30;
	v24 =	vand.u32 $0x7F, v30  }
0x693: {  	v17 =	vadd.s32 v1, v23;
	v0 =	vadd.f32 v2, v0;
	v2 =	vmul.f32 v4, v13;
	v13 =	vld [tilespmem:$0x1F480]  }
0x694: {  	v17 =	vor.u32 v24, v17;
	v21 =	vld.idx.msk [tilespmem:v21+s20+$0x0], $0xffff;
	_ =	sdelay $0x1  }
0x695: {  	v23 =	vand.u32 $0xFFFFFF80, v27;
	v4 =	vld.idx.msk [tilespmem:v7+s21+$0x0], $0xffff  }
0x696: {  	v24 =	vand.u32 $0x7F, v27;
	v15 =	vadd.s32 v1, v23;
	v23 =	vand.u32 $0xFFFFFF80, v48;
	v19 =	vld.idx.msk [tilespmem:v19+s20+$0x0], $0xffff  }
0x697: {  	v15 =	vor.u32 v24, v15;
	v24 =	vand.u32 $0x7F, v48;
	v7 =	vadd.s32 v1, v23;
	v22 =	vld.idx.msk [tilespmem:v22+s20+$0x0], $0xffff  }
0x698: {  	v23 =	vand.u32 $0xFFFFFF80, v28;
	v0 =	vadd.f32 v2, v0;
	v2 =	vmul.f32 v11, v21;
	v11 =	vld.idx.msk [tilespmem:v17+s21+$0x0], $0xffff  }
0x699: {  	v7 =	vor.u32 v24, v7;
	v24 =	vand.u32 $0x7F, v28;
	v17 =	vadd.s32 v1, v23;
	v21 =	vld [tilespmem:$0x1F490]  }
0x69a: {  	v13 =	vld.idx.msk [tilespmem:v13+s20+$0x0], $0xffff;
	v17 =	vor.u32 v24, v17  }
0x69b: {  	v0 =	vadd.f32 v2, v0;
	v2 =	vmul.f32 v9, v19  }
0x69c: {  	v19 =	vld [tilespmem:$0x1F4A0]  }
0x69d: {  	v0 =	vadd.f32 v2, v0;
	v2 =	vmul.f32 v4, v22;
	v22 =	vld [tilespmem:$0x1F450]  }
0x69e: {  	v9 =	vld.idx.msk [tilespmem:v15+s21+$0x0], $0xffff  }
0x69f: {  	v23 =	vand.u32 $0xFFFFFF80, v25;
	v0 =	vadd.f32 v2, v0;
	v2 =	vmul.f32 v11, v13;
	v11 =	vld.idx.msk [tilespmem:v17+s21+$0x0], $0xffff  }
0x6a0: {  	v24 =	vand.u32 $0x7F, v25;
	v15 =	vadd.s32 v1, v23;
	v17 =	vld [tilespmem:$0x1F460]  }
0x6a1: {  	v23 =	vand.u32 $0xFFFFFF80, v20;
	v15 =	vor.u32 v24, v15;
	v21 =	vld.idx.msk [tilespmem:v21+s20+$0x0], $0xffff  }
0x6a2: {  	v20 =	vand.u32 $0x7F, v20;
	v4 =	vld.idx.msk [tilespmem:v7+s21+$0x0], $0xffff;
	v7 =	vadd.s32 v1, v23  }
0x6a3: {  	v7 =	vor.u32 v20, v7;
	v20 =	vand.u32 $0xFFFFFF80, v18  }
0x6a4: {  	v18 =	vand.u32 $0x7F, v18;
	v13 =	vadd.s32 v1, v20;
	v19 =	vld.idx.msk [tilespmem:v19+s20+$0x0], $0xffff  }
0x6a5: {  	v13 =	vor.u32 v18, v13;
	v22 =	vld.idx.msk [tilespmem:v22+s20+$0x0], $0xffff  }
0x6a6: {  	v18 =	vand.u32 $0xFFFFFF80, v16;
	v0 =	vadd.f32 v2, v0;
	v2 =	vmul.f32 v9, v21;
	v9 =	vld.idx.msk [tilespmem:v15+s21+$0x0], $0xffff  }
0x6a7: {  	v16 =	vand.u32 $0x7F, v16;
	v15 =	vadd.s32 v1, v18;
	v18 =	vld [tilespmem:$0x1F470]  }
0x6a8: {  	v17 =	vld.idx.msk [tilespmem:v17+s20+$0x0], $0xffff;
	v15 =	vor.u32 v16, v15;
	v16 =	vand.u32 $0xFFFFFF80, v14;
	v14 =	vand.u32 $0x7F, v14  }
0x6a9: {  	v0 =	vadd.f32 v2, v0;
	v2 =	vmul.f32 v4, v19;
	v4 =	vld.idx.msk [tilespmem:v7+s21+$0x0], $0xffff;
	v7 =	vadd.s32 v1, v16  }
0x6aa: {  	v16 =	vld [tilespmem:$0x1F420];
	v7 =	vor.u32 v14, v7  }
0x6ab: {  	v14 =	vand.u32 $0xFFFFFF80, v12;
	v0 =	vadd.f32 v2, v0;
	v2 =	vmul.f32 v11, v22;
	v11 =	vld.idx.msk [tilespmem:v13+s21+$0x0], $0xffff  }
0x6ac: {  	v13 =	vadd.s32 v1, v14;
	v14 =	vld [tilespmem:$0x1F430];
	_ =	sdelay $0x1  }
0x6ad: {  	v0 =	vadd.f32 v2, v0;
	v2 =	vmul.f32 v9, v17;
	v9 =	vld.idx.msk [tilespmem:v15+s21+$0x0], $0xffff  }
0x6ae: {  	v15 =	vld [tilespmem:$0x1F440]  }
0x6af: {  	v18 =	vld.idx.msk [tilespmem:v18+s20+$0x0], $0xffff  }
0x6b0: {  	v12 =	vand.u32 $0x7F, v12  }
0x6b1: {  	v12 =	vor.u32 v12, v13;
	v13 =	vand.u32 $0xFFFFFF80, v10  }
0x6b2: {  	v10 =	vand.u32 $0x7F, v10;
	v13 =	vadd.s32 v1, v13;
	v16 =	vld.idx.msk [tilespmem:v16+s20+$0x0], $0xffff  }
0x6b3: {  	v10 =	vor.u32 v10, v13;
	v14 =	vld.idx.msk [tilespmem:v14+s20+$0x0], $0xffff  }
0x6b4: {  	v13 =	vand.u32 $0xFFFFFF80, v8;
	v0 =	vadd.f32 v2, v0;
	v2 =	vmul.f32 v4, v18;
	v4 =	vld.idx.msk [tilespmem:v7+s21+$0x0], $0xffff  }
0x6b5: {  	v7 =	vadd.s32 v1, v13;
	v13 =	vld [tilespmem:$0x1F3F0]  }
0x6b6: {  	v15 =	vld.idx.msk [tilespmem:v15+s20+$0x0], $0xffff  }
0x6b7: {  	v8 =	vand.u32 $0x7F, v8;
	v0 =	vadd.f32 v2, v0;
	v2 =	vmul.f32 v11, v16;
	v11 =	vld.idx.msk [tilespmem:v12+s21+$0x0], $0xffff  }
0x6b8: {  	v7 =	vor.u32 v8, v7;
	v8 =	vand.u32 $0xFFFFFF80, v6;
	v6 =	vand.u32 $0x7F, v6;
	v12 =	vld [tilespmem:$0x1F400]  }
0x6b9: {  	v8 =	vadd.s32 v1, v8;
	v0 =	vadd.f32 v2, v0;
	v2 =	vmul.f32 v9, v14;
	v14 =	vld [tilespmem:$0x1F580]  }
0x6ba: {  	v6 =	vor.u32 v6, v8;
	v8 =	vand.u32 $0xFFFFFF80, v5  }
0x6bb: {  	v5 =	vand.u32 $0x7F, v5;
	v8 =	vadd.s32 v1, v8  }
0x6bc: {  	v9 =	vld.idx.msk [tilespmem:v10+s21+$0x0], $0xffff;
	v5 =	vor.u32 v5, v8;
	v8 =	vand.u32 $0xFFFFFF80, v3;
	v3 =	vand.u32 $0x7F, v3  }
0x6bd: {  	v0 =	vadd.f32 v2, v0;
	v2 =	vmul.f32 v4, v15;
	v4 =	vld.idx.msk [tilespmem:v7+s21+$0x0], $0xffff;
	v7 =	vadd.s32 v1, v8  }
0x6be: {  	v3 =	vor.u32 v3, v7;
	v13 =	vld.idx.msk [tilespmem:v13+s20+$0x0], $0xffff;
	v7 =	vand.u32 $0xFFFFFF80, v14  }
0x6bf: {  	v10 =	vld [tilespmem:$0x1F410];
	v14 =	vand.u32 $0x7F, v14;
	v7 =	vadd.s32 v1, v7  }
0x6c0: {  	v7 =	vor.u32 v14, v7;
	v14 =	vld [tilespmem:$0x1F590]  }
0x6c1: {  	v12 =	vld.idx.msk [tilespmem:v12+s20+$0x0], $0xffff;
	_ =	sdelay $0x1  }
0x6c2: {  	v0 =	vadd.f32 v2, v0;
	v2 =	vmul.f32 v11, v13;
	_ =	sdelay $0x1  }
0x6c3: {  	v0 =	vadd.f32 v2, v0;
	v13 =	vand.u32 $0xFFFFFF80, v14  }
0x6c4: {  	v8 =	vld [tilespmem:$0x1F3C0];
	v2 =	vmul.f32 v9, v12;
	v14 =	vand.u32 $0x7F, v14;
	v9 =	vadd.s32 v1, v13  }
0x6c5: {  	v9 =	vor.u32 v14, v9;
	v14 =	vld [tilespmem:$0x1F5A0]  }
0x6c6: {  	v10 =	vld.idx.msk [tilespmem:v10+s20+$0x0], $0xffff;
	_ =	sdelay $0x3  }
0x6c7: {  	v6 =	vld.idx.msk [tilespmem:v6+s21+$0x0], $0xffff;
	v0 =	vadd.f32 v2, v0;
	v13 =	vand.u32 $0xFFFFFF80, v14  }
0x6c8: {  	v11 =	vld [tilespmem:$0x1F3D0];
	v2 =	vmul.f32 v4, v10;
	v14 =	vand.u32 $0x7F, v14;
	v4 =	vadd.s32 v1, v13  }
0x6c9: {  	v4 =	vor.u32 v14, v4;
	v14 =	vld [tilespmem:$0x1F550]  }
0x6ca: {  	v8 =	vld.idx.msk [tilespmem:v8+s20+$0x0], $0xffff;
	_ =	sdelay $0x2  }
0x6cb: {  	v5 =	vld.idx.msk [tilespmem:v5+s21+$0x0], $0xffff  }
0x6cc: {  	v12 =	vld [tilespmem:$0x1F3E0];
	v0 =	vadd.f32 v2, v0;
	v13 =	vand.u32 $0xFFFFFF80, v14  }
0x6cd: {  	v2 =	vmul.f32 v6, v8;
	v6 =	vld.idx.msk [tilespmem:v7+s21+$0x0], $0xffff;
	v14 =	vand.u32 $0x7F, v14;
	v7 =	vadd.s32 v1, v13  }
0x6ce: {  	v7 =	vor.u32 v14, v7;
	v14 =	vld [tilespmem:$0x1F560]  }
0x6cf: {  	v11 =	vld.idx.msk [tilespmem:v11+s20+$0x0], $0xffff;
	_ =	sdelay $0x2  }
0x6d0: {  	v3 =	vld.idx.msk [tilespmem:v3+s21+$0x0], $0xffff  }
0x6d1: {  	v10 =	vld [tilespmem:$0x1F3A0];
	v0 =	vadd.f32 v2, v0;
	v13 =	vand.u32 $0xFFFFFF80, v14  }
0x6d2: {  	v2 =	vmul.f32 v5, v11;
	v5 =	vld.idx.msk [tilespmem:v9+s21+$0x0], $0xffff;
	v14 =	vand.u32 $0x7F, v14;
	v9 =	vadd.s32 v1, v13  }
0x6d3: {  	v9 =	vor.u32 v14, v9;
	v14 =	vld [tilespmem:$0x1F570]  }
0x6d4: {  	v12 =	vld.idx.msk [tilespmem:v12+s20+$0x0], $0xffff;
	_ =	sdelay $0x3  }
0x6d5: {  	v8 =	vld [tilespmem:$0x1F3B0];
	v0 =	vadd.f32 v2, v0;
	v13 =	vand.u32 $0xFFFFFF80, v14  }
0x6d6: {  	v2 =	vmul.f32 v3, v12;
	v3 =	vld.idx.msk [tilespmem:v4+s21+$0x0], $0xffff;
	v14 =	vand.u32 $0x7F, v14;
	v4 =	vadd.s32 v1, v13  }
0x6d7: {  	v4 =	vor.u32 v14, v4;
	v14 =	vld [tilespmem:$0x1F520]  }
0x6d8: {  	v10 =	vld.idx.msk [tilespmem:v10+s20+$0x0], $0xffff;
	_ =	sdelay $0x3  }
0x6d9: {  	v11 =	vld [tilespmem:$0x1EB60];
	v0 =	vadd.f32 v2, v0;
	v13 =	vand.u32 $0xFFFFFF80, v14  }
0x6da: {  	v2 =	vmul.f32 v6, v10;
	v6 =	vld.idx.msk [tilespmem:v7+s21+$0x0], $0xffff;
	v14 =	vand.u32 $0x7F, v14;
	v7 =	vadd.s32 v1, v13  }
0x6db: {  	v7 =	vor.u32 v14, v7;
	v14 =	vld [tilespmem:$0x1F530]  }
0x6dc: {  	v8 =	vld.idx.msk [tilespmem:v8+s20+$0x0], $0xffff  }
0x6dd: {  	v12 =	vld [tilespmem:$0x1F390]  }
0x6de: {  	v10 =	vld [tilespmem:$0x1EB70];
	_ =	sdelay $0x1  }
0x6df: {  	v0 =	vadd.f32 v2, v0;
	v13 =	vand.u32 $0xFFFFFF80, v14  }
0x6e0: {  	v2 =	vmul.f32 v5, v8;
	v14 =	vand.u32 $0x7F, v14;
	v8 =	vadd.s32 v1, v13  }
0x6e1: {  	v8 =	vor.u32 v14, v8;
	v14 =	vld [tilespmem:$0x1F540]  }
0x6e2: {  	v11 =	vld.idx.msk [tilespmem:v11+s20+$0x0], $0xffff;
	_ =	sdelay $0x1  }
0x6e3: {  	v12 =	vld.idx.msk [tilespmem:v12+s20+$0x0], $0xffff  }
0x6e4: {  	v10 =	vld.idx.msk [tilespmem:v10+s20+$0x0], $0xffff  }
0x6e5: {  	v0 =	vadd.f32 v2, v0;
	v5 =	vld.idx.msk [tilespmem:v9+s21+$0x0], $0xffff;
	v13 =	vand.u32 $0xFFFFFF80, v14  }
0x6e6: {  	v2 =	vmul.f32 v3, v11;
	v3 =	vld.idx.msk [tilespmem:v4+s21+$0x0], $0xffff;
	v14 =	vand.u32 $0x7F, v14;
	v4 =	vadd.s32 v1, v13  }
0x6e7: {  	v4 =	vor.u32 v14, v4;
	v14 =	vld [tilespmem:$0x1F510]  }
0x6e8: {  	v9 =	vld [tilespmem:$0x1EB80];
	_ =	sdelay $0x1  }
0x6e9: {  	v0 =	vadd.f32 v2, v0;
	v2 =	vmul.f32 v6, v12;
	_ =	sdelay $0x1  }
0x6ea: {  	v11 =	vld [tilespmem:$0x1F360];
	v0 =	vadd.f32 v2, v0;
	v2 =	vmul.f32 v5, v10;
	v13 =	vand.u32 $0xFFFFFF80, v14  }
0x6eb: {  	v6 =	vld.idx.msk [tilespmem:v7+s21+$0x0], $0xffff;
	v14 =	vand.u32 $0x7F, v14;
	v7 =	vadd.s32 v1, v13;
	v13 =	vand.u32 $0xFFFFFF80, v62  }
0x6ec: {  	v5 =	vld.idx.msk [tilespmem:v8+s21+$0x0], $0xffff;
	v7 =	vor.u32 v14, v7;
	v14 =	vand.u32 $0x7F, v62;
	v8 =	vadd.s32 v1, v13  }
0x6ed: {  	v8 =	vor.u32 v14, v8;
	v14 =	vld [tilespmem:$0x1EB90]  }
0x6ee: {  	v9 =	vld.idx.msk [tilespmem:v9+s20+$0x0], $0xffff;
	_ =	sdelay $0x3  }
0x6ef: {  	v12 =	vld [tilespmem:$0x1F370];
	v0 =	vadd.f32 v2, v0;
	v13 =	vand.u32 $0xFFFFFF80, v14  }
0x6f0: {  	v2 =	vmul.f32 v3, v9;
	v3 =	vld.idx.msk [tilespmem:v4+s21+$0x0], $0xffff;
	v14 =	vand.u32 $0x7F, v14;
	v4 =	vadd.s32 v1, v13  }
0x6f1: {  	v4 =	vor.u32 v14, v4;
	v14 =	vld [tilespmem:$0x1EBA0]  }
0x6f2: {  	v11 =	vld.idx.msk [tilespmem:v11+s20+$0x0], $0xffff;
	_ =	sdelay $0x3  }
0x6f3: {  	v10 =	vld [tilespmem:$0x1F380];
	v0 =	vadd.f32 v2, v0;
	v13 =	vand.u32 $0xFFFFFF80, v14  }
0x6f4: {  	v2 =	vmul.f32 v6, v11;
	v6 =	vld.idx.msk [tilespmem:v7+s21+$0x0], $0xffff;
	v14 =	vand.u32 $0x7F, v14;
	v7 =	vadd.s32 v1, v13  }
0x6f5: {  	v7 =	vor.u32 v14, v7;
	v14 =	vld [tilespmem:$0x1EBC0]  }
0x6f6: {  	v12 =	vld.idx.msk [tilespmem:v12+s20+$0x0], $0xffff;
	_ =	sdelay $0x1  }
0x6f7: {  	v9 =	vld [tilespmem:$0x1F350]  }
0x6f8: {  	v11 =	vld [tilespmem:$0x1EBB0]  }
0x6f9: {  	v0 =	vadd.f32 v2, v0;
	v13 =	vand.u32 $0xFFFFFF80, v14  }
0x6fa: {  	v2 =	vmul.f32 v5, v12;
	v5 =	vld.idx.msk [tilespmem:v8+s21+$0x0], $0xffff;
	v14 =	vand.u32 $0x7F, v14;
	v8 =	vadd.s32 v1, v13  }
0x6fb: {  	v8 =	vor.u32 v14, v8;
	v14 =	vld [tilespmem:$0x1EBE0]  }
0x6fc: {  	v10 =	vld.idx.msk [tilespmem:v10+s20+$0x0], $0xffff;
	_ =	sdelay $0x2  }
0x6fd: {  	v9 =	vld.idx.msk [tilespmem:v9+s20+$0x0], $0xffff  }
0x6fe: {  	v11 =	vld.idx.msk [tilespmem:v11+s20+$0x0], $0xffff;
	v0 =	vadd.f32 v2, v0;
	v13 =	vand.u32 $0xFFFFFF80, v14  }
0x6ff: {  	v2 =	vmul.f32 v3, v10;
	v3 =	vld.idx.msk [tilespmem:v4+s21+$0x0], $0xffff;
	v14 =	vand.u32 $0x7F, v14;
	v4 =	vadd.s32 v1, v13  }
0x700: {  	v4 =	vor.u32 v14, v4;
	v14 =	vld [tilespmem:$0x1EBF0]  }
0x701: {  	v12 =	vld [tilespmem:$0x1EBD0];
	_ =	sdelay $0x1  }
0x702: {  	v0 =	vadd.f32 v2, v0;
	v2 =	vmul.f32 v6, v9;
	_ =	sdelay $0x1  }
0x703: {  	v54 =	vmovc v46;
	v10 =	vld [tilespmem:$0x1F330];
	v0 =	vadd.f32 v2, v0;
	v2 =	vmul.f32 v5, v11;
	v13 =	vand.u32 $0xFFFFFF80, v14  }
0x704: {  	v6 =	vld.idx.msk [tilespmem:v7+s21+$0x0], $0xffff;
	v14 =	vand.u32 $0x7F, v14;
	v7 =	vadd.s32 v1, v13;
	v13 =	vand.u32 $0xFFFFFF80, v54  }
0x705: {  	v5 =	vld.idx.msk [tilespmem:v8+s21+$0x0], $0xffff;
	v7 =	vor.u32 v14, v7;
	v14 =	vand.u32 $0x7F, v54;
	v8 =	vadd.s32 v1, v13  }
0x706: {  	v8 =	vor.u32 v14, v8;
	v14 =	vld [tilespmem:$0x1EC10]  }
0x707: {  	v12 =	vld.idx.msk [tilespmem:v12+s20+$0x0], $0xffff;
	_ =	sdelay $0x1  }
0x708: {  	v9 =	vld [tilespmem:$0x1F340]  }
0x709: {  	v11 =	vld [tilespmem:$0x1EC00]  }
0x70a: {  	v0 =	vadd.f32 v2, v0;
	v13 =	vand.u32 $0xFFFFFF80, v14  }
0x70b: {  	v2 =	vmul.f32 v3, v12;
	v3 =	vld.idx.msk [tilespmem:v4+s21+$0x0], $0xffff;
	v14 =	vand.u32 $0x7F, v14;
	v4 =	vadd.s32 v1, v13  }
0x70c: {  	v4 =	vor.u32 v14, v4;
	v14 =	vld [tilespmem:$0x1EC20]  }
0x70d: {  	v10 =	vld.idx.msk [tilespmem:v10+s20+$0x0], $0xffff;
	_ =	sdelay $0x2  }
0x70e: {  	v9 =	vld.idx.msk [tilespmem:v9+s20+$0x0], $0xffff  }
0x70f: {  	v11 =	vld.idx.msk [tilespmem:v11+s20+$0x0], $0xffff;
	v0 =	vadd.f32 v2, v0;
	v13 =	vand.u32 $0xFFFFFF80, v14  }
0x710: {  	v2 =	vmul.f32 v6, v10;
	v6 =	vld.idx.msk [tilespmem:v7+s21+$0x0], $0xffff;
	v14 =	vand.u32 $0x7F, v14;
	v7 =	vadd.s32 v1, v13  }
0x711: {  	v7 =	vor.u32 v14, v7;
	v14 =	vld [tilespmem:$0x1EC30]  }
0x712: {  	v12 =	vld [tilespmem:$0x1F300];
	_ =	sdelay $0x1  }
0x713: {  	v0 =	vadd.f32 v2, v0;
	v2 =	vmul.f32 v5, v9;
	_ =	sdelay $0x1  }
0x714: {  	v56 =	vmovc v38;
	v10 =	vld [tilespmem:$0x1F310];
	v0 =	vadd.f32 v2, v0;
	v2 =	vmul.f32 v3, v11;
	v13 =	vand.u32 $0xFFFFFF80, v14  }
0x715: {  	v5 =	vld.idx.msk [tilespmem:v8+s21+$0x0], $0xffff;
	v14 =	vand.u32 $0x7F, v14;
	v8 =	vadd.s32 v1, v13;
	v13 =	vand.u32 $0xFFFFFF80, v56  }
0x716: {  	v3 =	vld.idx.msk [tilespmem:v4+s21+$0x0], $0xffff;
	v8 =	vor.u32 v14, v8;
	v14 =	vand.u32 $0x7F, v56;
	v4 =	vadd.s32 v1, v13  }
0x717: {  	v4 =	vor.u32 v14, v4;
	v14 =	vld [tilespmem:$0x1EC40]  }
0x718: {  	v12 =	vld.idx.msk [tilespmem:v12+s20+$0x0], $0xffff;
	_ =	sdelay $0x2  }
0x719: {  	v9 =	vld [tilespmem:$0x1F320]  }
0x71a: {  	v10 =	vld.idx.msk [tilespmem:v10+s20+$0x0], $0xffff;
	v0 =	vadd.f32 v2, v0;
	v13 =	vand.u32 $0xFFFFFF80, v14  }
0x71b: {  	v2 =	vmul.f32 v6, v12;
	v6 =	vld.idx.msk [tilespmem:v7+s21+$0x0], $0xffff;
	v14 =	vand.u32 $0x7F, v14;
	v7 =	vadd.s32 v1, v13  }
0x71c: {  	v7 =	vor.u32 v14, v7;
	v14 =	vld [tilespmem:$0x1EC50]  }
0x71d: {  	v11 =	vld [tilespmem:$0x1F2D0]  }
0x71e: {  	v12 =	vld [tilespmem:$0x1F2E0];
	_ =	sdelay $0x1  }
0x71f: {  	v0 =	vadd.f32 v2, v0;
	v2 =	vmul.f32 v5, v10;
	v10 =	vld [tilespmem:$0x1F2F0]  }
0x720: {  	v9 =	vld.idx.msk [tilespmem:v9+s20+$0x0], $0xffff;
	v13 =	vand.u32 $0xFFFFFF80, v14  }
0x721: {  	v5 =	vld.idx.msk [tilespmem:v8+s21+$0x0], $0xffff;
	v14 =	vand.u32 $0x7F, v14;
	v8 =	vadd.s32 v1, v13  }
0x722: {  	v8 =	vor.u32 v14, v8;
	v14 =	vld [tilespmem:$0x1EC60];
	_ =	sdelay $0x1  }
0x723: {  	v11 =	vld.idx.msk [tilespmem:v11+s20+$0x0], $0xffff  }
0x724: {  	v12 =	vld.idx.msk [tilespmem:v12+s20+$0x0], $0xffff  }
0x725: {  	v0 =	vadd.f32 v2, v0;
	v2 =	vmul.f32 v3, v9;
	v9 =	vld [tilespmem:$0x1F2A0]  }
0x726: {  	v10 =	vld.idx.msk [tilespmem:v10+s20+$0x0], $0xffff;
	v13 =	vand.u32 $0xFFFFFF80, v14  }
0x727: {  	v3 =	vld.idx.msk [tilespmem:v4+s21+$0x0], $0xffff;
	v14 =	vand.u32 $0x7F, v14;
	v4 =	vadd.s32 v1, v13  }
0x728: {  	v0 =	vadd.f32 v2, v0;
	v2 =	vmul.f32 v6, v11;
	v6 =	vld.idx.msk [tilespmem:v7+s21+$0x0], $0xffff;
	v4 =	vor.u32 v14, v4  }
0x729: {  	v14 =	vld [tilespmem:$0x1EC70]  }
0x72a: {  	v7 =	vld [tilespmem:$0x1F2B0]  }
0x72b: {  	v0 =	vadd.f32 v2, v0;
	v2 =	vmul.f32 v5, v12;
	v5 =	vld.idx.msk [tilespmem:v8+s21+$0x0], $0xffff  }
0x72c: {  	v8 =	vld [tilespmem:$0x1F2C0]  }
0x72d: {  	v0 =	vadd.f32 v2, v0;
	v2 =	vmul.f32 v3, v10;
	v3 =	vld.idx.msk [tilespmem:v4+s21+$0x0], $0xffff  }
0x72e: {  	v13 =	vand.u32 $0xFFFFFF80, v14;
	v4 =	vld [tilespmem:$0x1F290]  }
0x72f: {  	v14 =	vand.u32 $0x7F, v14;
	v1 =	vadd.s32 v1, v13  }
0x730: {  	v9 =	vld.idx.msk [tilespmem:v9+s20+$0x0], $0xffff;
	v1 =	vor.u32 v14, v1;
	_ =	sdelay $0x1  }
0x731: {  	v7 =	vld.idx.msk [tilespmem:v7+s20+$0x0], $0xffff;
	_ =	sdelay $0x1  }
0x732: {  	v8 =	vld.idx.msk [tilespmem:v8+s20+$0x0], $0xffff  }
0x733: {  	v0 =	vadd.f32 v2, v0;
	v2 =	vmul.f32 v6, v9;
	v1 =	vld.idx.msk [tilespmem:v1+s21+$0x0], $0xffff  }
0x734: {  	v4 =	vld.idx.msk [tilespmem:v4+s20+$0x0], $0xffff  }
0x735: {  	v0 =	vadd.f32 v2, v0;
	v2 =	vmul.f32 v5, v7;
	_ =	sdelay $0x1  }
0x736: {  	v0 =	vadd.f32 v2, v0;
	v2 =	vmul.f32 v3, v8;
	_ =	sdelay $0x1  }
0x737: {  	v0 =	vadd.f32 v2, v0;
	v1 =	vmul.f32 v1, v4;
	_ =	sdelay $0x1  }
0x738: {  	v0 =	vadd.f32 v1, v0  }
0x739: {  	s28 =	sadd.s32 $0x10, s28  }
0x73a: {  	s29 =	sadd.s32 $0x10, s29;
	[tilespmem:s28+$0x0] =	vst v0  }
0x73b: {  	v0 =	vld [tilespmem:s29+$0x0];
	_ =	sdelay $0x4  }
0x73c: {  	v61 =	vadd.s32 $0x5, v0  }
0x73d: {  	v63 =	vadd.s32 $0x2, v0;
	[tilespmem:$0x1EC80] =	vst v61  }
0x73e: {  	[tilespmem:$0x1EC90] =	vst v63;
	v61 =	vand.u32 $0xFFFFFF80, v0  }
0x73f: {  	v6 =	vadd.s32 $0x3F, v0;
	v63 =	vand.u32 $0x7F, v0;
	[tilespmem:$0x1ECB0] =	vst v61  }
0x740: {  	v5 =	vadd.s32 $0x3E, v0;
	[tilespmem:$0x1EE40] =	vst v63;
	v63 =	vand.u32 $0xFFFFFF80, v6;
	v6 =	vand.u32 $0x7F, v6  }
0x741: {  	v2 =	vld [tilespmem:$0x1FFF0];
	v9 =	vadd.s32 $0x3D, v0;
	v61 =	vand.u32 $0x7F, v5;
	v5 =	vand.u32 $0xFFFFFF80, v5;
	[tilespmem:$0x1EE50] =	vst v6  }
0x742: {  	v7 =	vadd.s32 $0x3B, v0;
	v6 =	vand.u32 $0xFFFFFF80, v9;
	[tilespmem:$0x1ECC0] =	vst v5  }
0x743: {  	v5 =	vand.u32 $0x7F, v7;
	[tilespmem:$0x1ECE0] =	vst v6  }
0x744: {  	v1 =	vmov s31;
	v8 =	vadd.s32 $0x3C, v0;
	v6 =	vand.u32 $0x7F, v9;
	[tilespmem:$0x1EEB0] =	vst v5  }
0x745: {  	v1 =	vshll.u32 v1, $0x7;
	v12 =	vadd.s32 $0x3A, v0;
	v5 =	vand.u32 $0x7F, v8;
	[tilespmem:$0x1EE70] =	vst v6  }
0x746: {  	v1 =	vor.u32 v2, v1;
	v10 =	vadd.s32 $0x38, v0;
	[tilespmem:$0x1EE60] =	vst v5;
	v5 =	vand.u32 $0x7F, v12  }
0x747: {  	v11 =	vadd.s32 $0x39, v0;
	v13 =	vadd.s32 $0x35, v0;
	[tilespmem:$0x1EEA0] =	vst v5;
	v5 =	vand.u32 $0x7F, v10  }
0x748: {  	v14 =	vadd.s32 $0x36, v0;
	v15 =	vadd.s32 $0x37, v0;
	[tilespmem:$0x1EEE0] =	vst v5;
	v5 =	vand.u32 $0x7F, v11  }
0x749: {  	v16 =	vadd.s32 $0x32, v0;
	v18 =	vadd.s32 $0x34, v0;
	[tilespmem:$0x1EE90] =	vst v5;
	v5 =	vand.u32 $0x7F, v15  }
0x74a: {  	v2 =	vadd.s32 $0x31, v0;
	v6 =	vand.u32 $0xFFFFFF80, v12;
	[tilespmem:$0x1EED0] =	vst v5;
	v5 =	vand.u32 $0x7F, v13  }
0x74b: {  	v12 =	vand.u32 $0xFFFFFF80, v7;
	v7 =	vand.u32 $0xFFFFFF80, v15;
	[tilespmem:$0x1EF10] =	vst v5;
	v5 =	vand.u32 $0x7F, v14  }
0x74c: {  	v15 =	vand.u32 $0xFFFFFF80, v10;
	v10 =	vand.u32 $0xFFFFFF80, v18;
	[tilespmem:$0x1EEC0] =	vst v5;
	v5 =	vand.u32 $0x7F, v18  }
0x74d: {  	v18 =	vand.u32 $0xFFFFFF80, v13;
	v13 =	vand.u32 $0xFFFFFF80, v2;
	v2 =	vand.u32 $0x7F, v2;
	[tilespmem:$0x1EF00] =	vst v5  }
0x74e: {  	v21 =	vadd.s32 $0x2F, v0;
	[tilespmem:$0x1EF30] =	vst v2;
	v2 =	vand.u32 $0xFFFFFF80, v16  }
0x74f: {  	v20 =	vadd.s32 $0x30, v0;
	[tilespmem:$0x1ECF0] =	vst v2;
	v2 =	vand.u32 $0x7F, v21  }
0x750: {  	v3 =	vadd.s32 $0x2E, v0;
	[tilespmem:$0x1EF70] =	vst v2;
	v2 =	vand.u32 $0x7F, v20  }
0x751: {  	[tilespmem:$0x1EF20] =	vst v2;
	v2 =	vand.u32 $0x7F, v3  }
0x752: {  	v24 =	vadd.s32 $0x2C, v0;
	[tilespmem:$0x1EF60] =	vst v2;
	v2 =	vand.u32 $0xFFFFFF80, v21  }
0x753: {  	v19 =	vadd.s32 $0x2D, v0;
	[tilespmem:$0x1ED00] =	vst v2;
	v2 =	vand.u32 $0x7F, v24  }
0x754: {  	v4 =	vadd.s32 $0x2B, v0;
	[tilespmem:$0x1EFA0] =	vst v2;
	v2 =	vand.u32 $0x7F, v19  }
0x755: {  	[tilespmem:$0x1EF50] =	vst v2;
	v2 =	vand.u32 $0x7F, v4  }
0x756: {  	v27 =	vadd.s32 $0x29, v0;
	[tilespmem:$0x1EF90] =	vst v2;
	v2 =	vand.u32 $0xFFFFFF80, v24  }
0x757: {  	v23 =	vadd.s32 $0x2A, v0;
	[tilespmem:$0x1ED10] =	vst v2;
	v2 =	vand.u32 $0x7F, v27  }
0x758: {  	v22 =	vadd.s32 $0x28, v0;
	[tilespmem:$0x1EFD0] =	vst v2;
	v2 =	vand.u32 $0x7F, v23  }
0x759: {  	v30 =	vadd.s32 $0x26, v0;
	[tilespmem:$0x1EF80] =	vst v2;
	v2 =	vand.u32 $0x7F, v22  }
0x75a: {  	v26 =	vadd.s32 $0x27, v0;
	[tilespmem:$0x1EFC0] =	vst v2;
	v2 =	vand.u32 $0x7F, v30  }
0x75b: {  	v25 =	vadd.s32 $0x25, v0;
	[tilespmem:$0x1F000] =	vst v2;
	v2 =	vand.u32 $0x7F, v26  }
0x75c: {  	v32 =	vadd.s32 $0x23, v0;
	[tilespmem:$0x1EFB0] =	vst v2;
	v2 =	vand.u32 $0x7F, v25  }
0x75d: {  	v29 =	vadd.s32 $0x24, v0;
	[tilespmem:$0x1EFF0] =	vst v2;
	v2 =	vand.u32 $0x7F, v32  }
0x75e: {  	v28 =	vadd.s32 $0x22, v0;
	[tilespmem:$0x1F030] =	vst v2;
	v2 =	vand.u32 $0x7F, v29  }
0x75f: {  	[tilespmem:$0x1EFE0] =	vst v2;
	v2 =	vand.u32 $0x7F, v28  }
0x760: {  	v33 =	vadd.s32 $0x20, v0;
	[tilespmem:$0x1F020] =	vst v2;
	v2 =	vand.u32 $0xFFFFFF80, v32  }
0x761: {  	v40 =	vadd.s32 $0x21, v0;
	[tilespmem:$0x1ED20] =	vst v2;
	v2 =	vand.u32 $0x7F, v33  }
0x762: {  	v31 =	vadd.s32 $0x1F, v0;
	[tilespmem:$0x1F060] =	vst v2;
	v2 =	vand.u32 $0x7F, v40  }
0x763: {  	[tilespmem:$0x1F010] =	vst v2;
	v2 =	vand.u32 $0x7F, v31  }
0x764: {  	v36 =	vadd.s32 $0x1D, v0;
	[tilespmem:$0x1F050] =	vst v2;
	v2 =	vand.u32 $0xFFFFFF80, v33  }
0x765: {  	v38 =	vadd.s32 $0x1E, v0;
	[tilespmem:$0x1ED30] =	vst v2;
	v2 =	vand.u32 $0x7F, v36  }
0x766: {  	[tilespmem:$0x1F090] =	vst v2;
	v2 =	vand.u32 $0xFFFFFF80, v38  }
0x767: {  	v43 =	vadd.s32 $0x1C, v0;
	[tilespmem:$0x1ED50] =	vst v2;
	v2 =	vand.u32 $0x7F, v38  }
0x768: {  	[tilespmem:$0x1F040] =	vst v2;
	v2 =	vand.u32 $0x7F, v43  }
0x769: {  	v39 =	vadd.s32 $0x1A, v0;
	[tilespmem:$0x1F080] =	vst v2;
	v2 =	vand.u32 $0xFFFFFF80, v36  }
0x76a: {  	v41 =	vadd.s32 $0x1B, v0;
	[tilespmem:$0x1ED40] =	vst v2;
	v2 =	vand.u32 $0x7F, v39  }
0x76b: {  	[tilespmem:$0x1F0C0] =	vst v2;
	v2 =	vand.u32 $0xFFFFFF80, v41  }
0x76c: {  	v46 =	vadd.s32 $0x19, v0;
	[tilespmem:$0x1ED70] =	vst v2;
	v2 =	vand.u32 $0x7F, v41  }
0x76d: {  	[tilespmem:$0x1F070] =	vst v2;
	v2 =	vand.u32 $0x7F, v46  }
0x76e: {  	v42 =	vadd.s32 $0x17, v0;
	[tilespmem:$0x1F0B0] =	vst v2;
	v2 =	vand.u32 $0xFFFFFF80, v39  }
0x76f: {  	v45 =	vadd.s32 $0x18, v0;
	[tilespmem:$0x1ED60] =	vst v2;
	v2 =	vand.u32 $0x7F, v42  }
0x770: {  	[tilespmem:$0x1F0F0] =	vst v2;
	v2 =	vand.u32 $0xFFFFFF80, v45  }
0x771: {  	v50 =	vadd.s32 $0x16, v0;
	[tilespmem:$0x1ED80] =	vst v2;
	v2 =	vand.u32 $0x7F, v45  }
0x772: {  	[tilespmem:$0x1F0A0] =	vst v2;
	v2 =	vand.u32 $0xFFFFFF80, v50  }
0x773: {  	v44 =	vadd.s32 $0x14, v0;
	[tilespmem:$0x1EDA0] =	vst v2;
	v2 =	vand.u32 $0x7F, v50  }
0x774: {  	v48 =	vadd.s32 $0x15, v0;
	[tilespmem:$0x1F0E0] =	vst v2;
	v2 =	vand.u32 $0x7F, v44  }
0x775: {  	[tilespmem:$0x1F120] =	vst v2;
	v2 =	vand.u32 $0xFFFFFF80, v48  }
0x776: {  	v53 =	vadd.s32 $0x13, v0;
	[tilespmem:$0x1ED90] =	vst v2;
	v2 =	vand.u32 $0x7F, v48  }
0x777: {  	[tilespmem:$0x1F0D0] =	vst v2;
	v2 =	vand.u32 $0xFFFFFF80, v53  }
0x778: {  	v47 =	vadd.s32 $0x11, v0;
	[tilespmem:$0x1EDD0] =	vst v2;
	v2 =	vand.u32 $0x7F, v53  }
0x779: {  	v49 =	vadd.s32 $0x12, v0;
	[tilespmem:$0x1F110] =	vst v2;
	v2 =	vand.u32 $0x7F, v47  }
0x77a: {  	[tilespmem:$0x1F150] =	vst v2;
	v2 =	vand.u32 $0xFFFFFF80, v49  }
0x77b: {  	v55 =	vadd.s32 $0x10, v0;
	[tilespmem:$0x1EDC0] =	vst v2;
	v2 =	vand.u32 $0x7F, v49  }
0x77c: {  	[tilespmem:$0x1F100] =	vst v2;
	v2 =	vand.u32 $0xFFFFFF80, v55  }
0x77d: {  	[tilespmem:$0x1EDF0] =	vst v2;
	v2 =	vand.u32 $0x7F, v55  }
0x77e: {  	v51 =	vadd.s32 $0xE, v0;
	[tilespmem:$0x1F140] =	vst v2;
	v2 =	vand.u32 $0xFFFFFF80, v47  }
0x77f: {  	v52 =	vadd.s32 $0xF, v0;
	[tilespmem:$0x1EDB0] =	vst v2;
	v2 =	vand.u32 $0x7F, v51  }
0x780: {  	[tilespmem:$0x1F180] =	vst v2;
	v2 =	vand.u32 $0xFFFFFF80, v52  }
0x781: {  	v58 =	vadd.s32 $0xD, v0;
	[tilespmem:$0x1EDE0] =	vst v2;
	v2 =	vand.u32 $0x7F, v52  }
0x782: {  	[tilespmem:$0x1F130] =	vst v2;
	v2 =	vand.u32 $0xFFFFFF80, v58  }
0x783: {  	v37 =	vadd.s32 $0xB, v0;
	[tilespmem:$0x1EE00] =	vst v2;
	v2 =	vand.u32 $0x7F, v58  }
0x784: {  	v56 =	vadd.s32 $0xC, v0;
	[tilespmem:$0x1F170] =	vst v2;
	v2 =	vand.u32 $0x7F, v37  }
0x785: {  	v62 =	vadd.s32 $0xA, v0;
	[tilespmem:$0x1F1B0] =	vst v2;
	v2 =	vand.u32 $0x7F, v56  }
0x786: {  	v35 =	vadd.s32 $0x8, v0;
	[tilespmem:$0x1F160] =	vst v2;
	v2 =	vand.u32 $0xFFFFFF80, v62  }
0x787: {  	v5 =	vand.u32 $0x7F, v16;
	v16 =	vand.u32 $0xFFFFFF80, v3;
	v3 =	vld [tilespmem:$0x1EC80];
	[tilespmem:$0x1EE10] =	vst v2;
	v2 =	vand.u32 $0x7F, v62  }
0x788: {  	v57 =	vadd.s32 $0x9, v0;
	[tilespmem:$0x1F1A0] =	vst v2;
	v2 =	vand.u32 $0x7F, v35  }
0x789: {  	v60 =	vadd.s32 $0x7, v0;
	[tilespmem:$0x1F1F0] =	vst v2;
	v2 =	vand.u32 $0x7F, v57  }
0x78a: {  	[tilespmem:$0x1F190] =	vst v2;
	v2 =	vand.u32 $0xFFFFFF80, v60  }
0x78b: {  	[tilespmem:$0x1EE20] =	vst v2;
	v2 =	vand.u32 $0x7F, v60  }
0x78c: {  	v59 =	vadd.s32 $0x3, v0;
	v38 =	vand.u32 $0xFFFFFF80, v3;
	[tilespmem:$0x1F1E0] =	vst v2;
	v2 =	vand.u32 $0x7F, v3;
	v3 =	vld [tilespmem:$0x1EC90]  }
0x78d: {  	v34 =	vadd.s32 $0x6, v0;
	[tilespmem:$0x1ECA0] =	vst v59  }
0x78e: {  	v54 =	vadd.s32 $0x4, v0;
	[tilespmem:$0x1F230] =	vst v2;
	v2 =	vand.u32 $0x7F, v34  }
0x78f: {  	[tilespmem:$0x1F1D0] =	vst v2;
	v2 =	vand.u32 $0xFFFFFF80, v54  }
0x790: {  	[tilespmem:$0x1EE30] =	vst v2;
	v2 =	vand.u32 $0x7F, v54  }
0x791: {  	[tilespmem:$0x1F220] =	vst v2;
	v2 =	vand.u32 $0x7F, v3  }
0x792: {  	[tilespmem:$0x1F250] =	vst v2;
	v2 =	vld [tilespmem:$0x1ECA0];
	_ =	sdelay $0x4  }
0x793: {  	v39 =	vand.u32 $0xFFFFFF80, v2;
	v2 =	vand.u32 $0x7F, v2  }
0x794: {  	[tilespmem:$0x1F210] =	vst v2;
	v2 =	vld [tilespmem:$0x1ECB0];
	_ =	sdelay $0x2  }
0x795: {  	v58 =	vand.u32 $0xFFFFFF80, v37  }
0x796: {  	v36 =	vand.u32 $0xFFFFFF80, v46;
	v46 =	vand.u32 $0xFFFFFF80, v35;
	v58 =	vadd.s32 v1, v58  }
0x797: {  	[tilespmem:$0x1F1C0] =	vst v58;
	v58 =	vadd.s32 v1, v46;
	v32 =	vadd.s32 v1, v2;
	v2 =	vld [tilespmem:$0x1ECC0]  }
0x798: {  	[tilespmem:$0x1F200] =	vst v58;
	v58 =	vld [tilespmem:$0x1EE40];
	_ =	sdelay $0x2  }
0x799: {  	[tilespmem:$0x1ECD0] =	vst v63;
	v24 =	vand.u32 $0xFFFFFF80, v23;
	v23 =	vand.u32 $0xFFFFFF80, v26  }
0x79a: {  	v26 =	vand.u32 $0xFFFFFF80, v29;
	v29 =	vand.u32 $0xFFFFFF80, v40;
	v40 =	vadd.s32 v1, v2;
	v2 =	vld [tilespmem:$0x1ECD0]  }
0x79b: {  	v32 =	vor.u32 v58, v32;
	v58 =	vld [tilespmem:$0x1EE50];
	_ =	sdelay $0x3  }
0x79c: {  	v33 =	vadd.s32 v1, v2  }
0x79d: {  	v33 =	vor.u32 v58, v33;
	v58 =	vld [tilespmem:$0x1EE60];
	_ =	sdelay $0x2  }
0x79e: {  	v17 =	vadd.s32 $0x33, v0;
	v0 =	vadd.s32 $0x1, v0;
	v9 =	vand.u32 $0xFFFFFF80, v8  }
0x79f: {  	v41 =	vand.u32 $0xFFFFFF80, v0;
	v0 =	vand.u32 $0x7F, v0;
	v2 =	vadd.s32 v1, v9  }
0x7a0: {  	[tilespmem:$0x1F240] =	vst v0;
	v0 =	vand.u32 $0xFFFFFF80, v3;
	v3 =	vld [tilespmem:$0x1ECE0];
	v2 =	vor.u32 v58, v2  }
0x7a1: {  	[tilespmem:$0x1F2A0] =	vst v2;
	v2 =	vld [tilespmem:$0x1EE70];
	_ =	sdelay $0x3  }
0x7a2: {  	v3 =	vadd.s32 v1, v3  }
0x7a3: {  	[tilespmem:$0x1EE80] =	vst v61;
	v2 =	vor.u32 v2, v3  }
0x7a4: {  	[tilespmem:$0x1F2B0] =	vst v2;
	v2 =	vld [tilespmem:$0x1EE80];
	_ =	sdelay $0x4  }
0x7a5: {  	v2 =	vor.u32 v2, v40  }
0x7a6: {  	[tilespmem:$0x1F2C0] =	vst v2;
	v2 =	vld [tilespmem:$0x1EE90];
	_ =	sdelay $0x1  }
0x7a7: {  	v8 =	vand.u32 $0xFFFFFF80, v11;
	v11 =	vand.u32 $0xFFFFFF80, v14  }
0x7a8: {  	v14 =	vand.u32 $0xFFFFFF80, v17;
	[tilespmem:$0x1EF40] =	vst v5;
	v5 =	vand.u32 $0x7F, v17;
	v17 =	vand.u32 $0xFFFFFF80, v20  }
0x7a9: {  	v20 =	vand.u32 $0xFFFFFF80, v19;
	v19 =	vand.u32 $0xFFFFFF80, v4;
	v4 =	vadd.s32 v1, v8  }
0x7aa: {  	v2 =	vor.u32 v2, v4  }
0x7ab: {  	[tilespmem:$0x1F2D0] =	vst v2;
	v2 =	vld [tilespmem:$0x1EEA0];
	_ =	sdelay $0x3  }
0x7ac: {  	[tilespmem:$0x1EEF0] =	vst v5;
	v5 =	vadd.s32 v1, v6  }
0x7ad: {  	v2 =	vor.u32 v2, v5  }
0x7ae: {  	[tilespmem:$0x1F2E0] =	vst v2;
	v2 =	vld [tilespmem:$0x1EEB0];
	_ =	sdelay $0x3  }
0x7af: {  	v52 =	vadd.s32 v1, v12  }
0x7b0: {  	v2 =	vor.u32 v2, v52  }
0x7b1: {  	[tilespmem:$0x1F2F0] =	vst v2;
	v2 =	vld [tilespmem:$0x1EEC0];
	_ =	sdelay $0x3  }
0x7b2: {  	v6 =	vadd.s32 v1, v11  }
0x7b3: {  	v2 =	vor.u32 v2, v6  }
0x7b4: {  	[tilespmem:$0x1F300] =	vst v2;
	v2 =	vld [tilespmem:$0x1EED0];
	_ =	sdelay $0x3  }
0x7b5: {  	v7 =	vadd.s32 v1, v7  }
0x7b6: {  	v2 =	vor.u32 v2, v7  }
0x7b7: {  	[tilespmem:$0x1F310] =	vst v2;
	v2 =	vld [tilespmem:$0x1EEE0];
	_ =	sdelay $0x3  }
0x7b8: {  	v48 =	vand.u32 $0xFFFFFF80, v44;
	v44 =	vadd.s32 v1, v15  }
0x7b9: {  	v8 =	vld [tilespmem:$0x1ECF0];
	v2 =	vor.u32 v2, v44  }
0x7ba: {  	[tilespmem:$0x1F320] =	vst v2;
	v2 =	vld [tilespmem:$0x1EEF0];
	_ =	sdelay $0x3  }
0x7bb: {  	v50 =	vadd.s32 v1, v8;
	v8 =	vadd.s32 v1, v14  }
0x7bc: {  	v2 =	vor.u32 v2, v8  }
0x7bd: {  	[tilespmem:$0x1F330] =	vst v2;
	v2 =	vld [tilespmem:$0x1EF00];
	_ =	sdelay $0x3  }
0x7be: {  	v9 =	vadd.s32 v1, v10  }
0x7bf: {  	v2 =	vor.u32 v2, v9  }
0x7c0: {  	[tilespmem:$0x1F340] =	vst v2;
	v2 =	vld [tilespmem:$0x1EF10];
	_ =	sdelay $0x3  }
0x7c1: {  	v55 =	vadd.s32 v1, v18;
	v10 =	vld [tilespmem:$0x1ED00]  }
0x7c2: {  	v52 =	vor.u32 v2, v55;
	v2 =	vld [tilespmem:$0x1EF20];
	_ =	sdelay $0x3  }
0x7c3: {  	v63 =	vand.u32 $0xFFFFFF80, v56;
	v56 =	vadd.s32 v1, v10;
	v10 =	vadd.s32 v1, v17  }
0x7c4: {  	v2 =	vor.u32 v2, v10  }
0x7c5: {  	[tilespmem:$0x1F350] =	vst v2;
	v2 =	vld [tilespmem:$0x1EF30];
	_ =	sdelay $0x3  }
0x7c6: {  	v11 =	vadd.s32 v1, v13  }
0x7c7: {  	v55 =	vor.u32 v2, v11;
	v2 =	vld [tilespmem:$0x1EF40];
	_ =	sdelay $0x3  }
0x7c8: {  	v12 =	vld [tilespmem:$0x1ED10]  }
0x7c9: {  	v50 =	vor.u32 v2, v50;
	v2 =	vld [tilespmem:$0x1EF50];
	_ =	sdelay $0x3  }
0x7ca: {  	v49 =	vadd.s32 v1, v12;
	v12 =	vadd.s32 v1, v20  }
0x7cb: {  	v2 =	vor.u32 v2, v12  }
0x7cc: {  	[tilespmem:$0x1F360] =	vst v2;
	v2 =	vld [tilespmem:$0x1EF60];
	_ =	sdelay $0x3  }
0x7cd: {  	v13 =	vadd.s32 v1, v16  }
0x7ce: {  	v2 =	vor.u32 v2, v13  }
0x7cf: {  	[tilespmem:$0x1F370] =	vst v2;
	v2 =	vld [tilespmem:$0x1EF70];
	_ =	sdelay $0x4  }
0x7d0: {  	v2 =	vor.u32 v2, v56  }
0x7d1: {  	[tilespmem:$0x1F380] =	vst v2;
	v2 =	vld [tilespmem:$0x1EF80];
	_ =	sdelay $0x3  }
0x7d2: {  	v14 =	vadd.s32 v1, v24  }
0x7d3: {  	v2 =	vor.u32 v2, v14  }
0x7d4: {  	[tilespmem:$0x1F390] =	vst v2;
	v2 =	vld [tilespmem:$0x1EF90];
	_ =	sdelay $0x3  }
0x7d5: {  	v15 =	vadd.s32 v1, v19  }
0x7d6: {  	v56 =	vor.u32 v2, v15;
	v2 =	vld [tilespmem:$0x1EFA0];
	_ =	sdelay $0x4  }
0x7d7: {  	v49 =	vor.u32 v2, v49;
	v2 =	vld [tilespmem:$0x1EFB0];
	_ =	sdelay $0x3  }
0x7d8: {  	v16 =	vadd.s32 v1, v23  }
0x7d9: {  	v2 =	vor.u32 v2, v16  }
0x7da: {  	[tilespmem:$0x1F3A0] =	vst v2;
	v2 =	vld [tilespmem:$0x1EFC0];
	_ =	sdelay $0x2  }
0x7db: {  	v21 =	vand.u32 $0xFFFFFF80, v22  }
0x7dc: {  	v17 =	vadd.s32 v1, v21  }
0x7dd: {  	v2 =	vor.u32 v2, v17  }
0x7de: {  	[tilespmem:$0x1F3B0] =	vst v2;
	v2 =	vld [tilespmem:$0x1EFD0];
	_ =	sdelay $0x2  }
0x7df: {  	v27 =	vand.u32 $0xFFFFFF80, v27  }
0x7e0: {  	v53 =	vadd.s32 v1, v27;
	v18 =	vld [tilespmem:$0x1ED20]  }
0x7e1: {  	v53 =	vor.u32 v2, v53;
	v2 =	vld [tilespmem:$0x1EFE0];
	_ =	sdelay $0x3  }
0x7e2: {  	v47 =	vadd.s32 v1, v18;
	v18 =	vadd.s32 v1, v26  }
0x7e3: {  	v2 =	vor.u32 v2, v18  }
0x7e4: {  	[tilespmem:$0x1F3C0] =	vst v2;
	v2 =	vld [tilespmem:$0x1EFF0];
	_ =	sdelay $0x2  }
0x7e5: {  	v22 =	vand.u32 $0xFFFFFF80, v25  }
0x7e6: {  	v19 =	vadd.s32 v1, v22  }
0x7e7: {  	v2 =	vor.u32 v2, v19  }
0x7e8: {  	[tilespmem:$0x1F3D0] =	vst v2;
	v2 =	vld [tilespmem:$0x1F000];
	_ =	sdelay $0x2  }
0x7e9: {  	v30 =	vand.u32 $0xFFFFFF80, v30;
	v25 =	vand.u32 $0xFFFFFF80, v28  }
0x7ea: {  	v28 =	vand.u32 $0xFFFFFF80, v31;
	v31 =	vand.u32 $0xFFFFFF80, v43;
	v43 =	vadd.s32 v1, v30  }
0x7eb: {  	v20 =	vld [tilespmem:$0x1ED30];
	v2 =	vor.u32 v2, v43  }
0x7ec: {  	[tilespmem:$0x1F3E0] =	vst v2;
	v2 =	vld [tilespmem:$0x1F010];
	_ =	sdelay $0x3  }
0x7ed: {  	v59 =	vand.u32 $0xFFFFFF80, v51;
	v51 =	vadd.s32 v1, v20;
	v20 =	vadd.s32 v1, v29  }
0x7ee: {  	v2 =	vor.u32 v2, v20  }
0x7ef: {  	[tilespmem:$0x1F3F0] =	vst v2;
	v2 =	vld [tilespmem:$0x1F020];
	_ =	sdelay $0x3  }
0x7f0: {  	v21 =	vadd.s32 v1, v25  }
0x7f1: {  	v22 =	vld [tilespmem:$0x1ED40];
	v2 =	vor.u32 v2, v21  }
0x7f2: {  	[tilespmem:$0x1F400] =	vst v2;
	v2 =	vld [tilespmem:$0x1F030];
	_ =	sdelay $0x4  }
0x7f3: {  	v54 =	vadd.s32 v1, v22;
	v22 =	vld [tilespmem:$0x1ED50];
	v2 =	vor.u32 v2, v47  }
0x7f4: {  	[tilespmem:$0x1F410] =	vst v2;
	v2 =	vld [tilespmem:$0x1F040];
	_ =	sdelay $0x3  }
0x7f5: {  	v22 =	vadd.s32 v1, v22  }
0x7f6: {  	v2 =	vor.u32 v2, v22  }
0x7f7: {  	[tilespmem:$0x1F420] =	vst v2;
	v2 =	vld [tilespmem:$0x1F050];
	_ =	sdelay $0x3  }
0x7f8: {  	v23 =	vadd.s32 v1, v28  }
0x7f9: {  	v24 =	vld [tilespmem:$0x1ED60];
	v2 =	vor.u32 v2, v23  }
0x7fa: {  	[tilespmem:$0x1F430] =	vst v2;
	v2 =	vld [tilespmem:$0x1F060];
	_ =	sdelay $0x4  }
0x7fb: {  	v45 =	vand.u32 $0xFFFFFF80, v42;
	v42 =	vadd.s32 v1, v24;
	v24 =	vld [tilespmem:$0x1ED70];
	v2 =	vor.u32 v2, v51  }
0x7fc: {  	[tilespmem:$0x1F440] =	vst v2;
	v2 =	vld [tilespmem:$0x1F070];
	_ =	sdelay $0x3  }
0x7fd: {  	v24 =	vadd.s32 v1, v24  }
0x7fe: {  	v2 =	vor.u32 v2, v24  }
0x7ff: {  	[tilespmem:$0x1F450] =	vst v2;
	v2 =	vld [tilespmem:$0x1F080];
	_ =	sdelay $0x3  }
0x800: {  	v25 =	vadd.s32 v1, v31  }
0x801: {  	v2 =	vor.u32 v2, v25  }
0x802: {  	[tilespmem:$0x1F460] =	vst v2;
	v2 =	vld [tilespmem:$0x1F090];
	_ =	sdelay $0x4  }
0x803: {  	v26 =	vld [tilespmem:$0x1ED80];
	v2 =	vor.u32 v2, v54  }
0x804: {  	[tilespmem:$0x1F470] =	vst v2;
	v2 =	vld [tilespmem:$0x1F0A0];
	_ =	sdelay $0x3  }
0x805: {  	v26 =	vadd.s32 v1, v26  }
0x806: {  	v2 =	vor.u32 v2, v26  }
0x807: {  	[tilespmem:$0x1F480] =	vst v2;
	v2 =	vld [tilespmem:$0x1F0B0];
	_ =	sdelay $0x3  }
0x808: {  	v27 =	vadd.s32 v1, v36  }
0x809: {  	v2 =	vor.u32 v2, v27  }
0x80a: {  	[tilespmem:$0x1F490] =	vst v2;
	v2 =	vld [tilespmem:$0x1F0C0];
	_ =	sdelay $0x4  }
0x80b: {  	v28 =	vld [tilespmem:$0x1ED90];
	v2 =	vor.u32 v2, v42  }
0x80c: {  	[tilespmem:$0x1F4A0] =	vst v2;
	v2 =	vld [tilespmem:$0x1F0D0];
	_ =	sdelay $0x3  }
0x80d: {  	v28 =	vadd.s32 v1, v28  }
0x80e: {  	v29 =	vld [tilespmem:$0x1EDA0];
	v2 =	vor.u32 v2, v28  }
0x80f: {  	[tilespmem:$0x1F4B0] =	vst v2;
	v2 =	vld [tilespmem:$0x1F0E0];
	_ =	sdelay $0x3  }
0x810: {  	v29 =	vadd.s32 v1, v29  }
0x811: {  	v30 =	vld [tilespmem:$0x1EDB0];
	v2 =	vor.u32 v2, v29  }
0x812: {  	[tilespmem:$0x1F4C0] =	vst v2;
	v2 =	vld [tilespmem:$0x1F0F0];
	_ =	sdelay $0x3  }
0x813: {  	v45 =	vadd.s32 v1, v45  }
0x814: {  	v60 =	vadd.s32 v1, v30;
	v30 =	vld [tilespmem:$0x1EDC0];
	v2 =	vor.u32 v2, v45  }
0x815: {  	[tilespmem:$0x1F4D0] =	vst v2;
	v2 =	vld [tilespmem:$0x1F100];
	_ =	sdelay $0x3  }
0x816: {  	v30 =	vadd.s32 v1, v30;
	v31 =	vld [tilespmem:$0x1EDD0]  }
0x817: {  	v17 =	vor.u32 v2, v30;
	v2 =	vld [tilespmem:$0x1F110];
	_ =	sdelay $0x3  }
0x818: {  	v31 =	vadd.s32 v1, v31  }
0x819: {  	v15 =	vor.u32 v2, v31;
	v2 =	vld [tilespmem:$0x1F120];
	_ =	sdelay $0x3  }
0x81a: {  	v48 =	vadd.s32 v1, v48  }
0x81b: {  	v36 =	vld [tilespmem:$0x1EDE0];
	v2 =	vor.u32 v2, v48  }
0x81c: {  	[tilespmem:$0x1F4E0] =	vst v2;
	v2 =	vld [tilespmem:$0x1F130];
	_ =	sdelay $0x3  }
0x81d: {  	v61 =	vand.u32 $0xFFFFFF80, v57;
	v37 =	vld [tilespmem:$0x1EDF0];
	v57 =	vand.u32 $0xFFFFFF80, v34;
	v34 =	vadd.s32 v1, v36  }
0x81e: {  	v31 =	vor.u32 v2, v34;
	v2 =	vld [tilespmem:$0x1F140];
	_ =	sdelay $0x3  }
0x81f: {  	v35 =	vadd.s32 v1, v37  }
0x820: {  	v26 =	vor.u32 v2, v35;
	v2 =	vld [tilespmem:$0x1F150];
	_ =	sdelay $0x4  }
0x821: {  	v21 =	vor.u32 v2, v60;
	v2 =	vld [tilespmem:$0x1F160];
	_ =	sdelay $0x3  }
0x822: {  	v63 =	vadd.s32 v1, v63;
	v62 =	vld [tilespmem:$0x1EE00]  }
0x823: {  	v40 =	vor.u32 v2, v63;
	v2 =	vld [tilespmem:$0x1F170];
	_ =	sdelay $0x3  }
0x824: {  	v36 =	vadd.s32 v1, v62  }
0x825: {  	v63 =	vor.u32 v2, v36;
	v2 =	vld [tilespmem:$0x1F180];
	_ =	sdelay $0x3  }
0x826: {  	v59 =	vadd.s32 v1, v59  }
0x827: {  	v13 =	vor.u32 v2, v59;
	v2 =	vld [tilespmem:$0x1F190];
	_ =	sdelay $0x3  }
0x828: {  	v61 =	vadd.s32 v1, v61;
	v62 =	vld [tilespmem:$0x1EE10]  }
0x829: {  	v22 =	vor.u32 v2, v61;
	v2 =	vld [tilespmem:$0x1F1A0];
	_ =	sdelay $0x3  }
0x82a: {  	v37 =	vadd.s32 v1, v62;
	v3 =	vld [tilespmem:$0x1F1C0]  }
0x82b: {  	v35 =	vor.u32 v2, v37;
	v2 =	vld [tilespmem:$0x1F1B0];
	_ =	sdelay $0x4  }
0x82c: {  	v19 =	vor.u32 v2, v3;
	v2 =	vld [tilespmem:$0x1F1D0];
	_ =	sdelay $0x3  }
0x82d: {  	v57 =	vadd.s32 v1, v57;
	v46 =	vld [tilespmem:$0x1EE20]  }
0x82e: {  	v24 =	vor.u32 v2, v57;
	v2 =	vld [tilespmem:$0x1F1E0];
	_ =	sdelay $0x3  }
0x82f: {  	v62 =	vadd.s32 v1, v38;
	v38 =	vadd.s32 v1, v46;
	v3 =	vld [tilespmem:$0x1F200]  }
0x830: {  	v44 =	vor.u32 v2, v38;
	v2 =	vld [tilespmem:$0x1F1F0];
	_ =	sdelay $0x4  }
0x831: {  	v23 =	vor.u32 v2, v3;
	v2 =	vld [tilespmem:$0x1F210];
	_ =	sdelay $0x3  }
0x832: {  	v46 =	vadd.s32 v1, v0;
	v0 =	vld [tilespmem:$0x1EE30];
	v39 =	vadd.s32 v1, v39  }
0x833: {  	v54 =	vor.u32 v2, v39;
	v2 =	vld [tilespmem:$0x1F220];
	_ =	sdelay $0x3  }
0x834: {  	v0 =	vadd.s32 v1, v0  }
0x835: {  	v51 =	vor.u32 v2, v0;
	v0 =	vld [tilespmem:$0x1F230];
	_ =	sdelay $0x4  }
0x836: {  	v29 =	vor.u32 v0, v62;
	v0 =	vld [tilespmem:$0x1F240];
	_ =	sdelay $0x1  }
0x837: {  	s30 =	sadd.s32 $0x10, s30  }
0x838: {  	[tilespmem:$0x1F280] =	vst v32;
	v32 =	vadd.s32 v1, v41;
	v41 =	vld [tilespmem:s30+$0x0];
	_ =	sdelay $0x1  }
0x839: {  	v59 =	vor.u32 v0, v32;
	v0 =	vld [tilespmem:$0x1F250];
	_ =	sdelay $0x2  }
0x83a: {  	v58 =	vadd.s32 $0x33, v41;
	v5 =	vadd.s32 $0x25, v41  }
0x83b: {  	v6 =	vadd.s32 $0x24, v41;
	v8 =	vadd.s32 $0x23, v41;
	v10 =	vadd.s32 $0x22, v41  }
0x83c: {  	[tilespmem:$0x1F290] =	vst v33;
	v12 =	vadd.s32 $0x21, v41;
	v39 =	vor.u32 v0, v46;
	v0 =	vadd.s32 $0x30, v41  }
0x83d: {  	v14 =	vadd.s32 $0x20, v41;
	v16 =	vadd.s32 $0x1F, v41;
	[tilespmem:$0x1F510] =	vst v0;
	v0 =	vadd.s32 $0x2D, v41  }
0x83e: {  	v18 =	vadd.s32 $0x1E, v41;
	v43 =	vadd.s32 $0x39, v41;
	[tilespmem:$0x1F520] =	vst v0;
	v0 =	vadd.s32 $0x2E, v41  }
0x83f: {  	v20 =	vadd.s32 $0x1D, v41;
	v47 =	vadd.s32 $0x36, v41;
	[tilespmem:$0x1F530] =	vst v0;
	v0 =	vadd.s32 $0x2F, v41  }
0x840: {  	v25 =	vadd.s32 $0x1C, v41;
	v42 =	vadd.s32 $0x3A, v41;
	[tilespmem:$0x1F540] =	vst v0;
	v0 =	vadd.s32 $0x2A, v41  }
0x841: {  	p0 =	sne.s32 s31, $0xF0;
	v28 =	vadd.s32 $0x1B, v41;
	v45 =	vadd.s32 $0x38, v41;
	[tilespmem:$0x1F550] =	vst v0;
	v0 =	vadd.s32 $0x2B, v41  }
.Ltmp1:
0x842: {  	v48 =	vadd.s32 $0x35, v41;
	v34 =	vadd.s32 $0x3E, v41;
	[tilespmem:$0x1F560] =	vst v0;
	v0 =	vadd.s32 $0x2C, v41;
	(pc) =	sbr.rel @p0 .LBB2_4-.Ltmp1, $4  }
0x843: {  	v60 =	vadd.s32 $0x32, v41;
	v36 =	vadd.s32 $0x3D, v41;
	[tilespmem:$0x1F570] =	vst v0;
	v0 =	vadd.s32 $0x27, v41  }
0x844: {  	v61 =	vadd.s32 $0x31, v41;
	v37 =	vadd.s32 $0x3C, v41;
	[tilespmem:$0x1F580] =	vst v0;
	v0 =	vadd.s32 $0x28, v41  }
0x845: {  	v57 =	vadd.s32 $0x34, v41;
	v38 =	vadd.s32 $0x3B, v41;
	[tilespmem:$0x1F590] =	vst v0;
	v0 =	vadd.s32 $0x29, v41  }
0x846: {  	s31 =	sadd.s32 $0x10, s31;
	v3 =	vadd.s32 $0x26, v41;
	v62 =	vadd.s32 $0x3F, v41;
	v46 =	vadd.s32 $0x37, v41;
	[tilespmem:$0x1F5A0] =	vst v0  }
0x847: {  	v0 =	vand.u32 $0xFFFFFF80, v41;
	v9 =	vld [tilespmem:$0x1F280]  }
0x848: {  	v2 =	vand.u32 $0x7F, v41;
	v4 =	vadd.s32 $0x1, v41;
	v0 =	vadd.s32 v1, v0  }
0x849: {  	v0 =	vor.u32 v2, v0;
	v2 =	vand.u32 $0xFFFFFF80, v4  }
0x84a: {  	v4 =	vand.u32 $0x7F, v4;
	v2 =	vadd.s32 v1, v2  }
0x84b: {  	v2 =	vor.u32 v4, v2  }
0x84c: {  	v32 =	vadd.s32 $0x2, v41  }
0x84d: {  	v11 =	vld.idx.msk [tilespmem:v59+s20+$0x0], $0xffff;
	v7 =	vand.u32 $0xFFFFFF80, v32  }
0x84e: {  	v33 =	vadd.s32 $0x3, v41;
	v7 =	vadd.s32 v1, v7;
	v4 =	vand.u32 $0x7F, v32;
	v0 =	vld.idx.msk [tilespmem:v0+s21+$0x0], $0xffff  }
0x84f: {  	v27 =	vand.u32 $0xFFFFFF80, v33;
	v4 =	vor.u32 v4, v7;
	v9 =	vld.idx.msk [tilespmem:v9+s20+$0x0], $0xffff  }
0x850: {  	v27 =	vadd.s32 v1, v27;
	v7 =	vand.u32 $0x7F, v33;
	v2 =	vld.idx.msk [tilespmem:v2+s21+$0x0], $0xffff  }
0x851: {  	v59 =	vadd.s32 $0x4, v41;
	v7 =	vor.u32 v7, v27  }
0x852: {  	v32 =	vand.u32 $0xFFFFFF80, v59  }
0x853: {  	v30 =	vld.idx.msk [tilespmem:v39+s20+$0x0], $0xffff;
	v59 =	vand.u32 $0x7F, v59;
	v33 =	vadd.s32 v1, v32  }
0x854: {  	v39 =	vadd.s32 $0x5, v41;
	v4 =	vld.idx.msk [tilespmem:v4+s21+$0x0], $0xffff;
	v0 =	vmul.f32 v0, v9;
	v9 =	vor.u32 v59, v33  }
0x855: {  	v27 =	vand.u32 $0x7F, v39;
	v2 =	vmul.f32 v2, v11;
	v11 =	vld.idx.msk [tilespmem:v54+s20+$0x0], $0xffff;
	v54 =	vand.u32 $0xFFFFFF80, v39  }
0x856: {  	v7 =	vld.idx.msk [tilespmem:v7+s21+$0x0], $0xffff;
	v33 =	vadd.s32 $0x6, v41;
	v0 =	vadd.f32 $0.0e+00, v0;
	v32 =	vadd.s32 v1, v54  }
0x857: {  	v59 =	vand.u32 $0x7F, v33;
	v27 =	vor.u32 v27, v32  }
0x858: {  	v39 =	vadd.s32 $0x7, v41;
	v32 =	vld.idx.msk [tilespmem:v51+s20+$0x0], $0xffff;
	v0 =	vadd.f32 v2, v0;
	v2 =	vand.u32 $0xFFFFFF80, v33  }
0x859: {  	v4 =	vmul.f32 v4, v30;
	v54 =	vand.u32 $0x7F, v39;
	v2 =	vadd.s32 v1, v2;
	v9 =	vld.idx.msk [tilespmem:v9+s21+$0x0], $0xffff  }
0x85a: {  	v30 =	vadd.s32 $0x8, v41;
	v51 =	vand.u32 $0xFFFFFF80, v39;
	v2 =	vor.u32 v59, v2  }
0x85b: {  	v29 =	vld.idx.msk [tilespmem:v29+s20+$0x0], $0xffff;
	v0 =	vadd.f32 v4, v0;
	v7 =	vmul.f32 v7, v11;
	v4 =	vadd.s32 v1, v51  }
0x85c: {  	v39 =	vadd.s32 $0x9, v41;
	v33 =	vand.u32 $0xFFFFFF80, v30;
	v4 =	vor.u32 v54, v4;
	v59 =	vld.idx.msk [tilespmem:v27+s21+$0x0], $0xffff  }
0x85d: {  	v0 =	vadd.f32 v7, v0;
	v7 =	vld.idx.msk [tilespmem:v24+s20+$0x0], $0xffff;
	v27 =	vand.u32 $0x7F, v30;
	v24 =	vadd.s32 v1, v33  }
0x85e: {  	v51 =	vand.u32 $0xFFFFFF80, v39;
	v24 =	vor.u32 v27, v24;
	v9 =	vmul.f32 v9, v32;
	v32 =	vld.idx.msk [tilespmem:v23+s20+$0x0], $0xffff  }
0x85f: {  	v54 =	vadd.s32 v1, v51;
	v27 =	vand.u32 $0x7F, v39;
	v2 =	vld.idx.msk [tilespmem:v2+s21+$0x0], $0xffff  }
0x860: {  	v27 =	vor.u32 v27, v54;
	v0 =	vadd.f32 v9, v0;
	v9 =	vld.idx.msk [tilespmem:v44+s20+$0x0], $0xffff  }
0x861: {  	v30 =	vadd.s32 $0xD, v41;
	v4 =	vld.idx.msk [tilespmem:v4+s21+$0x0], $0xffff;
	v44 =	vadd.s32 $0xB, v41;
	v11 =	vmul.f32 v59, v29  }
0x862: {  	v59 =	vadd.s32 $0xA, v41;
	v51 =	vand.u32 $0x7F, v44;
	v29 =	vld.idx.msk [tilespmem:v35+s20+$0x0], $0xffff;
	v35 =	vand.u32 $0x7F, v30  }
0x863: {  	v33 =	vand.u32 $0xFFFFFF80, v59;
	v39 =	vand.u32 $0x7F, v59;
	v24 =	vld.idx.msk [tilespmem:v24+s21+$0x0], $0xffff;
	v59 =	vadd.s32 $0xC, v41  }
0x864: {  	v0 =	vadd.f32 v11, v0;
	v11 =	vadd.s32 v1, v33;
	v2 =	vmul.f32 v2, v7  }
0x865: {  	v54 =	vld.idx.msk [tilespmem:v27+s21+$0x0], $0xffff;
	v27 =	vand.u32 $0xFFFFFF80, v59;
	v23 =	vand.u32 $0x7F, v59;
	v33 =	vand.u32 $0xFFFFFF80, v30  }
0x866: {  	v22 =	vld.idx.msk [tilespmem:v22+s20+$0x0], $0xffff;
	v11 =	vor.u32 v39, v11;
	v0 =	vadd.f32 v2, v0;
	v2 =	vand.u32 $0xFFFFFF80, v44  }
0x867: {  	v39 =	vadd.s32 $0xE, v41;
	v4 =	vmul.f32 v4, v9;
	v2 =	vadd.s32 v1, v2  }
0x868: {  	v7 =	vmul.f32 v24, v32;
	v32 =	vld.idx.msk [tilespmem:v19+s20+$0x0], $0xffff;
	v19 =	vadd.s32 v1, v33;
	v2 =	vor.u32 v51, v2  }
0x869: {  	v0 =	vadd.f32 v4, v0;
	v4 =	vadd.s32 v1, v27;
	v19 =	vor.u32 v35, v19  }
0x86a: {  	v40 =	vld.idx.msk [tilespmem:v40+s20+$0x0], $0xffff;
	v44 =	vand.u32 $0xFFFFFF80, v39;
	v4 =	vor.u32 v23, v4  }
0x86b: {  	v9 =	vmul.f32 v54, v22;
	v22 =	vand.u32 $0x7F, v39;
	v11 =	vld.idx.msk [tilespmem:v11+s21+$0x0], $0xffff;
	v23 =	vadd.s32 v1, v44  }
0x86c: {  	v54 =	vld.idx.msk [tilespmem:v63+s20+$0x0], $0xffff;
	v22 =	vor.u32 v22, v23  }
0x86d: {  	v2 =	vld.idx.msk [tilespmem:v2+s21+$0x0], $0xffff  }
0x86e: {  	v0 =	vadd.f32 v7, v0;
	v19 =	vld.idx.msk [tilespmem:v19+s21+$0x0], $0xffff  }
0x86f: {  	v4 =	vld.idx.msk [tilespmem:v4+s21+$0x0], $0xffff  }
0x870: {  	v13 =	vld.idx.msk [tilespmem:v13+s20+$0x0], $0xffff;
	v51 =	vadd.s32 $0xF, v41;
	v0 =	vadd.f32 v9, v0;
	v11 =	vmul.f32 v11, v29  }
0x871: {  	v63 =	vadd.s32 $0x10, v41;
	v59 =	vand.u32 $0xFFFFFF80, v51;
	v23 =	vand.u32 $0x7F, v51;
	v30 =	vld.idx.msk [tilespmem:v22+s21+$0x0], $0xffff  }
0x872: {  	v29 =	vand.u32 $0x7F, v63;
	v0 =	vadd.f32 v11, v0;
	v11 =	vadd.s32 v1, v59  }
0x873: {  	v11 =	vor.u32 v23, v11;
	v2 =	vmul.f32 v2, v32;
	v32 =	vadd.s32 $0x11, v41  }
0x874: {  	v7 =	vmul.f32 v19, v54;
	v4 =	vmul.f32 v4, v40;
	v33 =	vand.u32 $0xFFFFFF80, v32  }
0x875: {  	v15 =	vld.idx.msk [tilespmem:v15+s20+$0x0], $0xffff;
	v35 =	vand.u32 $0x7F, v32;
	v40 =	vadd.s32 $0x12, v41;
	v0 =	vadd.f32 v2, v0  }
0x876: {  	v24 =	vld.idx.msk [tilespmem:v21+s20+$0x0], $0xffff;
	v2 =	vand.u32 $0xFFFFFF80, v63;
	v51 =	vand.u32 $0xFFFFFF80, v40;
	v9 =	vmul.f32 v30, v13  }
0x877: {  	v39 =	vld.idx.msk [tilespmem:v31+s20+$0x0], $0xffff;
	v54 =	vand.u32 $0x7F, v40;
	v63 =	vadd.s32 $0x13, v41;
	v2 =	vadd.s32 v1, v2  }
0x878: {  	v44 =	vld.idx.msk [tilespmem:v26+s20+$0x0], $0xffff;
	v59 =	vadd.s32 v1, v51;
	v26 =	vand.u32 $0xFFFFFF80, v63;
	v2 =	vor.u32 v29, v2  }
0x879: {  	v51 =	vld [tilespmem:$0x1F4E0];
	v0 =	vadd.f32 v4, v0;
	v4 =	vadd.s32 v1, v33;
	v13 =	vor.u32 v54, v59  }
0x87a: {  	v19 =	vand.u32 $0x7F, v63;
	v11 =	vld.idx.msk [tilespmem:v11+s21+$0x0], $0xffff;
	v21 =	vadd.s32 v1, v26;
	v4 =	vor.u32 v35, v4  }
0x87b: {  	v23 =	vld [tilespmem:$0x1F4C0];
	v19 =	vor.u32 v19, v21  }
0x87c: {  	v29 =	vld.idx.msk [tilespmem:v17+s20+$0x0], $0xffff  }
0x87d: {  	v27 =	vadd.s32 $0x14, v41;
	v0 =	vadd.f32 v7, v0;
	v2 =	vld.idx.msk [tilespmem:v2+s21+$0x0], $0xffff  }
0x87e: {  	v31 =	vand.u32 $0x7F, v27;
	v22 =	vadd.s32 $0x18, v41;
	v32 =	vadd.s32 $0x15, v41;
	v13 =	vld.idx.msk [tilespmem:v13+s21+$0x0], $0xffff  }
0x87f: {  	v30 =	vand.u32 $0xFFFFFF80, v27;
	v0 =	vadd.f32 v9, v0;
	v11 =	vmul.f32 v11, v39;
	v4 =	vld.idx.msk [tilespmem:v4+s21+$0x0], $0xffff  }
0x880: {  	v27 =	vadd.s32 $0x19, v41;
	v33 =	vand.u32 $0x7F, v32;
	v54 =	vadd.s32 $0x17, v41;
	v35 =	vld.idx.msk [tilespmem:v19+s21+$0x0], $0xffff  }
0x881: {  	v59 =	vld [tilespmem:$0x1F4B0];
	v63 =	vand.u32 $0xFFFFFF80, v54;
	v0 =	vadd.f32 v11, v0;
	v11 =	vadd.s32 v1, v30  }
0x882: {  	v21 =	vadd.s32 v1, v63;
	v63 =	vand.u32 $0xFFFFFF80, v20;
	v17 =	vld.idx.msk [tilespmem:v51+s20+$0x0], $0xffff;
	v11 =	vor.u32 v31, v11  }
0x883: {  	v39 =	vadd.s32 $0x16, v41;
	v31 =	vadd.s32 $0x1A, v41;
	v41 =	vld [tilespmem:$0x1F490];
	v2 =	vmul.f32 v2, v44  }
0x884: {  	v7 =	vmul.f32 v13, v29;
	v13 =	vand.u32 $0x7F, v54;
	v29 =	vld [tilespmem:$0x1F4D0];
	v4 =	vmul.f32 v4, v24  }
0x885: {  	v9 =	vmul.f32 v35, v15;
	v24 =	vand.u32 $0xFFFFFF80, v22;
	v15 =	vand.u32 $0x7F, v22;
	v22 =	vld [tilespmem:$0x1F460]  }
0x886: {  	v40 =	vand.u32 $0xFFFFFF80, v39;
	v13 =	vor.u32 v13, v21;
	v21 =	vand.u32 $0x7F, v20;
	v20 =	vld [tilespmem:$0x1F3D0]  }
0x887: {  	v0 =	vadd.f32 v2, v0;
	v2 =	vand.u32 $0xFFFFFF80, v32;
	v26 =	vadd.s32 v1, v24;
	v11 =	vld.idx.msk [tilespmem:v11+s21+$0x0], $0xffff  }
0x888: {  	v44 =	vand.u32 $0x7F, v39;
	v2 =	vadd.s32 v1, v2;
	v15 =	vor.u32 v15, v26;
	v26 =	vld [tilespmem:$0x1F470]  }
0x889: {  	v2 =	vor.u32 v33, v2;
	v0 =	vadd.f32 v4, v0;
	v4 =	vadd.s32 v1, v40;
	v33 =	vld [tilespmem:$0x1F480]  }
0x88a: {  	v4 =	vor.u32 v44, v4;
	v44 =	vld [tilespmem:$0x1F4A0]  }
0x88b: {  	v0 =	vadd.f32 v7, v0;
	v7 =	vld.idx.msk [tilespmem:v59+s20+$0x0], $0xffff  }
0x88c: {  	v13 =	vld.idx.msk [tilespmem:v13+s21+$0x0], $0xffff  }
0x88d: {  	v59 =	vld [tilespmem:$0x1F450]  }
0x88e: {  	v0 =	vadd.f32 v9, v0;
	v9 =	vld.idx.msk [tilespmem:v23+s20+$0x0], $0xffff  }
0x88f: {  	v35 =	vld.idx.msk [tilespmem:v15+s21+$0x0], $0xffff  }
0x890: {  	v11 =	vmul.f32 v11, v17;
	v15 =	vld.idx.msk [tilespmem:v41+s20+$0x0], $0xffff  }
0x891: {  	v30 =	vand.u32 $0xFFFFFF80, v27;
	v2 =	vld.idx.msk [tilespmem:v2+s21+$0x0], $0xffff  }
0x892: {  	v17 =	vand.u32 $0x7F, v27;
	v41 =	vld [tilespmem:$0x1F3F0];
	v0 =	vadd.f32 v11, v0;
	v11 =	vadd.s32 v1, v30  }
0x893: {  	v30 =	vld [tilespmem:$0x1F420];
	v11 =	vor.u32 v17, v11  }
0x894: {  	v4 =	vld.idx.msk [tilespmem:v4+s21+$0x0], $0xffff  }
0x895: {  	v17 =	vld.idx.msk [tilespmem:v33+s20+$0x0], $0xffff  }
0x896: {  	v2 =	vmul.f32 v2, v7;
	v7 =	vld.idx.msk [tilespmem:v29+s20+$0x0], $0xffff  }
0x897: {  	v39 =	vand.u32 $0xFFFFFF80, v28;
	v24 =	vand.u32 $0x7F, v18;
	v23 =	vand.u32 $0xFFFFFF80, v18;
	v18 =	vld [tilespmem:$0x1F580]  }
0x898: {  	v32 =	vand.u32 $0x7F, v31;
	v40 =	vand.u32 $0x7F, v28;
	v28 =	vand.u32 $0xFFFFFF80, v14;
	v11 =	vld.idx.msk [tilespmem:v11+s21+$0x0], $0xffff  }
0x899: {  	v4 =	vmul.f32 v4, v9;
	v0 =	vadd.f32 v2, v0;
	v2 =	vand.u32 $0xFFFFFF80, v31;
	v31 =	vld [tilespmem:$0x1F430]  }
0x89a: {  	v29 =	vand.u32 $0x7F, v14;
	v2 =	vadd.s32 v1, v2;
	v9 =	vmul.f32 v35, v17;
	v35 =	vld [tilespmem:$0x1F440]  }
0x89b: {  	v2 =	vor.u32 v32, v2;
	v0 =	vadd.f32 v4, v0;
	v14 =	vld.idx.msk [tilespmem:v30+s20+$0x0], $0xffff;
	v7 =	vmul.f32 v13, v7  }
0x89c: {  	v51 =	vand.u32 $0xFFFFFF80, v25;
	v54 =	vand.u32 $0x7F, v25;
	v4 =	vadd.s32 v1, v39;
	v30 =	vld [tilespmem:$0x1F560]  }
0x89d: {  	v17 =	vadd.s32 v1, v63;
	v4 =	vor.u32 v40, v4;
	v0 =	vadd.f32 v7, v0;
	v7 =	vld.idx.msk [tilespmem:v44+s20+$0x0], $0xffff  }
0x89e: {  	v13 =	vadd.s32 v1, v51;
	v11 =	vmul.f32 v11, v15;
	v15 =	vor.u32 v21, v17;
	v17 =	vld [tilespmem:$0x1F3C0]  }
0x89f: {  	v13 =	vor.u32 v54, v13;
	v21 =	vld [tilespmem:$0x1F590]  }
0x8a0: {  	v2 =	vld.idx.msk [tilespmem:v2+s21+$0x0], $0xffff  }
0x8a1: {  	v0 =	vadd.f32 v9, v0;
	v9 =	vld.idx.msk [tilespmem:v59+s20+$0x0], $0xffff  }
0x8a2: {  	v59 =	vld [tilespmem:$0x1F400]  }
0x8a3: {  	v4 =	vld.idx.msk [tilespmem:v4+s21+$0x0], $0xffff  }
0x8a4: {  	v13 =	vld.idx.msk [tilespmem:v13+s21+$0x0], $0xffff  }
0x8a5: {  	v0 =	vadd.f32 v11, v0;
	v11 =	vadd.s32 v1, v23;
	v23 =	vld [tilespmem:$0x1F3E0];
	v2 =	vmul.f32 v2, v7  }
0x8a6: {  	v11 =	vor.u32 v24, v11;
	v7 =	vld.idx.msk [tilespmem:v22+s20+$0x0], $0xffff  }
0x8a7: {  	v27 =	vld.idx.msk [tilespmem:v15+s21+$0x0], $0xffff;
	v0 =	vadd.f32 v2, v0;
	v2 =	vand.u32 $0xFFFFFF80, v16  }
0x8a8: {  	v25 =	vand.u32 $0x7F, v16;
	v24 =	vld [tilespmem:$0x1F5A0];
	v2 =	vadd.s32 v1, v2  }
0x8a9: {  	v4 =	vmul.f32 v4, v9;
	v16 =	vld.idx.msk [tilespmem:v26+s20+$0x0], $0xffff;
	v2 =	vor.u32 v25, v2  }
0x8aa: {  	v26 =	vld [tilespmem:$0x1F3A0]  }
0x8ab: {  	v11 =	vld.idx.msk [tilespmem:v11+s21+$0x0], $0xffff;
	v0 =	vadd.f32 v4, v0;
	v4 =	vadd.s32 v1, v28;
	v7 =	vmul.f32 v13, v7  }
0x8ac: {  	v32 =	vand.u32 $0xFFFFFF80, v12;
	v4 =	vor.u32 v29, v4;
	v29 =	vld [tilespmem:$0x1F3B0]  }
0x8ad: {  	v33 =	vand.u32 $0x7F, v12;
	v13 =	vadd.s32 v1, v32;
	v0 =	vadd.f32 v7, v0;
	v7 =	vld.idx.msk [tilespmem:v31+s20+$0x0], $0xffff  }
0x8ae: {  	v12 =	vor.u32 v33, v13;
	v2 =	vld.idx.msk [tilespmem:v2+s21+$0x0], $0xffff  }
0x8af: {  	v33 =	vld [tilespmem:$0x1F570];
	v9 =	vmul.f32 v27, v16  }
0x8b0: {  	v39 =	vand.u32 $0xFFFFFF80, v10;
	v11 =	vmul.f32 v11, v14;
	v14 =	vld [tilespmem:$0x1F410]  }
0x8b1: {  	v40 =	vand.u32 $0x7F, v10;
	v13 =	vadd.s32 v1, v39;
	v0 =	vadd.f32 v9, v0;
	v9 =	vld.idx.msk [tilespmem:v35+s20+$0x0], $0xffff  }
0x8b2: {  	v10 =	vor.u32 v40, v13;
	v4 =	vld.idx.msk [tilespmem:v4+s21+$0x0], $0xffff  }
0x8b3: {  	v44 =	vand.u32 $0xFFFFFF80, v8;
	v0 =	vadd.f32 v11, v0;
	v12 =	vld.idx.msk [tilespmem:v12+s21+$0x0], $0xffff;
	v2 =	vmul.f32 v2, v7  }
0x8b4: {  	v51 =	vand.u32 $0x7F, v8;
	v11 =	vadd.s32 v1, v44;
	v7 =	vld.idx.msk [tilespmem:v41+s20+$0x0], $0xffff  }
0x8b5: {  	v39 =	vld [tilespmem:$0x1F390];
	v8 =	vor.u32 v51, v11;
	v0 =	vadd.f32 v2, v0;
	v2 =	vand.u32 $0xFFFFFF80, v6  }
0x8b6: {  	v54 =	vand.u32 $0x7F, v6;
	v27 =	vld [tilespmem:$0x1F550];
	v2 =	vadd.s32 v1, v2  }
0x8b7: {  	v63 =	vld.idx.msk [tilespmem:v10+s21+$0x0], $0xffff;
	v4 =	vmul.f32 v4, v9;
	v2 =	vor.u32 v54, v2  }
0x8b8: {  	v13 =	vand.u32 $0x7F, v5;
	v9 =	vld.idx.msk [tilespmem:v59+s20+$0x0], $0xffff  }
0x8b9: {  	v11 =	vand.u32 $0xFFFFFF80, v5;
	v10 =	vld.idx.msk [tilespmem:v14+s20+$0x0], $0xffff;
	v0 =	vadd.f32 v4, v0;
	v7 =	vmul.f32 v12, v7  }
0x8ba: {  	v16 =	vand.u32 $0xFFFFFF80, v3;
	v3 =	vand.u32 $0x7F, v3;
	v15 =	vld.idx.msk [tilespmem:v8+s21+$0x0], $0xffff;
	v4 =	vadd.s32 v1, v11  }
0x8bb: {  	v8 =	vld.idx.msk [tilespmem:v17+s20+$0x0], $0xffff;
	v4 =	vor.u32 v13, v4;
	v0 =	vadd.f32 v7, v0;
	v7 =	vadd.s32 v1, v16  }
0x8bc: {  	v3 =	vor.u32 v3, v7;
	v2 =	vld.idx.msk [tilespmem:v2+s21+$0x0], $0xffff  }
0x8bd: {  	v31 =	vld.idx.msk [tilespmem:v53+s20+$0x0], $0xffff;
	v6 =	vmul.f32 v63, v9  }
0x8be: {  	v19 =	vand.u32 $0xFFFFFF80, v18;
	v53 =	vld [tilespmem:$0x1F530];
	v9 =	vand.u32 $0x7F, v18  }
0x8bf: {  	v7 =	vld.idx.msk [tilespmem:v20+s20+$0x0], $0xffff;
	v5 =	vmul.f32 v15, v10;
	v0 =	vadd.f32 v6, v0;
	v6 =	vadd.s32 v1, v19  }
0x8c0: {  	v22 =	vand.u32 $0xFFFFFF80, v21;
	v4 =	vld.idx.msk [tilespmem:v4+s21+$0x0], $0xffff;
	v6 =	vor.u32 v9, v6;
	v9 =	vand.u32 $0x7F, v21  }
0x8c1: {  	v0 =	vadd.f32 v5, v0;
	v5 =	vadd.s32 v1, v22;
	v3 =	vld.idx.msk [tilespmem:v3+s21+$0x0], $0xffff;
	v2 =	vmul.f32 v2, v8  }
0x8c2: {  	v5 =	vor.u32 v9, v5;
	v8 =	vld.idx.msk [tilespmem:v23+s20+$0x0], $0xffff  }
0x8c3: {  	v51 =	vld.idx.msk [tilespmem:v56+s20+$0x0], $0xffff;
	v0 =	vadd.f32 v2, v0;
	v2 =	vand.u32 $0xFFFFFF80, v24  }
0x8c4: {  	v25 =	vand.u32 $0x7F, v24;
	v56 =	vld [tilespmem:$0x1F540];
	v2 =	vadd.s32 v1, v2  }
0x8c5: {  	v9 =	vld.idx.msk [tilespmem:v26+s20+$0x0], $0xffff;
	v4 =	vmul.f32 v4, v7;
	v2 =	vor.u32 v25, v2  }
0x8c6: {  	v6 =	vld.idx.msk [tilespmem:v6+s21+$0x0], $0xffff  }
0x8c7: {  	v28 =	vand.u32 $0xFFFFFF80, v27;
	v5 =	vld.idx.msk [tilespmem:v5+s21+$0x0], $0xffff;
	v0 =	vadd.f32 v4, v0;
	v3 =	vmul.f32 v3, v8  }
0x8c8: {  	v7 =	vand.u32 $0x7F, v27;
	v4 =	vadd.s32 v1, v28;
	v8 =	vld.idx.msk [tilespmem:v29+s20+$0x0], $0xffff  }
0x8c9: {  	v41 =	vld [tilespmem:$0x1F520];
	v4 =	vor.u32 v7, v4;
	v0 =	vadd.f32 v3, v0;
	v3 =	vand.u32 $0xFFFFFF80, v30  }
0x8ca: {  	v32 =	vand.u32 $0x7F, v30;
	v3 =	vadd.s32 v1, v3;
	v2 =	vld.idx.msk [tilespmem:v2+s21+$0x0], $0xffff  }
0x8cb: {  	v14 =	vld [tilespmem:$0x1F370];
	v6 =	vmul.f32 v6, v9;
	v3 =	vor.u32 v32, v3  }
0x8cc: {  	v12 =	vld [tilespmem:$0x1F360]  }
0x8cd: {  	v35 =	vand.u32 $0xFFFFFF80, v33;
	v9 =	vld.idx.msk [tilespmem:v39+s20+$0x0], $0xffff;
	v0 =	vadd.f32 v6, v0;
	v5 =	vmul.f32 v5, v8  }
0x8ce: {  	v40 =	vand.u32 $0x7F, v33;
	v44 =	vand.u32 $0xFFFFFF80, v41;
	v6 =	vadd.s32 v1, v35;
	v4 =	vld.idx.msk [tilespmem:v4+s21+$0x0], $0xffff  }
0x8cf: {  	v17 =	vld [tilespmem:$0x1F380];
	v6 =	vor.u32 v40, v6;
	v0 =	vadd.f32 v5, v0;
	v2 =	vmul.f32 v2, v31  }
0x8d0: {  	v8 =	vand.u32 $0x7F, v41;
	v5 =	vadd.s32 v1, v44;
	v3 =	vld.idx.msk [tilespmem:v3+s21+$0x0], $0xffff  }
0x8d1: {  	v54 =	vld.idx.msk [tilespmem:v49+s20+$0x0], $0xffff;
	v5 =	vor.u32 v8, v5;
	v0 =	vadd.f32 v2, v0;
	v2 =	vand.u32 $0xFFFFFF80, v53  }
0x8d2: {  	v13 =	vld [tilespmem:$0x1F510];
	v8 =	vand.u32 $0x7F, v53;
	v2 =	vadd.s32 v1, v2  }
0x8d3: {  	v20 =	vld [tilespmem:$0x1F350];
	v4 =	vmul.f32 v4, v9;
	v2 =	vor.u32 v8, v2  }
0x8d4: {  	v6 =	vld.idx.msk [tilespmem:v6+s21+$0x0], $0xffff  }
0x8d5: {  	v59 =	vand.u32 $0xFFFFFF80, v56;
	v0 =	vadd.f32 v4, v0;
	v8 =	vld.idx.msk [tilespmem:v12+s20+$0x0], $0xffff;
	v3 =	vmul.f32 v3, v51  }
0x8d6: {  	v63 =	vand.u32 $0x7F, v56;
	v4 =	vadd.s32 v1, v59;
	v5 =	vld.idx.msk [tilespmem:v5+s21+$0x0], $0xffff  }
0x8d7: {  	v7 =	vld.idx.msk [tilespmem:v14+s20+$0x0], $0xffff;
	v4 =	vor.u32 v63, v4;
	v0 =	vadd.f32 v3, v0;
	v3 =	vand.u32 $0xFFFFFF80, v13  }
0x8d8: {  	v15 =	vand.u32 $0x7F, v13;
	v3 =	vadd.s32 v1, v3;
	v2 =	vld.idx.msk [tilespmem:v2+s21+$0x0], $0xffff  }
0x8d9: {  	v33 =	vld.idx.msk [tilespmem:v52+s20+$0x0], $0xffff;
	v6 =	vmul.f32 v6, v54;
	v3 =	vor.u32 v15, v3  }
0x8da: {  	v27 =	vld [tilespmem:$0x1F330]  }
0x8db: {  	v16 =	vand.u32 $0xFFFFFF80, v61;
	v9 =	vld.idx.msk [tilespmem:v17+s20+$0x0], $0xffff;
	v0 =	vadd.f32 v6, v0;
	v5 =	vmul.f32 v5, v8  }
0x8dc: {  	v18 =	vand.u32 $0x7F, v61;
	v19 =	vand.u32 $0xFFFFFF80, v60;
	v6 =	vadd.s32 v1, v16;
	v4 =	vld.idx.msk [tilespmem:v4+s21+$0x0], $0xffff  }
0x8dd: {  	v6 =	vor.u32 v18, v6;
	v0 =	vadd.f32 v5, v0;
	v2 =	vmul.f32 v2, v7;
	v7 =	vld.idx.msk [tilespmem:v20+s20+$0x0], $0xffff  }
0x8de: {  	v21 =	vand.u32 $0x7F, v60;
	v5 =	vadd.s32 v1, v19;
	v3 =	vld.idx.msk [tilespmem:v3+s21+$0x0], $0xffff  }
0x8df: {  	v26 =	vld.idx.msk [tilespmem:v50+s20+$0x0], $0xffff;
	v5 =	vor.u32 v21, v5;
	v0 =	vadd.f32 v2, v0;
	v2 =	vand.u32 $0xFFFFFF80, v58  }
0x8e0: {  	v22 =	vand.u32 $0x7F, v58;
	v30 =	vld [tilespmem:$0x1F340];
	v2 =	vadd.s32 v1, v2  }
0x8e1: {  	v23 =	vld.idx.msk [tilespmem:v55+s20+$0x0], $0xffff;
	v4 =	vmul.f32 v4, v9;
	v2 =	vor.u32 v22, v2  }
0x8e2: {  	v24 =	vand.u32 $0xFFFFFF80, v57;
	v25 =	vand.u32 $0x7F, v57;
	v6 =	vld.idx.msk [tilespmem:v6+s21+$0x0], $0xffff  }
0x8e3: {  	v40 =	vld [tilespmem:$0x1F300];
	v0 =	vadd.f32 v4, v0;
	v4 =	vadd.s32 v1, v24;
	v3 =	vmul.f32 v3, v7  }
0x8e4: {  	v5 =	vld.idx.msk [tilespmem:v5+s21+$0x0], $0xffff;
	v4 =	vor.u32 v25, v4  }
0x8e5: {  	v7 =	vld.idx.msk [tilespmem:v27+s20+$0x0], $0xffff;
	v0 =	vadd.f32 v3, v0;
	v3 =	vand.u32 $0xFFFFFF80, v48  }
0x8e6: {  	v28 =	vand.u32 $0x7F, v48;
	v3 =	vadd.s32 v1, v3;
	v2 =	vld.idx.msk [tilespmem:v2+s21+$0x0], $0xffff  }
0x8e7: {  	v44 =	vld [tilespmem:$0x1F310];
	v6 =	vmul.f32 v6, v23;
	v3 =	vor.u32 v28, v3  }
0x8e8: {  	v9 =	vld.idx.msk [tilespmem:v30+s20+$0x0], $0xffff  }
0x8e9: {  	v29 =	vand.u32 $0xFFFFFF80, v47;
	v5 =	vmul.f32 v5, v26;
	v0 =	vadd.f32 v6, v0;
	v4 =	vld.idx.msk [tilespmem:v4+s21+$0x0], $0xffff  }
0x8ea: {  	v49 =	vld [tilespmem:$0x1F2D0];
	v32 =	vand.u32 $0xFFFFFF80, v46;
	v31 =	vand.u32 $0x7F, v47;
	v6 =	vadd.s32 v1, v29  }
0x8eb: {  	v47 =	vld [tilespmem:$0x1F320];
	v6 =	vor.u32 v31, v6;
	v0 =	vadd.f32 v5, v0;
	v2 =	vmul.f32 v2, v7  }
0x8ec: {  	v35 =	vand.u32 $0x7F, v46;
	v5 =	vadd.s32 v1, v32;
	v3 =	vld.idx.msk [tilespmem:v3+s21+$0x0], $0xffff  }
0x8ed: {  	v56 =	vld [tilespmem:$0x1F2F0];
	v5 =	vor.u32 v35, v5;
	v0 =	vadd.f32 v2, v0;
	v2 =	vand.u32 $0xFFFFFF80, v45  }
0x8ee: {  	v39 =	vand.u32 $0x7F, v45;
	v53 =	vld [tilespmem:$0x1F2E0];
	v4 =	vmul.f32 v4, v9;
	v2 =	vadd.s32 v1, v2  }
0x8ef: {  	v41 =	vand.u32 $0xFFFFFF80, v43;
	v9 =	vld.idx.msk [tilespmem:v40+s20+$0x0], $0xffff;
	v2 =	vor.u32 v39, v2  }
0x8f0: {  	v43 =	vand.u32 $0x7F, v43;
	v6 =	vld.idx.msk [tilespmem:v6+s21+$0x0], $0xffff;
	v0 =	vadd.f32 v4, v0;
	v4 =	vadd.s32 v1, v41  }
0x8f1: {  	v10 =	vld.idx.msk [tilespmem:v44+s20+$0x0], $0xffff;
	v45 =	vand.u32 $0xFFFFFF80, v42;
	v3 =	vmul.f32 v3, v33;
	v4 =	vor.u32 v43, v4  }
0x8f2: {  	v46 =	vand.u32 $0x7F, v42;
	v5 =	vld.idx.msk [tilespmem:v5+s21+$0x0], $0xffff;
	v7 =	vadd.s32 v1, v45  }
0x8f3: {  	v8 =	vld.idx.msk [tilespmem:v47+s20+$0x0], $0xffff;
	v7 =	vor.u32 v46, v7;
	v0 =	vadd.f32 v3, v0;
	v3 =	vand.u32 $0xFFFFFF80, v38  }
0x8f4: {  	v48 =	vand.u32 $0x7F, v38;
	v3 =	vadd.s32 v1, v3;
	v2 =	vld.idx.msk [tilespmem:v2+s21+$0x0], $0xffff  }
0x8f5: {  	v6 =	vmul.f32 v6, v9;
	v9 =	vld.idx.msk [tilespmem:v49+s20+$0x0], $0xffff;
	v3 =	vor.u32 v48, v3  }
0x8f6: {  	v4 =	vld.idx.msk [tilespmem:v4+s21+$0x0], $0xffff  }
0x8f7: {  	v11 =	vld.idx.msk [tilespmem:v53+s20+$0x0], $0xffff;
	v5 =	vmul.f32 v5, v10;
	v0 =	vadd.f32 v6, v0  }
0x8f8: {  	v7 =	vld.idx.msk [tilespmem:v7+s21+$0x0], $0xffff  }
0x8f9: {  	v0 =	vadd.f32 v5, v0;
	v2 =	vmul.f32 v2, v8;
	v8 =	vld.idx.msk [tilespmem:v56+s20+$0x0], $0xffff  }
0x8fa: {  	v3 =	vld.idx.msk [tilespmem:v3+s21+$0x0], $0xffff  }
0x8fb: {  	v50 =	vand.u32 $0xFFFFFF80, v37;
	v4 =	vmul.f32 v4, v9;
	v0 =	vadd.f32 v2, v0;
	v2 =	vld [tilespmem:$0x1F2A0]  }
0x8fc: {  	v61 =	vld [tilespmem:$0x1F2B0];
	v51 =	vand.u32 $0x7F, v37;
	v6 =	vadd.s32 v1, v50  }
0x8fd: {  	v6 =	vor.u32 v51, v6;
	v60 =	vmul.f32 v7, v11;
	v0 =	vadd.f32 v4, v0  }
0x8fe: {  	v52 =	vand.u32 $0xFFFFFF80, v36;
	v55 =	vand.u32 $0xFFFFFF80, v34;
	v54 =	vand.u32 $0x7F, v36  }
0x8ff: {  	v63 =	vld [tilespmem:$0x1F2C0];
	v10 =	vadd.s32 v1, v52;
	v3 =	vmul.f32 v3, v8;
	v0 =	vadd.f32 v60, v0  }
0x900: {  	v57 =	vand.u32 $0x7F, v34;
	v10 =	vor.u32 v54, v10;
	v5 =	vadd.s32 v1, v55  }
0x901: {  	v58 =	vand.u32 $0xFFFFFF80, v62;
	v5 =	vor.u32 v57, v5;
	v0 =	vadd.f32 v3, v0;
	v3 =	vld [tilespmem:$0x1F290]  }
0x902: {  	v59 =	vand.u32 $0x7F, v62;
	v1 =	vadd.s32 v1, v58;
	v6 =	vld.idx.msk [tilespmem:v6+s21+$0x0], $0xffff  }
0x903: {  	v1 =	vor.u32 v59, v1;
	v2 =	vld.idx.msk [tilespmem:v2+s20+$0x0], $0xffff  }
0x904: {  	v7 =	vld.idx.msk [tilespmem:v61+s20+$0x0], $0xffff  }
0x905: {  	v62 =	vld.idx.msk [tilespmem:v10+s21+$0x0], $0xffff  }
0x906: {  	v5 =	vld.idx.msk [tilespmem:v5+s21+$0x0], $0xffff  }
0x907: {  	v4 =	vld.idx.msk [tilespmem:v63+s20+$0x0], $0xffff  }
0x908: {  	v1 =	vld.idx.msk [tilespmem:v1+s21+$0x0], $0xffff;
	v2 =	vmul.f32 v6, v2  }
0x909: {  	v3 =	vld.idx.msk [tilespmem:v3+s20+$0x0], $0xffff  }
0x90a: {  	v0 =	vadd.f32 v2, v0;
	v2 =	vmul.f32 v62, v7;
	_ =	sdelay $0x1  }
0x90b: {  	v0 =	vadd.f32 v2, v0;
	v2 =	vmul.f32 v5, v4;
	_ =	sdelay $0x1  }
0x90c: {  	v0 =	vadd.f32 v2, v0;
	v1 =	vmul.f32 v1, v3;
	_ =	sdelay $0x1  }
0x90d: {  	s26 =	sadd.s32 $0x1, s26;
	v0 =	vadd.f32 v1, v0  }
0x90e: {  	s28 =	sadd.s32 $0x10, s28;
	p0 =	sne.s32 s26, s15  }
.Ltmp2:
0x90f: {  	[tilespmem:s28+$0x0] =	vst v0;
	(pc) =	sbr.rel @p0 .LBB2_1-.Ltmp2, $4  }
0x910: {  	[hbm4b:s14+s2] =	stream.linear.scatter [tilespmem:s25], [sflag:$0x2], $0x200, $0x38;
	[tilespmem:$0x10800] =	vst v63  }
0x911: {  	_ =	swait.ge [sflag:s16], $0x200  }
0x912: {  	[sflag:s16] =	ssyncset.done $0x0  }
0x913: {  	v1 =	vld [tilespmem:$0x1FFF0];
	[sflag:s16] =	ssyncadd.s32 $0xFFFFFE00  }
0x914: {  	_ =	sfence.sel $0x180000  }
0x915: {  	[bflag:$0x0] =	sbarrier.arrive $0xFFFF  }
0x916: {  	p0 =	sne.s32 s1, $0x0;
	_ =	strace $0x90000047  }
0x917: {  	s0 =	sadd.s32 @!p0 $0x100000, s0;
	[bflag:$0x2] =	sbarrier.arrive $0xFFFF  }
0x918: {  	[sflag:s0] =	ssyncadd.tile.s32 @!p0 $0x1;
	_ =	shalt  }
.Lfunc_end2:
_tile_overlayer_lowered:
.L_overlay_start_2:
0x919: {  	(tag) =	ssettag $0x2  }
0x91a: {  	s0 =	rddreg [dreg:$0x0];
	s2 =	stileid.u32  }
0x91b: {  	s1 =	rddreg [dreg:$0x1];
	p0 =	sne.s32 s2, $0x0  }
0x91c: {  	s3 =	rddreg [dreg:$0x2];
	[bflag:$0x3] =	sbarrier.arrive $0xFFFF;
	s2 =	simm.s32 @!p0 $0x1C02  }
0x91d: {  	[timem:s3], [sflag:s2] =	dma.local @!p0 [hbm:s0], s1  }
0x91e: {  	s0 =	simm.s32 @!p0 $0x2  }
0x91f: {  	_ =	swait.ge @!p0 [sflag:s0], s1  }
0x920: {  	s1 =	ssub.s32 @!p0 $0x0, s1;
	[sflag:s0] =	ssyncset.done @!p0 $0x0  }
0x921: {  	[sflag:s0] =	ssyncadd.s32 @!p0 s1  }
0x922: {  	[bflag:$0x3] =	sbarrier.arrive $0xFFFF  }
0x923: {  	_ =	shalt  }

</sc_bundles>
